<compile_context>
chip_gen: v7x
topology: tpu7x:2x2x1
jax: 0.10.2.dev20260603
libtpu: 0.0.44.dev20260713+nightly
codegen_flags: <defaults>
</compile_context>

<pallas_src>
import functools
import math

import jax
import jax.numpy as jnp
from jax import lax
from jax.experimental import pallas as pl
from jax.experimental.pallas import tpu as pltpu
from jax.experimental.pallas import tpu_sc as plsc

D_MODEL = 64
D_PAD = 128
S_REAL = 50
S_PAD = 56
SCALE = math.sqrt(D_MODEL)

NC = 2
NS = 16
NW = NC * NS
N_CHUNKS = 8
CHUNK = 448


def _make_sc_gather_chunk(k, n2):
    rows_per_chunk = n2 // N_CHUNKS
    b_per_w = rows_per_chunk // NW
    assert b_per_w % CHUNK == 0
    n_steps = b_per_w // CHUNK
    mesh = plsc.VectorSubcoreMesh(core_axis_name="c", subcore_axis_name="s")

    @functools.partial(
        pl.kernel,
        mesh=mesh,
        out_type=jax.ShapeDtypeStruct((rows_per_chunk, D_PAD), jnp.float32),
        scratch_types=[
            pltpu.VMEM((CHUNK,), jnp.int32),
            pltpu.VMEM((CHUNK,), jnp.int32),
            pltpu.VMEM((CHUNK, D_PAD), jnp.float32),
            pltpu.VMEM((CHUNK, D_PAD), jnp.float32),
            pltpu.SemaphoreType.DMA,
            pltpu.SemaphoreType.DMA,
            pltpu.SemaphoreType.DMA,
            pltpu.SemaphoreType.DMA,
        ],
    )
    def gather_kernel(
        table_hbm, idx_hbm, out_hbm,
        idx_v0, idx_v1, rows_v0, rows_v1, gs0, gs1, os0, os1,
    ):
        wid = lax.axis_index("s") * NC + lax.axis_index("c")
        base = wid * b_per_w
        idx_v = (idx_v0, idx_v1)
        rows_v = (rows_v0, rows_v1)
        gsem = (gs0, gs1)
        osem = (os0, os1)

        def idx_off(c):
            return k * rows_per_chunk + base + c * CHUNK

        pltpu.sync_copy(idx_hbm.at[pl.ds(idx_off(0), CHUNK)], idx_v[0])
        gathers = {0: pltpu.async_copy(table_hbm.at[idx_v[0]], rows_v[0], gsem[0])}
        outs = {}
        for c in range(n_steps):
            cur, nxt = c % 2, (c + 1) % 2
            if c + 1 < n_steps:
                if c >= 1:
                    outs[c - 1].wait()
                pltpu.sync_copy(idx_hbm.at[pl.ds(idx_off(c + 1), CHUNK)], idx_v[nxt])
                gathers[c + 1] = pltpu.async_copy(
                    table_hbm.at[idx_v[nxt]], rows_v[nxt], gsem[nxt]
                )
            gathers[c].wait()
            outs[c] = pltpu.async_copy(
                rows_v[cur],
                out_hbm.at[pl.ds(base + c * CHUNK, CHUNK)],
                osem[cur],
            )
        outs[n_steps - 2].wait()
        outs[n_steps - 1].wait()

    return gather_kernel


def _tc_prep(wt):
    v = wt.shape[1]
    blk = 8192
    grid = (v + blk - 1) // blk

    def body(w_ref, o_ref):
        o_ref[:, :D_MODEL] = w_ref[...].T * SCALE

    return pl.pallas_call(
        body,
        out_shape=jax.ShapeDtypeStruct((v, D_PAD), jnp.float32),
        grid=(grid,),
        in_specs=[pl.BlockSpec((D_MODEL, blk), lambda i: (0, i))],
        out_specs=pl.BlockSpec((blk, D_PAD), lambda i: (i, 0)),
        compiler_params=pltpu.CompilerParams(
            dimension_semantics=("parallel",)
        ),
    )(wt)


def kernel(x, weight):
    b, s = x.shape
    xi = x.astype(jnp.int32)
    idx56 = jnp.concatenate([xi, xi[:, : S_PAD - S_REAL]], axis=1)
    n2 = b * S_PAD
    idx_flat = idx56.reshape(n2)
    table = _tc_prep(weight.T)

    b_chunk = b // N_CHUNKS
    parts = []
    for k in range(N_CHUNKS):
        g = _make_sc_gather_chunk(k, n2)(table, idx_flat)
        g3 = g.reshape(b_chunk, S_PAD, D_PAD)
        parts.append(g3[:, :S_REAL, :D_MODEL])
    return jnp.concatenate(parts, axis=0)

# --- scband reference (transcript-rebuilt; emitter-appended) ---
"""Pipeline reference for scband-scaled-embedding-49091476194117 (READ-ONLY COPY).

The authoritative reference and input builder live on the scoring server;
editing this copy changes nothing except your own understanding.
"""

import math
import jax, jax.numpy as jnp
import numpy as np

D_MODEL = 64
VOCAB = 1000000

def setup_inputs(seed: int = 0) -> dict:
    key = jax.random.key(seed)
    k1, k2 = jax.random.split(key)
    x = jax.random.randint(k1, (16384, 50), 0, VOCAB, dtype=jnp.int64 if jax.config.jax_enable_x64 else jnp.int32)
    # xavier_normal for embedding weight [VOCAB, D_MODEL]: std = sqrt(2/(fan_in+fan_out))
    std = math.sqrt(2.0 / (VOCAB + D_MODEL))
    weight = jax.random.normal(k2, (VOCAB, D_MODEL), dtype=jnp.float32) * std
    return {"x": x, "weight": weight}

def reference(x, weight):
    emb = jnp.take(weight, x, axis=0)
    return emb * math.sqrt(D_MODEL)

if __name__ == "__main__":
    import jax
    _d = setup_inputs()
    print(jax.jit(kernel)(*tuple(_d.values())))

</pallas_src>

<mosaic_0001>
#map = affine_map<(d0, d1) -> (0, 0)>
#map1 = affine_map<(d0, d1) -> (0)>
module attributes {stable_mosaic.version = 14 : i64} {
  func.func @gather_kernel(%arg0: i32, %arg1: i32, %arg2: memref<1000000x128xf32, #tpu.memory_space<hbm>>, %arg3: memref<917504xi32, #tpu.memory_space<hbm>>, %arg4: memref<114688x128xf32, #tpu.memory_space<hbm>>, %arg5: memref<448xi32, #tpu.memory_space<vmem>>, %arg6: memref<448xi32, #tpu.memory_space<vmem>>, %arg7: memref<448x128xf32, #tpu.memory_space<vmem>>, %arg8: memref<448x128xf32, #tpu.memory_space<vmem>>, %arg9: memref<!tpu.dma_semaphore, #tpu.memory_space<semaphore_mem>>, %arg10: memref<!tpu.dma_semaphore, #tpu.memory_space<semaphore_mem>>, %arg11: memref<!tpu.dma_semaphore, #tpu.memory_space<semaphore_mem>>, %arg12: memref<!tpu.dma_semaphore, #tpu.memory_space<semaphore_mem>>) attributes {dimension_semantics = [#tpu.dimension_semantics<core_parallel>, #tpu.dimension_semantics<subcore_parallel>], iteration_bounds = array<i64: 2, 16>, scalar_prefetch = 0 : i64, scratch_operands = 8 : i64, tpu.core_type = #tpu.core_type<sc_vector_subcore>, window_params = [{transform_indices = #map}, {transform_indices = #map1}, {transform_indices = #map}]} {
    %mul3A = arith.constant 2 : i32
    %mul3A_0 = arith.muli %arg1, %mul3A : i32
    %add3A = arith.addi %mul3A_0, %arg0 : i32
    %mul3A_1 = arith.constant 3584 : i32
    %mul3A_2 = arith.muli %add3A, %mul3A_1 : i32
    %add3A_3 = arith.constant 688128 : i32
    %add3A_4 = arith.addi %add3A_3, %mul3A_2 : i32
    %add3A_5 = arith.constant 0 : i32
    %add3A_6 = arith.addi %add3A_4, %add3A_5 : i32
    "tpu.region"() ({
      %run_scoped3A = tpu.sem_alloc : memref<!tpu.dma_semaphore, #tpu.memory_space<semaphore_mem>>
      %dma_start3A_161 = tpu.memref_slice %arg3[%add3A_6] : memref<917504xi32, #tpu.memory_space<hbm>> -> memref<448xi32, #tpu.memory_space<hbm>>
      %dma_start3A_162 = tpu.memref_slice %arg3[%add3A_6] : memref<917504xi32, #tpu.memory_space<hbm>> -> memref<448xi32, #tpu.memory_space<hbm>>
      tpu.enqueue_dma source(%dma_start3A_162 : memref<448xi32, #tpu.memory_space<hbm>>) target(%arg5 : memref<448xi32, #tpu.memory_space<vmem>>) target_semaphore(%run_scoped3A : memref<!tpu.dma_semaphore, #tpu.memory_space<semaphore_mem>>)
      %dma_wait3A_163 = tpu.memref_slice %arg3[%add3A_6] : memref<917504xi32, #tpu.memory_space<hbm>> -> memref<448xi32, #tpu.memory_space<hbm>>
      %dma_wait3A_164 = tpu.memref_slice %arg3[%add3A_6] : memref<917504xi32, #tpu.memory_space<hbm>> -> memref<448xi32, #tpu.memory_space<hbm>>
      tpu.wait_dma2 semaphore(%run_scoped3A : memref<!tpu.dma_semaphore, #tpu.memory_space<semaphore_mem>>) src(%dma_wait3A_164 : memref<448xi32, #tpu.memory_space<hbm>>) dst(%arg5 : memref<448xi32, #tpu.memory_space<vmem>>)
      tpu.yield
    }) : () -> ()
    %dma_start3A = arith.constant 0 : i32
    %dma_start3A_7 = arith.constant 0 : i32
    %dma_start3A_8 = tpu.memref_slice %arg2[%dma_start3A, %dma_start3A_7] : memref<1000000x128xf32, #tpu.memory_space<hbm>> -> memref<1000000x128xf32, #tpu.memory_space<hbm>>
    tpu.enqueue_indirect_dma source(%dma_start3A_8 : memref<1000000x128xf32, #tpu.memory_space<hbm>>) target(%arg7 : memref<448x128xf32, #tpu.memory_space<vmem>>) offsets(%arg5 : memref<448xi32, #tpu.memory_space<vmem>>) semaphore(%arg9 : memref<!tpu.dma_semaphore, #tpu.memory_space<semaphore_mem>>)
    %add3A_9 = arith.constant 688128 : i32
    %add3A_10 = arith.addi %add3A_9, %mul3A_2 : i32
    %add3A_11 = arith.constant 448 : i32
    %add3A_12 = arith.addi %add3A_10, %add3A_11 : i32
    "tpu.region"() ({
      %run_scoped3A = tpu.sem_alloc : memref<!tpu.dma_semaphore, #tpu.memory_space<semaphore_mem>>
      %dma_start3A_161 = tpu.memref_slice %arg3[%add3A_12] : memref<917504xi32, #tpu.memory_space<hbm>> -> memref<448xi32, #tpu.memory_space<hbm>>
      %dma_start3A_162 = tpu.memref_slice %arg3[%add3A_12] : memref<917504xi32, #tpu.memory_space<hbm>> -> memref<448xi32, #tpu.memory_space<hbm>>
      tpu.enqueue_dma source(%dma_start3A_162 : memref<448xi32, #tpu.memory_space<hbm>>) target(%arg6 : memref<448xi32, #tpu.memory_space<vmem>>) target_semaphore(%run_scoped3A : memref<!tpu.dma_semaphore, #tpu.memory_space<semaphore_mem>>)
      %dma_wait3A_163 = tpu.memref_slice %arg3[%add3A_12] : memref<917504xi32, #tpu.memory_space<hbm>> -> memref<448xi32, #tpu.memory_space<hbm>>
      %dma_wait3A_164 = tpu.memref_slice %arg3[%add3A_12] : memref<917504xi32, #tpu.memory_space<hbm>> -> memref<448xi32, #tpu.memory_space<hbm>>
      tpu.wait_dma2 semaphore(%run_scoped3A : memref<!tpu.dma_semaphore, #tpu.memory_space<semaphore_mem>>) src(%dma_wait3A_164 : memref<448xi32, #tpu.memory_space<hbm>>) dst(%arg6 : memref<448xi32, #tpu.memory_space<vmem>>)
      tpu.yield
    }) : () -> ()
    %dma_start3A_13 = arith.constant 0 : i32
    %dma_start3A_14 = arith.constant 0 : i32
    %dma_start3A_15 = tpu.memref_slice %arg2[%dma_start3A_13, %dma_start3A_14] : memref<1000000x128xf32, #tpu.memory_space<hbm>> -> memref<1000000x128xf32, #tpu.memory_space<hbm>>
    tpu.enqueue_indirect_dma source(%dma_start3A_15 : memref<1000000x128xf32, #tpu.memory_space<hbm>>) target(%arg8 : memref<448x128xf32, #tpu.memory_space<vmem>>) offsets(%arg6 : memref<448xi32, #tpu.memory_space<vmem>>) semaphore(%arg10 : memref<!tpu.dma_semaphore, #tpu.memory_space<semaphore_mem>>)
    %dma_wait3A = arith.constant 0 : i32
    %dma_wait3A_16 = arith.constant 0 : i32
    %dma_wait3A_17 = tpu.memref_slice %arg2[%dma_wait3A, %dma_wait3A_16] : memref<1000000x128xf32, #tpu.memory_space<hbm>> -> memref<1000000x128xf32, #tpu.memory_space<hbm>>
    tpu.wait_indirect_dma semaphore(%arg9 : memref<!tpu.dma_semaphore, #tpu.memory_space<semaphore_mem>>) src(%dma_wait3A_17 : memref<1000000x128xf32, #tpu.memory_space<hbm>>) dst(%arg7 : memref<448x128xf32, #tpu.memory_space<vmem>>)
    %add3A_18 = arith.constant 0 : i32
    %add3A_19 = arith.addi %mul3A_2, %add3A_18 : i32
    %dma_start3A_20 = arith.constant 0 : i32
    %dma_start3A_21 = tpu.memref_slice %arg4[%add3A_19, %dma_start3A_20] : memref<114688x128xf32, #tpu.memory_space<hbm>> -> memref<448x128xf32, #tpu.memory_space<hbm>>
    %dma_start3A_22 = arith.constant 0 : i32
    %dma_start3A_23 = tpu.memref_slice %arg4[%add3A_19, %dma_start3A_22] : memref<114688x128xf32, #tpu.memory_space<hbm>> -> memref<448x128xf32, #tpu.memory_space<hbm>>
    tpu.enqueue_dma source(%arg7 : memref<448x128xf32, #tpu.memory_space<vmem>>) target(%dma_start3A_23 : memref<448x128xf32, #tpu.memory_space<hbm>>) target_semaphore(%arg11 : memref<!tpu.dma_semaphore, #tpu.memory_space<semaphore_mem>>)
    %dma_wait3A_24 = arith.constant 0 : i32
    %dma_wait3A_25 = tpu.memref_slice %arg4[%add3A_19, %dma_wait3A_24] : memref<114688x128xf32, #tpu.memory_space<hbm>> -> memref<448x128xf32, #tpu.memory_space<hbm>>
    %dma_wait3A_26 = arith.constant 0 : i32
    %dma_wait3A_27 = tpu.memref_slice %arg4[%add3A_19, %dma_wait3A_26] : memref<114688x128xf32, #tpu.memory_space<hbm>> -> memref<448x128xf32, #tpu.memory_space<hbm>>
    tpu.wait_dma2 semaphore(%arg11 : memref<!tpu.dma_semaphore, #tpu.memory_space<semaphore_mem>>) src(%arg7 : memref<448x128xf32, #tpu.memory_space<vmem>>) dst(%dma_wait3A_27 : memref<448x128xf32, #tpu.memory_space<hbm>>)
    %add3A_28 = arith.constant 688128 : i32
    %add3A_29 = arith.addi %add3A_28, %mul3A_2 : i32
    %add3A_30 = arith.constant 896 : i32
    %add3A_31 = arith.addi %add3A_29, %add3A_30 : i32
    "tpu.region"() ({
      %run_scoped3A = tpu.sem_alloc : memref<!tpu.dma_semaphore, #tpu.memory_space<semaphore_mem>>
      %dma_start3A_161 = tpu.memref_slice %arg3[%add3A_31] : memref<917504xi32, #tpu.memory_space<hbm>> -> memref<448xi32, #tpu.memory_space<hbm>>
      %dma_start3A_162 = tpu.memref_slice %arg3[%add3A_31] : memref<917504xi32, #tpu.memory_space<hbm>> -> memref<448xi32, #tpu.memory_space<hbm>>
      tpu.enqueue_dma source(%dma_start3A_162 : memref<448xi32, #tpu.memory_space<hbm>>) target(%arg5 : memref<448xi32, #tpu.memory_space<vmem>>) target_semaphore(%run_scoped3A : memref<!tpu.dma_semaphore, #tpu.memory_space<semaphore_mem>>)
      %dma_wait3A_163 = tpu.memref_slice %arg3[%add3A_31] : memref<917504xi32, #tpu.memory_space<hbm>> -> memref<448xi32, #tpu.memory_space<hbm>>
      %dma_wait3A_164 = tpu.memref_slice %arg3[%add3A_31] : memref<917504xi32, #tpu.memory_space<hbm>> -> memref<448xi32, #tpu.memory_space<hbm>>
      tpu.wait_dma2 semaphore(%run_scoped3A : memref<!tpu.dma_semaphore, #tpu.memory_space<semaphore_mem>>) src(%dma_wait3A_164 : memref<448xi32, #tpu.memory_space<hbm>>) dst(%arg5 : memref<448xi32, #tpu.memory_space<vmem>>)
      tpu.yield
    }) : () -> ()
    %dma_start3A_32 = arith.constant 0 : i32
    %dma_start3A_33 = arith.constant 0 : i32
    %dma_start3A_34 = tpu.memref_slice %arg2[%dma_start3A_32, %dma_start3A_33] : memref<1000000x128xf32, #tpu.memory_space<hbm>> -> memref<1000000x128xf32, #tpu.memory_space<hbm>>
    tpu.enqueue_indirect_dma source(%dma_start3A_34 : memref<1000000x128xf32, #tpu.memory_space<hbm>>) target(%arg7 : memref<448x128xf32, #tpu.memory_space<vmem>>) offsets(%arg5 : memref<448xi32, #tpu.memory_space<vmem>>) semaphore(%arg9 : memref<!tpu.dma_semaphore, #tpu.memory_space<semaphore_mem>>)
    %dma_wait3A_35 = arith.constant 0 : i32
    %dma_wait3A_36 = arith.constant 0 : i32
    %dma_wait3A_37 = tpu.memref_slice %arg2[%dma_wait3A_35, %dma_wait3A_36] : memref<1000000x128xf32, #tpu.memory_space<hbm>> -> memref<1000000x128xf32, #tpu.memory_space<hbm>>
    tpu.wait_indirect_dma semaphore(%arg10 : memref<!tpu.dma_semaphore, #tpu.memory_space<semaphore_mem>>) src(%dma_wait3A_37 : memref<1000000x128xf32, #tpu.memory_space<hbm>>) dst(%arg8 : memref<448x128xf32, #tpu.memory_space<vmem>>)
    %add3A_38 = arith.constant 448 : i32
    %add3A_39 = arith.addi %mul3A_2, %add3A_38 : i32
    %dma_start3A_40 = arith.constant 0 : i32
    %dma_start3A_41 = tpu.memref_slice %arg4[%add3A_39, %dma_start3A_40] : memref<114688x128xf32, #tpu.memory_space<hbm>> -> memref<448x128xf32, #tpu.memory_space<hbm>>
    %dma_start3A_42 = arith.constant 0 : i32
    %dma_start3A_43 = tpu.memref_slice %arg4[%add3A_39, %dma_start3A_42] : memref<114688x128xf32, #tpu.memory_space<hbm>> -> memref<448x128xf32, #tpu.memory_space<hbm>>
    tpu.enqueue_dma source(%arg8 : memref<448x128xf32, #tpu.memory_space<vmem>>) target(%dma_start3A_43 : memref<448x128xf32, #tpu.memory_space<hbm>>) target_semaphore(%arg12 : memref<!tpu.dma_semaphore, #tpu.memory_space<semaphore_mem>>)
    %dma_wait3A_44 = arith.constant 0 : i32
    %dma_wait3A_45 = tpu.memref_slice %arg4[%add3A_39, %dma_wait3A_44] : memref<114688x128xf32, #tpu.memory_space<hbm>> -> memref<448x128xf32, #tpu.memory_space<hbm>>
    %dma_wait3A_46 = arith.constant 0 : i32
    %dma_wait3A_47 = tpu.memref_slice %arg4[%add3A_39, %dma_wait3A_46] : memref<114688x128xf32, #tpu.memory_space<hbm>> -> memref<448x128xf32, #tpu.memory_space<hbm>>
    tpu.wait_dma2 semaphore(%arg12 : memref<!tpu.dma_semaphore, #tpu.memory_space<semaphore_mem>>) src(%arg8 : memref<448x128xf32, #tpu.memory_space<vmem>>) dst(%dma_wait3A_47 : memref<448x128xf32, #tpu.memory_space<hbm>>)
    %add3A_48 = arith.constant 688128 : i32
    %add3A_49 = arith.addi %add3A_48, %mul3A_2 : i32
    %add3A_50 = arith.constant 1344 : i32
    %add3A_51 = arith.addi %add3A_49, %add3A_50 : i32
    "tpu.region"() ({
      %run_scoped3A = tpu.sem_alloc : memref<!tpu.dma_semaphore, #tpu.memory_space<semaphore_mem>>
      %dma_start3A_161 = tpu.memref_slice %arg3[%add3A_51] : memref<917504xi32, #tpu.memory_space<hbm>> -> memref<448xi32, #tpu.memory_space<hbm>>
      %dma_start3A_162 = tpu.memref_slice %arg3[%add3A_51] : memref<917504xi32, #tpu.memory_space<hbm>> -> memref<448xi32, #tpu.memory_space<hbm>>
      tpu.enqueue_dma source(%dma_start3A_162 : memref<448xi32, #tpu.memory_space<hbm>>) target(%arg6 : memref<448xi32, #tpu.memory_space<vmem>>) target_semaphore(%run_scoped3A : memref<!tpu.dma_semaphore, #tpu.memory_space<semaphore_mem>>)
      %dma_wait3A_163 = tpu.memref_slice %arg3[%add3A_51] : memref<917504xi32, #tpu.memory_space<hbm>> -> memref<448xi32, #tpu.memory_space<hbm>>
      %dma_wait3A_164 = tpu.memref_slice %arg3[%add3A_51] : memref<917504xi32, #tpu.memory_space<hbm>> -> memref<448xi32, #tpu.memory_space<hbm>>
      tpu.wait_dma2 semaphore(%run_scoped3A : memref<!tpu.dma_semaphore, #tpu.memory_space<semaphore_mem>>) src(%dma_wait3A_164 : memref<448xi32, #tpu.memory_space<hbm>>) dst(%arg6 : memref<448xi32, #tpu.memory_space<vmem>>)
      tpu.yield
    }) : () -> ()
    %dma_start3A_52 = arith.constant 0 : i32
    %dma_start3A_53 = arith.constant 0 : i32
    %dma_start3A_54 = tpu.memref_slice %arg2[%dma_start3A_52, %dma_start3A_53] : memref<1000000x128xf32, #tpu.memory_space<hbm>> -> memref<1000000x128xf32, #tpu.memory_space<hbm>>
    tpu.enqueue_indirect_dma source(%dma_start3A_54 : memref<1000000x128xf32, #tpu.memory_space<hbm>>) target(%arg8 : memref<448x128xf32, #tpu.memory_space<vmem>>) offsets(%arg6 : memref<448xi32, #tpu.memory_space<vmem>>) semaphore(%arg10 : memref<!tpu.dma_semaphore, #tpu.memory_space<semaphore_mem>>)
    %dma_wait3A_55 = arith.constant 0 : i32
    %dma_wait3A_56 = arith.constant 0 : i32
    %dma_wait3A_57 = tpu.memref_slice %arg2[%dma_wait3A_55, %dma_wait3A_56] : memref<1000000x128xf32, #tpu.memory_space<hbm>> -> memref<1000000x128xf32, #tpu.memory_space<hbm>>
    tpu.wait_indirect_dma semaphore(%arg9 : memref<!tpu.dma_semaphore, #tpu.memory_space<semaphore_mem>>) src(%dma_wait3A_57 : memref<1000000x128xf32, #tpu.memory_space<hbm>>) dst(%arg7 : memref<448x128xf32, #tpu.memory_space<vmem>>)
    %add3A_58 = arith.constant 896 : i32
    %add3A_59 = arith.addi %mul3A_2, %add3A_58 : i32
    %dma_start3A_60 = arith.constant 0 : i32
    %dma_start3A_61 = tpu.memref_slice %arg4[%add3A_59, %dma_start3A_60] : memref<114688x128xf32, #tpu.memory_space<hbm>> -> memref<448x128xf32, #tpu.memory_space<hbm>>
    %dma_start3A_62 = arith.constant 0 : i32
    %dma_start3A_63 = tpu.memref_slice %arg4[%add3A_59, %dma_start3A_62] : memref<114688x128xf32, #tpu.memory_space<hbm>> -> memref<448x128xf32, #tpu.memory_space<hbm>>
    tpu.enqueue_dma source(%arg7 : memref<448x128xf32, #tpu.memory_space<vmem>>) target(%dma_start3A_63 : memref<448x128xf32, #tpu.memory_space<hbm>>) target_semaphore(%arg11 : memref<!tpu.dma_semaphore, #tpu.memory_space<semaphore_mem>>)
    %dma_wait3A_64 = arith.constant 0 : i32
    %dma_wait3A_65 = tpu.memref_slice %arg4[%add3A_59, %dma_wait3A_64] : memref<114688x128xf32, #tpu.memory_space<hbm>> -> memref<448x128xf32, #tpu.memory_space<hbm>>
    %dma_wait3A_66 = arith.constant 0 : i32
    %dma_wait3A_67 = tpu.memref_slice %arg4[%add3A_59, %dma_wait3A_66] : memref<114688x128xf32, #tpu.memory_space<hbm>> -> memref<448x128xf32, #tpu.memory_space<hbm>>
    tpu.wait_dma2 semaphore(%arg11 : memref<!tpu.dma_semaphore, #tpu.memory_space<semaphore_mem>>) src(%arg7 : memref<448x128xf32, #tpu.memory_space<vmem>>) dst(%dma_wait3A_67 : memref<448x128xf32, #tpu.memory_space<hbm>>)
    %add3A_68 = arith.constant 688128 : i32
    %add3A_69 = arith.addi %add3A_68, %mul3A_2 : i32
    %add3A_70 = arith.constant 1792 : i32
    %add3A_71 = arith.addi %add3A_69, %add3A_70 : i32
    "tpu.region"() ({
      %run_scoped3A = tpu.sem_alloc : memref<!tpu.dma_semaphore, #tpu.memory_space<semaphore_mem>>
      %dma_start3A_161 = tpu.memref_slice %arg3[%add3A_71] : memref<917504xi32, #tpu.memory_space<hbm>> -> memref<448xi32, #tpu.memory_space<hbm>>
      %dma_start3A_162 = tpu.memref_slice %arg3[%add3A_71] : memref<917504xi32, #tpu.memory_space<hbm>> -> memref<448xi32, #tpu.memory_space<hbm>>
      tpu.enqueue_dma source(%dma_start3A_162 : memref<448xi32, #tpu.memory_space<hbm>>) target(%arg5 : memref<448xi32, #tpu.memory_space<vmem>>) target_semaphore(%run_scoped3A : memref<!tpu.dma_semaphore, #tpu.memory_space<semaphore_mem>>)
      %dma_wait3A_163 = tpu.memref_slice %arg3[%add3A_71] : memref<917504xi32, #tpu.memory_space<hbm>> -> memref<448xi32, #tpu.memory_space<hbm>>
      %dma_wait3A_164 = tpu.memref_slice %arg3[%add3A_71] : memref<917504xi32, #tpu.memory_space<hbm>> -> memref<448xi32, #tpu.memory_space<hbm>>
      tpu.wait_dma2 semaphore(%run_scoped3A : memref<!tpu.dma_semaphore, #tpu.memory_space<semaphore_mem>>) src(%dma_wait3A_164 : memref<448xi32, #tpu.memory_space<hbm>>) dst(%arg5 : memref<448xi32, #tpu.memory_space<vmem>>)
      tpu.yield
    }) : () -> ()
    %dma_start3A_72 = arith.constant 0 : i32
    %dma_start3A_73 = arith.constant 0 : i32
    %dma_start3A_74 = tpu.memref_slice %arg2[%dma_start3A_72, %dma_start3A_73] : memref<1000000x128xf32, #tpu.memory_space<hbm>> -> memref<1000000x128xf32, #tpu.memory_space<hbm>>
    tpu.enqueue_indirect_dma source(%dma_start3A_74 : memref<1000000x128xf32, #tpu.memory_space<hbm>>) target(%arg7 : memref<448x128xf32, #tpu.memory_space<vmem>>) offsets(%arg5 : memref<448xi32, #tpu.memory_space<vmem>>) semaphore(%arg9 : memref<!tpu.dma_semaphore, #tpu.memory_space<semaphore_mem>>)
    %dma_wait3A_75 = arith.constant 0 : i32
    %dma_wait3A_76 = arith.constant 0 : i32
    %dma_wait3A_77 = tpu.memref_slice %arg2[%dma_wait3A_75, %dma_wait3A_76] : memref<1000000x128xf32, #tpu.memory_space<hbm>> -> memref<1000000x128xf32, #tpu.memory_space<hbm>>
    tpu.wait_indirect_dma semaphore(%arg10 : memref<!tpu.dma_semaphore, #tpu.memory_space<semaphore_mem>>) src(%dma_wait3A_77 : memref<1000000x128xf32, #tpu.memory_space<hbm>>) dst(%arg8 : memref<448x128xf32, #tpu.memory_space<vmem>>)
    %add3A_78 = arith.constant 1344 : i32
    %add3A_79 = arith.addi %mul3A_2, %add3A_78 : i32
    %dma_start3A_80 = arith.constant 0 : i32
    %dma_start3A_81 = tpu.memref_slice %arg4[%add3A_79, %dma_start3A_80] : memref<114688x128xf32, #tpu.memory_space<hbm>> -> memref<448x128xf32, #tpu.memory_space<hbm>>
    %dma_start3A_82 = arith.constant 0 : i32
    %dma_start3A_83 = tpu.memref_slice %arg4[%add3A_79, %dma_start3A_82] : memref<114688x128xf32, #tpu.memory_space<hbm>> -> memref<448x128xf32, #tpu.memory_space<hbm>>
    tpu.enqueue_dma source(%arg8 : memref<448x128xf32, #tpu.memory_space<vmem>>) target(%dma_start3A_83 : memref<448x128xf32, #tpu.memory_space<hbm>>) target_semaphore(%arg12 : memref<!tpu.dma_semaphore, #tpu.memory_space<semaphore_mem>>)
    %dma_wait3A_84 = arith.constant 0 : i32
    %dma_wait3A_85 = tpu.memref_slice %arg4[%add3A_79, %dma_wait3A_84] : memref<114688x128xf32, #tpu.memory_space<hbm>> -> memref<448x128xf32, #tpu.memory_space<hbm>>
    %dma_wait3A_86 = arith.constant 0 : i32
    %dma_wait3A_87 = tpu.memref_slice %arg4[%add3A_79, %dma_wait3A_86] : memref<114688x128xf32, #tpu.memory_space<hbm>> -> memref<448x128xf32, #tpu.memory_space<hbm>>
    tpu.wait_dma2 semaphore(%arg12 : memref<!tpu.dma_semaphore, #tpu.memory_space<semaphore_mem>>) src(%arg8 : memref<448x128xf32, #tpu.memory_space<vmem>>) dst(%dma_wait3A_87 : memref<448x128xf32, #tpu.memory_space<hbm>>)
    %add3A_88 = arith.constant 688128 : i32
    %add3A_89 = arith.addi %add3A_88, %mul3A_2 : i32
    %add3A_90 = arith.constant 2240 : i32
    %add3A_91 = arith.addi %add3A_89, %add3A_90 : i32
    "tpu.region"() ({
      %run_scoped3A = tpu.sem_alloc : memref<!tpu.dma_semaphore, #tpu.memory_space<semaphore_mem>>
      %dma_start3A_161 = tpu.memref_slice %arg3[%add3A_91] : memref<917504xi32, #tpu.memory_space<hbm>> -> memref<448xi32, #tpu.memory_space<hbm>>
      %dma_start3A_162 = tpu.memref_slice %arg3[%add3A_91] : memref<917504xi32, #tpu.memory_space<hbm>> -> memref<448xi32, #tpu.memory_space<hbm>>
      tpu.enqueue_dma source(%dma_start3A_162 : memref<448xi32, #tpu.memory_space<hbm>>) target(%arg6 : memref<448xi32, #tpu.memory_space<vmem>>) target_semaphore(%run_scoped3A : memref<!tpu.dma_semaphore, #tpu.memory_space<semaphore_mem>>)
      %dma_wait3A_163 = tpu.memref_slice %arg3[%add3A_91] : memref<917504xi32, #tpu.memory_space<hbm>> -> memref<448xi32, #tpu.memory_space<hbm>>
      %dma_wait3A_164 = tpu.memref_slice %arg3[%add3A_91] : memref<917504xi32, #tpu.memory_space<hbm>> -> memref<448xi32, #tpu.memory_space<hbm>>
      tpu.wait_dma2 semaphore(%run_scoped3A : memref<!tpu.dma_semaphore, #tpu.memory_space<semaphore_mem>>) src(%dma_wait3A_164 : memref<448xi32, #tpu.memory_space<hbm>>) dst(%arg6 : memref<448xi32, #tpu.memory_space<vmem>>)
      tpu.yield
    }) : () -> ()
    %dma_start3A_92 = arith.constant 0 : i32
    %dma_start3A_93 = arith.constant 0 : i32
    %dma_start3A_94 = tpu.memref_slice %arg2[%dma_start3A_92, %dma_start3A_93] : memref<1000000x128xf32, #tpu.memory_space<hbm>> -> memref<1000000x128xf32, #tpu.memory_space<hbm>>
    tpu.enqueue_indirect_dma source(%dma_start3A_94 : memref<1000000x128xf32, #tpu.memory_space<hbm>>) target(%arg8 : memref<448x128xf32, #tpu.memory_space<vmem>>) offsets(%arg6 : memref<448xi32, #tpu.memory_space<vmem>>) semaphore(%arg10 : memref<!tpu.dma_semaphore, #tpu.memory_space<semaphore_mem>>)
    %dma_wait3A_95 = arith.constant 0 : i32
    %dma_wait3A_96 = arith.constant 0 : i32
    %dma_wait3A_97 = tpu.memref_slice %arg2[%dma_wait3A_95, %dma_wait3A_96] : memref<1000000x128xf32, #tpu.memory_space<hbm>> -> memref<1000000x128xf32, #tpu.memory_space<hbm>>
    tpu.wait_indirect_dma semaphore(%arg9 : memref<!tpu.dma_semaphore, #tpu.memory_space<semaphore_mem>>) src(%dma_wait3A_97 : memref<1000000x128xf32, #tpu.memory_space<hbm>>) dst(%arg7 : memref<448x128xf32, #tpu.memory_space<vmem>>)
    %add3A_98 = arith.constant 1792 : i32
    %add3A_99 = arith.addi %mul3A_2, %add3A_98 : i32
    %dma_start3A_100 = arith.constant 0 : i32
    %dma_start3A_101 = tpu.memref_slice %arg4[%add3A_99, %dma_start3A_100] : memref<114688x128xf32, #tpu.memory_space<hbm>> -> memref<448x128xf32, #tpu.memory_space<hbm>>
    %dma_start3A_102 = arith.constant 0 : i32
    %dma_start3A_103 = tpu.memref_slice %arg4[%add3A_99, %dma_start3A_102] : memref<114688x128xf32, #tpu.memory_space<hbm>> -> memref<448x128xf32, #tpu.memory_space<hbm>>
    tpu.enqueue_dma source(%arg7 : memref<448x128xf32, #tpu.memory_space<vmem>>) target(%dma_start3A_103 : memref<448x128xf32, #tpu.memory_space<hbm>>) target_semaphore(%arg11 : memref<!tpu.dma_semaphore, #tpu.memory_space<semaphore_mem>>)
    %dma_wait3A_104 = arith.constant 0 : i32
    %dma_wait3A_105 = tpu.memref_slice %arg4[%add3A_99, %dma_wait3A_104] : memref<114688x128xf32, #tpu.memory_space<hbm>> -> memref<448x128xf32, #tpu.memory_space<hbm>>
    %dma_wait3A_106 = arith.constant 0 : i32
    %dma_wait3A_107 = tpu.memref_slice %arg4[%add3A_99, %dma_wait3A_106] : memref<114688x128xf32, #tpu.memory_space<hbm>> -> memref<448x128xf32, #tpu.memory_space<hbm>>
    tpu.wait_dma2 semaphore(%arg11 : memref<!tpu.dma_semaphore, #tpu.memory_space<semaphore_mem>>) src(%arg7 : memref<448x128xf32, #tpu.memory_space<vmem>>) dst(%dma_wait3A_107 : memref<448x128xf32, #tpu.memory_space<hbm>>)
    %add3A_108 = arith.constant 688128 : i32
    %add3A_109 = arith.addi %add3A_108, %mul3A_2 : i32
    %add3A_110 = arith.constant 2688 : i32
    %add3A_111 = arith.addi %add3A_109, %add3A_110 : i32
    "tpu.region"() ({
      %run_scoped3A = tpu.sem_alloc : memref<!tpu.dma_semaphore, #tpu.memory_space<semaphore_mem>>
      %dma_start3A_161 = tpu.memref_slice %arg3[%add3A_111] : memref<917504xi32, #tpu.memory_space<hbm>> -> memref<448xi32, #tpu.memory_space<hbm>>
      %dma_start3A_162 = tpu.memref_slice %arg3[%add3A_111] : memref<917504xi32, #tpu.memory_space<hbm>> -> memref<448xi32, #tpu.memory_space<hbm>>
      tpu.enqueue_dma source(%dma_start3A_162 : memref<448xi32, #tpu.memory_space<hbm>>) target(%arg5 : memref<448xi32, #tpu.memory_space<vmem>>) target_semaphore(%run_scoped3A : memref<!tpu.dma_semaphore, #tpu.memory_space<semaphore_mem>>)
      %dma_wait3A_163 = tpu.memref_slice %arg3[%add3A_111] : memref<917504xi32, #tpu.memory_space<hbm>> -> memref<448xi32, #tpu.memory_space<hbm>>
      %dma_wait3A_164 = tpu.memref_slice %arg3[%add3A_111] : memref<917504xi32, #tpu.memory_space<hbm>> -> memref<448xi32, #tpu.memory_space<hbm>>
      tpu.wait_dma2 semaphore(%run_scoped3A : memref<!tpu.dma_semaphore, #tpu.memory_space<semaphore_mem>>) src(%dma_wait3A_164 : memref<448xi32, #tpu.memory_space<hbm>>) dst(%arg5 : memref<448xi32, #tpu.memory_space<vmem>>)
      tpu.yield
    }) : () -> ()
    %dma_start3A_112 = arith.constant 0 : i32
    %dma_start3A_113 = arith.constant 0 : i32
    %dma_start3A_114 = tpu.memref_slice %arg2[%dma_start3A_112, %dma_start3A_113] : memref<1000000x128xf32, #tpu.memory_space<hbm>> -> memref<1000000x128xf32, #tpu.memory_space<hbm>>
    tpu.enqueue_indirect_dma source(%dma_start3A_114 : memref<1000000x128xf32, #tpu.memory_space<hbm>>) target(%arg7 : memref<448x128xf32, #tpu.memory_space<vmem>>) offsets(%arg5 : memref<448xi32, #tpu.memory_space<vmem>>) semaphore(%arg9 : memref<!tpu.dma_semaphore, #tpu.memory_space<semaphore_mem>>)
    %dma_wait3A_115 = arith.constant 0 : i32
    %dma_wait3A_116 = arith.constant 0 : i32
    %dma_wait3A_117 = tpu.memref_slice %arg2[%dma_wait3A_115, %dma_wait3A_116] : memref<1000000x128xf32, #tpu.memory_space<hbm>> -> memref<1000000x128xf32, #tpu.memory_space<hbm>>
    tpu.wait_indirect_dma semaphore(%arg10 : memref<!tpu.dma_semaphore, #tpu.memory_space<semaphore_mem>>) src(%dma_wait3A_117 : memref<1000000x128xf32, #tpu.memory_space<hbm>>) dst(%arg8 : memref<448x128xf32, #tpu.memory_space<vmem>>)
    %add3A_118 = arith.constant 2240 : i32
    %add3A_119 = arith.addi %mul3A_2, %add3A_118 : i32
    %dma_start3A_120 = arith.constant 0 : i32
    %dma_start3A_121 = tpu.memref_slice %arg4[%add3A_119, %dma_start3A_120] : memref<114688x128xf32, #tpu.memory_space<hbm>> -> memref<448x128xf32, #tpu.memory_space<hbm>>
    %dma_start3A_122 = arith.constant 0 : i32
    %dma_start3A_123 = tpu.memref_slice %arg4[%add3A_119, %dma_start3A_122] : memref<114688x128xf32, #tpu.memory_space<hbm>> -> memref<448x128xf32, #tpu.memory_space<hbm>>
    tpu.enqueue_dma source(%arg8 : memref<448x128xf32, #tpu.memory_space<vmem>>) target(%dma_start3A_123 : memref<448x128xf32, #tpu.memory_space<hbm>>) target_semaphore(%arg12 : memref<!tpu.dma_semaphore, #tpu.memory_space<semaphore_mem>>)
    %dma_wait3A_124 = arith.constant 0 : i32
    %dma_wait3A_125 = tpu.memref_slice %arg4[%add3A_119, %dma_wait3A_124] : memref<114688x128xf32, #tpu.memory_space<hbm>> -> memref<448x128xf32, #tpu.memory_space<hbm>>
    %dma_wait3A_126 = arith.constant 0 : i32
    %dma_wait3A_127 = tpu.memref_slice %arg4[%add3A_119, %dma_wait3A_126] : memref<114688x128xf32, #tpu.memory_space<hbm>> -> memref<448x128xf32, #tpu.memory_space<hbm>>
    tpu.wait_dma2 semaphore(%arg12 : memref<!tpu.dma_semaphore, #tpu.memory_space<semaphore_mem>>) src(%arg8 : memref<448x128xf32, #tpu.memory_space<vmem>>) dst(%dma_wait3A_127 : memref<448x128xf32, #tpu.memory_space<hbm>>)
    %add3A_128 = arith.constant 688128 : i32
    %add3A_129 = arith.addi %add3A_128, %mul3A_2 : i32
    %add3A_130 = arith.constant 3136 : i32
    %add3A_131 = arith.addi %add3A_129, %add3A_130 : i32
    "tpu.region"() ({
      %run_scoped3A = tpu.sem_alloc : memref<!tpu.dma_semaphore, #tpu.memory_space<semaphore_mem>>
      %dma_start3A_161 = tpu.memref_slice %arg3[%add3A_131] : memref<917504xi32, #tpu.memory_space<hbm>> -> memref<448xi32, #tpu.memory_space<hbm>>
      %dma_start3A_162 = tpu.memref_slice %arg3[%add3A_131] : memref<917504xi32, #tpu.memory_space<hbm>> -> memref<448xi32, #tpu.memory_space<hbm>>
      tpu.enqueue_dma source(%dma_start3A_162 : memref<448xi32, #tpu.memory_space<hbm>>) target(%arg6 : memref<448xi32, #tpu.memory_space<vmem>>) target_semaphore(%run_scoped3A : memref<!tpu.dma_semaphore, #tpu.memory_space<semaphore_mem>>)
      %dma_wait3A_163 = tpu.memref_slice %arg3[%add3A_131] : memref<917504xi32, #tpu.memory_space<hbm>> -> memref<448xi32, #tpu.memory_space<hbm>>
      %dma_wait3A_164 = tpu.memref_slice %arg3[%add3A_131] : memref<917504xi32, #tpu.memory_space<hbm>> -> memref<448xi32, #tpu.memory_space<hbm>>
      tpu.wait_dma2 semaphore(%run_scoped3A : memref<!tpu.dma_semaphore, #tpu.memory_space<semaphore_mem>>) src(%dma_wait3A_164 : memref<448xi32, #tpu.memory_space<hbm>>) dst(%arg6 : memref<448xi32, #tpu.memory_space<vmem>>)
      tpu.yield
    }) : () -> ()
    %dma_start3A_132 = arith.constant 0 : i32
    %dma_start3A_133 = arith.constant 0 : i32
    %dma_start3A_134 = tpu.memref_slice %arg2[%dma_start3A_132, %dma_start3A_133] : memref<1000000x128xf32, #tpu.memory_space<hbm>> -> memref<1000000x128xf32, #tpu.memory_space<hbm>>
    tpu.enqueue_indirect_dma source(%dma_start3A_134 : memref<1000000x128xf32, #tpu.memory_space<hbm>>) target(%arg8 : memref<448x128xf32, #tpu.memory_space<vmem>>) offsets(%arg6 : memref<448xi32, #tpu.memory_space<vmem>>) semaphore(%arg10 : memref<!tpu.dma_semaphore, #tpu.memory_space<semaphore_mem>>)
    %dma_wait3A_135 = arith.constant 0 : i32
    %dma_wait3A_136 = arith.constant 0 : i32
    %dma_wait3A_137 = tpu.memref_slice %arg2[%dma_wait3A_135, %dma_wait3A_136] : memref<1000000x128xf32, #tpu.memory_space<hbm>> -> memref<1000000x128xf32, #tpu.memory_space<hbm>>
    tpu.wait_indirect_dma semaphore(%arg9 : memref<!tpu.dma_semaphore, #tpu.memory_space<semaphore_mem>>) src(%dma_wait3A_137 : memref<1000000x128xf32, #tpu.memory_space<hbm>>) dst(%arg7 : memref<448x128xf32, #tpu.memory_space<vmem>>)
    %add3A_138 = arith.constant 2688 : i32
    %add3A_139 = arith.addi %mul3A_2, %add3A_138 : i32
    %dma_start3A_140 = arith.constant 0 : i32
    %dma_start3A_141 = tpu.memref_slice %arg4[%add3A_139, %dma_start3A_140] : memref<114688x128xf32, #tpu.memory_space<hbm>> -> memref<448x128xf32, #tpu.memory_space<hbm>>
    %dma_start3A_142 = arith.constant 0 : i32
    %dma_start3A_143 = tpu.memref_slice %arg4[%add3A_139, %dma_start3A_142] : memref<114688x128xf32, #tpu.memory_space<hbm>> -> memref<448x128xf32, #tpu.memory_space<hbm>>
    tpu.enqueue_dma source(%arg7 : memref<448x128xf32, #tpu.memory_space<vmem>>) target(%dma_start3A_143 : memref<448x128xf32, #tpu.memory_space<hbm>>) target_semaphore(%arg11 : memref<!tpu.dma_semaphore, #tpu.memory_space<semaphore_mem>>)
    %dma_wait3A_144 = arith.constant 0 : i32
    %dma_wait3A_145 = arith.constant 0 : i32
    %dma_wait3A_146 = tpu.memref_slice %arg2[%dma_wait3A_144, %dma_wait3A_145] : memref<1000000x128xf32, #tpu.memory_space<hbm>> -> memref<1000000x128xf32, #tpu.memory_space<hbm>>
    tpu.wait_indirect_dma semaphore(%arg10 : memref<!tpu.dma_semaphore, #tpu.memory_space<semaphore_mem>>) src(%dma_wait3A_146 : memref<1000000x128xf32, #tpu.memory_space<hbm>>) dst(%arg8 : memref<448x128xf32, #tpu.memory_space<vmem>>)
    %add3A_147 = arith.constant 3136 : i32
    %add3A_148 = arith.addi %mul3A_2, %add3A_147 : i32
    %dma_start3A_149 = arith.constant 0 : i32
    %dma_start3A_150 = tpu.memref_slice %arg4[%add3A_148, %dma_start3A_149] : memref<114688x128xf32, #tpu.memory_space<hbm>> -> memref<448x128xf32, #tpu.memory_space<hbm>>
    %dma_start3A_151 = arith.constant 0 : i32
    %dma_start3A_152 = tpu.memref_slice %arg4[%add3A_148, %dma_start3A_151] : memref<114688x128xf32, #tpu.memory_space<hbm>> -> memref<448x128xf32, #tpu.memory_space<hbm>>
    tpu.enqueue_dma source(%arg8 : memref<448x128xf32, #tpu.memory_space<vmem>>) target(%dma_start3A_152 : memref<448x128xf32, #tpu.memory_space<hbm>>) target_semaphore(%arg12 : memref<!tpu.dma_semaphore, #tpu.memory_space<semaphore_mem>>)
    %dma_wait3A_153 = arith.constant 0 : i32
    %dma_wait3A_154 = tpu.memref_slice %arg4[%add3A_139, %dma_wait3A_153] : memref<114688x128xf32, #tpu.memory_space<hbm>> -> memref<448x128xf32, #tpu.memory_space<hbm>>
    %dma_wait3A_155 = arith.constant 0 : i32
    %dma_wait3A_156 = tpu.memref_slice %arg4[%add3A_139, %dma_wait3A_155] : memref<114688x128xf32, #tpu.memory_space<hbm>> -> memref<448x128xf32, #tpu.memory_space<hbm>>
    tpu.wait_dma2 semaphore(%arg11 : memref<!tpu.dma_semaphore, #tpu.memory_space<semaphore_mem>>) src(%arg7 : memref<448x128xf32, #tpu.memory_space<vmem>>) dst(%dma_wait3A_156 : memref<448x128xf32, #tpu.memory_space<hbm>>)
    %dma_wait3A_157 = arith.constant 0 : i32
    %dma_wait3A_158 = tpu.memref_slice %arg4[%add3A_148, %dma_wait3A_157] : memref<114688x128xf32, #tpu.memory_space<hbm>> -> memref<448x128xf32, #tpu.memory_space<hbm>>
    %dma_wait3A_159 = arith.constant 0 : i32
    %dma_wait3A_160 = tpu.memref_slice %arg4[%add3A_148, %dma_wait3A_159] : memref<114688x128xf32, #tpu.memory_space<hbm>> -> memref<448x128xf32, #tpu.memory_space<hbm>>
    tpu.wait_dma2 semaphore(%arg12 : memref<!tpu.dma_semaphore, #tpu.memory_space<semaphore_mem>>) src(%arg8 : memref<448x128xf32, #tpu.memory_space<vmem>>) dst(%dma_wait3A_160 : memref<448x128xf32, #tpu.memory_space<hbm>>)
    return
  }
}

#map = affine_map<(d0, d1) -> (0, 0)>
#map1 = affine_map<(d0, d1) -> (0)>
module attributes {stable_mosaic.version = 14 : i64} {
  func.func @gather_kernel(%arg0: i32, %arg1: i32, %arg2: memref<1000000x128xf32, #tpu.memory_space<hbm>>, %arg3: memref<917504xi32, #tpu.memory_space<hbm>>, %arg4: memref<114688x128xf32, #tpu.memory_space<hbm>>, %arg5: memref<448xi32, #tpu.memory_space<vmem>>, %arg6: memref<448xi32, #tpu.memory_space<vmem>>, %arg7: memref<448x128xf32, #tpu.memory_space<vmem>>, %arg8: memref<448x128xf32, #tpu.memory_space<vmem>>, %arg9: memref<!tpu.dma_semaphore, #tpu.memory_space<semaphore_mem>>, %arg10: memref<!tpu.dma_semaphore, #tpu.memory_space<semaphore_mem>>, %arg11: memref<!tpu.dma_semaphore, #tpu.memory_space<semaphore_mem>>, %arg12: memref<!tpu.dma_semaphore, #tpu.memory_space<semaphore_mem>>) attributes {dimension_semantics = [#tpu.dimension_semantics<core_parallel>, #tpu.dimension_semantics<subcore_parallel>], iteration_bounds = array<i64: 2, 16>, scalar_prefetch = 0 : i64, scratch_operands = 8 : i64, tpu.core_type = #tpu.core_type<sc_vector_subcore>, window_params = [{transform_indices = #map}, {transform_indices = #map1}, {transform_indices = #map}]} {
    %mul3A = arith.constant 2 : i32
    %mul3A_0 = arith.muli %arg1, %mul3A : i32
    %add3A = arith.addi %mul3A_0, %arg0 : i32
    %mul3A_1 = arith.constant 3584 : i32
    %mul3A_2 = arith.muli %add3A, %mul3A_1 : i32
    %add3A_3 = arith.constant 458752 : i32
    %add3A_4 = arith.addi %add3A_3, %mul3A_2 : i32
    %add3A_5 = arith.constant 0 : i32
    %add3A_6 = arith.addi %add3A_4, %add3A_5 : i32
    "tpu.region"() ({
      %run_scoped3A = tpu.sem_alloc : memref<!tpu.dma_semaphore, #tpu.memory_space<semaphore_mem>>
      %dma_start3A_161 = tpu.memref_slice %arg3[%add3A_6] : memref<917504xi32, #tpu.memory_space<hbm>> -> memref<448xi32, #tpu.memory_space<hbm>>
      %dma_start3A_162 = tpu.memref_slice %arg3[%add3A_6] : memref<917504xi32, #tpu.memory_space<hbm>> -> memref<448xi32, #tpu.memory_space<hbm>>
      tpu.enqueue_dma source(%dma_start3A_162 : memref<448xi32, #tpu.memory_space<hbm>>) target(%arg5 : memref<448xi32, #tpu.memory_space<vmem>>) target_semaphore(%run_scoped3A : memref<!tpu.dma_semaphore, #tpu.memory_space<semaphore_mem>>)
      %dma_wait3A_163 = tpu.memref_slice %arg3[%add3A_6] : memref<917504xi32, #tpu.memory_space<hbm>> -> memref<448xi32, #tpu.memory_space<hbm>>
      %dma_wait3A_164 = tpu.memref_slice %arg3[%add3A_6] : memref<917504xi32, #tpu.memory_space<hbm>> -> memref<448xi32, #tpu.memory_space<hbm>>
      tpu.wait_dma2 semaphore(%run_scoped3A : memref<!tpu.dma_semaphore, #tpu.memory_space<semaphore_mem>>) src(%dma_wait3A_164 : memref<448xi32, #tpu.memory_space<hbm>>) dst(%arg5 : memref<448xi32, #tpu.memory_space<vmem>>)
      tpu.yield
    }) : () -> ()
    %dma_start3A = arith.constant 0 : i32
    %dma_start3A_7 = arith.constant 0 : i32
    %dma_start3A_8 = tpu.memref_slice %arg2[%dma_start3A, %dma_start3A_7] : memref<1000000x128xf32, #tpu.memory_space<hbm>> -> memref<1000000x128xf32, #tpu.memory_space<hbm>>
    tpu.enqueue_indirect_dma source(%dma_start3A_8 : memref<1000000x128xf32, #tpu.memory_space<hbm>>) target(%arg7 : memref<448x128xf32, #tpu.memory_space<vmem>>) offsets(%arg5 : memref<448xi32, #tpu.memory_space<vmem>>) semaphore(%arg9 : memref<!tpu.dma_semaphore, #tpu.memory_space<semaphore_mem>>)
    %add3A_9 = arith.constant 458752 : i32
    %add3A_10 = arith.addi %add3A_9, %mul3A_2 : i32
    %add3A_11 = arith.constant 448 : i32
    %add3A_12 = arith.addi %add3A_10, %add3A_11 : i32
    "tpu.region"() ({
      %run_scoped3A = tpu.sem_alloc : memref<!tpu.dma_semaphore, #tpu.memory_space<semaphore_mem>>
      %dma_start3A_161 = tpu.memref_slice %arg3[%add3A_12] : memref<917504xi32, #tpu.memory_space<hbm>> -> memref<448xi32, #tpu.memory_space<hbm>>
      %dma_start3A_162 = tpu.memref_slice %arg3[%add3A_12] : memref<917504xi32, #tpu.memory_space<hbm>> -> memref<448xi32, #tpu.memory_space<hbm>>
      tpu.enqueue_dma source(%dma_start3A_162 : memref<448xi32, #tpu.memory_space<hbm>>) target(%arg6 : memref<448xi32, #tpu.memory_space<vmem>>) target_semaphore(%run_scoped3A : memref<!tpu.dma_semaphore, #tpu.memory_space<semaphore_mem>>)
      %dma_wait3A_163 = tpu.memref_slice %arg3[%add3A_12] : memref<917504xi32, #tpu.memory_space<hbm>> -> memref<448xi32, #tpu.memory_space<hbm>>
      %dma_wait3A_164 = tpu.memref_slice %arg3[%add3A_12] : memref<917504xi32, #tpu.memory_space<hbm>> -> memref<448xi32, #tpu.memory_space<hbm>>
      tpu.wait_dma2 semaphore(%run_scoped3A : memref<!tpu.dma_semaphore, #tpu.memory_space<semaphore_mem>>) src(%dma_wait3A_164 : memref<448xi32, #tpu.memory_space<hbm>>) dst(%arg6 : memref<448xi32, #tpu.memory_space<vmem>>)
      tpu.yield
    }) : () -> ()
    %dma_start3A_13 = arith.constant 0 : i32
    %dma_start3A_14 = arith.constant 0 : i32
    %dma_start3A_15 = tpu.memref_slice %arg2[%dma_start3A_13, %dma_start3A_14] : memref<1000000x128xf32, #tpu.memory_space<hbm>> -> memref<1000000x128xf32, #tpu.memory_space<hbm>>
    tpu.enqueue_indirect_dma source(%dma_start3A_15 : memref<1000000x128xf32, #tpu.memory_space<hbm>>) target(%arg8 : memref<448x128xf32, #tpu.memory_space<vmem>>) offsets(%arg6 : memref<448xi32, #tpu.memory_space<vmem>>) semaphore(%arg10 : memref<!tpu.dma_semaphore, #tpu.memory_space<semaphore_mem>>)
    %dma_wait3A = arith.constant 0 : i32
    %dma_wait3A_16 = arith.constant 0 : i32
    %dma_wait3A_17 = tpu.memref_slice %arg2[%dma_wait3A, %dma_wait3A_16] : memref<1000000x128xf32, #tpu.memory_space<hbm>> -> memref<1000000x128xf32, #tpu.memory_space<hbm>>
    tpu.wait_indirect_dma semaphore(%arg9 : memref<!tpu.dma_semaphore, #tpu.memory_space<semaphore_mem>>) src(%dma_wait3A_17 : memref<1000000x128xf32, #tpu.memory_space<hbm>>) dst(%arg7 : memref<448x128xf32, #tpu.memory_space<vmem>>)
    %add3A_18 = arith.constant 0 : i32
    %add3A_19 = arith.addi %mul3A_2, %add3A_18 : i32
    %dma_start3A_20 = arith.constant 0 : i32
    %dma_start3A_21 = tpu.memref_slice %arg4[%add3A_19, %dma_start3A_20] : memref<114688x128xf32, #tpu.memory_space<hbm>> -> memref<448x128xf32, #tpu.memory_space<hbm>>
    %dma_start3A_22 = arith.constant 0 : i32
    %dma_start3A_23 = tpu.memref_slice %arg4[%add3A_19, %dma_start3A_22] : memref<114688x128xf32, #tpu.memory_space<hbm>> -> memref<448x128xf32, #tpu.memory_space<hbm>>
    tpu.enqueue_dma source(%arg7 : memref<448x128xf32, #tpu.memory_space<vmem>>) target(%dma_start3A_23 : memref<448x128xf32, #tpu.memory_space<hbm>>) target_semaphore(%arg11 : memref<!tpu.dma_semaphore, #tpu.memory_space<semaphore_mem>>)
    %dma_wait3A_24 = arith.constant 0 : i32
    %dma_wait3A_25 = tpu.memref_slice %arg4[%add3A_19, %dma_wait3A_24] : memref<114688x128xf32, #tpu.memory_space<hbm>> -> memref<448x128xf32, #tpu.memory_space<hbm>>
    %dma_wait3A_26 = arith.constant 0 : i32
    %dma_wait3A_27 = tpu.memref_slice %arg4[%add3A_19, %dma_wait3A_26] : memref<114688x128xf32, #tpu.memory_space<hbm>> -> memref<448x128xf32, #tpu.memory_space<hbm>>
    tpu.wait_dma2 semaphore(%arg11 : memref<!tpu.dma_semaphore, #tpu.memory_space<semaphore_mem>>) src(%arg7 : memref<448x128xf32, #tpu.memory_space<vmem>>) dst(%dma_wait3A_27 : memref<448x128xf32, #tpu.memory_space<hbm>>)
    %add3A_28 = arith.constant 458752 : i32
    %add3A_29 = arith.addi %add3A_28, %mul3A_2 : i32
    %add3A_30 = arith.constant 896 : i32
    %add3A_31 = arith.addi %add3A_29, %add3A_30 : i32
    "tpu.region"() ({
      %run_scoped3A = tpu.sem_alloc : memref<!tpu.dma_semaphore, #tpu.memory_space<semaphore_mem>>
      %dma_start3A_161 = tpu.memref_slice %arg3[%add3A_31] : memref<917504xi32, #tpu.memory_space<hbm>> -> memref<448xi32, #tpu.memory_space<hbm>>
      %dma_start3A_162 = tpu.memref_slice %arg3[%add3A_31] : memref<917504xi32, #tpu.memory_space<hbm>> -> memref<448xi32, #tpu.memory_space<hbm>>
      tpu.enqueue_dma source(%dma_start3A_162 : memref<448xi32, #tpu.memory_space<hbm>>) target(%arg5 : memref<448xi32, #tpu.memory_space<vmem>>) target_semaphore(%run_scoped3A : memref<!tpu.dma_semaphore, #tpu.memory_space<semaphore_mem>>)
      %dma_wait3A_163 = tpu.memref_slice %arg3[%add3A_31] : memref<917504xi32, #tpu.memory_space<hbm>> -> memref<448xi32, #tpu.memory_space<hbm>>
      %dma_wait3A_164 = tpu.memref_slice %arg3[%add3A_31] : memref<917504xi32, #tpu.memory_space<hbm>> -> memref<448xi32, #tpu.memory_space<hbm>>
      tpu.wait_dma2 semaphore(%run_scoped3A : memref<!tpu.dma_semaphore, #tpu.memory_space<semaphore_mem>>) src(%dma_wait3A_164 : memref<448xi32, #tpu.memory_space<hbm>>) dst(%arg5 : memref<448xi32, #tpu.memory_space<vmem>>)
      tpu.yield
    }) : () -> ()
    %dma_start3A_32 = arith.constant 0 : i32
    %dma_start3A_33 = arith.constant 0 : i32
    %dma_start3A_34 = tpu.memref_slice %arg2[%dma_start3A_32, %dma_start3A_33] : memref<1000000x128xf32, #tpu.memory_space<hbm>> -> memref<1000000x128xf32, #tpu.memory_space<hbm>>
    tpu.enqueue_indirect_dma source(%dma_start3A_34 : memref<1000000x128xf32, #tpu.memory_space<hbm>>) target(%arg7 : memref<448x128xf32, #tpu.memory_space<vmem>>) offsets(%arg5 : memref<448xi32, #tpu.memory_space<vmem>>) semaphore(%arg9 : memref<!tpu.dma_semaphore, #tpu.memory_space<semaphore_mem>>)
    %dma_wait3A_35 = arith.constant 0 : i32
    %dma_wait3A_36 = arith.constant 0 : i32
    %dma_wait3A_37 = tpu.memref_slice %arg2[%dma_wait3A_35, %dma_wait3A_36] : memref<1000000x128xf32, #tpu.memory_space<hbm>> -> memref<1000000x128xf32, #tpu.memory_space<hbm>>
    tpu.wait_indirect_dma semaphore(%arg10 : memref<!tpu.dma_semaphore, #tpu.memory_space<semaphore_mem>>) src(%dma_wait3A_37 : memref<1000000x128xf32, #tpu.memory_space<hbm>>) dst(%arg8 : memref<448x128xf32, #tpu.memory_space<vmem>>)
    %add3A_38 = arith.constant 448 : i32
    %add3A_39 = arith.addi %mul3A_2, %add3A_38 : i32
    %dma_start3A_40 = arith.constant 0 : i32
    %dma_start3A_41 = tpu.memref_slice %arg4[%add3A_39, %dma_start3A_40] : memref<114688x128xf32, #tpu.memory_space<hbm>> -> memref<448x128xf32, #tpu.memory_space<hbm>>
    %dma_start3A_42 = arith.constant 0 : i32
    %dma_start3A_43 = tpu.memref_slice %arg4[%add3A_39, %dma_start3A_42] : memref<114688x128xf32, #tpu.memory_space<hbm>> -> memref<448x128xf32, #tpu.memory_space<hbm>>
    tpu.enqueue_dma source(%arg8 : memref<448x128xf32, #tpu.memory_space<vmem>>) target(%dma_start3A_43 : memref<448x128xf32, #tpu.memory_space<hbm>>) target_semaphore(%arg12 : memref<!tpu.dma_semaphore, #tpu.memory_space<semaphore_mem>>)
    %dma_wait3A_44 = arith.constant 0 : i32
    %dma_wait3A_45 = tpu.memref_slice %arg4[%add3A_39, %dma_wait3A_44] : memref<114688x128xf32, #tpu.memory_space<hbm>> -> memref<448x128xf32, #tpu.memory_space<hbm>>
    %dma_wait3A_46 = arith.constant 0 : i32
    %dma_wait3A_47 = tpu.memref_slice %arg4[%add3A_39, %dma_wait3A_46] : memref<114688x128xf32, #tpu.memory_space<hbm>> -> memref<448x128xf32, #tpu.memory_space<hbm>>
    tpu.wait_dma2 semaphore(%arg12 : memref<!tpu.dma_semaphore, #tpu.memory_space<semaphore_mem>>) src(%arg8 : memref<448x128xf32, #tpu.memory_space<vmem>>) dst(%dma_wait3A_47 : memref<448x128xf32, #tpu.memory_space<hbm>>)
    %add3A_48 = arith.constant 458752 : i32
    %add3A_49 = arith.addi %add3A_48, %mul3A_2 : i32
    %add3A_50 = arith.constant 1344 : i32
    %add3A_51 = arith.addi %add3A_49, %add3A_50 : i32
    "tpu.region"() ({
      %run_scoped3A = tpu.sem_alloc : memref<!tpu.dma_semaphore, #tpu.memory_space<semaphore_mem>>
      %dma_start3A_161 = tpu.memref_slice %arg3[%add3A_51] : memref<917504xi32, #tpu.memory_space<hbm>> -> memref<448xi32, #tpu.memory_space<hbm>>
      %dma_start3A_162 = tpu.memref_slice %arg3[%add3A_51] : memref<917504xi32, #tpu.memory_space<hbm>> -> memref<448xi32, #tpu.memory_space<hbm>>
      tpu.enqueue_dma source(%dma_start3A_162 : memref<448xi32, #tpu.memory_space<hbm>>) target(%arg6 : memref<448xi32, #tpu.memory_space<vmem>>) target_semaphore(%run_scoped3A : memref<!tpu.dma_semaphore, #tpu.memory_space<semaphore_mem>>)
      %dma_wait3A_163 = tpu.memref_slice %arg3[%add3A_51] : memref<917504xi32, #tpu.memory_space<hbm>> -> memref<448xi32, #tpu.memory_space<hbm>>
      %dma_wait3A_164 = tpu.memref_slice %arg3[%add3A_51] : memref<917504xi32, #tpu.memory_space<hbm>> -> memref<448xi32, #tpu.memory_space<hbm>>
      tpu.wait_dma2 semaphore(%run_scoped3A : memref<!tpu.dma_semaphore, #tpu.memory_space<semaphore_mem>>) src(%dma_wait3A_164 : memref<448xi32, #tpu.memory_space<hbm>>) dst(%arg6 : memref<448xi32, #tpu.memory_space<vmem>>)
      tpu.yield
    }) : () -> ()
    %dma_start3A_52 = arith.constant 0 : i32
    %dma_start3A_53 = arith.constant 0 : i32
    %dma_start3A_54 = tpu.memref_slice %arg2[%dma_start3A_52, %dma_start3A_53] : memref<1000000x128xf32, #tpu.memory_space<hbm>> -> memref<1000000x128xf32, #tpu.memory_space<hbm>>
    tpu.enqueue_indirect_dma source(%dma_start3A_54 : memref<1000000x128xf32, #tpu.memory_space<hbm>>) target(%arg8 : memref<448x128xf32, #tpu.memory_space<vmem>>) offsets(%arg6 : memref<448xi32, #tpu.memory_space<vmem>>) semaphore(%arg10 : memref<!tpu.dma_semaphore, #tpu.memory_space<semaphore_mem>>)
    %dma_wait3A_55 = arith.constant 0 : i32
    %dma_wait3A_56 = arith.constant 0 : i32
    %dma_wait3A_57 = tpu.memref_slice %arg2[%dma_wait3A_55, %dma_wait3A_56] : memref<1000000x128xf32, #tpu.memory_space<hbm>> -> memref<1000000x128xf32, #tpu.memory_space<hbm>>
    tpu.wait_indirect_dma semaphore(%arg9 : memref<!tpu.dma_semaphore, #tpu.memory_space<semaphore_mem>>) src(%dma_wait3A_57 : memref<1000000x128xf32, #tpu.memory_space<hbm>>) dst(%arg7 : memref<448x128xf32, #tpu.memory_space<vmem>>)
    %add3A_58 = arith.constant 896 : i32
    %add3A_59 = arith.addi %mul3A_2, %add3A_58 : i32
    %dma_start3A_60 = arith.constant 0 : i32
    %dma_start3A_61 = tpu.memref_slice %arg4[%add3A_59, %dma_start3A_60] : memref<114688x128xf32, #tpu.memory_space<hbm>> -> memref<448x128xf32, #tpu.memory_space<hbm>>
    %dma_start3A_62 = arith.constant 0 : i32
    %dma_start3A_63 = tpu.memref_slice %arg4[%add3A_59, %dma_start3A_62] : memref<114688x128xf32, #tpu.memory_space<hbm>> -> memref<448x128xf32, #tpu.memory_space<hbm>>
    tpu.enqueue_dma source(%arg7 : memref<448x128xf32, #tpu.memory_space<vmem>>) target(%dma_start3A_63 : memref<448x128xf32, #tpu.memory_space<hbm>>) target_semaphore(%arg11 : memref<!tpu.dma_semaphore, #tpu.memory_space<semaphore_mem>>)
    %dma_wait3A_64 = arith.constant 0 : i32
    %dma_wait3A_65 = tpu.memref_slice %arg4[%add3A_59, %dma_wait3A_64] : memref<114688x128xf32, #tpu.memory_space<hbm>> -> memref<448x128xf32, #tpu.memory_space<hbm>>
    %dma_wait3A_66 = arith.constant 0 : i32
    %dma_wait3A_67 = tpu.memref_slice %arg4[%add3A_59, %dma_wait3A_66] : memref<114688x128xf32, #tpu.memory_space<hbm>> -> memref<448x128xf32, #tpu.memory_space<hbm>>
    tpu.wait_dma2 semaphore(%arg11 : memref<!tpu.dma_semaphore, #tpu.memory_space<semaphore_mem>>) src(%arg7 : memref<448x128xf32, #tpu.memory_space<vmem>>) dst(%dma_wait3A_67 : memref<448x128xf32, #tpu.memory_space<hbm>>)
    %add3A_68 = arith.constant 458752 : i32
    %add3A_69 = arith.addi %add3A_68, %mul3A_2 : i32
    %add3A_70 = arith.constant 1792 : i32
    %add3A_71 = arith.addi %add3A_69, %add3A_70 : i32
    "tpu.region"() ({
      %run_scoped3A = tpu.sem_alloc : memref<!tpu.dma_semaphore, #tpu.memory_space<semaphore_mem>>
      %dma_start3A_161 = tpu.memref_slice %arg3[%add3A_71] : memref<917504xi32, #tpu.memory_space<hbm>> -> memref<448xi32, #tpu.memory_space<hbm>>
      %dma_start3A_162 = tpu.memref_slice %arg3[%add3A_71] : memref<917504xi32, #tpu.memory_space<hbm>> -> memref<448xi32, #tpu.memory_space<hbm>>
      tpu.enqueue_dma source(%dma_start3A_162 : memref<448xi32, #tpu.memory_space<hbm>>) target(%arg5 : memref<448xi32, #tpu.memory_space<vmem>>) target_semaphore(%run_scoped3A : memref<!tpu.dma_semaphore, #tpu.memory_space<semaphore_mem>>)
      %dma_wait3A_163 = tpu.memref_slice %arg3[%add3A_71] : memref<917504xi32, #tpu.memory_space<hbm>> -> memref<448xi32, #tpu.memory_space<hbm>>
      %dma_wait3A_164 = tpu.memref_slice %arg3[%add3A_71] : memref<917504xi32, #tpu.memory_space<hbm>> -> memref<448xi32, #tpu.memory_space<hbm>>
      tpu.wait_dma2 semaphore(%run_scoped3A : memref<!tpu.dma_semaphore, #tpu.memory_space<semaphore_mem>>) src(%dma_wait3A_164 : memref<448xi32, #tpu.memory_space<hbm>>) dst(%arg5 : memref<448xi32, #tpu.memory_space<vmem>>)
      tpu.yield
    }) : () -> ()
    %dma_start3A_72 = arith.constant 0 : i32
    %dma_start3A_73 = arith.constant 0 : i32
    %dma_start3A_74 = tpu.memref_slice %arg2[%dma_start3A_72, %dma_start3A_73] : memref<1000000x128xf32, #tpu.memory_space<hbm>> -> memref<1000000x128xf32, #tpu.memory_space<hbm>>
    tpu.enqueue_indirect_dma source(%dma_start3A_74 : memref<1000000x128xf32, #tpu.memory_space<hbm>>) target(%arg7 : memref<448x128xf32, #tpu.memory_space<vmem>>) offsets(%arg5 : memref<448xi32, #tpu.memory_space<vmem>>) semaphore(%arg9 : memref<!tpu.dma_semaphore, #tpu.memory_space<semaphore_mem>>)
    %dma_wait3A_75 = arith.constant 0 : i32
    %dma_wait3A_76 = arith.constant 0 : i32
    %dma_wait3A_77 = tpu.memref_slice %arg2[%dma_wait3A_75, %dma_wait3A_76] : memref<1000000x128xf32, #tpu.memory_space<hbm>> -> memref<1000000x128xf32, #tpu.memory_space<hbm>>
    tpu.wait_indirect_dma semaphore(%arg10 : memref<!tpu.dma_semaphore, #tpu.memory_space<semaphore_mem>>) src(%dma_wait3A_77 : memref<1000000x128xf32, #tpu.memory_space<hbm>>) dst(%arg8 : memref<448x128xf32, #tpu.memory_space<vmem>>)
    %add3A_78 = arith.constant 1344 : i32
    %add3A_79 = arith.addi %mul3A_2, %add3A_78 : i32
    %dma_start3A_80 = arith.constant 0 : i32
    %dma_start3A_81 = tpu.memref_slice %arg4[%add3A_79, %dma_start3A_80] : memref<114688x128xf32, #tpu.memory_space<hbm>> -> memref<448x128xf32, #tpu.memory_space<hbm>>
    %dma_start3A_82 = arith.constant 0 : i32
    %dma_start3A_83 = tpu.memref_slice %arg4[%add3A_79, %dma_start3A_82] : memref<114688x128xf32, #tpu.memory_space<hbm>> -> memref<448x128xf32, #tpu.memory_space<hbm>>
    tpu.enqueue_dma source(%arg8 : memref<448x128xf32, #tpu.memory_space<vmem>>) target(%dma_start3A_83 : memref<448x128xf32, #tpu.memory_space<hbm>>) target_semaphore(%arg12 : memref<!tpu.dma_semaphore, #tpu.memory_space<semaphore_mem>>)
    %dma_wait3A_84 = arith.constant 0 : i32
    %dma_wait3A_85 = tpu.memref_slice %arg4[%add3A_79, %dma_wait3A_84] : memref<114688x128xf32, #tpu.memory_space<hbm>> -> memref<448x128xf32, #tpu.memory_space<hbm>>
    %dma_wait3A_86 = arith.constant 0 : i32
    %dma_wait3A_87 = tpu.memref_slice %arg4[%add3A_79, %dma_wait3A_86] : memref<114688x128xf32, #tpu.memory_space<hbm>> -> memref<448x128xf32, #tpu.memory_space<hbm>>
    tpu.wait_dma2 semaphore(%arg12 : memref<!tpu.dma_semaphore, #tpu.memory_space<semaphore_mem>>) src(%arg8 : memref<448x128xf32, #tpu.memory_space<vmem>>) dst(%dma_wait3A_87 : memref<448x128xf32, #tpu.memory_space<hbm>>)
    %add3A_88 = arith.constant 458752 : i32
    %add3A_89 = arith.addi %add3A_88, %mul3A_2 : i32
    %add3A_90 = arith.constant 2240 : i32
    %add3A_91 = arith.addi %add3A_89, %add3A_90 : i32
    "tpu.region"() ({
      %run_scoped3A = tpu.sem_alloc : memref<!tpu.dma_semaphore, #tpu.memory_space<semaphore_mem>>
      %dma_start3A_161 = tpu.memref_slice %arg3[%add3A_91] : memref<917504xi32, #tpu.memory_space<hbm>> -> memref<448xi32, #tpu.memory_space<hbm>>
      %dma_start3A_162 = tpu.memref_slice %arg3[%add3A_91] : memref<917504xi32, #tpu.memory_space<hbm>> -> memref<448xi32, #tpu.memory_space<hbm>>
      tpu.enqueue_dma source(%dma_start3A_162 : memref<448xi32, #tpu.memory_space<hbm>>) target(%arg6 : memref<448xi32, #tpu.memory_space<vmem>>) target_semaphore(%run_scoped3A : memref<!tpu.dma_semaphore, #tpu.memory_space<semaphore_mem>>)
      %dma_wait3A_163 = tpu.memref_slice %arg3[%add3A_91] : memref<917504xi32, #tpu.memory_space<hbm>> -> memref<448xi32, #tpu.memory_space<hbm>>
      %dma_wait3A_164 = tpu.memref_slice %arg3[%add3A_91] : memref<917504xi32, #tpu.memory_space<hbm>> -> memref<448xi32, #tpu.memory_space<hbm>>
      tpu.wait_dma2 semaphore(%run_scoped3A : memref<!tpu.dma_semaphore, #tpu.memory_space<semaphore_mem>>) src(%dma_wait3A_164 : memref<448xi32, #tpu.memory_space<hbm>>) dst(%arg6 : memref<448xi32, #tpu.memory_space<vmem>>)
      tpu.yield
    }) : () -> ()
    %dma_start3A_92 = arith.constant 0 : i32
    %dma_start3A_93 = arith.constant 0 : i32
    %dma_start3A_94 = tpu.memref_slice %arg2[%dma_start3A_92, %dma_start3A_93] : memref<1000000x128xf32, #tpu.memory_space<hbm>> -> memref<1000000x128xf32, #tpu.memory_space<hbm>>
    tpu.enqueue_indirect_dma source(%dma_start3A_94 : memref<1000000x128xf32, #tpu.memory_space<hbm>>) target(%arg8 : memref<448x128xf32, #tpu.memory_space<vmem>>) offsets(%arg6 : memref<448xi32, #tpu.memory_space<vmem>>) semaphore(%arg10 : memref<!tpu.dma_semaphore, #tpu.memory_space<semaphore_mem>>)
    %dma_wait3A_95 = arith.constant 0 : i32
    %dma_wait3A_96 = arith.constant 0 : i32
    %dma_wait3A_97 = tpu.memref_slice %arg2[%dma_wait3A_95, %dma_wait3A_96] : memref<1000000x128xf32, #tpu.memory_space<hbm>> -> memref<1000000x128xf32, #tpu.memory_space<hbm>>
    tpu.wait_indirect_dma semaphore(%arg9 : memref<!tpu.dma_semaphore, #tpu.memory_space<semaphore_mem>>) src(%dma_wait3A_97 : memref<1000000x128xf32, #tpu.memory_space<hbm>>) dst(%arg7 : memref<448x128xf32, #tpu.memory_space<vmem>>)
    %add3A_98 = arith.constant 1792 : i32
    %add3A_99 = arith.addi %mul3A_2, %add3A_98 : i32
    %dma_start3A_100 = arith.constant 0 : i32
    %dma_start3A_101 = tpu.memref_slice %arg4[%add3A_99, %dma_start3A_100] : memref<114688x128xf32, #tpu.memory_space<hbm>> -> memref<448x128xf32, #tpu.memory_space<hbm>>
    %dma_start3A_102 = arith.constant 0 : i32
    %dma_start3A_103 = tpu.memref_slice %arg4[%add3A_99, %dma_start3A_102] : memref<114688x128xf32, #tpu.memory_space<hbm>> -> memref<448x128xf32, #tpu.memory_space<hbm>>
    tpu.enqueue_dma source(%arg7 : memref<448x128xf32, #tpu.memory_space<vmem>>) target(%dma_start3A_103 : memref<448x128xf32, #tpu.memory_space<hbm>>) target_semaphore(%arg11 : memref<!tpu.dma_semaphore, #tpu.memory_space<semaphore_mem>>)
    %dma_wait3A_104 = arith.constant 0 : i32
    %dma_wait3A_105 = tpu.memref_slice %arg4[%add3A_99, %dma_wait3A_104] : memref<114688x128xf32, #tpu.memory_space<hbm>> -> memref<448x128xf32, #tpu.memory_space<hbm>>
    %dma_wait3A_106 = arith.constant 0 : i32
    %dma_wait3A_107 = tpu.memref_slice %arg4[%add3A_99, %dma_wait3A_106] : memref<114688x128xf32, #tpu.memory_space<hbm>> -> memref<448x128xf32, #tpu.memory_space<hbm>>
    tpu.wait_dma2 semaphore(%arg11 : memref<!tpu.dma_semaphore, #tpu.memory_space<semaphore_mem>>) src(%arg7 : memref<448x128xf32, #tpu.memory_space<vmem>>) dst(%dma_wait3A_107 : memref<448x128xf32, #tpu.memory_space<hbm>>)
    %add3A_108 = arith.constant 458752 : i32
    %add3A_109 = arith.addi %add3A_108, %mul3A_2 : i32
    %add3A_110 = arith.constant 2688 : i32
    %add3A_111 = arith.addi %add3A_109, %add3A_110 : i32
    "tpu.region"() ({
      %run_scoped3A = tpu.sem_alloc : memref<!tpu.dma_semaphore, #tpu.memory_space<semaphore_mem>>
      %dma_start3A_161 = tpu.memref_slice %arg3[%add3A_111] : memref<917504xi32, #tpu.memory_space<hbm>> -> memref<448xi32, #tpu.memory_space<hbm>>
      %dma_start3A_162 = tpu.memref_slice %arg3[%add3A_111] : memref<917504xi32, #tpu.memory_space<hbm>> -> memref<448xi32, #tpu.memory_space<hbm>>
      tpu.enqueue_dma source(%dma_start3A_162 : memref<448xi32, #tpu.memory_space<hbm>>) target(%arg5 : memref<448xi32, #tpu.memory_space<vmem>>) target_semaphore(%run_scoped3A : memref<!tpu.dma_semaphore, #tpu.memory_space<semaphore_mem>>)
      %dma_wait3A_163 = tpu.memref_slice %arg3[%add3A_111] : memref<917504xi32, #tpu.memory_space<hbm>> -> memref<448xi32, #tpu.memory_space<hbm>>
      %dma_wait3A_164 = tpu.memref_slice %arg3[%add3A_111] : memref<917504xi32, #tpu.memory_space<hbm>> -> memref<448xi32, #tpu.memory_space<hbm>>
      tpu.wait_dma2 semaphore(%run_scoped3A : memref<!tpu.dma_semaphore, #tpu.memory_space<semaphore_mem>>) src(%dma_wait3A_164 : memref<448xi32, #tpu.memory_space<hbm>>) dst(%arg5 : memref<448xi32, #tpu.memory_space<vmem>>)
      tpu.yield
    }) : () -> ()
    %dma_start3A_112 = arith.constant 0 : i32
    %dma_start3A_113 = arith.constant 0 : i32
    %dma_start3A_114 = tpu.memref_slice %arg2[%dma_start3A_112, %dma_start3A_113] : memref<1000000x128xf32, #tpu.memory_space<hbm>> -> memref<1000000x128xf32, #tpu.memory_space<hbm>>
    tpu.enqueue_indirect_dma source(%dma_start3A_114 : memref<1000000x128xf32, #tpu.memory_space<hbm>>) target(%arg7 : memref<448x128xf32, #tpu.memory_space<vmem>>) offsets(%arg5 : memref<448xi32, #tpu.memory_space<vmem>>) semaphore(%arg9 : memref<!tpu.dma_semaphore, #tpu.memory_space<semaphore_mem>>)
    %dma_wait3A_115 = arith.constant 0 : i32
    %dma_wait3A_116 = arith.constant 0 : i32
    %dma_wait3A_117 = tpu.memref_slice %arg2[%dma_wait3A_115, %dma_wait3A_116] : memref<1000000x128xf32, #tpu.memory_space<hbm>> -> memref<1000000x128xf32, #tpu.memory_space<hbm>>
    tpu.wait_indirect_dma semaphore(%arg10 : memref<!tpu.dma_semaphore, #tpu.memory_space<semaphore_mem>>) src(%dma_wait3A_117 : memref<1000000x128xf32, #tpu.memory_space<hbm>>) dst(%arg8 : memref<448x128xf32, #tpu.memory_space<vmem>>)
    %add3A_118 = arith.constant 2240 : i32
    %add3A_119 = arith.addi %mul3A_2, %add3A_118 : i32
    %dma_start3A_120 = arith.constant 0 : i32
    %dma_start3A_121 = tpu.memref_slice %arg4[%add3A_119, %dma_start3A_120] : memref<114688x128xf32, #tpu.memory_space<hbm>> -> memref<448x128xf32, #tpu.memory_space<hbm>>
    %dma_start3A_122 = arith.constant 0 : i32
    %dma_start3A_123 = tpu.memref_slice %arg4[%add3A_119, %dma_start3A_122] : memref<114688x128xf32, #tpu.memory_space<hbm>> -> memref<448x128xf32, #tpu.memory_space<hbm>>
    tpu.enqueue_dma source(%arg8 : memref<448x128xf32, #tpu.memory_space<vmem>>) target(%dma_start3A_123 : memref<448x128xf32, #tpu.memory_space<hbm>>) target_semaphore(%arg12 : memref<!tpu.dma_semaphore, #tpu.memory_space<semaphore_mem>>)
    %dma_wait3A_124 = arith.constant 0 : i32
    %dma_wait3A_125 = tpu.memref_slice %arg4[%add3A_119, %dma_wait3A_124] : memref<114688x128xf32, #tpu.memory_space<hbm>> -> memref<448x128xf32, #tpu.memory_space<hbm>>
    %dma_wait3A_126 = arith.constant 0 : i32
    %dma_wait3A_127 = tpu.memref_slice %arg4[%add3A_119, %dma_wait3A_126] : memref<114688x128xf32, #tpu.memory_space<hbm>> -> memref<448x128xf32, #tpu.memory_space<hbm>>
    tpu.wait_dma2 semaphore(%arg12 : memref<!tpu.dma_semaphore, #tpu.memory_space<semaphore_mem>>) src(%arg8 : memref<448x128xf32, #tpu.memory_space<vmem>>) dst(%dma_wait3A_127 : memref<448x128xf32, #tpu.memory_space<hbm>>)
    %add3A_128 = arith.constant 458752 : i32
    %add3A_129 = arith.addi %add3A_128, %mul3A_2 : i32
    %add3A_130 = arith.constant 3136 : i32
    %add3A_131 = arith.addi %add3A_129, %add3A_130 : i32
    "tpu.region"() ({
      %run_scoped3A = tpu.sem_alloc : memref<!tpu.dma_semaphore, #tpu.memory_space<semaphore_mem>>
      %dma_start3A_161 = tpu.memref_slice %arg3[%add3A_131] : memref<917504xi32, #tpu.memory_space<hbm>> -> memref<448xi32, #tpu.memory_space<hbm>>
      %dma_start3A_162 = tpu.memref_slice %arg3[%add3A_131] : memref<917504xi32, #tpu.memory_space<hbm>> -> memref<448xi32, #tpu.memory_space<hbm>>
      tpu.enqueue_dma source(%dma_start3A_162 : memref<448xi32, #tpu.memory_space<hbm>>) target(%arg6 : memref<448xi32, #tpu.memory_space<vmem>>) target_semaphore(%run_scoped3A : memref<!tpu.dma_semaphore, #tpu.memory_space<semaphore_mem>>)
      %dma_wait3A_163 = tpu.memref_slice %arg3[%add3A_131] : memref<917504xi32, #tpu.memory_space<hbm>> -> memref<448xi32, #tpu.memory_space<hbm>>
      %dma_wait3A_164 = tpu.memref_slice %arg3[%add3A_131] : memref<917504xi32, #tpu.memory_space<hbm>> -> memref<448xi32, #tpu.memory_space<hbm>>
      tpu.wait_dma2 semaphore(%run_scoped3A : memref<!tpu.dma_semaphore, #tpu.memory_space<semaphore_mem>>) src(%dma_wait3A_164 : memref<448xi32, #tpu.memory_space<hbm>>) dst(%arg6 : memref<448xi32, #tpu.memory_space<vmem>>)
      tpu.yield
    }) : () -> ()
    %dma_start3A_132 = arith.constant 0 : i32
    %dma_start3A_133 = arith.constant 0 : i32
    %dma_start3A_134 = tpu.memref_slice %arg2[%dma_start3A_132, %dma_start3A_133] : memref<1000000x128xf32, #tpu.memory_space<hbm>> -> memref<1000000x128xf32, #tpu.memory_space<hbm>>
    tpu.enqueue_indirect_dma source(%dma_start3A_134 : memref<1000000x128xf32, #tpu.memory_space<hbm>>) target(%arg8 : memref<448x128xf32, #tpu.memory_space<vmem>>) offsets(%arg6 : memref<448xi32, #tpu.memory_space<vmem>>) semaphore(%arg10 : memref<!tpu.dma_semaphore, #tpu.memory_space<semaphore_mem>>)
    %dma_wait3A_135 = arith.constant 0 : i32
    %dma_wait3A_136 = arith.constant 0 : i32
    %dma_wait3A_137 = tpu.memref_slice %arg2[%dma_wait3A_135, %dma_wait3A_136] : memref<1000000x128xf32, #tpu.memory_space<hbm>> -> memref<1000000x128xf32, #tpu.memory_space<hbm>>
    tpu.wait_indirect_dma semaphore(%arg9 : memref<!tpu.dma_semaphore, #tpu.memory_space<semaphore_mem>>) src(%dma_wait3A_137 : memref<1000000x128xf32, #tpu.memory_space<hbm>>) dst(%arg7 : memref<448x128xf32, #tpu.memory_space<vmem>>)
    %add3A_138 = arith.constant 2688 : i32
    %add3A_139 = arith.addi %mul3A_2, %add3A_138 : i32
    %dma_start3A_140 = arith.constant 0 : i32
    %dma_start3A_141 = tpu.memref_slice %arg4[%add3A_139, %dma_start3A_140] : memref<114688x128xf32, #tpu.memory_space<hbm>> -> memref<448x128xf32, #tpu.memory_space<hbm>>
    %dma_start3A_142 = arith.constant 0 : i32
    %dma_start3A_143 = tpu.memref_slice %arg4[%add3A_139, %dma_start3A_142] : memref<114688x128xf32, #tpu.memory_space<hbm>> -> memref<448x128xf32, #tpu.memory_space<hbm>>
    tpu.enqueue_dma source(%arg7 : memref<448x128xf32, #tpu.memory_space<vmem>>) target(%dma_start3A_143 : memref<448x128xf32, #tpu.memory_space<hbm>>) target_semaphore(%arg11 : memref<!tpu.dma_semaphore, #tpu.memory_space<semaphore_mem>>)
    %dma_wait3A_144 = arith.constant 0 : i32
    %dma_wait3A_145 = arith.constant 0 : i32
    %dma_wait3A_146 = tpu.memref_slice %arg2[%dma_wait3A_144, %dma_wait3A_145] : memref<1000000x128xf32, #tpu.memory_space<hbm>> -> memref<1000000x128xf32, #tpu.memory_space<hbm>>
    tpu.wait_indirect_dma semaphore(%arg10 : memref<!tpu.dma_semaphore, #tpu.memory_space<semaphore_mem>>) src(%dma_wait3A_146 : memref<1000000x128xf32, #tpu.memory_space<hbm>>) dst(%arg8 : memref<448x128xf32, #tpu.memory_space<vmem>>)
    %add3A_147 = arith.constant 3136 : i32
    %add3A_148 = arith.addi %mul3A_2, %add3A_147 : i32
    %dma_start3A_149 = arith.constant 0 : i32
    %dma_start3A_150 = tpu.memref_slice %arg4[%add3A_148, %dma_start3A_149] : memref<114688x128xf32, #tpu.memory_space<hbm>> -> memref<448x128xf32, #tpu.memory_space<hbm>>
    %dma_start3A_151 = arith.constant 0 : i32
    %dma_start3A_152 = tpu.memref_slice %arg4[%add3A_148, %dma_start3A_151] : memref<114688x128xf32, #tpu.memory_space<hbm>> -> memref<448x128xf32, #tpu.memory_space<hbm>>
    tpu.enqueue_dma source(%arg8 : memref<448x128xf32, #tpu.memory_space<vmem>>) target(%dma_start3A_152 : memref<448x128xf32, #tpu.memory_space<hbm>>) target_semaphore(%arg12 : memref<!tpu.dma_semaphore, #tpu.memory_space<semaphore_mem>>)
    %dma_wait3A_153 = arith.constant 0 : i32
    %dma_wait3A_154 = tpu.memref_slice %arg4[%add3A_139, %dma_wait3A_153] : memref<114688x128xf32, #tpu.memory_space<hbm>> -> memref<448x128xf32, #tpu.memory_space<hbm>>
    %dma_wait3A_155 = arith.constant 0 : i32
    %dma_wait3A_156 = tpu.memref_slice %arg4[%add3A_139, %dma_wait3A_155] : memref<114688x128xf32, #tpu.memory_space<hbm>> -> memref<448x128xf32, #tpu.memory_space<hbm>>
    tpu.wait_dma2 semaphore(%arg11 : memref<!tpu.dma_semaphore, #tpu.memory_space<semaphore_mem>>) src(%arg7 : memref<448x128xf32, #tpu.memory_space<vmem>>) dst(%dma_wait3A_156 : memref<448x128xf32, #tpu.memory_space<hbm>>)
    %dma_wait3A_157 = arith.constant 0 : i32
    %dma_wait3A_158 = tpu.memref_slice %arg4[%add3A_148, %dma_wait3A_157] : memref<114688x128xf32, #tpu.memory_space<hbm>> -> memref<448x128xf32, #tpu.memory_space<hbm>>
    %dma_wait3A_159 = arith.constant 0 : i32
    %dma_wait3A_160 = tpu.memref_slice %arg4[%add3A_148, %dma_wait3A_159] : memref<114688x128xf32, #tpu.memory_space<hbm>> -> memref<448x128xf32, #tpu.memory_space<hbm>>
    tpu.wait_dma2 semaphore(%arg12 : memref<!tpu.dma_semaphore, #tpu.memory_space<semaphore_mem>>) src(%arg8 : memref<448x128xf32, #tpu.memory_space<vmem>>) dst(%dma_wait3A_160 : memref<448x128xf32, #tpu.memory_space<hbm>>)
    return
  }
}

#map = affine_map<(d0, d1) -> (0, 0)>
#map1 = affine_map<(d0, d1) -> (0)>
module attributes {stable_mosaic.version = 14 : i64} {
  func.func @gather_kernel(%arg0: i32, %arg1: i32, %arg2: memref<1000000x128xf32, #tpu.memory_space<hbm>>, %arg3: memref<917504xi32, #tpu.memory_space<hbm>>, %arg4: memref<114688x128xf32, #tpu.memory_space<hbm>>, %arg5: memref<448xi32, #tpu.memory_space<vmem>>, %arg6: memref<448xi32, #tpu.memory_space<vmem>>, %arg7: memref<448x128xf32, #tpu.memory_space<vmem>>, %arg8: memref<448x128xf32, #tpu.memory_space<vmem>>, %arg9: memref<!tpu.dma_semaphore, #tpu.memory_space<semaphore_mem>>, %arg10: memref<!tpu.dma_semaphore, #tpu.memory_space<semaphore_mem>>, %arg11: memref<!tpu.dma_semaphore, #tpu.memory_space<semaphore_mem>>, %arg12: memref<!tpu.dma_semaphore, #tpu.memory_space<semaphore_mem>>) attributes {dimension_semantics = [#tpu.dimension_semantics<core_parallel>, #tpu.dimension_semantics<subcore_parallel>], iteration_bounds = array<i64: 2, 16>, scalar_prefetch = 0 : i64, scratch_operands = 8 : i64, tpu.core_type = #tpu.core_type<sc_vector_subcore>, window_params = [{transform_indices = #map}, {transform_indices = #map1}, {transform_indices = #map}]} {
    %mul3A = arith.constant 2 : i32
    %mul3A_0 = arith.muli %arg1, %mul3A : i32
    %add3A = arith.addi %mul3A_0, %arg0 : i32
    %mul3A_1 = arith.constant 3584 : i32
    %mul3A_2 = arith.muli %add3A, %mul3A_1 : i32
    %add3A_3 = arith.constant 802816 : i32
    %add3A_4 = arith.addi %add3A_3, %mul3A_2 : i32
    %add3A_5 = arith.constant 0 : i32
    %add3A_6 = arith.addi %add3A_4, %add3A_5 : i32
    "tpu.region"() ({
      %run_scoped3A = tpu.sem_alloc : memref<!tpu.dma_semaphore, #tpu.memory_space<semaphore_mem>>
      %dma_start3A_161 = tpu.memref_slice %arg3[%add3A_6] : memref<917504xi32, #tpu.memory_space<hbm>> -> memref<448xi32, #tpu.memory_space<hbm>>
      %dma_start3A_162 = tpu.memref_slice %arg3[%add3A_6] : memref<917504xi32, #tpu.memory_space<hbm>> -> memref<448xi32, #tpu.memory_space<hbm>>
      tpu.enqueue_dma source(%dma_start3A_162 : memref<448xi32, #tpu.memory_space<hbm>>) target(%arg5 : memref<448xi32, #tpu.memory_space<vmem>>) target_semaphore(%run_scoped3A : memref<!tpu.dma_semaphore, #tpu.memory_space<semaphore_mem>>)
      %dma_wait3A_163 = tpu.memref_slice %arg3[%add3A_6] : memref<917504xi32, #tpu.memory_space<hbm>> -> memref<448xi32, #tpu.memory_space<hbm>>
      %dma_wait3A_164 = tpu.memref_slice %arg3[%add3A_6] : memref<917504xi32, #tpu.memory_space<hbm>> -> memref<448xi32, #tpu.memory_space<hbm>>
      tpu.wait_dma2 semaphore(%run_scoped3A : memref<!tpu.dma_semaphore, #tpu.memory_space<semaphore_mem>>) src(%dma_wait3A_164 : memref<448xi32, #tpu.memory_space<hbm>>) dst(%arg5 : memref<448xi32, #tpu.memory_space<vmem>>)
      tpu.yield
    }) : () -> ()
    %dma_start3A = arith.constant 0 : i32
    %dma_start3A_7 = arith.constant 0 : i32
    %dma_start3A_8 = tpu.memref_slice %arg2[%dma_start3A, %dma_start3A_7] : memref<1000000x128xf32, #tpu.memory_space<hbm>> -> memref<1000000x128xf32, #tpu.memory_space<hbm>>
    tpu.enqueue_indirect_dma source(%dma_start3A_8 : memref<1000000x128xf32, #tpu.memory_space<hbm>>) target(%arg7 : memref<448x128xf32, #tpu.memory_space<vmem>>) offsets(%arg5 : memref<448xi32, #tpu.memory_space<vmem>>) semaphore(%arg9 : memref<!tpu.dma_semaphore, #tpu.memory_space<semaphore_mem>>)
    %add3A_9 = arith.constant 802816 : i32
    %add3A_10 = arith.addi %add3A_9, %mul3A_2 : i32
    %add3A_11 = arith.constant 448 : i32
    %add3A_12 = arith.addi %add3A_10, %add3A_11 : i32
    "tpu.region"() ({
      %run_scoped3A = tpu.sem_alloc : memref<!tpu.dma_semaphore, #tpu.memory_space<semaphore_mem>>
      %dma_start3A_161 = tpu.memref_slice %arg3[%add3A_12] : memref<917504xi32, #tpu.memory_space<hbm>> -> memref<448xi32, #tpu.memory_space<hbm>>
      %dma_start3A_162 = tpu.memref_slice %arg3[%add3A_12] : memref<917504xi32, #tpu.memory_space<hbm>> -> memref<448xi32, #tpu.memory_space<hbm>>
      tpu.enqueue_dma source(%dma_start3A_162 : memref<448xi32, #tpu.memory_space<hbm>>) target(%arg6 : memref<448xi32, #tpu.memory_space<vmem>>) target_semaphore(%run_scoped3A : memref<!tpu.dma_semaphore, #tpu.memory_space<semaphore_mem>>)
      %dma_wait3A_163 = tpu.memref_slice %arg3[%add3A_12] : memref<917504xi32, #tpu.memory_space<hbm>> -> memref<448xi32, #tpu.memory_space<hbm>>
      %dma_wait3A_164 = tpu.memref_slice %arg3[%add3A_12] : memref<917504xi32, #tpu.memory_space<hbm>> -> memref<448xi32, #tpu.memory_space<hbm>>
      tpu.wait_dma2 semaphore(%run_scoped3A : memref<!tpu.dma_semaphore, #tpu.memory_space<semaphore_mem>>) src(%dma_wait3A_164 : memref<448xi32, #tpu.memory_space<hbm>>) dst(%arg6 : memref<448xi32, #tpu.memory_space<vmem>>)
      tpu.yield
    }) : () -> ()
    %dma_start3A_13 = arith.constant 0 : i32
    %dma_start3A_14 = arith.constant 0 : i32
    %dma_start3A_15 = tpu.memref_slice %arg2[%dma_start3A_13, %dma_start3A_14] : memref<1000000x128xf32, #tpu.memory_space<hbm>> -> memref<1000000x128xf32, #tpu.memory_space<hbm>>
    tpu.enqueue_indirect_dma source(%dma_start3A_15 : memref<1000000x128xf32, #tpu.memory_space<hbm>>) target(%arg8 : memref<448x128xf32, #tpu.memory_space<vmem>>) offsets(%arg6 : memref<448xi32, #tpu.memory_space<vmem>>) semaphore(%arg10 : memref<!tpu.dma_semaphore, #tpu.memory_space<semaphore_mem>>)
    %dma_wait3A = arith.constant 0 : i32
    %dma_wait3A_16 = arith.constant 0 : i32
    %dma_wait3A_17 = tpu.memref_slice %arg2[%dma_wait3A, %dma_wait3A_16] : memref<1000000x128xf32, #tpu.memory_space<hbm>> -> memref<1000000x128xf32, #tpu.memory_space<hbm>>
    tpu.wait_indirect_dma semaphore(%arg9 : memref<!tpu.dma_semaphore, #tpu.memory_space<semaphore_mem>>) src(%dma_wait3A_17 : memref<1000000x128xf32, #tpu.memory_space<hbm>>) dst(%arg7 : memref<448x128xf32, #tpu.memory_space<vmem>>)
    %add3A_18 = arith.constant 0 : i32
    %add3A_19 = arith.addi %mul3A_2, %add3A_18 : i32
    %dma_start3A_20 = arith.constant 0 : i32
    %dma_start3A_21 = tpu.memref_slice %arg4[%add3A_19, %dma_start3A_20] : memref<114688x128xf32, #tpu.memory_space<hbm>> -> memref<448x128xf32, #tpu.memory_space<hbm>>
    %dma_start3A_22 = arith.constant 0 : i32
    %dma_start3A_23 = tpu.memref_slice %arg4[%add3A_19, %dma_start3A_22] : memref<114688x128xf32, #tpu.memory_space<hbm>> -> memref<448x128xf32, #tpu.memory_space<hbm>>
    tpu.enqueue_dma source(%arg7 : memref<448x128xf32, #tpu.memory_space<vmem>>) target(%dma_start3A_23 : memref<448x128xf32, #tpu.memory_space<hbm>>) target_semaphore(%arg11 : memref<!tpu.dma_semaphore, #tpu.memory_space<semaphore_mem>>)
    %dma_wait3A_24 = arith.constant 0 : i32
    %dma_wait3A_25 = tpu.memref_slice %arg4[%add3A_19, %dma_wait3A_24] : memref<114688x128xf32, #tpu.memory_space<hbm>> -> memref<448x128xf32, #tpu.memory_space<hbm>>
    %dma_wait3A_26 = arith.constant 0 : i32
    %dma_wait3A_27 = tpu.memref_slice %arg4[%add3A_19, %dma_wait3A_26] : memref<114688x128xf32, #tpu.memory_space<hbm>> -> memref<448x128xf32, #tpu.memory_space<hbm>>
    tpu.wait_dma2 semaphore(%arg11 : memref<!tpu.dma_semaphore, #tpu.memory_space<semaphore_mem>>) src(%arg7 : memref<448x128xf32, #tpu.memory_space<vmem>>) dst(%dma_wait3A_27 : memref<448x128xf32, #tpu.memory_space<hbm>>)
    %add3A_28 = arith.constant 802816 : i32
    %add3A_29 = arith.addi %add3A_28, %mul3A_2 : i32
    %add3A_30 = arith.constant 896 : i32
    %add3A_31 = arith.addi %add3A_29, %add3A_30 : i32
    "tpu.region"() ({
      %run_scoped3A = tpu.sem_alloc : memref<!tpu.dma_semaphore, #tpu.memory_space<semaphore_mem>>
      %dma_start3A_161 = tpu.memref_slice %arg3[%add3A_31] : memref<917504xi32, #tpu.memory_space<hbm>> -> memref<448xi32, #tpu.memory_space<hbm>>
      %dma_start3A_162 = tpu.memref_slice %arg3[%add3A_31] : memref<917504xi32, #tpu.memory_space<hbm>> -> memref<448xi32, #tpu.memory_space<hbm>>
      tpu.enqueue_dma source(%dma_start3A_162 : memref<448xi32, #tpu.memory_space<hbm>>) target(%arg5 : memref<448xi32, #tpu.memory_space<vmem>>) target_semaphore(%run_scoped3A : memref<!tpu.dma_semaphore, #tpu.memory_space<semaphore_mem>>)
      %dma_wait3A_163 = tpu.memref_slice %arg3[%add3A_31] : memref<917504xi32, #tpu.memory_space<hbm>> -> memref<448xi32, #tpu.memory_space<hbm>>
      %dma_wait3A_164 = tpu.memref_slice %arg3[%add3A_31] : memref<917504xi32, #tpu.memory_space<hbm>> -> memref<448xi32, #tpu.memory_space<hbm>>
      tpu.wait_dma2 semaphore(%run_scoped3A : memref<!tpu.dma_semaphore, #tpu.memory_space<semaphore_mem>>) src(%dma_wait3A_164 : memref<448xi32, #tpu.memory_space<hbm>>) dst(%arg5 : memref<448xi32, #tpu.memory_space<vmem>>)
      tpu.yield
    }) : () -> ()
    %dma_start3A_32 = arith.constant 0 : i32
    %dma_start3A_33 = arith.constant 0 : i32
    %dma_start3A_34 = tpu.memref_slice %arg2[%dma_start3A_32, %dma_start3A_33] : memref<1000000x128xf32, #tpu.memory_space<hbm>> -> memref<1000000x128xf32, #tpu.memory_space<hbm>>
    tpu.enqueue_indirect_dma source(%dma_start3A_34 : memref<1000000x128xf32, #tpu.memory_space<hbm>>) target(%arg7 : memref<448x128xf32, #tpu.memory_space<vmem>>) offsets(%arg5 : memref<448xi32, #tpu.memory_space<vmem>>) semaphore(%arg9 : memref<!tpu.dma_semaphore, #tpu.memory_space<semaphore_mem>>)
    %dma_wait3A_35 = arith.constant 0 : i32
    %dma_wait3A_36 = arith.constant 0 : i32
    %dma_wait3A_37 = tpu.memref_slice %arg2[%dma_wait3A_35, %dma_wait3A_36] : memref<1000000x128xf32, #tpu.memory_space<hbm>> -> memref<1000000x128xf32, #tpu.memory_space<hbm>>
    tpu.wait_indirect_dma semaphore(%arg10 : memref<!tpu.dma_semaphore, #tpu.memory_space<semaphore_mem>>) src(%dma_wait3A_37 : memref<1000000x128xf32, #tpu.memory_space<hbm>>) dst(%arg8 : memref<448x128xf32, #tpu.memory_space<vmem>>)
    %add3A_38 = arith.constant 448 : i32
    %add3A_39 = arith.addi %mul3A_2, %add3A_38 : i32
    %dma_start3A_40 = arith.constant 0 : i32
    %dma_start3A_41 = tpu.memref_slice %arg4[%add3A_39, %dma_start3A_40] : memref<114688x128xf32, #tpu.memory_space<hbm>> -> memref<448x128xf32, #tpu.memory_space<hbm>>
    %dma_start3A_42 = arith.constant 0 : i32
    %dma_start3A_43 = tpu.memref_slice %arg4[%add3A_39, %dma_start3A_42] : memref<114688x128xf32, #tpu.memory_space<hbm>> -> memref<448x128xf32, #tpu.memory_space<hbm>>
    tpu.enqueue_dma source(%arg8 : memref<448x128xf32, #tpu.memory_space<vmem>>) target(%dma_start3A_43 : memref<448x128xf32, #tpu.memory_space<hbm>>) target_semaphore(%arg12 : memref<!tpu.dma_semaphore, #tpu.memory_space<semaphore_mem>>)
    %dma_wait3A_44 = arith.constant 0 : i32
    %dma_wait3A_45 = tpu.memref_slice %arg4[%add3A_39, %dma_wait3A_44] : memref<114688x128xf32, #tpu.memory_space<hbm>> -> memref<448x128xf32, #tpu.memory_space<hbm>>
    %dma_wait3A_46 = arith.constant 0 : i32
    %dma_wait3A_47 = tpu.memref_slice %arg4[%add3A_39, %dma_wait3A_46] : memref<114688x128xf32, #tpu.memory_space<hbm>> -> memref<448x128xf32, #tpu.memory_space<hbm>>
    tpu.wait_dma2 semaphore(%arg12 : memref<!tpu.dma_semaphore, #tpu.memory_space<semaphore_mem>>) src(%arg8 : memref<448x128xf32, #tpu.memory_space<vmem>>) dst(%dma_wait3A_47 : memref<448x128xf32, #tpu.memory_space<hbm>>)
    %add3A_48 = arith.constant 802816 : i32
    %add3A_49 = arith.addi %add3A_48, %mul3A_2 : i32
    %add3A_50 = arith.constant 1344 : i32
    %add3A_51 = arith.addi %add3A_49, %add3A_50 : i32
    "tpu.region"() ({
      %run_scoped3A = tpu.sem_alloc : memref<!tpu.dma_semaphore, #tpu.memory_space<semaphore_mem>>
      %dma_start3A_161 = tpu.memref_slice %arg3[%add3A_51] : memref<917504xi32, #tpu.memory_space<hbm>> -> memref<448xi32, #tpu.memory_space<hbm>>
      %dma_start3A_162 = tpu.memref_slice %arg3[%add3A_51] : memref<917504xi32, #tpu.memory_space<hbm>> -> memref<448xi32, #tpu.memory_space<hbm>>
      tpu.enqueue_dma source(%dma_start3A_162 : memref<448xi32, #tpu.memory_space<hbm>>) target(%arg6 : memref<448xi32, #tpu.memory_space<vmem>>) target_semaphore(%run_scoped3A : memref<!tpu.dma_semaphore, #tpu.memory_space<semaphore_mem>>)
      %dma_wait3A_163 = tpu.memref_slice %arg3[%add3A_51] : memref<917504xi32, #tpu.memory_space<hbm>> -> memref<448xi32, #tpu.memory_space<hbm>>
      %dma_wait3A_164 = tpu.memref_slice %arg3[%add3A_51] : memref<917504xi32, #tpu.memory_space<hbm>> -> memref<448xi32, #tpu.memory_space<hbm>>
      tpu.wait_dma2 semaphore(%run_scoped3A : memref<!tpu.dma_semaphore, #tpu.memory_space<semaphore_mem>>) src(%dma_wait3A_164 : memref<448xi32, #tpu.memory_space<hbm>>) dst(%arg6 : memref<448xi32, #tpu.memory_space<vmem>>)
      tpu.yield
    }) : () -> ()
    %dma_start3A_52 = arith.constant 0 : i32
    %dma_start3A_53 = arith.constant 0 : i32
    %dma_start3A_54 = tpu.memref_slice %arg2[%dma_start3A_52, %dma_start3A_53] : memref<1000000x128xf32, #tpu.memory_space<hbm>> -> memref<1000000x128xf32, #tpu.memory_space<hbm>>
    tpu.enqueue_indirect_dma source(%dma_start3A_54 : memref<1000000x128xf32, #tpu.memory_space<hbm>>) target(%arg8 : memref<448x128xf32, #tpu.memory_space<vmem>>) offsets(%arg6 : memref<448xi32, #tpu.memory_space<vmem>>) semaphore(%arg10 : memref<!tpu.dma_semaphore, #tpu.memory_space<semaphore_mem>>)
    %dma_wait3A_55 = arith.constant 0 : i32
    %dma_wait3A_56 = arith.constant 0 : i32
    %dma_wait3A_57 = tpu.memref_slice %arg2[%dma_wait3A_55, %dma_wait3A_56] : memref<1000000x128xf32, #tpu.memory_space<hbm>> -> memref<1000000x128xf32, #tpu.memory_space<hbm>>
    tpu.wait_indirect_dma semaphore(%arg9 : memref<!tpu.dma_semaphore, #tpu.memory_space<semaphore_mem>>) src(%dma_wait3A_57 : memref<1000000x128xf32, #tpu.memory_space<hbm>>) dst(%arg7 : memref<448x128xf32, #tpu.memory_space<vmem>>)
    %add3A_58 = arith.constant 896 : i32
    %add3A_59 = arith.addi %mul3A_2, %add3A_58 : i32
    %dma_start3A_60 = arith.constant 0 : i32
    %dma_start3A_61 = tpu.memref_slice %arg4[%add3A_59, %dma_start3A_60] : memref<114688x128xf32, #tpu.memory_space<hbm>> -> memref<448x128xf32, #tpu.memory_space<hbm>>
    %dma_start3A_62 = arith.constant 0 : i32
    %dma_start3A_63 = tpu.memref_slice %arg4[%add3A_59, %dma_start3A_62] : memref<114688x128xf32, #tpu.memory_space<hbm>> -> memref<448x128xf32, #tpu.memory_space<hbm>>
    tpu.enqueue_dma source(%arg7 : memref<448x128xf32, #tpu.memory_space<vmem>>) target(%dma_start3A_63 : memref<448x128xf32, #tpu.memory_space<hbm>>) target_semaphore(%arg11 : memref<!tpu.dma_semaphore, #tpu.memory_space<semaphore_mem>>)
    %dma_wait3A_64 = arith.constant 0 : i32
    %dma_wait3A_65 = tpu.memref_slice %arg4[%add3A_59, %dma_wait3A_64] : memref<114688x128xf32, #tpu.memory_space<hbm>> -> memref<448x128xf32, #tpu.memory_space<hbm>>
    %dma_wait3A_66 = arith.constant 0 : i32
    %dma_wait3A_67 = tpu.memref_slice %arg4[%add3A_59, %dma_wait3A_66] : memref<114688x128xf32, #tpu.memory_space<hbm>> -> memref<448x128xf32, #tpu.memory_space<hbm>>
    tpu.wait_dma2 semaphore(%arg11 : memref<!tpu.dma_semaphore, #tpu.memory_space<semaphore_mem>>) src(%arg7 : memref<448x128xf32, #tpu.memory_space<vmem>>) dst(%dma_wait3A_67 : memref<448x128xf32, #tpu.memory_space<hbm>>)
    %add3A_68 = arith.constant 802816 : i32
    %add3A_69 = arith.addi %add3A_68, %mul3A_2 : i32
    %add3A_70 = arith.constant 1792 : i32
    %add3A_71 = arith.addi %add3A_69, %add3A_70 : i32
    "tpu.region"() ({
      %run_scoped3A = tpu.sem_alloc : memref<!tpu.dma_semaphore, #tpu.memory_space<semaphore_mem>>
      %dma_start3A_161 = tpu.memref_slice %arg3[%add3A_71] : memref<917504xi32, #tpu.memory_space<hbm>> -> memref<448xi32, #tpu.memory_space<hbm>>
      %dma_start3A_162 = tpu.memref_slice %arg3[%add3A_71] : memref<917504xi32, #tpu.memory_space<hbm>> -> memref<448xi32, #tpu.memory_space<hbm>>
      tpu.enqueue_dma source(%dma_start3A_162 : memref<448xi32, #tpu.memory_space<hbm>>) target(%arg5 : memref<448xi32, #tpu.memory_space<vmem>>) target_semaphore(%run_scoped3A : memref<!tpu.dma_semaphore, #tpu.memory_space<semaphore_mem>>)
      %dma_wait3A_163 = tpu.memref_slice %arg3[%add3A_71] : memref<917504xi32, #tpu.memory_space<hbm>> -> memref<448xi32, #tpu.memory_space<hbm>>
      %dma_wait3A_164 = tpu.memref_slice %arg3[%add3A_71] : memref<917504xi32, #tpu.memory_space<hbm>> -> memref<448xi32, #tpu.memory_space<hbm>>
      tpu.wait_dma2 semaphore(%run_scoped3A : memref<!tpu.dma_semaphore, #tpu.memory_space<semaphore_mem>>) src(%dma_wait3A_164 : memref<448xi32, #tpu.memory_space<hbm>>) dst(%arg5 : memref<448xi32, #tpu.memory_space<vmem>>)
      tpu.yield
    }) : () -> ()
    %dma_start3A_72 = arith.constant 0 : i32
    %dma_start3A_73 = arith.constant 0 : i32
    %dma_start3A_74 = tpu.memref_slice %arg2[%dma_start3A_72, %dma_start3A_73] : memref<1000000x128xf32, #tpu.memory_space<hbm>> -> memref<1000000x128xf32, #tpu.memory_space<hbm>>
    tpu.enqueue_indirect_dma source(%dma_start3A_74 : memref<1000000x128xf32, #tpu.memory_space<hbm>>) target(%arg7 : memref<448x128xf32, #tpu.memory_space<vmem>>) offsets(%arg5 : memref<448xi32, #tpu.memory_space<vmem>>) semaphore(%arg9 : memref<!tpu.dma_semaphore, #tpu.memory_space<semaphore_mem>>)
    %dma_wait3A_75 = arith.constant 0 : i32
    %dma_wait3A_76 = arith.constant 0 : i32
    %dma_wait3A_77 = tpu.memref_slice %arg2[%dma_wait3A_75, %dma_wait3A_76] : memref<1000000x128xf32, #tpu.memory_space<hbm>> -> memref<1000000x128xf32, #tpu.memory_space<hbm>>
    tpu.wait_indirect_dma semaphore(%arg10 : memref<!tpu.dma_semaphore, #tpu.memory_space<semaphore_mem>>) src(%dma_wait3A_77 : memref<1000000x128xf32, #tpu.memory_space<hbm>>) dst(%arg8 : memref<448x128xf32, #tpu.memory_space<vmem>>)
    %add3A_78 = arith.constant 1344 : i32
    %add3A_79 = arith.addi %mul3A_2, %add3A_78 : i32
    %dma_start3A_80 = arith.constant 0 : i32
    %dma_start3A_81 = tpu.memref_slice %arg4[%add3A_79, %dma_start3A_80] : memref<114688x128xf32, #tpu.memory_space<hbm>> -> memref<448x128xf32, #tpu.memory_space<hbm>>
    %dma_start3A_82 = arith.constant 0 : i32
    %dma_start3A_83 = tpu.memref_slice %arg4[%add3A_79, %dma_start3A_82] : memref<114688x128xf32, #tpu.memory_space<hbm>> -> memref<448x128xf32, #tpu.memory_space<hbm>>
    tpu.enqueue_dma source(%arg8 : memref<448x128xf32, #tpu.memory_space<vmem>>) target(%dma_start3A_83 : memref<448x128xf32, #tpu.memory_space<hbm>>) target_semaphore(%arg12 : memref<!tpu.dma_semaphore, #tpu.memory_space<semaphore_mem>>)
    %dma_wait3A_84 = arith.constant 0 : i32
    %dma_wait3A_85 = tpu.memref_slice %arg4[%add3A_79, %dma_wait3A_84] : memref<114688x128xf32, #tpu.memory_space<hbm>> -> memref<448x128xf32, #tpu.memory_space<hbm>>
    %dma_wait3A_86 = arith.constant 0 : i32
    %dma_wait3A_87 = tpu.memref_slice %arg4[%add3A_79, %dma_wait3A_86] : memref<114688x128xf32, #tpu.memory_space<hbm>> -> memref<448x128xf32, #tpu.memory_space<hbm>>
    tpu.wait_dma2 semaphore(%arg12 : memref<!tpu.dma_semaphore, #tpu.memory_space<semaphore_mem>>) src(%arg8 : memref<448x128xf32, #tpu.memory_space<vmem>>) dst(%dma_wait3A_87 : memref<448x128xf32, #tpu.memory_space<hbm>>)
    %add3A_88 = arith.constant 802816 : i32
    %add3A_89 = arith.addi %add3A_88, %mul3A_2 : i32
    %add3A_90 = arith.constant 2240 : i32
    %add3A_91 = arith.addi %add3A_89, %add3A_90 : i32
    "tpu.region"() ({
      %run_scoped3A = tpu.sem_alloc : memref<!tpu.dma_semaphore, #tpu.memory_space<semaphore_mem>>
      %dma_start3A_161 = tpu.memref_slice %arg3[%add3A_91] : memref<917504xi32, #tpu.memory_space<hbm>> -> memref<448xi32, #tpu.memory_space<hbm>>
      %dma_start3A_162 = tpu.memref_slice %arg3[%add3A_91] : memref<917504xi32, #tpu.memory_space<hbm>> -> memref<448xi32, #tpu.memory_space<hbm>>
      tpu.enqueue_dma source(%dma_start3A_162 : memref<448xi32, #tpu.memory_space<hbm>>) target(%arg6 : memref<448xi32, #tpu.memory_space<vmem>>) target_semaphore(%run_scoped3A : memref<!tpu.dma_semaphore, #tpu.memory_space<semaphore_mem>>)
      %dma_wait3A_163 = tpu.memref_slice %arg3[%add3A_91] : memref<917504xi32, #tpu.memory_space<hbm>> -> memref<448xi32, #tpu.memory_space<hbm>>
      %dma_wait3A_164 = tpu.memref_slice %arg3[%add3A_91] : memref<917504xi32, #tpu.memory_space<hbm>> -> memref<448xi32, #tpu.memory_space<hbm>>
      tpu.wait_dma2 semaphore(%run_scoped3A : memref<!tpu.dma_semaphore, #tpu.memory_space<semaphore_mem>>) src(%dma_wait3A_164 : memref<448xi32, #tpu.memory_space<hbm>>) dst(%arg6 : memref<448xi32, #tpu.memory_space<vmem>>)
      tpu.yield
    }) : () -> ()
    %dma_start3A_92 = arith.constant 0 : i32
    %dma_start3A_93 = arith.constant 0 : i32
    %dma_start3A_94 = tpu.memref_slice %arg2[%dma_start3A_92, %dma_start3A_93] : memref<1000000x128xf32, #tpu.memory_space<hbm>> -> memref<1000000x128xf32, #tpu.memory_space<hbm>>
    tpu.enqueue_indirect_dma source(%dma_start3A_94 : memref<1000000x128xf32, #tpu.memory_space<hbm>>) target(%arg8 : memref<448x128xf32, #tpu.memory_space<vmem>>) offsets(%arg6 : memref<448xi32, #tpu.memory_space<vmem>>) semaphore(%arg10 : memref<!tpu.dma_semaphore, #tpu.memory_space<semaphore_mem>>)
    %dma_wait3A_95 = arith.constant 0 : i32
    %dma_wait3A_96 = arith.constant 0 : i32
    %dma_wait3A_97 = tpu.memref_slice %arg2[%dma_wait3A_95, %dma_wait3A_96] : memref<1000000x128xf32, #tpu.memory_space<hbm>> -> memref<1000000x128xf32, #tpu.memory_space<hbm>>
    tpu.wait_indirect_dma semaphore(%arg9 : memref<!tpu.dma_semaphore, #tpu.memory_space<semaphore_mem>>) src(%dma_wait3A_97 : memref<1000000x128xf32, #tpu.memory_space<hbm>>) dst(%arg7 : memref<448x128xf32, #tpu.memory_space<vmem>>)
    %add3A_98 = arith.constant 1792 : i32
    %add3A_99 = arith.addi %mul3A_2, %add3A_98 : i32
    %dma_start3A_100 = arith.constant 0 : i32
    %dma_start3A_101 = tpu.memref_slice %arg4[%add3A_99, %dma_start3A_100] : memref<114688x128xf32, #tpu.memory_space<hbm>> -> memref<448x128xf32, #tpu.memory_space<hbm>>
    %dma_start3A_102 = arith.constant 0 : i32
    %dma_start3A_103 = tpu.memref_slice %arg4[%add3A_99, %dma_start3A_102] : memref<114688x128xf32, #tpu.memory_space<hbm>> -> memref<448x128xf32, #tpu.memory_space<hbm>>
    tpu.enqueue_dma source(%arg7 : memref<448x128xf32, #tpu.memory_space<vmem>>) target(%dma_start3A_103 : memref<448x128xf32, #tpu.memory_space<hbm>>) target_semaphore(%arg11 : memref<!tpu.dma_semaphore, #tpu.memory_space<semaphore_mem>>)
    %dma_wait3A_104 = arith.constant 0 : i32
    %dma_wait3A_105 = tpu.memref_slice %arg4[%add3A_99, %dma_wait3A_104] : memref<114688x128xf32, #tpu.memory_space<hbm>> -> memref<448x128xf32, #tpu.memory_space<hbm>>
    %dma_wait3A_106 = arith.constant 0 : i32
    %dma_wait3A_107 = tpu.memref_slice %arg4[%add3A_99, %dma_wait3A_106] : memref<114688x128xf32, #tpu.memory_space<hbm>> -> memref<448x128xf32, #tpu.memory_space<hbm>>
    tpu.wait_dma2 semaphore(%arg11 : memref<!tpu.dma_semaphore, #tpu.memory_space<semaphore_mem>>) src(%arg7 : memref<448x128xf32, #tpu.memory_space<vmem>>) dst(%dma_wait3A_107 : memref<448x128xf32, #tpu.memory_space<hbm>>)
    %add3A_108 = arith.constant 802816 : i32
    %add3A_109 = arith.addi %add3A_108, %mul3A_2 : i32
    %add3A_110 = arith.constant 2688 : i32
    %add3A_111 = arith.addi %add3A_109, %add3A_110 : i32
    "tpu.region"() ({
      %run_scoped3A = tpu.sem_alloc : memref<!tpu.dma_semaphore, #tpu.memory_space<semaphore_mem>>
      %dma_start3A_161 = tpu.memref_slice %arg3[%add3A_111] : memref<917504xi32, #tpu.memory_space<hbm>> -> memref<448xi32, #tpu.memory_space<hbm>>
      %dma_start3A_162 = tpu.memref_slice %arg3[%add3A_111] : memref<917504xi32, #tpu.memory_space<hbm>> -> memref<448xi32, #tpu.memory_space<hbm>>
      tpu.enqueue_dma source(%dma_start3A_162 : memref<448xi32, #tpu.memory_space<hbm>>) target(%arg5 : memref<448xi32, #tpu.memory_space<vmem>>) target_semaphore(%run_scoped3A : memref<!tpu.dma_semaphore, #tpu.memory_space<semaphore_mem>>)
      %dma_wait3A_163 = tpu.memref_slice %arg3[%add3A_111] : memref<917504xi32, #tpu.memory_space<hbm>> -> memref<448xi32, #tpu.memory_space<hbm>>
      %dma_wait3A_164 = tpu.memref_slice %arg3[%add3A_111] : memref<917504xi32, #tpu.memory_space<hbm>> -> memref<448xi32, #tpu.memory_space<hbm>>
      tpu.wait_dma2 semaphore(%run_scoped3A : memref<!tpu.dma_semaphore, #tpu.memory_space<semaphore_mem>>) src(%dma_wait3A_164 : memref<448xi32, #tpu.memory_space<hbm>>) dst(%arg5 : memref<448xi32, #tpu.memory_space<vmem>>)
      tpu.yield
    }) : () -> ()
    %dma_start3A_112 = arith.constant 0 : i32
    %dma_start3A_113 = arith.constant 0 : i32
    %dma_start3A_114 = tpu.memref_slice %arg2[%dma_start3A_112, %dma_start3A_113] : memref<1000000x128xf32, #tpu.memory_space<hbm>> -> memref<1000000x128xf32, #tpu.memory_space<hbm>>
    tpu.enqueue_indirect_dma source(%dma_start3A_114 : memref<1000000x128xf32, #tpu.memory_space<hbm>>) target(%arg7 : memref<448x128xf32, #tpu.memory_space<vmem>>) offsets(%arg5 : memref<448xi32, #tpu.memory_space<vmem>>) semaphore(%arg9 : memref<!tpu.dma_semaphore, #tpu.memory_space<semaphore_mem>>)
    %dma_wait3A_115 = arith.constant 0 : i32
    %dma_wait3A_116 = arith.constant 0 : i32
    %dma_wait3A_117 = tpu.memref_slice %arg2[%dma_wait3A_115, %dma_wait3A_116] : memref<1000000x128xf32, #tpu.memory_space<hbm>> -> memref<1000000x128xf32, #tpu.memory_space<hbm>>
    tpu.wait_indirect_dma semaphore(%arg10 : memref<!tpu.dma_semaphore, #tpu.memory_space<semaphore_mem>>) src(%dma_wait3A_117 : memref<1000000x128xf32, #tpu.memory_space<hbm>>) dst(%arg8 : memref<448x128xf32, #tpu.memory_space<vmem>>)
    %add3A_118 = arith.constant 2240 : i32
    %add3A_119 = arith.addi %mul3A_2, %add3A_118 : i32
    %dma_start3A_120 = arith.constant 0 : i32
    %dma_start3A_121 = tpu.memref_slice %arg4[%add3A_119, %dma_start3A_120] : memref<114688x128xf32, #tpu.memory_space<hbm>> -> memref<448x128xf32, #tpu.memory_space<hbm>>
    %dma_start3A_122 = arith.constant 0 : i32
    %dma_start3A_123 = tpu.memref_slice %arg4[%add3A_119, %dma_start3A_122] : memref<114688x128xf32, #tpu.memory_space<hbm>> -> memref<448x128xf32, #tpu.memory_space<hbm>>
    tpu.enqueue_dma source(%arg8 : memref<448x128xf32, #tpu.memory_space<vmem>>) target(%dma_start3A_123 : memref<448x128xf32, #tpu.memory_space<hbm>>) target_semaphore(%arg12 : memref<!tpu.dma_semaphore, #tpu.memory_space<semaphore_mem>>)
    %dma_wait3A_124 = arith.constant 0 : i32
    %dma_wait3A_125 = tpu.memref_slice %arg4[%add3A_119, %dma_wait3A_124] : memref<114688x128xf32, #tpu.memory_space<hbm>> -> memref<448x128xf32, #tpu.memory_space<hbm>>
    %dma_wait3A_126 = arith.constant 0 : i32
    %dma_wait3A_127 = tpu.memref_slice %arg4[%add3A_119, %dma_wait3A_126] : memref<114688x128xf32, #tpu.memory_space<hbm>> -> memref<448x128xf32, #tpu.memory_space<hbm>>
    tpu.wait_dma2 semaphore(%arg12 : memref<!tpu.dma_semaphore, #tpu.memory_space<semaphore_mem>>) src(%arg8 : memref<448x128xf32, #tpu.memory_space<vmem>>) dst(%dma_wait3A_127 : memref<448x128xf32, #tpu.memory_space<hbm>>)
    %add3A_128 = arith.constant 802816 : i32
    %add3A_129 = arith.addi %add3A_128, %mul3A_2 : i32
    %add3A_130 = arith.constant 3136 : i32
    %add3A_131 = arith.addi %add3A_129, %add3A_130 : i32
    "tpu.region"() ({
      %run_scoped3A = tpu.sem_alloc : memref<!tpu.dma_semaphore, #tpu.memory_space<semaphore_mem>>
      %dma_start3A_161 = tpu.memref_slice %arg3[%add3A_131] : memref<917504xi32, #tpu.memory_space<hbm>> -> memref<448xi32, #tpu.memory_space<hbm>>
      %dma_start3A_162 = tpu.memref_slice %arg3[%add3A_131] : memref<917504xi32, #tpu.memory_space<hbm>> -> memref<448xi32, #tpu.memory_space<hbm>>
      tpu.enqueue_dma source(%dma_start3A_162 : memref<448xi32, #tpu.memory_space<hbm>>) target(%arg6 : memref<448xi32, #tpu.memory_space<vmem>>) target_semaphore(%run_scoped3A : memref<!tpu.dma_semaphore, #tpu.memory_space<semaphore_mem>>)
      %dma_wait3A_163 = tpu.memref_slice %arg3[%add3A_131] : memref<917504xi32, #tpu.memory_space<hbm>> -> memref<448xi32, #tpu.memory_space<hbm>>
      %dma_wait3A_164 = tpu.memref_slice %arg3[%add3A_131] : memref<917504xi32, #tpu.memory_space<hbm>> -> memref<448xi32, #tpu.memory_space<hbm>>
      tpu.wait_dma2 semaphore(%run_scoped3A : memref<!tpu.dma_semaphore, #tpu.memory_space<semaphore_mem>>) src(%dma_wait3A_164 : memref<448xi32, #tpu.memory_space<hbm>>) dst(%arg6 : memref<448xi32, #tpu.memory_space<vmem>>)
      tpu.yield
    }) : () -> ()
    %dma_start3A_132 = arith.constant 0 : i32
    %dma_start3A_133 = arith.constant 0 : i32
    %dma_start3A_134 = tpu.memref_slice %arg2[%dma_start3A_132, %dma_start3A_133] : memref<1000000x128xf32, #tpu.memory_space<hbm>> -> memref<1000000x128xf32, #tpu.memory_space<hbm>>
    tpu.enqueue_indirect_dma source(%dma_start3A_134 : memref<1000000x128xf32, #tpu.memory_space<hbm>>) target(%arg8 : memref<448x128xf32, #tpu.memory_space<vmem>>) offsets(%arg6 : memref<448xi32, #tpu.memory_space<vmem>>) semaphore(%arg10 : memref<!tpu.dma_semaphore, #tpu.memory_space<semaphore_mem>>)
    %dma_wait3A_135 = arith.constant 0 : i32
    %dma_wait3A_136 = arith.constant 0 : i32
    %dma_wait3A_137 = tpu.memref_slice %arg2[%dma_wait3A_135, %dma_wait3A_136] : memref<1000000x128xf32, #tpu.memory_space<hbm>> -> memref<1000000x128xf32, #tpu.memory_space<hbm>>
    tpu.wait_indirect_dma semaphore(%arg9 : memref<!tpu.dma_semaphore, #tpu.memory_space<semaphore_mem>>) src(%dma_wait3A_137 : memref<1000000x128xf32, #tpu.memory_space<hbm>>) dst(%arg7 : memref<448x128xf32, #tpu.memory_space<vmem>>)
    %add3A_138 = arith.constant 2688 : i32
    %add3A_139 = arith.addi %mul3A_2, %add3A_138 : i32
    %dma_start3A_140 = arith.constant 0 : i32
    %dma_start3A_141 = tpu.memref_slice %arg4[%add3A_139, %dma_start3A_140] : memref<114688x128xf32, #tpu.memory_space<hbm>> -> memref<448x128xf32, #tpu.memory_space<hbm>>
    %dma_start3A_142 = arith.constant 0 : i32
    %dma_start3A_143 = tpu.memref_slice %arg4[%add3A_139, %dma_start3A_142] : memref<114688x128xf32, #tpu.memory_space<hbm>> -> memref<448x128xf32, #tpu.memory_space<hbm>>
    tpu.enqueue_dma source(%arg7 : memref<448x128xf32, #tpu.memory_space<vmem>>) target(%dma_start3A_143 : memref<448x128xf32, #tpu.memory_space<hbm>>) target_semaphore(%arg11 : memref<!tpu.dma_semaphore, #tpu.memory_space<semaphore_mem>>)
    %dma_wait3A_144 = arith.constant 0 : i32
    %dma_wait3A_145 = arith.constant 0 : i32
    %dma_wait3A_146 = tpu.memref_slice %arg2[%dma_wait3A_144, %dma_wait3A_145] : memref<1000000x128xf32, #tpu.memory_space<hbm>> -> memref<1000000x128xf32, #tpu.memory_space<hbm>>
    tpu.wait_indirect_dma semaphore(%arg10 : memref<!tpu.dma_semaphore, #tpu.memory_space<semaphore_mem>>) src(%dma_wait3A_146 : memref<1000000x128xf32, #tpu.memory_space<hbm>>) dst(%arg8 : memref<448x128xf32, #tpu.memory_space<vmem>>)
    %add3A_147 = arith.constant 3136 : i32
    %add3A_148 = arith.addi %mul3A_2, %add3A_147 : i32
    %dma_start3A_149 = arith.constant 0 : i32
    %dma_start3A_150 = tpu.memref_slice %arg4[%add3A_148, %dma_start3A_149] : memref<114688x128xf32, #tpu.memory_space<hbm>> -> memref<448x128xf32, #tpu.memory_space<hbm>>
    %dma_start3A_151 = arith.constant 0 : i32
    %dma_start3A_152 = tpu.memref_slice %arg4[%add3A_148, %dma_start3A_151] : memref<114688x128xf32, #tpu.memory_space<hbm>> -> memref<448x128xf32, #tpu.memory_space<hbm>>
    tpu.enqueue_dma source(%arg8 : memref<448x128xf32, #tpu.memory_space<vmem>>) target(%dma_start3A_152 : memref<448x128xf32, #tpu.memory_space<hbm>>) target_semaphore(%arg12 : memref<!tpu.dma_semaphore, #tpu.memory_space<semaphore_mem>>)
    %dma_wait3A_153 = arith.constant 0 : i32
    %dma_wait3A_154 = tpu.memref_slice %arg4[%add3A_139, %dma_wait3A_153] : memref<114688x128xf32, #tpu.memory_space<hbm>> -> memref<448x128xf32, #tpu.memory_space<hbm>>
    %dma_wait3A_155 = arith.constant 0 : i32
    %dma_wait3A_156 = tpu.memref_slice %arg4[%add3A_139, %dma_wait3A_155] : memref<114688x128xf32, #tpu.memory_space<hbm>> -> memref<448x128xf32, #tpu.memory_space<hbm>>
    tpu.wait_dma2 semaphore(%arg11 : memref<!tpu.dma_semaphore, #tpu.memory_space<semaphore_mem>>) src(%arg7 : memref<448x128xf32, #tpu.memory_space<vmem>>) dst(%dma_wait3A_156 : memref<448x128xf32, #tpu.memory_space<hbm>>)
    %dma_wait3A_157 = arith.constant 0 : i32
    %dma_wait3A_158 = tpu.memref_slice %arg4[%add3A_148, %dma_wait3A_157] : memref<114688x128xf32, #tpu.memory_space<hbm>> -> memref<448x128xf32, #tpu.memory_space<hbm>>
    %dma_wait3A_159 = arith.constant 0 : i32
    %dma_wait3A_160 = tpu.memref_slice %arg4[%add3A_148, %dma_wait3A_159] : memref<114688x128xf32, #tpu.memory_space<hbm>> -> memref<448x128xf32, #tpu.memory_space<hbm>>
    tpu.wait_dma2 semaphore(%arg12 : memref<!tpu.dma_semaphore, #tpu.memory_space<semaphore_mem>>) src(%arg8 : memref<448x128xf32, #tpu.memory_space<vmem>>) dst(%dma_wait3A_160 : memref<448x128xf32, #tpu.memory_space<hbm>>)
    return
  }
}

#map = affine_map<(d0, d1) -> (0, 0)>
#map1 = affine_map<(d0, d1) -> (0)>
module attributes {stable_mosaic.version = 14 : i64} {
  func.func @gather_kernel(%arg0: i32, %arg1: i32, %arg2: memref<1000000x128xf32, #tpu.memory_space<hbm>>, %arg3: memref<917504xi32, #tpu.memory_space<hbm>>, %arg4: memref<114688x128xf32, #tpu.memory_space<hbm>>, %arg5: memref<448xi32, #tpu.memory_space<vmem>>, %arg6: memref<448xi32, #tpu.memory_space<vmem>>, %arg7: memref<448x128xf32, #tpu.memory_space<vmem>>, %arg8: memref<448x128xf32, #tpu.memory_space<vmem>>, %arg9: memref<!tpu.dma_semaphore, #tpu.memory_space<semaphore_mem>>, %arg10: memref<!tpu.dma_semaphore, #tpu.memory_space<semaphore_mem>>, %arg11: memref<!tpu.dma_semaphore, #tpu.memory_space<semaphore_mem>>, %arg12: memref<!tpu.dma_semaphore, #tpu.memory_space<semaphore_mem>>) attributes {dimension_semantics = [#tpu.dimension_semantics<core_parallel>, #tpu.dimension_semantics<subcore_parallel>], iteration_bounds = array<i64: 2, 16>, scalar_prefetch = 0 : i64, scratch_operands = 8 : i64, tpu.core_type = #tpu.core_type<sc_vector_subcore>, window_params = [{transform_indices = #map}, {transform_indices = #map1}, {transform_indices = #map}]} {
    %mul3A = arith.constant 2 : i32
    %mul3A_0 = arith.muli %arg1, %mul3A : i32
    %add3A = arith.addi %mul3A_0, %arg0 : i32
    %mul3A_1 = arith.constant 3584 : i32
    %mul3A_2 = arith.muli %add3A, %mul3A_1 : i32
    %add3A_3 = arith.constant 573440 : i32
    %add3A_4 = arith.addi %add3A_3, %mul3A_2 : i32
    %add3A_5 = arith.constant 0 : i32
    %add3A_6 = arith.addi %add3A_4, %add3A_5 : i32
    "tpu.region"() ({
      %run_scoped3A = tpu.sem_alloc : memref<!tpu.dma_semaphore, #tpu.memory_space<semaphore_mem>>
      %dma_start3A_161 = tpu.memref_slice %arg3[%add3A_6] : memref<917504xi32, #tpu.memory_space<hbm>> -> memref<448xi32, #tpu.memory_space<hbm>>
      %dma_start3A_162 = tpu.memref_slice %arg3[%add3A_6] : memref<917504xi32, #tpu.memory_space<hbm>> -> memref<448xi32, #tpu.memory_space<hbm>>
      tpu.enqueue_dma source(%dma_start3A_162 : memref<448xi32, #tpu.memory_space<hbm>>) target(%arg5 : memref<448xi32, #tpu.memory_space<vmem>>) target_semaphore(%run_scoped3A : memref<!tpu.dma_semaphore, #tpu.memory_space<semaphore_mem>>)
      %dma_wait3A_163 = tpu.memref_slice %arg3[%add3A_6] : memref<917504xi32, #tpu.memory_space<hbm>> -> memref<448xi32, #tpu.memory_space<hbm>>
      %dma_wait3A_164 = tpu.memref_slice %arg3[%add3A_6] : memref<917504xi32, #tpu.memory_space<hbm>> -> memref<448xi32, #tpu.memory_space<hbm>>
      tpu.wait_dma2 semaphore(%run_scoped3A : memref<!tpu.dma_semaphore, #tpu.memory_space<semaphore_mem>>) src(%dma_wait3A_164 : memref<448xi32, #tpu.memory_space<hbm>>) dst(%arg5 : memref<448xi32, #tpu.memory_space<vmem>>)
      tpu.yield
    }) : () -> ()
    %dma_start3A = arith.constant 0 : i32
    %dma_start3A_7 = arith.constant 0 : i32
    %dma_start3A_8 = tpu.memref_slice %arg2[%dma_start3A, %dma_start3A_7] : memref<1000000x128xf32, #tpu.memory_space<hbm>> -> memref<1000000x128xf32, #tpu.memory_space<hbm>>
    tpu.enqueue_indirect_dma source(%dma_start3A_8 : memref<1000000x128xf32, #tpu.memory_space<hbm>>) target(%arg7 : memref<448x128xf32, #tpu.memory_space<vmem>>) offsets(%arg5 : memref<448xi32, #tpu.memory_space<vmem>>) semaphore(%arg9 : memref<!tpu.dma_semaphore, #tpu.memory_space<semaphore_mem>>)
    %add3A_9 = arith.constant 573440 : i32
    %add3A_10 = arith.addi %add3A_9, %mul3A_2 : i32
    %add3A_11 = arith.constant 448 : i32
    %add3A_12 = arith.addi %add3A_10, %add3A_11 : i32
    "tpu.region"() ({
      %run_scoped3A = tpu.sem_alloc : memref<!tpu.dma_semaphore, #tpu.memory_space<semaphore_mem>>
      %dma_start3A_161 = tpu.memref_slice %arg3[%add3A_12] : memref<917504xi32, #tpu.memory_space<hbm>> -> memref<448xi32, #tpu.memory_space<hbm>>
      %dma_start3A_162 = tpu.memref_slice %arg3[%add3A_12] : memref<917504xi32, #tpu.memory_space<hbm>> -> memref<448xi32, #tpu.memory_space<hbm>>
      tpu.enqueue_dma source(%dma_start3A_162 : memref<448xi32, #tpu.memory_space<hbm>>) target(%arg6 : memref<448xi32, #tpu.memory_space<vmem>>) target_semaphore(%run_scoped3A : memref<!tpu.dma_semaphore, #tpu.memory_space<semaphore_mem>>)
      %dma_wait3A_163 = tpu.memref_slice %arg3[%add3A_12] : memref<917504xi32, #tpu.memory_space<hbm>> -> memref<448xi32, #tpu.memory_space<hbm>>
      %dma_wait3A_164 = tpu.memref_slice %arg3[%add3A_12] : memref<917504xi32, #tpu.memory_space<hbm>> -> memref<448xi32, #tpu.memory_space<hbm>>
      tpu.wait_dma2 semaphore(%run_scoped3A : memref<!tpu.dma_semaphore, #tpu.memory_space<semaphore_mem>>) src(%dma_wait3A_164 : memref<448xi32, #tpu.memory_space<hbm>>) dst(%arg6 : memref<448xi32, #tpu.memory_space<vmem>>)
      tpu.yield
    }) : () -> ()
    %dma_start3A_13 = arith.constant 0 : i32
    %dma_start3A_14 = arith.constant 0 : i32
    %dma_start3A_15 = tpu.memref_slice %arg2[%dma_start3A_13, %dma_start3A_14] : memref<1000000x128xf32, #tpu.memory_space<hbm>> -> memref<1000000x128xf32, #tpu.memory_space<hbm>>
    tpu.enqueue_indirect_dma source(%dma_start3A_15 : memref<1000000x128xf32, #tpu.memory_space<hbm>>) target(%arg8 : memref<448x128xf32, #tpu.memory_space<vmem>>) offsets(%arg6 : memref<448xi32, #tpu.memory_space<vmem>>) semaphore(%arg10 : memref<!tpu.dma_semaphore, #tpu.memory_space<semaphore_mem>>)
    %dma_wait3A = arith.constant 0 : i32
    %dma_wait3A_16 = arith.constant 0 : i32
    %dma_wait3A_17 = tpu.memref_slice %arg2[%dma_wait3A, %dma_wait3A_16] : memref<1000000x128xf32, #tpu.memory_space<hbm>> -> memref<1000000x128xf32, #tpu.memory_space<hbm>>
    tpu.wait_indirect_dma semaphore(%arg9 : memref<!tpu.dma_semaphore, #tpu.memory_space<semaphore_mem>>) src(%dma_wait3A_17 : memref<1000000x128xf32, #tpu.memory_space<hbm>>) dst(%arg7 : memref<448x128xf32, #tpu.memory_space<vmem>>)
    %add3A_18 = arith.constant 0 : i32
    %add3A_19 = arith.addi %mul3A_2, %add3A_18 : i32
    %dma_start3A_20 = arith.constant 0 : i32
    %dma_start3A_21 = tpu.memref_slice %arg4[%add3A_19, %dma_start3A_20] : memref<114688x128xf32, #tpu.memory_space<hbm>> -> memref<448x128xf32, #tpu.memory_space<hbm>>
    %dma_start3A_22 = arith.constant 0 : i32
    %dma_start3A_23 = tpu.memref_slice %arg4[%add3A_19, %dma_start3A_22] : memref<114688x128xf32, #tpu.memory_space<hbm>> -> memref<448x128xf32, #tpu.memory_space<hbm>>
    tpu.enqueue_dma source(%arg7 : memref<448x128xf32, #tpu.memory_space<vmem>>) target(%dma_start3A_23 : memref<448x128xf32, #tpu.memory_space<hbm>>) target_semaphore(%arg11 : memref<!tpu.dma_semaphore, #tpu.memory_space<semaphore_mem>>)
    %dma_wait3A_24 = arith.constant 0 : i32
    %dma_wait3A_25 = tpu.memref_slice %arg4[%add3A_19, %dma_wait3A_24] : memref<114688x128xf32, #tpu.memory_space<hbm>> -> memref<448x128xf32, #tpu.memory_space<hbm>>
    %dma_wait3A_26 = arith.constant 0 : i32
    %dma_wait3A_27 = tpu.memref_slice %arg4[%add3A_19, %dma_wait3A_26] : memref<114688x128xf32, #tpu.memory_space<hbm>> -> memref<448x128xf32, #tpu.memory_space<hbm>>
    tpu.wait_dma2 semaphore(%arg11 : memref<!tpu.dma_semaphore, #tpu.memory_space<semaphore_mem>>) src(%arg7 : memref<448x128xf32, #tpu.memory_space<vmem>>) dst(%dma_wait3A_27 : memref<448x128xf32, #tpu.memory_space<hbm>>)
    %add3A_28 = arith.constant 573440 : i32
    %add3A_29 = arith.addi %add3A_28, %mul3A_2 : i32
    %add3A_30 = arith.constant 896 : i32
    %add3A_31 = arith.addi %add3A_29, %add3A_30 : i32
    "tpu.region"() ({
      %run_scoped3A = tpu.sem_alloc : memref<!tpu.dma_semaphore, #tpu.memory_space<semaphore_mem>>
      %dma_start3A_161 = tpu.memref_slice %arg3[%add3A_31] : memref<917504xi32, #tpu.memory_space<hbm>> -> memref<448xi32, #tpu.memory_space<hbm>>
      %dma_start3A_162 = tpu.memref_slice %arg3[%add3A_31] : memref<917504xi32, #tpu.memory_space<hbm>> -> memref<448xi32, #tpu.memory_space<hbm>>
      tpu.enqueue_dma source(%dma_start3A_162 : memref<448xi32, #tpu.memory_space<hbm>>) target(%arg5 : memref<448xi32, #tpu.memory_space<vmem>>) target_semaphore(%run_scoped3A : memref<!tpu.dma_semaphore, #tpu.memory_space<semaphore_mem>>)
      %dma_wait3A_163 = tpu.memref_slice %arg3[%add3A_31] : memref<917504xi32, #tpu.memory_space<hbm>> -> memref<448xi32, #tpu.memory_space<hbm>>
      %dma_wait3A_164 = tpu.memref_slice %arg3[%add3A_31] : memref<917504xi32, #tpu.memory_space<hbm>> -> memref<448xi32, #tpu.memory_space<hbm>>
      tpu.wait_dma2 semaphore(%run_scoped3A : memref<!tpu.dma_semaphore, #tpu.memory_space<semaphore_mem>>) src(%dma_wait3A_164 : memref<448xi32, #tpu.memory_space<hbm>>) dst(%arg5 : memref<448xi32, #tpu.memory_space<vmem>>)
      tpu.yield
    }) : () -> ()
    %dma_start3A_32 = arith.constant 0 : i32
    %dma_start3A_33 = arith.constant 0 : i32
    %dma_start3A_34 = tpu.memref_slice %arg2[%dma_start3A_32, %dma_start3A_33] : memref<1000000x128xf32, #tpu.memory_space<hbm>> -> memref<1000000x128xf32, #tpu.memory_space<hbm>>
    tpu.enqueue_indirect_dma source(%dma_start3A_34 : memref<1000000x128xf32, #tpu.memory_space<hbm>>) target(%arg7 : memref<448x128xf32, #tpu.memory_space<vmem>>) offsets(%arg5 : memref<448xi32, #tpu.memory_space<vmem>>) semaphore(%arg9 : memref<!tpu.dma_semaphore, #tpu.memory_space<semaphore_mem>>)
    %dma_wait3A_35 = arith.constant 0 : i32
    %dma_wait3A_36 = arith.constant 0 : i32
    %dma_wait3A_37 = tpu.memref_slice %arg2[%dma_wait3A_35, %dma_wait3A_36] : memref<1000000x128xf32, #tpu.memory_space<hbm>> -> memref<1000000x128xf32, #tpu.memory_space<hbm>>
    tpu.wait_indirect_dma semaphore(%arg10 : memref<!tpu.dma_semaphore, #tpu.memory_space<semaphore_mem>>) src(%dma_wait3A_37 : memref<1000000x128xf32, #tpu.memory_space<hbm>>) dst(%arg8 : memref<448x128xf32, #tpu.memory_space<vmem>>)
    %add3A_38 = arith.constant 448 : i32
    %add3A_39 = arith.addi %mul3A_2, %add3A_38 : i32
    %dma_start3A_40 = arith.constant 0 : i32
    %dma_start3A_41 = tpu.memref_slice %arg4[%add3A_39, %dma_start3A_40] : memref<114688x128xf32, #tpu.memory_space<hbm>> -> memref<448x128xf32, #tpu.memory_space<hbm>>
    %dma_start3A_42 = arith.constant 0 : i32
    %dma_start3A_43 = tpu.memref_slice %arg4[%add3A_39, %dma_start3A_42] : memref<114688x128xf32, #tpu.memory_space<hbm>> -> memref<448x128xf32, #tpu.memory_space<hbm>>
    tpu.enqueue_dma source(%arg8 : memref<448x128xf32, #tpu.memory_space<vmem>>) target(%dma_start3A_43 : memref<448x128xf32, #tpu.memory_space<hbm>>) target_semaphore(%arg12 : memref<!tpu.dma_semaphore, #tpu.memory_space<semaphore_mem>>)
    %dma_wait3A_44 = arith.constant 0 : i32
    %dma_wait3A_45 = tpu.memref_slice %arg4[%add3A_39, %dma_wait3A_44] : memref<114688x128xf32, #tpu.memory_space<hbm>> -> memref<448x128xf32, #tpu.memory_space<hbm>>
    %dma_wait3A_46 = arith.constant 0 : i32
    %dma_wait3A_47 = tpu.memref_slice %arg4[%add3A_39, %dma_wait3A_46] : memref<114688x128xf32, #tpu.memory_space<hbm>> -> memref<448x128xf32, #tpu.memory_space<hbm>>
    tpu.wait_dma2 semaphore(%arg12 : memref<!tpu.dma_semaphore, #tpu.memory_space<semaphore_mem>>) src(%arg8 : memref<448x128xf32, #tpu.memory_space<vmem>>) dst(%dma_wait3A_47 : memref<448x128xf32, #tpu.memory_space<hbm>>)
    %add3A_48 = arith.constant 573440 : i32
    %add3A_49 = arith.addi %add3A_48, %mul3A_2 : i32
    %add3A_50 = arith.constant 1344 : i32
    %add3A_51 = arith.addi %add3A_49, %add3A_50 : i32
    "tpu.region"() ({
      %run_scoped3A = tpu.sem_alloc : memref<!tpu.dma_semaphore, #tpu.memory_space<semaphore_mem>>
      %dma_start3A_161 = tpu.memref_slice %arg3[%add3A_51] : memref<917504xi32, #tpu.memory_space<hbm>> -> memref<448xi32, #tpu.memory_space<hbm>>
      %dma_start3A_162 = tpu.memref_slice %arg3[%add3A_51] : memref<917504xi32, #tpu.memory_space<hbm>> -> memref<448xi32, #tpu.memory_space<hbm>>
      tpu.enqueue_dma source(%dma_start3A_162 : memref<448xi32, #tpu.memory_space<hbm>>) target(%arg6 : memref<448xi32, #tpu.memory_space<vmem>>) target_semaphore(%run_scoped3A : memref<!tpu.dma_semaphore, #tpu.memory_space<semaphore_mem>>)
      %dma_wait3A_163 = tpu.memref_slice %arg3[%add3A_51] : memref<917504xi32, #tpu.memory_space<hbm>> -> memref<448xi32, #tpu.memory_space<hbm>>
      %dma_wait3A_164 = tpu.memref_slice %arg3[%add3A_51] : memref<917504xi32, #tpu.memory_space<hbm>> -> memref<448xi32, #tpu.memory_space<hbm>>
      tpu.wait_dma2 semaphore(%run_scoped3A : memref<!tpu.dma_semaphore, #tpu.memory_space<semaphore_mem>>) src(%dma_wait3A_164 : memref<448xi32, #tpu.memory_space<hbm>>) dst(%arg6 : memref<448xi32, #tpu.memory_space<vmem>>)
      tpu.yield
    }) : () -> ()
    %dma_start3A_52 = arith.constant 0 : i32
    %dma_start3A_53 = arith.constant 0 : i32
    %dma_start3A_54 = tpu.memref_slice %arg2[%dma_start3A_52, %dma_start3A_53] : memref<1000000x128xf32, #tpu.memory_space<hbm>> -> memref<1000000x128xf32, #tpu.memory_space<hbm>>
    tpu.enqueue_indirect_dma source(%dma_start3A_54 : memref<1000000x128xf32, #tpu.memory_space<hbm>>) target(%arg8 : memref<448x128xf32, #tpu.memory_space<vmem>>) offsets(%arg6 : memref<448xi32, #tpu.memory_space<vmem>>) semaphore(%arg10 : memref<!tpu.dma_semaphore, #tpu.memory_space<semaphore_mem>>)
    %dma_wait3A_55 = arith.constant 0 : i32
    %dma_wait3A_56 = arith.constant 0 : i32
    %dma_wait3A_57 = tpu.memref_slice %arg2[%dma_wait3A_55, %dma_wait3A_56] : memref<1000000x128xf32, #tpu.memory_space<hbm>> -> memref<1000000x128xf32, #tpu.memory_space<hbm>>
    tpu.wait_indirect_dma semaphore(%arg9 : memref<!tpu.dma_semaphore, #tpu.memory_space<semaphore_mem>>) src(%dma_wait3A_57 : memref<1000000x128xf32, #tpu.memory_space<hbm>>) dst(%arg7 : memref<448x128xf32, #tpu.memory_space<vmem>>)
    %add3A_58 = arith.constant 896 : i32
    %add3A_59 = arith.addi %mul3A_2, %add3A_58 : i32
    %dma_start3A_60 = arith.constant 0 : i32
    %dma_start3A_61 = tpu.memref_slice %arg4[%add3A_59, %dma_start3A_60] : memref<114688x128xf32, #tpu.memory_space<hbm>> -> memref<448x128xf32, #tpu.memory_space<hbm>>
    %dma_start3A_62 = arith.constant 0 : i32
    %dma_start3A_63 = tpu.memref_slice %arg4[%add3A_59, %dma_start3A_62] : memref<114688x128xf32, #tpu.memory_space<hbm>> -> memref<448x128xf32, #tpu.memory_space<hbm>>
    tpu.enqueue_dma source(%arg7 : memref<448x128xf32, #tpu.memory_space<vmem>>) target(%dma_start3A_63 : memref<448x128xf32, #tpu.memory_space<hbm>>) target_semaphore(%arg11 : memref<!tpu.dma_semaphore, #tpu.memory_space<semaphore_mem>>)
    %dma_wait3A_64 = arith.constant 0 : i32
    %dma_wait3A_65 = tpu.memref_slice %arg4[%add3A_59, %dma_wait3A_64] : memref<114688x128xf32, #tpu.memory_space<hbm>> -> memref<448x128xf32, #tpu.memory_space<hbm>>
    %dma_wait3A_66 = arith.constant 0 : i32
    %dma_wait3A_67 = tpu.memref_slice %arg4[%add3A_59, %dma_wait3A_66] : memref<114688x128xf32, #tpu.memory_space<hbm>> -> memref<448x128xf32, #tpu.memory_space<hbm>>
    tpu.wait_dma2 semaphore(%arg11 : memref<!tpu.dma_semaphore, #tpu.memory_space<semaphore_mem>>) src(%arg7 : memref<448x128xf32, #tpu.memory_space<vmem>>) dst(%dma_wait3A_67 : memref<448x128xf32, #tpu.memory_space<hbm>>)
    %add3A_68 = arith.constant 573440 : i32
    %add3A_69 = arith.addi %add3A_68, %mul3A_2 : i32
    %add3A_70 = arith.constant 1792 : i32
    %add3A_71 = arith.addi %add3A_69, %add3A_70 : i32
    "tpu.region"() ({
      %run_scoped3A = tpu.sem_alloc : memref<!tpu.dma_semaphore, #tpu.memory_space<semaphore_mem>>
      %dma_start3A_161 = tpu.memref_slice %arg3[%add3A_71] : memref<917504xi32, #tpu.memory_space<hbm>> -> memref<448xi32, #tpu.memory_space<hbm>>
      %dma_start3A_162 = tpu.memref_slice %arg3[%add3A_71] : memref<917504xi32, #tpu.memory_space<hbm>> -> memref<448xi32, #tpu.memory_space<hbm>>
      tpu.enqueue_dma source(%dma_start3A_162 : memref<448xi32, #tpu.memory_space<hbm>>) target(%arg5 : memref<448xi32, #tpu.memory_space<vmem>>) target_semaphore(%run_scoped3A : memref<!tpu.dma_semaphore, #tpu.memory_space<semaphore_mem>>)
      %dma_wait3A_163 = tpu.memref_slice %arg3[%add3A_71] : memref<917504xi32, #tpu.memory_space<hbm>> -> memref<448xi32, #tpu.memory_space<hbm>>
      %dma_wait3A_164 = tpu.memref_slice %arg3[%add3A_71] : memref<917504xi32, #tpu.memory_space<hbm>> -> memref<448xi32, #tpu.memory_space<hbm>>
      tpu.wait_dma2 semaphore(%run_scoped3A : memref<!tpu.dma_semaphore, #tpu.memory_space<semaphore_mem>>) src(%dma_wait3A_164 : memref<448xi32, #tpu.memory_space<hbm>>) dst(%arg5 : memref<448xi32, #tpu.memory_space<vmem>>)
      tpu.yield
    }) : () -> ()
    %dma_start3A_72 = arith.constant 0 : i32
    %dma_start3A_73 = arith.constant 0 : i32
    %dma_start3A_74 = tpu.memref_slice %arg2[%dma_start3A_72, %dma_start3A_73] : memref<1000000x128xf32, #tpu.memory_space<hbm>> -> memref<1000000x128xf32, #tpu.memory_space<hbm>>
    tpu.enqueue_indirect_dma source(%dma_start3A_74 : memref<1000000x128xf32, #tpu.memory_space<hbm>>) target(%arg7 : memref<448x128xf32, #tpu.memory_space<vmem>>) offsets(%arg5 : memref<448xi32, #tpu.memory_space<vmem>>) semaphore(%arg9 : memref<!tpu.dma_semaphore, #tpu.memory_space<semaphore_mem>>)
    %dma_wait3A_75 = arith.constant 0 : i32
    %dma_wait3A_76 = arith.constant 0 : i32
    %dma_wait3A_77 = tpu.memref_slice %arg2[%dma_wait3A_75, %dma_wait3A_76] : memref<1000000x128xf32, #tpu.memory_space<hbm>> -> memref<1000000x128xf32, #tpu.memory_space<hbm>>
    tpu.wait_indirect_dma semaphore(%arg10 : memref<!tpu.dma_semaphore, #tpu.memory_space<semaphore_mem>>) src(%dma_wait3A_77 : memref<1000000x128xf32, #tpu.memory_space<hbm>>) dst(%arg8 : memref<448x128xf32, #tpu.memory_space<vmem>>)
    %add3A_78 = arith.constant 1344 : i32
    %add3A_79 = arith.addi %mul3A_2, %add3A_78 : i32
    %dma_start3A_80 = arith.constant 0 : i32
    %dma_start3A_81 = tpu.memref_slice %arg4[%add3A_79, %dma_start3A_80] : memref<114688x128xf32, #tpu.memory_space<hbm>> -> memref<448x128xf32, #tpu.memory_space<hbm>>
    %dma_start3A_82 = arith.constant 0 : i32
    %dma_start3A_83 = tpu.memref_slice %arg4[%add3A_79, %dma_start3A_82] : memref<114688x128xf32, #tpu.memory_space<hbm>> -> memref<448x128xf32, #tpu.memory_space<hbm>>
    tpu.enqueue_dma source(%arg8 : memref<448x128xf32, #tpu.memory_space<vmem>>) target(%dma_start3A_83 : memref<448x128xf32, #tpu.memory_space<hbm>>) target_semaphore(%arg12 : memref<!tpu.dma_semaphore, #tpu.memory_space<semaphore_mem>>)
    %dma_wait3A_84 = arith.constant 0 : i32
    %dma_wait3A_85 = tpu.memref_slice %arg4[%add3A_79, %dma_wait3A_84] : memref<114688x128xf32, #tpu.memory_space<hbm>> -> memref<448x128xf32, #tpu.memory_space<hbm>>
    %dma_wait3A_86 = arith.constant 0 : i32
    %dma_wait3A_87 = tpu.memref_slice %arg4[%add3A_79, %dma_wait3A_86] : memref<114688x128xf32, #tpu.memory_space<hbm>> -> memref<448x128xf32, #tpu.memory_space<hbm>>
    tpu.wait_dma2 semaphore(%arg12 : memref<!tpu.dma_semaphore, #tpu.memory_space<semaphore_mem>>) src(%arg8 : memref<448x128xf32, #tpu.memory_space<vmem>>) dst(%dma_wait3A_87 : memref<448x128xf32, #tpu.memory_space<hbm>>)
    %add3A_88 = arith.constant 573440 : i32
    %add3A_89 = arith.addi %add3A_88, %mul3A_2 : i32
    %add3A_90 = arith.constant 2240 : i32
    %add3A_91 = arith.addi %add3A_89, %add3A_90 : i32
    "tpu.region"() ({
      %run_scoped3A = tpu.sem_alloc : memref<!tpu.dma_semaphore, #tpu.memory_space<semaphore_mem>>
      %dma_start3A_161 = tpu.memref_slice %arg3[%add3A_91] : memref<917504xi32, #tpu.memory_space<hbm>> -> memref<448xi32, #tpu.memory_space<hbm>>
      %dma_start3A_162 = tpu.memref_slice %arg3[%add3A_91] : memref<917504xi32, #tpu.memory_space<hbm>> -> memref<448xi32, #tpu.memory_space<hbm>>
      tpu.enqueue_dma source(%dma_start3A_162 : memref<448xi32, #tpu.memory_space<hbm>>) target(%arg6 : memref<448xi32, #tpu.memory_space<vmem>>) target_semaphore(%run_scoped3A : memref<!tpu.dma_semaphore, #tpu.memory_space<semaphore_mem>>)
      %dma_wait3A_163 = tpu.memref_slice %arg3[%add3A_91] : memref<917504xi32, #tpu.memory_space<hbm>> -> memref<448xi32, #tpu.memory_space<hbm>>
      %dma_wait3A_164 = tpu.memref_slice %arg3[%add3A_91] : memref<917504xi32, #tpu.memory_space<hbm>> -> memref<448xi32, #tpu.memory_space<hbm>>
      tpu.wait_dma2 semaphore(%run_scoped3A : memref<!tpu.dma_semaphore, #tpu.memory_space<semaphore_mem>>) src(%dma_wait3A_164 : memref<448xi32, #tpu.memory_space<hbm>>) dst(%arg6 : memref<448xi32, #tpu.memory_space<vmem>>)
      tpu.yield
    }) : () -> ()
    %dma_start3A_92 = arith.constant 0 : i32
    %dma_start3A_93 = arith.constant 0 : i32
    %dma_start3A_94 = tpu.memref_slice %arg2[%dma_start3A_92, %dma_start3A_93] : memref<1000000x128xf32, #tpu.memory_space<hbm>> -> memref<1000000x128xf32, #tpu.memory_space<hbm>>
    tpu.enqueue_indirect_dma source(%dma_start3A_94 : memref<1000000x128xf32, #tpu.memory_space<hbm>>) target(%arg8 : memref<448x128xf32, #tpu.memory_space<vmem>>) offsets(%arg6 : memref<448xi32, #tpu.memory_space<vmem>>) semaphore(%arg10 : memref<!tpu.dma_semaphore, #tpu.memory_space<semaphore_mem>>)
    %dma_wait3A_95 = arith.constant 0 : i32
    %dma_wait3A_96 = arith.constant 0 : i32
    %dma_wait3A_97 = tpu.memref_slice %arg2[%dma_wait3A_95, %dma_wait3A_96] : memref<1000000x128xf32, #tpu.memory_space<hbm>> -> memref<1000000x128xf32, #tpu.memory_space<hbm>>
    tpu.wait_indirect_dma semaphore(%arg9 : memref<!tpu.dma_semaphore, #tpu.memory_space<semaphore_mem>>) src(%dma_wait3A_97 : memref<1000000x128xf32, #tpu.memory_space<hbm>>) dst(%arg7 : memref<448x128xf32, #tpu.memory_space<vmem>>)
    %add3A_98 = arith.constant 1792 : i32
    %add3A_99 = arith.addi %mul3A_2, %add3A_98 : i32
    %dma_start3A_100 = arith.constant 0 : i32
    %dma_start3A_101 = tpu.memref_slice %arg4[%add3A_99, %dma_start3A_100] : memref<114688x128xf32, #tpu.memory_space<hbm>> -> memref<448x128xf32, #tpu.memory_space<hbm>>
    %dma_start3A_102 = arith.constant 0 : i32
    %dma_start3A_103 = tpu.memref_slice %arg4[%add3A_99, %dma_start3A_102] : memref<114688x128xf32, #tpu.memory_space<hbm>> -> memref<448x128xf32, #tpu.memory_space<hbm>>
    tpu.enqueue_dma source(%arg7 : memref<448x128xf32, #tpu.memory_space<vmem>>) target(%dma_start3A_103 : memref<448x128xf32, #tpu.memory_space<hbm>>) target_semaphore(%arg11 : memref<!tpu.dma_semaphore, #tpu.memory_space<semaphore_mem>>)
    %dma_wait3A_104 = arith.constant 0 : i32
    %dma_wait3A_105 = tpu.memref_slice %arg4[%add3A_99, %dma_wait3A_104] : memref<114688x128xf32, #tpu.memory_space<hbm>> -> memref<448x128xf32, #tpu.memory_space<hbm>>
    %dma_wait3A_106 = arith.constant 0 : i32
    %dma_wait3A_107 = tpu.memref_slice %arg4[%add3A_99, %dma_wait3A_106] : memref<114688x128xf32, #tpu.memory_space<hbm>> -> memref<448x128xf32, #tpu.memory_space<hbm>>
    tpu.wait_dma2 semaphore(%arg11 : memref<!tpu.dma_semaphore, #tpu.memory_space<semaphore_mem>>) src(%arg7 : memref<448x128xf32, #tpu.memory_space<vmem>>) dst(%dma_wait3A_107 : memref<448x128xf32, #tpu.memory_space<hbm>>)
    %add3A_108 = arith.constant 573440 : i32
    %add3A_109 = arith.addi %add3A_108, %mul3A_2 : i32
    %add3A_110 = arith.constant 2688 : i32
    %add3A_111 = arith.addi %add3A_109, %add3A_110 : i32
    "tpu.region"() ({
      %run_scoped3A = tpu.sem_alloc : memref<!tpu.dma_semaphore, #tpu.memory_space<semaphore_mem>>
      %dma_start3A_161 = tpu.memref_slice %arg3[%add3A_111] : memref<917504xi32, #tpu.memory_space<hbm>> -> memref<448xi32, #tpu.memory_space<hbm>>
      %dma_start3A_162 = tpu.memref_slice %arg3[%add3A_111] : memref<917504xi32, #tpu.memory_space<hbm>> -> memref<448xi32, #tpu.memory_space<hbm>>
      tpu.enqueue_dma source(%dma_start3A_162 : memref<448xi32, #tpu.memory_space<hbm>>) target(%arg5 : memref<448xi32, #tpu.memory_space<vmem>>) target_semaphore(%run_scoped3A : memref<!tpu.dma_semaphore, #tpu.memory_space<semaphore_mem>>)
      %dma_wait3A_163 = tpu.memref_slice %arg3[%add3A_111] : memref<917504xi32, #tpu.memory_space<hbm>> -> memref<448xi32, #tpu.memory_space<hbm>>
      %dma_wait3A_164 = tpu.memref_slice %arg3[%add3A_111] : memref<917504xi32, #tpu.memory_space<hbm>> -> memref<448xi32, #tpu.memory_space<hbm>>
      tpu.wait_dma2 semaphore(%run_scoped3A : memref<!tpu.dma_semaphore, #tpu.memory_space<semaphore_mem>>) src(%dma_wait3A_164 : memref<448xi32, #tpu.memory_space<hbm>>) dst(%arg5 : memref<448xi32, #tpu.memory_space<vmem>>)
      tpu.yield
    }) : () -> ()
    %dma_start3A_112 = arith.constant 0 : i32
    %dma_start3A_113 = arith.constant 0 : i32
    %dma_start3A_114 = tpu.memref_slice %arg2[%dma_start3A_112, %dma_start3A_113] : memref<1000000x128xf32, #tpu.memory_space<hbm>> -> memref<1000000x128xf32, #tpu.memory_space<hbm>>
    tpu.enqueue_indirect_dma source(%dma_start3A_114 : memref<1000000x128xf32, #tpu.memory_space<hbm>>) target(%arg7 : memref<448x128xf32, #tpu.memory_space<vmem>>) offsets(%arg5 : memref<448xi32, #tpu.memory_space<vmem>>) semaphore(%arg9 : memref<!tpu.dma_semaphore, #tpu.memory_space<semaphore_mem>>)
    %dma_wait3A_115 = arith.constant 0 : i32
    %dma_wait3A_116 = arith.constant 0 : i32
    %dma_wait3A_117 = tpu.memref_slice %arg2[%dma_wait3A_115, %dma_wait3A_116] : memref<1000000x128xf32, #tpu.memory_space<hbm>> -> memref<1000000x128xf32, #tpu.memory_space<hbm>>
    tpu.wait_indirect_dma semaphore(%arg10 : memref<!tpu.dma_semaphore, #tpu.memory_space<semaphore_mem>>) src(%dma_wait3A_117 : memref<1000000x128xf32, #tpu.memory_space<hbm>>) dst(%arg8 : memref<448x128xf32, #tpu.memory_space<vmem>>)
    %add3A_118 = arith.constant 2240 : i32
    %add3A_119 = arith.addi %mul3A_2, %add3A_118 : i32
    %dma_start3A_120 = arith.constant 0 : i32
    %dma_start3A_121 = tpu.memref_slice %arg4[%add3A_119, %dma_start3A_120] : memref<114688x128xf32, #tpu.memory_space<hbm>> -> memref<448x128xf32, #tpu.memory_space<hbm>>
    %dma_start3A_122 = arith.constant 0 : i32
    %dma_start3A_123 = tpu.memref_slice %arg4[%add3A_119, %dma_start3A_122] : memref<114688x128xf32, #tpu.memory_space<hbm>> -> memref<448x128xf32, #tpu.memory_space<hbm>>
    tpu.enqueue_dma source(%arg8 : memref<448x128xf32, #tpu.memory_space<vmem>>) target(%dma_start3A_123 : memref<448x128xf32, #tpu.memory_space<hbm>>) target_semaphore(%arg12 : memref<!tpu.dma_semaphore, #tpu.memory_space<semaphore_mem>>)
    %dma_wait3A_124 = arith.constant 0 : i32
    %dma_wait3A_125 = tpu.memref_slice %arg4[%add3A_119, %dma_wait3A_124] : memref<114688x128xf32, #tpu.memory_space<hbm>> -> memref<448x128xf32, #tpu.memory_space<hbm>>
    %dma_wait3A_126 = arith.constant 0 : i32
    %dma_wait3A_127 = tpu.memref_slice %arg4[%add3A_119, %dma_wait3A_126] : memref<114688x128xf32, #tpu.memory_space<hbm>> -> memref<448x128xf32, #tpu.memory_space<hbm>>
    tpu.wait_dma2 semaphore(%arg12 : memref<!tpu.dma_semaphore, #tpu.memory_space<semaphore_mem>>) src(%arg8 : memref<448x128xf32, #tpu.memory_space<vmem>>) dst(%dma_wait3A_127 : memref<448x128xf32, #tpu.memory_space<hbm>>)
    %add3A_128 = arith.constant 573440 : i32
    %add3A_129 = arith.addi %add3A_128, %mul3A_2 : i32
    %add3A_130 = arith.constant 3136 : i32
    %add3A_131 = arith.addi %add3A_129, %add3A_130 : i32
    "tpu.region"() ({
      %run_scoped3A = tpu.sem_alloc : memref<!tpu.dma_semaphore, #tpu.memory_space<semaphore_mem>>
      %dma_start3A_161 = tpu.memref_slice %arg3[%add3A_131] : memref<917504xi32, #tpu.memory_space<hbm>> -> memref<448xi32, #tpu.memory_space<hbm>>
      %dma_start3A_162 = tpu.memref_slice %arg3[%add3A_131] : memref<917504xi32, #tpu.memory_space<hbm>> -> memref<448xi32, #tpu.memory_space<hbm>>
      tpu.enqueue_dma source(%dma_start3A_162 : memref<448xi32, #tpu.memory_space<hbm>>) target(%arg6 : memref<448xi32, #tpu.memory_space<vmem>>) target_semaphore(%run_scoped3A : memref<!tpu.dma_semaphore, #tpu.memory_space<semaphore_mem>>)
      %dma_wait3A_163 = tpu.memref_slice %arg3[%add3A_131] : memref<917504xi32, #tpu.memory_space<hbm>> -> memref<448xi32, #tpu.memory_space<hbm>>
      %dma_wait3A_164 = tpu.memref_slice %arg3[%add3A_131] : memref<917504xi32, #tpu.memory_space<hbm>> -> memref<448xi32, #tpu.memory_space<hbm>>
      tpu.wait_dma2 semaphore(%run_scoped3A : memref<!tpu.dma_semaphore, #tpu.memory_space<semaphore_mem>>) src(%dma_wait3A_164 : memref<448xi32, #tpu.memory_space<hbm>>) dst(%arg6 : memref<448xi32, #tpu.memory_space<vmem>>)
      tpu.yield
    }) : () -> ()
    %dma_start3A_132 = arith.constant 0 : i32
    %dma_start3A_133 = arith.constant 0 : i32
    %dma_start3A_134 = tpu.memref_slice %arg2[%dma_start3A_132, %dma_start3A_133] : memref<1000000x128xf32, #tpu.memory_space<hbm>> -> memref<1000000x128xf32, #tpu.memory_space<hbm>>
    tpu.enqueue_indirect_dma source(%dma_start3A_134 : memref<1000000x128xf32, #tpu.memory_space<hbm>>) target(%arg8 : memref<448x128xf32, #tpu.memory_space<vmem>>) offsets(%arg6 : memref<448xi32, #tpu.memory_space<vmem>>) semaphore(%arg10 : memref<!tpu.dma_semaphore, #tpu.memory_space<semaphore_mem>>)
    %dma_wait3A_135 = arith.constant 0 : i32
    %dma_wait3A_136 = arith.constant 0 : i32
    %dma_wait3A_137 = tpu.memref_slice %arg2[%dma_wait3A_135, %dma_wait3A_136] : memref<1000000x128xf32, #tpu.memory_space<hbm>> -> memref<1000000x128xf32, #tpu.memory_space<hbm>>
    tpu.wait_indirect_dma semaphore(%arg9 : memref<!tpu.dma_semaphore, #tpu.memory_space<semaphore_mem>>) src(%dma_wait3A_137 : memref<1000000x128xf32, #tpu.memory_space<hbm>>) dst(%arg7 : memref<448x128xf32, #tpu.memory_space<vmem>>)
    %add3A_138 = arith.constant 2688 : i32
    %add3A_139 = arith.addi %mul3A_2, %add3A_138 : i32
    %dma_start3A_140 = arith.constant 0 : i32
    %dma_start3A_141 = tpu.memref_slice %arg4[%add3A_139, %dma_start3A_140] : memref<114688x128xf32, #tpu.memory_space<hbm>> -> memref<448x128xf32, #tpu.memory_space<hbm>>
    %dma_start3A_142 = arith.constant 0 : i32
    %dma_start3A_143 = tpu.memref_slice %arg4[%add3A_139, %dma_start3A_142] : memref<114688x128xf32, #tpu.memory_space<hbm>> -> memref<448x128xf32, #tpu.memory_space<hbm>>
    tpu.enqueue_dma source(%arg7 : memref<448x128xf32, #tpu.memory_space<vmem>>) target(%dma_start3A_143 : memref<448x128xf32, #tpu.memory_space<hbm>>) target_semaphore(%arg11 : memref<!tpu.dma_semaphore, #tpu.memory_space<semaphore_mem>>)
    %dma_wait3A_144 = arith.constant 0 : i32
    %dma_wait3A_145 = arith.constant 0 : i32
    %dma_wait3A_146 = tpu.memref_slice %arg2[%dma_wait3A_144, %dma_wait3A_145] : memref<1000000x128xf32, #tpu.memory_space<hbm>> -> memref<1000000x128xf32, #tpu.memory_space<hbm>>
    tpu.wait_indirect_dma semaphore(%arg10 : memref<!tpu.dma_semaphore, #tpu.memory_space<semaphore_mem>>) src(%dma_wait3A_146 : memref<1000000x128xf32, #tpu.memory_space<hbm>>) dst(%arg8 : memref<448x128xf32, #tpu.memory_space<vmem>>)
    %add3A_147 = arith.constant 3136 : i32
    %add3A_148 = arith.addi %mul3A_2, %add3A_147 : i32
    %dma_start3A_149 = arith.constant 0 : i32
    %dma_start3A_150 = tpu.memref_slice %arg4[%add3A_148, %dma_start3A_149] : memref<114688x128xf32, #tpu.memory_space<hbm>> -> memref<448x128xf32, #tpu.memory_space<hbm>>
    %dma_start3A_151 = arith.constant 0 : i32
    %dma_start3A_152 = tpu.memref_slice %arg4[%add3A_148, %dma_start3A_151] : memref<114688x128xf32, #tpu.memory_space<hbm>> -> memref<448x128xf32, #tpu.memory_space<hbm>>
    tpu.enqueue_dma source(%arg8 : memref<448x128xf32, #tpu.memory_space<vmem>>) target(%dma_start3A_152 : memref<448x128xf32, #tpu.memory_space<hbm>>) target_semaphore(%arg12 : memref<!tpu.dma_semaphore, #tpu.memory_space<semaphore_mem>>)
    %dma_wait3A_153 = arith.constant 0 : i32
    %dma_wait3A_154 = tpu.memref_slice %arg4[%add3A_139, %dma_wait3A_153] : memref<114688x128xf32, #tpu.memory_space<hbm>> -> memref<448x128xf32, #tpu.memory_space<hbm>>
    %dma_wait3A_155 = arith.constant 0 : i32
    %dma_wait3A_156 = tpu.memref_slice %arg4[%add3A_139, %dma_wait3A_155] : memref<114688x128xf32, #tpu.memory_space<hbm>> -> memref<448x128xf32, #tpu.memory_space<hbm>>
    tpu.wait_dma2 semaphore(%arg11 : memref<!tpu.dma_semaphore, #tpu.memory_space<semaphore_mem>>) src(%arg7 : memref<448x128xf32, #tpu.memory_space<vmem>>) dst(%dma_wait3A_156 : memref<448x128xf32, #tpu.memory_space<hbm>>)
    %dma_wait3A_157 = arith.constant 0 : i32
    %dma_wait3A_158 = tpu.memref_slice %arg4[%add3A_148, %dma_wait3A_157] : memref<114688x128xf32, #tpu.memory_space<hbm>> -> memref<448x128xf32, #tpu.memory_space<hbm>>
    %dma_wait3A_159 = arith.constant 0 : i32
    %dma_wait3A_160 = tpu.memref_slice %arg4[%add3A_148, %dma_wait3A_159] : memref<114688x128xf32, #tpu.memory_space<hbm>> -> memref<448x128xf32, #tpu.memory_space<hbm>>
    tpu.wait_dma2 semaphore(%arg12 : memref<!tpu.dma_semaphore, #tpu.memory_space<semaphore_mem>>) src(%arg8 : memref<448x128xf32, #tpu.memory_space<vmem>>) dst(%dma_wait3A_160 : memref<448x128xf32, #tpu.memory_space<hbm>>)
    return
  }
}

#map = affine_map<(d0, d1) -> (0, 0)>
#map1 = affine_map<(d0, d1) -> (0)>
module attributes {stable_mosaic.version = 14 : i64} {
  func.func @gather_kernel(%arg0: i32, %arg1: i32, %arg2: memref<1000000x128xf32, #tpu.memory_space<hbm>>, %arg3: memref<917504xi32, #tpu.memory_space<hbm>>, %arg4: memref<114688x128xf32, #tpu.memory_space<hbm>>, %arg5: memref<448xi32, #tpu.memory_space<vmem>>, %arg6: memref<448xi32, #tpu.memory_space<vmem>>, %arg7: memref<448x128xf32, #tpu.memory_space<vmem>>, %arg8: memref<448x128xf32, #tpu.memory_space<vmem>>, %arg9: memref<!tpu.dma_semaphore, #tpu.memory_space<semaphore_mem>>, %arg10: memref<!tpu.dma_semaphore, #tpu.memory_space<semaphore_mem>>, %arg11: memref<!tpu.dma_semaphore, #tpu.memory_space<semaphore_mem>>, %arg12: memref<!tpu.dma_semaphore, #tpu.memory_space<semaphore_mem>>) attributes {dimension_semantics = [#tpu.dimension_semantics<core_parallel>, #tpu.dimension_semantics<subcore_parallel>], iteration_bounds = array<i64: 2, 16>, scalar_prefetch = 0 : i64, scratch_operands = 8 : i64, tpu.core_type = #tpu.core_type<sc_vector_subcore>, window_params = [{transform_indices = #map}, {transform_indices = #map1}, {transform_indices = #map}]} {
    %mul3A = arith.constant 2 : i32
    %mul3A_0 = arith.muli %arg1, %mul3A : i32
    %add3A = arith.addi %mul3A_0, %arg0 : i32
    %mul3A_1 = arith.constant 3584 : i32
    %mul3A_2 = arith.muli %add3A, %mul3A_1 : i32
    %add3A_3 = arith.constant 344064 : i32
    %add3A_4 = arith.addi %add3A_3, %mul3A_2 : i32
    %add3A_5 = arith.constant 0 : i32
    %add3A_6 = arith.addi %add3A_4, %add3A_5 : i32
    "tpu.region"() ({
      %run_scoped3A = tpu.sem_alloc : memref<!tpu.dma_semaphore, #tpu.memory_space<semaphore_mem>>
      %dma_start3A_161 = tpu.memref_slice %arg3[%add3A_6] : memref<917504xi32, #tpu.memory_space<hbm>> -> memref<448xi32, #tpu.memory_space<hbm>>
      %dma_start3A_162 = tpu.memref_slice %arg3[%add3A_6] : memref<917504xi32, #tpu.memory_space<hbm>> -> memref<448xi32, #tpu.memory_space<hbm>>
      tpu.enqueue_dma source(%dma_start3A_162 : memref<448xi32, #tpu.memory_space<hbm>>) target(%arg5 : memref<448xi32, #tpu.memory_space<vmem>>) target_semaphore(%run_scoped3A : memref<!tpu.dma_semaphore, #tpu.memory_space<semaphore_mem>>)
      %dma_wait3A_163 = tpu.memref_slice %arg3[%add3A_6] : memref<917504xi32, #tpu.memory_space<hbm>> -> memref<448xi32, #tpu.memory_space<hbm>>
      %dma_wait3A_164 = tpu.memref_slice %arg3[%add3A_6] : memref<917504xi32, #tpu.memory_space<hbm>> -> memref<448xi32, #tpu.memory_space<hbm>>
      tpu.wait_dma2 semaphore(%run_scoped3A : memref<!tpu.dma_semaphore, #tpu.memory_space<semaphore_mem>>) src(%dma_wait3A_164 : memref<448xi32, #tpu.memory_space<hbm>>) dst(%arg5 : memref<448xi32, #tpu.memory_space<vmem>>)
      tpu.yield
    }) : () -> ()
    %dma_start3A = arith.constant 0 : i32
    %dma_start3A_7 = arith.constant 0 : i32
    %dma_start3A_8 = tpu.memref_slice %arg2[%dma_start3A, %dma_start3A_7] : memref<1000000x128xf32, #tpu.memory_space<hbm>> -> memref<1000000x128xf32, #tpu.memory_space<hbm>>
    tpu.enqueue_indirect_dma source(%dma_start3A_8 : memref<1000000x128xf32, #tpu.memory_space<hbm>>) target(%arg7 : memref<448x128xf32, #tpu.memory_space<vmem>>) offsets(%arg5 : memref<448xi32, #tpu.memory_space<vmem>>) semaphore(%arg9 : memref<!tpu.dma_semaphore, #tpu.memory_space<semaphore_mem>>)
    %add3A_9 = arith.constant 344064 : i32
    %add3A_10 = arith.addi %add3A_9, %mul3A_2 : i32
    %add3A_11 = arith.constant 448 : i32
    %add3A_12 = arith.addi %add3A_10, %add3A_11 : i32
    "tpu.region"() ({
      %run_scoped3A = tpu.sem_alloc : memref<!tpu.dma_semaphore, #tpu.memory_space<semaphore_mem>>
      %dma_start3A_161 = tpu.memref_slice %arg3[%add3A_12] : memref<917504xi32, #tpu.memory_space<hbm>> -> memref<448xi32, #tpu.memory_space<hbm>>
      %dma_start3A_162 = tpu.memref_slice %arg3[%add3A_12] : memref<917504xi32, #tpu.memory_space<hbm>> -> memref<448xi32, #tpu.memory_space<hbm>>
      tpu.enqueue_dma source(%dma_start3A_162 : memref<448xi32, #tpu.memory_space<hbm>>) target(%arg6 : memref<448xi32, #tpu.memory_space<vmem>>) target_semaphore(%run_scoped3A : memref<!tpu.dma_semaphore, #tpu.memory_space<semaphore_mem>>)
      %dma_wait3A_163 = tpu.memref_slice %arg3[%add3A_12] : memref<917504xi32, #tpu.memory_space<hbm>> -> memref<448xi32, #tpu.memory_space<hbm>>
      %dma_wait3A_164 = tpu.memref_slice %arg3[%add3A_12] : memref<917504xi32, #tpu.memory_space<hbm>> -> memref<448xi32, #tpu.memory_space<hbm>>
      tpu.wait_dma2 semaphore(%run_scoped3A : memref<!tpu.dma_semaphore, #tpu.memory_space<semaphore_mem>>) src(%dma_wait3A_164 : memref<448xi32, #tpu.memory_space<hbm>>) dst(%arg6 : memref<448xi32, #tpu.memory_space<vmem>>)
      tpu.yield
    }) : () -> ()
    %dma_start3A_13 = arith.constant 0 : i32
    %dma_start3A_14 = arith.constant 0 : i32
    %dma_start3A_15 = tpu.memref_slice %arg2[%dma_start3A_13, %dma_start3A_14] : memref<1000000x128xf32, #tpu.memory_space<hbm>> -> memref<1000000x128xf32, #tpu.memory_space<hbm>>
    tpu.enqueue_indirect_dma source(%dma_start3A_15 : memref<1000000x128xf32, #tpu.memory_space<hbm>>) target(%arg8 : memref<448x128xf32, #tpu.memory_space<vmem>>) offsets(%arg6 : memref<448xi32, #tpu.memory_space<vmem>>) semaphore(%arg10 : memref<!tpu.dma_semaphore, #tpu.memory_space<semaphore_mem>>)
    %dma_wait3A = arith.constant 0 : i32
    %dma_wait3A_16 = arith.constant 0 : i32
    %dma_wait3A_17 = tpu.memref_slice %arg2[%dma_wait3A, %dma_wait3A_16] : memref<1000000x128xf32, #tpu.memory_space<hbm>> -> memref<1000000x128xf32, #tpu.memory_space<hbm>>
    tpu.wait_indirect_dma semaphore(%arg9 : memref<!tpu.dma_semaphore, #tpu.memory_space<semaphore_mem>>) src(%dma_wait3A_17 : memref<1000000x128xf32, #tpu.memory_space<hbm>>) dst(%arg7 : memref<448x128xf32, #tpu.memory_space<vmem>>)
    %add3A_18 = arith.constant 0 : i32
    %add3A_19 = arith.addi %mul3A_2, %add3A_18 : i32
    %dma_start3A_20 = arith.constant 0 : i32
    %dma_start3A_21 = tpu.memref_slice %arg4[%add3A_19, %dma_start3A_20] : memref<114688x128xf32, #tpu.memory_space<hbm>> -> memref<448x128xf32, #tpu.memory_space<hbm>>
    %dma_start3A_22 = arith.constant 0 : i32
    %dma_start3A_23 = tpu.memref_slice %arg4[%add3A_19, %dma_start3A_22] : memref<114688x128xf32, #tpu.memory_space<hbm>> -> memref<448x128xf32, #tpu.memory_space<hbm>>
    tpu.enqueue_dma source(%arg7 : memref<448x128xf32, #tpu.memory_space<vmem>>) target(%dma_start3A_23 : memref<448x128xf32, #tpu.memory_space<hbm>>) target_semaphore(%arg11 : memref<!tpu.dma_semaphore, #tpu.memory_space<semaphore_mem>>)
    %dma_wait3A_24 = arith.constant 0 : i32
    %dma_wait3A_25 = tpu.memref_slice %arg4[%add3A_19, %dma_wait3A_24] : memref<114688x128xf32, #tpu.memory_space<hbm>> -> memref<448x128xf32, #tpu.memory_space<hbm>>
    %dma_wait3A_26 = arith.constant 0 : i32
    %dma_wait3A_27 = tpu.memref_slice %arg4[%add3A_19, %dma_wait3A_26] : memref<114688x128xf32, #tpu.memory_space<hbm>> -> memref<448x128xf32, #tpu.memory_space<hbm>>
    tpu.wait_dma2 semaphore(%arg11 : memref<!tpu.dma_semaphore, #tpu.memory_space<semaphore_mem>>) src(%arg7 : memref<448x128xf32, #tpu.memory_space<vmem>>) dst(%dma_wait3A_27 : memref<448x128xf32, #tpu.memory_space<hbm>>)
    %add3A_28 = arith.constant 344064 : i32
    %add3A_29 = arith.addi %add3A_28, %mul3A_2 : i32
    %add3A_30 = arith.constant 896 : i32
    %add3A_31 = arith.addi %add3A_29, %add3A_30 : i32
    "tpu.region"() ({
      %run_scoped3A = tpu.sem_alloc : memref<!tpu.dma_semaphore, #tpu.memory_space<semaphore_mem>>
      %dma_start3A_161 = tpu.memref_slice %arg3[%add3A_31] : memref<917504xi32, #tpu.memory_space<hbm>> -> memref<448xi32, #tpu.memory_space<hbm>>
      %dma_start3A_162 = tpu.memref_slice %arg3[%add3A_31] : memref<917504xi32, #tpu.memory_space<hbm>> -> memref<448xi32, #tpu.memory_space<hbm>>
      tpu.enqueue_dma source(%dma_start3A_162 : memref<448xi32, #tpu.memory_space<hbm>>) target(%arg5 : memref<448xi32, #tpu.memory_space<vmem>>) target_semaphore(%run_scoped3A : memref<!tpu.dma_semaphore, #tpu.memory_space<semaphore_mem>>)
      %dma_wait3A_163 = tpu.memref_slice %arg3[%add3A_31] : memref<917504xi32, #tpu.memory_space<hbm>> -> memref<448xi32, #tpu.memory_space<hbm>>
      %dma_wait3A_164 = tpu.memref_slice %arg3[%add3A_31] : memref<917504xi32, #tpu.memory_space<hbm>> -> memref<448xi32, #tpu.memory_space<hbm>>
      tpu.wait_dma2 semaphore(%run_scoped3A : memref<!tpu.dma_semaphore, #tpu.memory_space<semaphore_mem>>) src(%dma_wait3A_164 : memref<448xi32, #tpu.memory_space<hbm>>) dst(%arg5 : memref<448xi32, #tpu.memory_space<vmem>>)
      tpu.yield
    }) : () -> ()
    %dma_start3A_32 = arith.constant 0 : i32
    %dma_start3A_33 = arith.constant 0 : i32
    %dma_start3A_34 = tpu.memref_slice %arg2[%dma_start3A_32, %dma_start3A_33] : memref<1000000x128xf32, #tpu.memory_space<hbm>> -> memref<1000000x128xf32, #tpu.memory_space<hbm>>
    tpu.enqueue_indirect_dma source(%dma_start3A_34 : memref<1000000x128xf32, #tpu.memory_space<hbm>>) target(%arg7 : memref<448x128xf32, #tpu.memory_space<vmem>>) offsets(%arg5 : memref<448xi32, #tpu.memory_space<vmem>>) semaphore(%arg9 : memref<!tpu.dma_semaphore, #tpu.memory_space<semaphore_mem>>)
    %dma_wait3A_35 = arith.constant 0 : i32
    %dma_wait3A_36 = arith.constant 0 : i32
    %dma_wait3A_37 = tpu.memref_slice %arg2[%dma_wait3A_35, %dma_wait3A_36] : memref<1000000x128xf32, #tpu.memory_space<hbm>> -> memref<1000000x128xf32, #tpu.memory_space<hbm>>
    tpu.wait_indirect_dma semaphore(%arg10 : memref<!tpu.dma_semaphore, #tpu.memory_space<semaphore_mem>>) src(%dma_wait3A_37 : memref<1000000x128xf32, #tpu.memory_space<hbm>>) dst(%arg8 : memref<448x128xf32, #tpu.memory_space<vmem>>)
    %add3A_38 = arith.constant 448 : i32
    %add3A_39 = arith.addi %mul3A_2, %add3A_38 : i32
    %dma_start3A_40 = arith.constant 0 : i32
    %dma_start3A_41 = tpu.memref_slice %arg4[%add3A_39, %dma_start3A_40] : memref<114688x128xf32, #tpu.memory_space<hbm>> -> memref<448x128xf32, #tpu.memory_space<hbm>>
    %dma_start3A_42 = arith.constant 0 : i32
    %dma_start3A_43 = tpu.memref_slice %arg4[%add3A_39, %dma_start3A_42] : memref<114688x128xf32, #tpu.memory_space<hbm>> -> memref<448x128xf32, #tpu.memory_space<hbm>>
    tpu.enqueue_dma source(%arg8 : memref<448x128xf32, #tpu.memory_space<vmem>>) target(%dma_start3A_43 : memref<448x128xf32, #tpu.memory_space<hbm>>) target_semaphore(%arg12 : memref<!tpu.dma_semaphore, #tpu.memory_space<semaphore_mem>>)
    %dma_wait3A_44 = arith.constant 0 : i32
    %dma_wait3A_45 = tpu.memref_slice %arg4[%add3A_39, %dma_wait3A_44] : memref<114688x128xf32, #tpu.memory_space<hbm>> -> memref<448x128xf32, #tpu.memory_space<hbm>>
    %dma_wait3A_46 = arith.constant 0 : i32
    %dma_wait3A_47 = tpu.memref_slice %arg4[%add3A_39, %dma_wait3A_46] : memref<114688x128xf32, #tpu.memory_space<hbm>> -> memref<448x128xf32, #tpu.memory_space<hbm>>
    tpu.wait_dma2 semaphore(%arg12 : memref<!tpu.dma_semaphore, #tpu.memory_space<semaphore_mem>>) src(%arg8 : memref<448x128xf32, #tpu.memory_space<vmem>>) dst(%dma_wait3A_47 : memref<448x128xf32, #tpu.memory_space<hbm>>)
    %add3A_48 = arith.constant 344064 : i32
    %add3A_49 = arith.addi %add3A_48, %mul3A_2 : i32
    %add3A_50 = arith.constant 1344 : i32
    %add3A_51 = arith.addi %add3A_49, %add3A_50 : i32
    "tpu.region"() ({
      %run_scoped3A = tpu.sem_alloc : memref<!tpu.dma_semaphore, #tpu.memory_space<semaphore_mem>>
      %dma_start3A_161 = tpu.memref_slice %arg3[%add3A_51] : memref<917504xi32, #tpu.memory_space<hbm>> -> memref<448xi32, #tpu.memory_space<hbm>>
      %dma_start3A_162 = tpu.memref_slice %arg3[%add3A_51] : memref<917504xi32, #tpu.memory_space<hbm>> -> memref<448xi32, #tpu.memory_space<hbm>>
      tpu.enqueue_dma source(%dma_start3A_162 : memref<448xi32, #tpu.memory_space<hbm>>) target(%arg6 : memref<448xi32, #tpu.memory_space<vmem>>) target_semaphore(%run_scoped3A : memref<!tpu.dma_semaphore, #tpu.memory_space<semaphore_mem>>)
      %dma_wait3A_163 = tpu.memref_slice %arg3[%add3A_51] : memref<917504xi32, #tpu.memory_space<hbm>> -> memref<448xi32, #tpu.memory_space<hbm>>
      %dma_wait3A_164 = tpu.memref_slice %arg3[%add3A_51] : memref<917504xi32, #tpu.memory_space<hbm>> -> memref<448xi32, #tpu.memory_space<hbm>>
      tpu.wait_dma2 semaphore(%run_scoped3A : memref<!tpu.dma_semaphore, #tpu.memory_space<semaphore_mem>>) src(%dma_wait3A_164 : memref<448xi32, #tpu.memory_space<hbm>>) dst(%arg6 : memref<448xi32, #tpu.memory_space<vmem>>)
      tpu.yield
    }) : () -> ()
    %dma_start3A_52 = arith.constant 0 : i32
    %dma_start3A_53 = arith.constant 0 : i32
    %dma_start3A_54 = tpu.memref_slice %arg2[%dma_start3A_52, %dma_start3A_53] : memref<1000000x128xf32, #tpu.memory_space<hbm>> -> memref<1000000x128xf32, #tpu.memory_space<hbm>>
    tpu.enqueue_indirect_dma source(%dma_start3A_54 : memref<1000000x128xf32, #tpu.memory_space<hbm>>) target(%arg8 : memref<448x128xf32, #tpu.memory_space<vmem>>) offsets(%arg6 : memref<448xi32, #tpu.memory_space<vmem>>) semaphore(%arg10 : memref<!tpu.dma_semaphore, #tpu.memory_space<semaphore_mem>>)
    %dma_wait3A_55 = arith.constant 0 : i32
    %dma_wait3A_56 = arith.constant 0 : i32
    %dma_wait3A_57 = tpu.memref_slice %arg2[%dma_wait3A_55, %dma_wait3A_56] : memref<1000000x128xf32, #tpu.memory_space<hbm>> -> memref<1000000x128xf32, #tpu.memory_space<hbm>>
    tpu.wait_indirect_dma semaphore(%arg9 : memref<!tpu.dma_semaphore, #tpu.memory_space<semaphore_mem>>) src(%dma_wait3A_57 : memref<1000000x128xf32, #tpu.memory_space<hbm>>) dst(%arg7 : memref<448x128xf32, #tpu.memory_space<vmem>>)
    %add3A_58 = arith.constant 896 : i32
    %add3A_59 = arith.addi %mul3A_2, %add3A_58 : i32
    %dma_start3A_60 = arith.constant 0 : i32
    %dma_start3A_61 = tpu.memref_slice %arg4[%add3A_59, %dma_start3A_60] : memref<114688x128xf32, #tpu.memory_space<hbm>> -> memref<448x128xf32, #tpu.memory_space<hbm>>
    %dma_start3A_62 = arith.constant 0 : i32
    %dma_start3A_63 = tpu.memref_slice %arg4[%add3A_59, %dma_start3A_62] : memref<114688x128xf32, #tpu.memory_space<hbm>> -> memref<448x128xf32, #tpu.memory_space<hbm>>
    tpu.enqueue_dma source(%arg7 : memref<448x128xf32, #tpu.memory_space<vmem>>) target(%dma_start3A_63 : memref<448x128xf32, #tpu.memory_space<hbm>>) target_semaphore(%arg11 : memref<!tpu.dma_semaphore, #tpu.memory_space<semaphore_mem>>)
    %dma_wait3A_64 = arith.constant 0 : i32
    %dma_wait3A_65 = tpu.memref_slice %arg4[%add3A_59, %dma_wait3A_64] : memref<114688x128xf32, #tpu.memory_space<hbm>> -> memref<448x128xf32, #tpu.memory_space<hbm>>
    %dma_wait3A_66 = arith.constant 0 : i32
    %dma_wait3A_67 = tpu.memref_slice %arg4[%add3A_59, %dma_wait3A_66] : memref<114688x128xf32, #tpu.memory_space<hbm>> -> memref<448x128xf32, #tpu.memory_space<hbm>>
    tpu.wait_dma2 semaphore(%arg11 : memref<!tpu.dma_semaphore, #tpu.memory_space<semaphore_mem>>) src(%arg7 : memref<448x128xf32, #tpu.memory_space<vmem>>) dst(%dma_wait3A_67 : memref<448x128xf32, #tpu.memory_space<hbm>>)
    %add3A_68 = arith.constant 344064 : i32
    %add3A_69 = arith.addi %add3A_68, %mul3A_2 : i32
    %add3A_70 = arith.constant 1792 : i32
    %add3A_71 = arith.addi %add3A_69, %add3A_70 : i32
    "tpu.region"() ({
      %run_scoped3A = tpu.sem_alloc : memref<!tpu.dma_semaphore, #tpu.memory_space<semaphore_mem>>
      %dma_start3A_161 = tpu.memref_slice %arg3[%add3A_71] : memref<917504xi32, #tpu.memory_space<hbm>> -> memref<448xi32, #tpu.memory_space<hbm>>
      %dma_start3A_162 = tpu.memref_slice %arg3[%add3A_71] : memref<917504xi32, #tpu.memory_space<hbm>> -> memref<448xi32, #tpu.memory_space<hbm>>
      tpu.enqueue_dma source(%dma_start3A_162 : memref<448xi32, #tpu.memory_space<hbm>>) target(%arg5 : memref<448xi32, #tpu.memory_space<vmem>>) target_semaphore(%run_scoped3A : memref<!tpu.dma_semaphore, #tpu.memory_space<semaphore_mem>>)
      %dma_wait3A_163 = tpu.memref_slice %arg3[%add3A_71] : memref<917504xi32, #tpu.memory_space<hbm>> -> memref<448xi32, #tpu.memory_space<hbm>>
      %dma_wait3A_164 = tpu.memref_slice %arg3[%add3A_71] : memref<917504xi32, #tpu.memory_space<hbm>> -> memref<448xi32, #tpu.memory_space<hbm>>
      tpu.wait_dma2 semaphore(%run_scoped3A : memref<!tpu.dma_semaphore, #tpu.memory_space<semaphore_mem>>) src(%dma_wait3A_164 : memref<448xi32, #tpu.memory_space<hbm>>) dst(%arg5 : memref<448xi32, #tpu.memory_space<vmem>>)
      tpu.yield
    }) : () -> ()
    %dma_start3A_72 = arith.constant 0 : i32
    %dma_start3A_73 = arith.constant 0 : i32
    %dma_start3A_74 = tpu.memref_slice %arg2[%dma_start3A_72, %dma_start3A_73] : memref<1000000x128xf32, #tpu.memory_space<hbm>> -> memref<1000000x128xf32, #tpu.memory_space<hbm>>
    tpu.enqueue_indirect_dma source(%dma_start3A_74 : memref<1000000x128xf32, #tpu.memory_space<hbm>>) target(%arg7 : memref<448x128xf32, #tpu.memory_space<vmem>>) offsets(%arg5 : memref<448xi32, #tpu.memory_space<vmem>>) semaphore(%arg9 : memref<!tpu.dma_semaphore, #tpu.memory_space<semaphore_mem>>)
    %dma_wait3A_75 = arith.constant 0 : i32
    %dma_wait3A_76 = arith.constant 0 : i32
    %dma_wait3A_77 = tpu.memref_slice %arg2[%dma_wait3A_75, %dma_wait3A_76] : memref<1000000x128xf32, #tpu.memory_space<hbm>> -> memref<1000000x128xf32, #tpu.memory_space<hbm>>
    tpu.wait_indirect_dma semaphore(%arg10 : memref<!tpu.dma_semaphore, #tpu.memory_space<semaphore_mem>>) src(%dma_wait3A_77 : memref<1000000x128xf32, #tpu.memory_space<hbm>>) dst(%arg8 : memref<448x128xf32, #tpu.memory_space<vmem>>)
    %add3A_78 = arith.constant 1344 : i32
    %add3A_79 = arith.addi %mul3A_2, %add3A_78 : i32
    %dma_start3A_80 = arith.constant 0 : i32
    %dma_start3A_81 = tpu.memref_slice %arg4[%add3A_79, %dma_start3A_80] : memref<114688x128xf32, #tpu.memory_space<hbm>> -> memref<448x128xf32, #tpu.memory_space<hbm>>
    %dma_start3A_82 = arith.constant 0 : i32
    %dma_start3A_83 = tpu.memref_slice %arg4[%add3A_79, %dma_start3A_82] : memref<114688x128xf32, #tpu.memory_space<hbm>> -> memref<448x128xf32, #tpu.memory_space<hbm>>
    tpu.enqueue_dma source(%arg8 : memref<448x128xf32, #tpu.memory_space<vmem>>) target(%dma_start3A_83 : memref<448x128xf32, #tpu.memory_space<hbm>>) target_semaphore(%arg12 : memref<!tpu.dma_semaphore, #tpu.memory_space<semaphore_mem>>)
    %dma_wait3A_84 = arith.constant 0 : i32
    %dma_wait3A_85 = tpu.memref_slice %arg4[%add3A_79, %dma_wait3A_84] : memref<114688x128xf32, #tpu.memory_space<hbm>> -> memref<448x128xf32, #tpu.memory_space<hbm>>
    %dma_wait3A_86 = arith.constant 0 : i32
    %dma_wait3A_87 = tpu.memref_slice %arg4[%add3A_79, %dma_wait3A_86] : memref<114688x128xf32, #tpu.memory_space<hbm>> -> memref<448x128xf32, #tpu.memory_space<hbm>>
    tpu.wait_dma2 semaphore(%arg12 : memref<!tpu.dma_semaphore, #tpu.memory_space<semaphore_mem>>) src(%arg8 : memref<448x128xf32, #tpu.memory_space<vmem>>) dst(%dma_wait3A_87 : memref<448x128xf32, #tpu.memory_space<hbm>>)
    %add3A_88 = arith.constant 344064 : i32
    %add3A_89 = arith.addi %add3A_88, %mul3A_2 : i32
    %add3A_90 = arith.constant 2240 : i32
    %add3A_91 = arith.addi %add3A_89, %add3A_90 : i32
    "tpu.region"() ({
      %run_scoped3A = tpu.sem_alloc : memref<!tpu.dma_semaphore, #tpu.memory_space<semaphore_mem>>
      %dma_start3A_161 = tpu.memref_slice %arg3[%add3A_91] : memref<917504xi32, #tpu.memory_space<hbm>> -> memref<448xi32, #tpu.memory_space<hbm>>
      %dma_start3A_162 = tpu.memref_slice %arg3[%add3A_91] : memref<917504xi32, #tpu.memory_space<hbm>> -> memref<448xi32, #tpu.memory_space<hbm>>
      tpu.enqueue_dma source(%dma_start3A_162 : memref<448xi32, #tpu.memory_space<hbm>>) target(%arg6 : memref<448xi32, #tpu.memory_space<vmem>>) target_semaphore(%run_scoped3A : memref<!tpu.dma_semaphore, #tpu.memory_space<semaphore_mem>>)
      %dma_wait3A_163 = tpu.memref_slice %arg3[%add3A_91] : memref<917504xi32, #tpu.memory_space<hbm>> -> memref<448xi32, #tpu.memory_space<hbm>>
      %dma_wait3A_164 = tpu.memref_slice %arg3[%add3A_91] : memref<917504xi32, #tpu.memory_space<hbm>> -> memref<448xi32, #tpu.memory_space<hbm>>
      tpu.wait_dma2 semaphore(%run_scoped3A : memref<!tpu.dma_semaphore, #tpu.memory_space<semaphore_mem>>) src(%dma_wait3A_164 : memref<448xi32, #tpu.memory_space<hbm>>) dst(%arg6 : memref<448xi32, #tpu.memory_space<vmem>>)
      tpu.yield
    }) : () -> ()
    %dma_start3A_92 = arith.constant 0 : i32
    %dma_start3A_93 = arith.constant 0 : i32
    %dma_start3A_94 = tpu.memref_slice %arg2[%dma_start3A_92, %dma_start3A_93] : memref<1000000x128xf32, #tpu.memory_space<hbm>> -> memref<1000000x128xf32, #tpu.memory_space<hbm>>
    tpu.enqueue_indirect_dma source(%dma_start3A_94 : memref<1000000x128xf32, #tpu.memory_space<hbm>>) target(%arg8 : memref<448x128xf32, #tpu.memory_space<vmem>>) offsets(%arg6 : memref<448xi32, #tpu.memory_space<vmem>>) semaphore(%arg10 : memref<!tpu.dma_semaphore, #tpu.memory_space<semaphore_mem>>)
    %dma_wait3A_95 = arith.constant 0 : i32
    %dma_wait3A_96 = arith.constant 0 : i32
    %dma_wait3A_97 = tpu.memref_slice %arg2[%dma_wait3A_95, %dma_wait3A_96] : memref<1000000x128xf32, #tpu.memory_space<hbm>> -> memref<1000000x128xf32, #tpu.memory_space<hbm>>
    tpu.wait_indirect_dma semaphore(%arg9 : memref<!tpu.dma_semaphore, #tpu.memory_space<semaphore_mem>>) src(%dma_wait3A_97 : memref<1000000x128xf32, #tpu.memory_space<hbm>>) dst(%arg7 : memref<448x128xf32, #tpu.memory_space<vmem>>)
    %add3A_98 = arith.constant 1792 : i32
    %add3A_99 = arith.addi %mul3A_2, %add3A_98 : i32
    %dma_start3A_100 = arith.constant 0 : i32
    %dma_start3A_101 = tpu.memref_slice %arg4[%add3A_99, %dma_start3A_100] : memref<114688x128xf32, #tpu.memory_space<hbm>> -> memref<448x128xf32, #tpu.memory_space<hbm>>
    %dma_start3A_102 = arith.constant 0 : i32
    %dma_start3A_103 = tpu.memref_slice %arg4[%add3A_99, %dma_start3A_102] : memref<114688x128xf32, #tpu.memory_space<hbm>> -> memref<448x128xf32, #tpu.memory_space<hbm>>
    tpu.enqueue_dma source(%arg7 : memref<448x128xf32, #tpu.memory_space<vmem>>) target(%dma_start3A_103 : memref<448x128xf32, #tpu.memory_space<hbm>>) target_semaphore(%arg11 : memref<!tpu.dma_semaphore, #tpu.memory_space<semaphore_mem>>)
    %dma_wait3A_104 = arith.constant 0 : i32
    %dma_wait3A_105 = tpu.memref_slice %arg4[%add3A_99, %dma_wait3A_104] : memref<114688x128xf32, #tpu.memory_space<hbm>> -> memref<448x128xf32, #tpu.memory_space<hbm>>
    %dma_wait3A_106 = arith.constant 0 : i32
    %dma_wait3A_107 = tpu.memref_slice %arg4[%add3A_99, %dma_wait3A_106] : memref<114688x128xf32, #tpu.memory_space<hbm>> -> memref<448x128xf32, #tpu.memory_space<hbm>>
    tpu.wait_dma2 semaphore(%arg11 : memref<!tpu.dma_semaphore, #tpu.memory_space<semaphore_mem>>) src(%arg7 : memref<448x128xf32, #tpu.memory_space<vmem>>) dst(%dma_wait3A_107 : memref<448x128xf32, #tpu.memory_space<hbm>>)
    %add3A_108 = arith.constant 344064 : i32
    %add3A_109 = arith.addi %add3A_108, %mul3A_2 : i32
    %add3A_110 = arith.constant 2688 : i32
    %add3A_111 = arith.addi %add3A_109, %add3A_110 : i32
    "tpu.region"() ({
      %run_scoped3A = tpu.sem_alloc : memref<!tpu.dma_semaphore, #tpu.memory_space<semaphore_mem>>
      %dma_start3A_161 = tpu.memref_slice %arg3[%add3A_111] : memref<917504xi32, #tpu.memory_space<hbm>> -> memref<448xi32, #tpu.memory_space<hbm>>
      %dma_start3A_162 = tpu.memref_slice %arg3[%add3A_111] : memref<917504xi32, #tpu.memory_space<hbm>> -> memref<448xi32, #tpu.memory_space<hbm>>
      tpu.enqueue_dma source(%dma_start3A_162 : memref<448xi32, #tpu.memory_space<hbm>>) target(%arg5 : memref<448xi32, #tpu.memory_space<vmem>>) target_semaphore(%run_scoped3A : memref<!tpu.dma_semaphore, #tpu.memory_space<semaphore_mem>>)
      %dma_wait3A_163 = tpu.memref_slice %arg3[%add3A_111] : memref<917504xi32, #tpu.memory_space<hbm>> -> memref<448xi32, #tpu.memory_space<hbm>>
      %dma_wait3A_164 = tpu.memref_slice %arg3[%add3A_111] : memref<917504xi32, #tpu.memory_space<hbm>> -> memref<448xi32, #tpu.memory_space<hbm>>
      tpu.wait_dma2 semaphore(%run_scoped3A : memref<!tpu.dma_semaphore, #tpu.memory_space<semaphore_mem>>) src(%dma_wait3A_164 : memref<448xi32, #tpu.memory_space<hbm>>) dst(%arg5 : memref<448xi32, #tpu.memory_space<vmem>>)
      tpu.yield
    }) : () -> ()
    %dma_start3A_112 = arith.constant 0 : i32
    %dma_start3A_113 = arith.constant 0 : i32
    %dma_start3A_114 = tpu.memref_slice %arg2[%dma_start3A_112, %dma_start3A_113] : memref<1000000x128xf32, #tpu.memory_space<hbm>> -> memref<1000000x128xf32, #tpu.memory_space<hbm>>
    tpu.enqueue_indirect_dma source(%dma_start3A_114 : memref<1000000x128xf32, #tpu.memory_space<hbm>>) target(%arg7 : memref<448x128xf32, #tpu.memory_space<vmem>>) offsets(%arg5 : memref<448xi32, #tpu.memory_space<vmem>>) semaphore(%arg9 : memref<!tpu.dma_semaphore, #tpu.memory_space<semaphore_mem>>)
    %dma_wait3A_115 = arith.constant 0 : i32
    %dma_wait3A_116 = arith.constant 0 : i32
    %dma_wait3A_117 = tpu.memref_slice %arg2[%dma_wait3A_115, %dma_wait3A_116] : memref<1000000x128xf32, #tpu.memory_space<hbm>> -> memref<1000000x128xf32, #tpu.memory_space<hbm>>
    tpu.wait_indirect_dma semaphore(%arg10 : memref<!tpu.dma_semaphore, #tpu.memory_space<semaphore_mem>>) src(%dma_wait3A_117 : memref<1000000x128xf32, #tpu.memory_space<hbm>>) dst(%arg8 : memref<448x128xf32, #tpu.memory_space<vmem>>)
    %add3A_118 = arith.constant 2240 : i32
    %add3A_119 = arith.addi %mul3A_2, %add3A_118 : i32
    %dma_start3A_120 = arith.constant 0 : i32
    %dma_start3A_121 = tpu.memref_slice %arg4[%add3A_119, %dma_start3A_120] : memref<114688x128xf32, #tpu.memory_space<hbm>> -> memref<448x128xf32, #tpu.memory_space<hbm>>
    %dma_start3A_122 = arith.constant 0 : i32
    %dma_start3A_123 = tpu.memref_slice %arg4[%add3A_119, %dma_start3A_122] : memref<114688x128xf32, #tpu.memory_space<hbm>> -> memref<448x128xf32, #tpu.memory_space<hbm>>
    tpu.enqueue_dma source(%arg8 : memref<448x128xf32, #tpu.memory_space<vmem>>) target(%dma_start3A_123 : memref<448x128xf32, #tpu.memory_space<hbm>>) target_semaphore(%arg12 : memref<!tpu.dma_semaphore, #tpu.memory_space<semaphore_mem>>)
    %dma_wait3A_124 = arith.constant 0 : i32
    %dma_wait3A_125 = tpu.memref_slice %arg4[%add3A_119, %dma_wait3A_124] : memref<114688x128xf32, #tpu.memory_space<hbm>> -> memref<448x128xf32, #tpu.memory_space<hbm>>
    %dma_wait3A_126 = arith.constant 0 : i32
    %dma_wait3A_127 = tpu.memref_slice %arg4[%add3A_119, %dma_wait3A_126] : memref<114688x128xf32, #tpu.memory_space<hbm>> -> memref<448x128xf32, #tpu.memory_space<hbm>>
    tpu.wait_dma2 semaphore(%arg12 : memref<!tpu.dma_semaphore, #tpu.memory_space<semaphore_mem>>) src(%arg8 : memref<448x128xf32, #tpu.memory_space<vmem>>) dst(%dma_wait3A_127 : memref<448x128xf32, #tpu.memory_space<hbm>>)
    %add3A_128 = arith.constant 344064 : i32
    %add3A_129 = arith.addi %add3A_128, %mul3A_2 : i32
    %add3A_130 = arith.constant 3136 : i32
    %add3A_131 = arith.addi %add3A_129, %add3A_130 : i32
    "tpu.region"() ({
      %run_scoped3A = tpu.sem_alloc : memref<!tpu.dma_semaphore, #tpu.memory_space<semaphore_mem>>
      %dma_start3A_161 = tpu.memref_slice %arg3[%add3A_131] : memref<917504xi32, #tpu.memory_space<hbm>> -> memref<448xi32, #tpu.memory_space<hbm>>
      %dma_start3A_162 = tpu.memref_slice %arg3[%add3A_131] : memref<917504xi32, #tpu.memory_space<hbm>> -> memref<448xi32, #tpu.memory_space<hbm>>
      tpu.enqueue_dma source(%dma_start3A_162 : memref<448xi32, #tpu.memory_space<hbm>>) target(%arg6 : memref<448xi32, #tpu.memory_space<vmem>>) target_semaphore(%run_scoped3A : memref<!tpu.dma_semaphore, #tpu.memory_space<semaphore_mem>>)
      %dma_wait3A_163 = tpu.memref_slice %arg3[%add3A_131] : memref<917504xi32, #tpu.memory_space<hbm>> -> memref<448xi32, #tpu.memory_space<hbm>>
      %dma_wait3A_164 = tpu.memref_slice %arg3[%add3A_131] : memref<917504xi32, #tpu.memory_space<hbm>> -> memref<448xi32, #tpu.memory_space<hbm>>
      tpu.wait_dma2 semaphore(%run_scoped3A : memref<!tpu.dma_semaphore, #tpu.memory_space<semaphore_mem>>) src(%dma_wait3A_164 : memref<448xi32, #tpu.memory_space<hbm>>) dst(%arg6 : memref<448xi32, #tpu.memory_space<vmem>>)
      tpu.yield
    }) : () -> ()
    %dma_start3A_132 = arith.constant 0 : i32
    %dma_start3A_133 = arith.constant 0 : i32
    %dma_start3A_134 = tpu.memref_slice %arg2[%dma_start3A_132, %dma_start3A_133] : memref<1000000x128xf32, #tpu.memory_space<hbm>> -> memref<1000000x128xf32, #tpu.memory_space<hbm>>
    tpu.enqueue_indirect_dma source(%dma_start3A_134 : memref<1000000x128xf32, #tpu.memory_space<hbm>>) target(%arg8 : memref<448x128xf32, #tpu.memory_space<vmem>>) offsets(%arg6 : memref<448xi32, #tpu.memory_space<vmem>>) semaphore(%arg10 : memref<!tpu.dma_semaphore, #tpu.memory_space<semaphore_mem>>)
    %dma_wait3A_135 = arith.constant 0 : i32
    %dma_wait3A_136 = arith.constant 0 : i32
    %dma_wait3A_137 = tpu.memref_slice %arg2[%dma_wait3A_135, %dma_wait3A_136] : memref<1000000x128xf32, #tpu.memory_space<hbm>> -> memref<1000000x128xf32, #tpu.memory_space<hbm>>
    tpu.wait_indirect_dma semaphore(%arg9 : memref<!tpu.dma_semaphore, #tpu.memory_space<semaphore_mem>>) src(%dma_wait3A_137 : memref<1000000x128xf32, #tpu.memory_space<hbm>>) dst(%arg7 : memref<448x128xf32, #tpu.memory_space<vmem>>)
    %add3A_138 = arith.constant 2688 : i32
    %add3A_139 = arith.addi %mul3A_2, %add3A_138 : i32
    %dma_start3A_140 = arith.constant 0 : i32
    %dma_start3A_141 = tpu.memref_slice %arg4[%add3A_139, %dma_start3A_140] : memref<114688x128xf32, #tpu.memory_space<hbm>> -> memref<448x128xf32, #tpu.memory_space<hbm>>
    %dma_start3A_142 = arith.constant 0 : i32
    %dma_start3A_143 = tpu.memref_slice %arg4[%add3A_139, %dma_start3A_142] : memref<114688x128xf32, #tpu.memory_space<hbm>> -> memref<448x128xf32, #tpu.memory_space<hbm>>
    tpu.enqueue_dma source(%arg7 : memref<448x128xf32, #tpu.memory_space<vmem>>) target(%dma_start3A_143 : memref<448x128xf32, #tpu.memory_space<hbm>>) target_semaphore(%arg11 : memref<!tpu.dma_semaphore, #tpu.memory_space<semaphore_mem>>)
    %dma_wait3A_144 = arith.constant 0 : i32
    %dma_wait3A_145 = arith.constant 0 : i32
    %dma_wait3A_146 = tpu.memref_slice %arg2[%dma_wait3A_144, %dma_wait3A_145] : memref<1000000x128xf32, #tpu.memory_space<hbm>> -> memref<1000000x128xf32, #tpu.memory_space<hbm>>
    tpu.wait_indirect_dma semaphore(%arg10 : memref<!tpu.dma_semaphore, #tpu.memory_space<semaphore_mem>>) src(%dma_wait3A_146 : memref<1000000x128xf32, #tpu.memory_space<hbm>>) dst(%arg8 : memref<448x128xf32, #tpu.memory_space<vmem>>)
    %add3A_147 = arith.constant 3136 : i32
    %add3A_148 = arith.addi %mul3A_2, %add3A_147 : i32
    %dma_start3A_149 = arith.constant 0 : i32
    %dma_start3A_150 = tpu.memref_slice %arg4[%add3A_148, %dma_start3A_149] : memref<114688x128xf32, #tpu.memory_space<hbm>> -> memref<448x128xf32, #tpu.memory_space<hbm>>
    %dma_start3A_151 = arith.constant 0 : i32
    %dma_start3A_152 = tpu.memref_slice %arg4[%add3A_148, %dma_start3A_151] : memref<114688x128xf32, #tpu.memory_space<hbm>> -> memref<448x128xf32, #tpu.memory_space<hbm>>
    tpu.enqueue_dma source(%arg8 : memref<448x128xf32, #tpu.memory_space<vmem>>) target(%dma_start3A_152 : memref<448x128xf32, #tpu.memory_space<hbm>>) target_semaphore(%arg12 : memref<!tpu.dma_semaphore, #tpu.memory_space<semaphore_mem>>)
    %dma_wait3A_153 = arith.constant 0 : i32
    %dma_wait3A_154 = tpu.memref_slice %arg4[%add3A_139, %dma_wait3A_153] : memref<114688x128xf32, #tpu.memory_space<hbm>> -> memref<448x128xf32, #tpu.memory_space<hbm>>
    %dma_wait3A_155 = arith.constant 0 : i32
    %dma_wait3A_156 = tpu.memref_slice %arg4[%add3A_139, %dma_wait3A_155] : memref<114688x128xf32, #tpu.memory_space<hbm>> -> memref<448x128xf32, #tpu.memory_space<hbm>>
    tpu.wait_dma2 semaphore(%arg11 : memref<!tpu.dma_semaphore, #tpu.memory_space<semaphore_mem>>) src(%arg7 : memref<448x128xf32, #tpu.memory_space<vmem>>) dst(%dma_wait3A_156 : memref<448x128xf32, #tpu.memory_space<hbm>>)
    %dma_wait3A_157 = arith.constant 0 : i32
    %dma_wait3A_158 = tpu.memref_slice %arg4[%add3A_148, %dma_wait3A_157] : memref<114688x128xf32, #tpu.memory_space<hbm>> -> memref<448x128xf32, #tpu.memory_space<hbm>>
    %dma_wait3A_159 = arith.constant 0 : i32
    %dma_wait3A_160 = tpu.memref_slice %arg4[%add3A_148, %dma_wait3A_159] : memref<114688x128xf32, #tpu.memory_space<hbm>> -> memref<448x128xf32, #tpu.memory_space<hbm>>
    tpu.wait_dma2 semaphore(%arg12 : memref<!tpu.dma_semaphore, #tpu.memory_space<semaphore_mem>>) src(%arg8 : memref<448x128xf32, #tpu.memory_space<vmem>>) dst(%dma_wait3A_160 : memref<448x128xf32, #tpu.memory_space<hbm>>)
    return
  }
}

#map = affine_map<(d0, d1) -> (0, 0)>
#map1 = affine_map<(d0, d1) -> (0)>
module attributes {stable_mosaic.version = 14 : i64} {
  func.func @gather_kernel(%arg0: i32, %arg1: i32, %arg2: memref<1000000x128xf32, #tpu.memory_space<hbm>>, %arg3: memref<917504xi32, #tpu.memory_space<hbm>>, %arg4: memref<114688x128xf32, #tpu.memory_space<hbm>>, %arg5: memref<448xi32, #tpu.memory_space<vmem>>, %arg6: memref<448xi32, #tpu.memory_space<vmem>>, %arg7: memref<448x128xf32, #tpu.memory_space<vmem>>, %arg8: memref<448x128xf32, #tpu.memory_space<vmem>>, %arg9: memref<!tpu.dma_semaphore, #tpu.memory_space<semaphore_mem>>, %arg10: memref<!tpu.dma_semaphore, #tpu.memory_space<semaphore_mem>>, %arg11: memref<!tpu.dma_semaphore, #tpu.memory_space<semaphore_mem>>, %arg12: memref<!tpu.dma_semaphore, #tpu.memory_space<semaphore_mem>>) attributes {dimension_semantics = [#tpu.dimension_semantics<core_parallel>, #tpu.dimension_semantics<subcore_parallel>], iteration_bounds = array<i64: 2, 16>, scalar_prefetch = 0 : i64, scratch_operands = 8 : i64, tpu.core_type = #tpu.core_type<sc_vector_subcore>, window_params = [{transform_indices = #map}, {transform_indices = #map1}, {transform_indices = #map}]} {
    %mul3A = arith.constant 2 : i32
    %mul3A_0 = arith.muli %arg1, %mul3A : i32
    %add3A = arith.addi %mul3A_0, %arg0 : i32
    %mul3A_1 = arith.constant 3584 : i32
    %mul3A_2 = arith.muli %add3A, %mul3A_1 : i32
    %add3A_3 = arith.constant 229376 : i32
    %add3A_4 = arith.addi %add3A_3, %mul3A_2 : i32
    %add3A_5 = arith.constant 0 : i32
    %add3A_6 = arith.addi %add3A_4, %add3A_5 : i32
    "tpu.region"() ({
      %run_scoped3A = tpu.sem_alloc : memref<!tpu.dma_semaphore, #tpu.memory_space<semaphore_mem>>
      %dma_start3A_161 = tpu.memref_slice %arg3[%add3A_6] : memref<917504xi32, #tpu.memory_space<hbm>> -> memref<448xi32, #tpu.memory_space<hbm>>
      %dma_start3A_162 = tpu.memref_slice %arg3[%add3A_6] : memref<917504xi32, #tpu.memory_space<hbm>> -> memref<448xi32, #tpu.memory_space<hbm>>
      tpu.enqueue_dma source(%dma_start3A_162 : memref<448xi32, #tpu.memory_space<hbm>>) target(%arg5 : memref<448xi32, #tpu.memory_space<vmem>>) target_semaphore(%run_scoped3A : memref<!tpu.dma_semaphore, #tpu.memory_space<semaphore_mem>>)
      %dma_wait3A_163 = tpu.memref_slice %arg3[%add3A_6] : memref<917504xi32, #tpu.memory_space<hbm>> -> memref<448xi32, #tpu.memory_space<hbm>>
      %dma_wait3A_164 = tpu.memref_slice %arg3[%add3A_6] : memref<917504xi32, #tpu.memory_space<hbm>> -> memref<448xi32, #tpu.memory_space<hbm>>
      tpu.wait_dma2 semaphore(%run_scoped3A : memref<!tpu.dma_semaphore, #tpu.memory_space<semaphore_mem>>) src(%dma_wait3A_164 : memref<448xi32, #tpu.memory_space<hbm>>) dst(%arg5 : memref<448xi32, #tpu.memory_space<vmem>>)
      tpu.yield
    }) : () -> ()
    %dma_start3A = arith.constant 0 : i32
    %dma_start3A_7 = arith.constant 0 : i32
    %dma_start3A_8 = tpu.memref_slice %arg2[%dma_start3A, %dma_start3A_7] : memref<1000000x128xf32, #tpu.memory_space<hbm>> -> memref<1000000x128xf32, #tpu.memory_space<hbm>>
    tpu.enqueue_indirect_dma source(%dma_start3A_8 : memref<1000000x128xf32, #tpu.memory_space<hbm>>) target(%arg7 : memref<448x128xf32, #tpu.memory_space<vmem>>) offsets(%arg5 : memref<448xi32, #tpu.memory_space<vmem>>) semaphore(%arg9 : memref<!tpu.dma_semaphore, #tpu.memory_space<semaphore_mem>>)
    %add3A_9 = arith.constant 229376 : i32
    %add3A_10 = arith.addi %add3A_9, %mul3A_2 : i32
    %add3A_11 = arith.constant 448 : i32
    %add3A_12 = arith.addi %add3A_10, %add3A_11 : i32
    "tpu.region"() ({
      %run_scoped3A = tpu.sem_alloc : memref<!tpu.dma_semaphore, #tpu.memory_space<semaphore_mem>>
      %dma_start3A_161 = tpu.memref_slice %arg3[%add3A_12] : memref<917504xi32, #tpu.memory_space<hbm>> -> memref<448xi32, #tpu.memory_space<hbm>>
      %dma_start3A_162 = tpu.memref_slice %arg3[%add3A_12] : memref<917504xi32, #tpu.memory_space<hbm>> -> memref<448xi32, #tpu.memory_space<hbm>>
      tpu.enqueue_dma source(%dma_start3A_162 : memref<448xi32, #tpu.memory_space<hbm>>) target(%arg6 : memref<448xi32, #tpu.memory_space<vmem>>) target_semaphore(%run_scoped3A : memref<!tpu.dma_semaphore, #tpu.memory_space<semaphore_mem>>)
      %dma_wait3A_163 = tpu.memref_slice %arg3[%add3A_12] : memref<917504xi32, #tpu.memory_space<hbm>> -> memref<448xi32, #tpu.memory_space<hbm>>
      %dma_wait3A_164 = tpu.memref_slice %arg3[%add3A_12] : memref<917504xi32, #tpu.memory_space<hbm>> -> memref<448xi32, #tpu.memory_space<hbm>>
      tpu.wait_dma2 semaphore(%run_scoped3A : memref<!tpu.dma_semaphore, #tpu.memory_space<semaphore_mem>>) src(%dma_wait3A_164 : memref<448xi32, #tpu.memory_space<hbm>>) dst(%arg6 : memref<448xi32, #tpu.memory_space<vmem>>)
      tpu.yield
    }) : () -> ()
    %dma_start3A_13 = arith.constant 0 : i32
    %dma_start3A_14 = arith.constant 0 : i32
    %dma_start3A_15 = tpu.memref_slice %arg2[%dma_start3A_13, %dma_start3A_14] : memref<1000000x128xf32, #tpu.memory_space<hbm>> -> memref<1000000x128xf32, #tpu.memory_space<hbm>>
    tpu.enqueue_indirect_dma source(%dma_start3A_15 : memref<1000000x128xf32, #tpu.memory_space<hbm>>) target(%arg8 : memref<448x128xf32, #tpu.memory_space<vmem>>) offsets(%arg6 : memref<448xi32, #tpu.memory_space<vmem>>) semaphore(%arg10 : memref<!tpu.dma_semaphore, #tpu.memory_space<semaphore_mem>>)
    %dma_wait3A = arith.constant 0 : i32
    %dma_wait3A_16 = arith.constant 0 : i32
    %dma_wait3A_17 = tpu.memref_slice %arg2[%dma_wait3A, %dma_wait3A_16] : memref<1000000x128xf32, #tpu.memory_space<hbm>> -> memref<1000000x128xf32, #tpu.memory_space<hbm>>
    tpu.wait_indirect_dma semaphore(%arg9 : memref<!tpu.dma_semaphore, #tpu.memory_space<semaphore_mem>>) src(%dma_wait3A_17 : memref<1000000x128xf32, #tpu.memory_space<hbm>>) dst(%arg7 : memref<448x128xf32, #tpu.memory_space<vmem>>)
    %add3A_18 = arith.constant 0 : i32
    %add3A_19 = arith.addi %mul3A_2, %add3A_18 : i32
    %dma_start3A_20 = arith.constant 0 : i32
    %dma_start3A_21 = tpu.memref_slice %arg4[%add3A_19, %dma_start3A_20] : memref<114688x128xf32, #tpu.memory_space<hbm>> -> memref<448x128xf32, #tpu.memory_space<hbm>>
    %dma_start3A_22 = arith.constant 0 : i32
    %dma_start3A_23 = tpu.memref_slice %arg4[%add3A_19, %dma_start3A_22] : memref<114688x128xf32, #tpu.memory_space<hbm>> -> memref<448x128xf32, #tpu.memory_space<hbm>>
    tpu.enqueue_dma source(%arg7 : memref<448x128xf32, #tpu.memory_space<vmem>>) target(%dma_start3A_23 : memref<448x128xf32, #tpu.memory_space<hbm>>) target_semaphore(%arg11 : memref<!tpu.dma_semaphore, #tpu.memory_space<semaphore_mem>>)
    %dma_wait3A_24 = arith.constant 0 : i32
    %dma_wait3A_25 = tpu.memref_slice %arg4[%add3A_19, %dma_wait3A_24] : memref<114688x128xf32, #tpu.memory_space<hbm>> -> memref<448x128xf32, #tpu.memory_space<hbm>>
    %dma_wait3A_26 = arith.constant 0 : i32
    %dma_wait3A_27 = tpu.memref_slice %arg4[%add3A_19, %dma_wait3A_26] : memref<114688x128xf32, #tpu.memory_space<hbm>> -> memref<448x128xf32, #tpu.memory_space<hbm>>
    tpu.wait_dma2 semaphore(%arg11 : memref<!tpu.dma_semaphore, #tpu.memory_space<semaphore_mem>>) src(%arg7 : memref<448x128xf32, #tpu.memory_space<vmem>>) dst(%dma_wait3A_27 : memref<448x128xf32, #tpu.memory_space<hbm>>)
    %add3A_28 = arith.constant 229376 : i32
    %add3A_29 = arith.addi %add3A_28, %mul3A_2 : i32
    %add3A_30 = arith.constant 896 : i32
    %add3A_31 = arith.addi %add3A_29, %add3A_30 : i32
    "tpu.region"() ({
      %run_scoped3A = tpu.sem_alloc : memref<!tpu.dma_semaphore, #tpu.memory_space<semaphore_mem>>
      %dma_start3A_161 = tpu.memref_slice %arg3[%add3A_31] : memref<917504xi32, #tpu.memory_space<hbm>> -> memref<448xi32, #tpu.memory_space<hbm>>
      %dma_start3A_162 = tpu.memref_slice %arg3[%add3A_31] : memref<917504xi32, #tpu.memory_space<hbm>> -> memref<448xi32, #tpu.memory_space<hbm>>
      tpu.enqueue_dma source(%dma_start3A_162 : memref<448xi32, #tpu.memory_space<hbm>>) target(%arg5 : memref<448xi32, #tpu.memory_space<vmem>>) target_semaphore(%run_scoped3A : memref<!tpu.dma_semaphore, #tpu.memory_space<semaphore_mem>>)
      %dma_wait3A_163 = tpu.memref_slice %arg3[%add3A_31] : memref<917504xi32, #tpu.memory_space<hbm>> -> memref<448xi32, #tpu.memory_space<hbm>>
      %dma_wait3A_164 = tpu.memref_slice %arg3[%add3A_31] : memref<917504xi32, #tpu.memory_space<hbm>> -> memref<448xi32, #tpu.memory_space<hbm>>
      tpu.wait_dma2 semaphore(%run_scoped3A : memref<!tpu.dma_semaphore, #tpu.memory_space<semaphore_mem>>) src(%dma_wait3A_164 : memref<448xi32, #tpu.memory_space<hbm>>) dst(%arg5 : memref<448xi32, #tpu.memory_space<vmem>>)
      tpu.yield
    }) : () -> ()
    %dma_start3A_32 = arith.constant 0 : i32
    %dma_start3A_33 = arith.constant 0 : i32
    %dma_start3A_34 = tpu.memref_slice %arg2[%dma_start3A_32, %dma_start3A_33] : memref<1000000x128xf32, #tpu.memory_space<hbm>> -> memref<1000000x128xf32, #tpu.memory_space<hbm>>
    tpu.enqueue_indirect_dma source(%dma_start3A_34 : memref<1000000x128xf32, #tpu.memory_space<hbm>>) target(%arg7 : memref<448x128xf32, #tpu.memory_space<vmem>>) offsets(%arg5 : memref<448xi32, #tpu.memory_space<vmem>>) semaphore(%arg9 : memref<!tpu.dma_semaphore, #tpu.memory_space<semaphore_mem>>)
    %dma_wait3A_35 = arith.constant 0 : i32
    %dma_wait3A_36 = arith.constant 0 : i32
    %dma_wait3A_37 = tpu.memref_slice %arg2[%dma_wait3A_35, %dma_wait3A_36] : memref<1000000x128xf32, #tpu.memory_space<hbm>> -> memref<1000000x128xf32, #tpu.memory_space<hbm>>
    tpu.wait_indirect_dma semaphore(%arg10 : memref<!tpu.dma_semaphore, #tpu.memory_space<semaphore_mem>>) src(%dma_wait3A_37 : memref<1000000x128xf32, #tpu.memory_space<hbm>>) dst(%arg8 : memref<448x128xf32, #tpu.memory_space<vmem>>)
    %add3A_38 = arith.constant 448 : i32
    %add3A_39 = arith.addi %mul3A_2, %add3A_38 : i32
    %dma_start3A_40 = arith.constant 0 : i32
    %dma_start3A_41 = tpu.memref_slice %arg4[%add3A_39, %dma_start3A_40] : memref<114688x128xf32, #tpu.memory_space<hbm>> -> memref<448x128xf32, #tpu.memory_space<hbm>>
    %dma_start3A_42 = arith.constant 0 : i32
    %dma_start3A_43 = tpu.memref_slice %arg4[%add3A_39, %dma_start3A_42] : memref<114688x128xf32, #tpu.memory_space<hbm>> -> memref<448x128xf32, #tpu.memory_space<hbm>>
    tpu.enqueue_dma source(%arg8 : memref<448x128xf32, #tpu.memory_space<vmem>>) target(%dma_start3A_43 : memref<448x128xf32, #tpu.memory_space<hbm>>) target_semaphore(%arg12 : memref<!tpu.dma_semaphore, #tpu.memory_space<semaphore_mem>>)
    %dma_wait3A_44 = arith.constant 0 : i32
    %dma_wait3A_45 = tpu.memref_slice %arg4[%add3A_39, %dma_wait3A_44] : memref<114688x128xf32, #tpu.memory_space<hbm>> -> memref<448x128xf32, #tpu.memory_space<hbm>>
    %dma_wait3A_46 = arith.constant 0 : i32
    %dma_wait3A_47 = tpu.memref_slice %arg4[%add3A_39, %dma_wait3A_46] : memref<114688x128xf32, #tpu.memory_space<hbm>> -> memref<448x128xf32, #tpu.memory_space<hbm>>
    tpu.wait_dma2 semaphore(%arg12 : memref<!tpu.dma_semaphore, #tpu.memory_space<semaphore_mem>>) src(%arg8 : memref<448x128xf32, #tpu.memory_space<vmem>>) dst(%dma_wait3A_47 : memref<448x128xf32, #tpu.memory_space<hbm>>)
    %add3A_48 = arith.constant 229376 : i32
    %add3A_49 = arith.addi %add3A_48, %mul3A_2 : i32
    %add3A_50 = arith.constant 1344 : i32
    %add3A_51 = arith.addi %add3A_49, %add3A_50 : i32
    "tpu.region"() ({
      %run_scoped3A = tpu.sem_alloc : memref<!tpu.dma_semaphore, #tpu.memory_space<semaphore_mem>>
      %dma_start3A_161 = tpu.memref_slice %arg3[%add3A_51] : memref<917504xi32, #tpu.memory_space<hbm>> -> memref<448xi32, #tpu.memory_space<hbm>>
      %dma_start3A_162 = tpu.memref_slice %arg3[%add3A_51] : memref<917504xi32, #tpu.memory_space<hbm>> -> memref<448xi32, #tpu.memory_space<hbm>>
      tpu.enqueue_dma source(%dma_start3A_162 : memref<448xi32, #tpu.memory_space<hbm>>) target(%arg6 : memref<448xi32, #tpu.memory_space<vmem>>) target_semaphore(%run_scoped3A : memref<!tpu.dma_semaphore, #tpu.memory_space<semaphore_mem>>)
      %dma_wait3A_163 = tpu.memref_slice %arg3[%add3A_51] : memref<917504xi32, #tpu.memory_space<hbm>> -> memref<448xi32, #tpu.memory_space<hbm>>
      %dma_wait3A_164 = tpu.memref_slice %arg3[%add3A_51] : memref<917504xi32, #tpu.memory_space<hbm>> -> memref<448xi32, #tpu.memory_space<hbm>>
      tpu.wait_dma2 semaphore(%run_scoped3A : memref<!tpu.dma_semaphore, #tpu.memory_space<semaphore_mem>>) src(%dma_wait3A_164 : memref<448xi32, #tpu.memory_space<hbm>>) dst(%arg6 : memref<448xi32, #tpu.memory_space<vmem>>)
      tpu.yield
    }) : () -> ()
    %dma_start3A_52 = arith.constant 0 : i32
    %dma_start3A_53 = arith.constant 0 : i32
    %dma_start3A_54 = tpu.memref_slice %arg2[%dma_start3A_52, %dma_start3A_53] : memref<1000000x128xf32, #tpu.memory_space<hbm>> -> memref<1000000x128xf32, #tpu.memory_space<hbm>>
    tpu.enqueue_indirect_dma source(%dma_start3A_54 : memref<1000000x128xf32, #tpu.memory_space<hbm>>) target(%arg8 : memref<448x128xf32, #tpu.memory_space<vmem>>) offsets(%arg6 : memref<448xi32, #tpu.memory_space<vmem>>) semaphore(%arg10 : memref<!tpu.dma_semaphore, #tpu.memory_space<semaphore_mem>>)
    %dma_wait3A_55 = arith.constant 0 : i32
    %dma_wait3A_56 = arith.constant 0 : i32
    %dma_wait3A_57 = tpu.memref_slice %arg2[%dma_wait3A_55, %dma_wait3A_56] : memref<1000000x128xf32, #tpu.memory_space<hbm>> -> memref<1000000x128xf32, #tpu.memory_space<hbm>>
    tpu.wait_indirect_dma semaphore(%arg9 : memref<!tpu.dma_semaphore, #tpu.memory_space<semaphore_mem>>) src(%dma_wait3A_57 : memref<1000000x128xf32, #tpu.memory_space<hbm>>) dst(%arg7 : memref<448x128xf32, #tpu.memory_space<vmem>>)
    %add3A_58 = arith.constant 896 : i32
    %add3A_59 = arith.addi %mul3A_2, %add3A_58 : i32
    %dma_start3A_60 = arith.constant 0 : i32
    %dma_start3A_61 = tpu.memref_slice %arg4[%add3A_59, %dma_start3A_60] : memref<114688x128xf32, #tpu.memory_space<hbm>> -> memref<448x128xf32, #tpu.memory_space<hbm>>
    %dma_start3A_62 = arith.constant 0 : i32
    %dma_start3A_63 = tpu.memref_slice %arg4[%add3A_59, %dma_start3A_62] : memref<114688x128xf32, #tpu.memory_space<hbm>> -> memref<448x128xf32, #tpu.memory_space<hbm>>
    tpu.enqueue_dma source(%arg7 : memref<448x128xf32, #tpu.memory_space<vmem>>) target(%dma_start3A_63 : memref<448x128xf32, #tpu.memory_space<hbm>>) target_semaphore(%arg11 : memref<!tpu.dma_semaphore, #tpu.memory_space<semaphore_mem>>)
    %dma_wait3A_64 = arith.constant 0 : i32
    %dma_wait3A_65 = tpu.memref_slice %arg4[%add3A_59, %dma_wait3A_64] : memref<114688x128xf32, #tpu.memory_space<hbm>> -> memref<448x128xf32, #tpu.memory_space<hbm>>
    %dma_wait3A_66 = arith.constant 0 : i32
    %dma_wait3A_67 = tpu.memref_slice %arg4[%add3A_59, %dma_wait3A_66] : memref<114688x128xf32, #tpu.memory_space<hbm>> -> memref<448x128xf32, #tpu.memory_space<hbm>>
    tpu.wait_dma2 semaphore(%arg11 : memref<!tpu.dma_semaphore, #tpu.memory_space<semaphore_mem>>) src(%arg7 : memref<448x128xf32, #tpu.memory_space<vmem>>) dst(%dma_wait3A_67 : memref<448x128xf32, #tpu.memory_space<hbm>>)
    %add3A_68 = arith.constant 229376 : i32
    %add3A_69 = arith.addi %add3A_68, %mul3A_2 : i32
    %add3A_70 = arith.constant 1792 : i32
    %add3A_71 = arith.addi %add3A_69, %add3A_70 : i32
    "tpu.region"() ({
      %run_scoped3A = tpu.sem_alloc : memref<!tpu.dma_semaphore, #tpu.memory_space<semaphore_mem>>
      %dma_start3A_161 = tpu.memref_slice %arg3[%add3A_71] : memref<917504xi32, #tpu.memory_space<hbm>> -> memref<448xi32, #tpu.memory_space<hbm>>
      %dma_start3A_162 = tpu.memref_slice %arg3[%add3A_71] : memref<917504xi32, #tpu.memory_space<hbm>> -> memref<448xi32, #tpu.memory_space<hbm>>
      tpu.enqueue_dma source(%dma_start3A_162 : memref<448xi32, #tpu.memory_space<hbm>>) target(%arg5 : memref<448xi32, #tpu.memory_space<vmem>>) target_semaphore(%run_scoped3A : memref<!tpu.dma_semaphore, #tpu.memory_space<semaphore_mem>>)
      %dma_wait3A_163 = tpu.memref_slice %arg3[%add3A_71] : memref<917504xi32, #tpu.memory_space<hbm>> -> memref<448xi32, #tpu.memory_space<hbm>>
      %dma_wait3A_164 = tpu.memref_slice %arg3[%add3A_71] : memref<917504xi32, #tpu.memory_space<hbm>> -> memref<448xi32, #tpu.memory_space<hbm>>
      tpu.wait_dma2 semaphore(%run_scoped3A : memref<!tpu.dma_semaphore, #tpu.memory_space<semaphore_mem>>) src(%dma_wait3A_164 : memref<448xi32, #tpu.memory_space<hbm>>) dst(%arg5 : memref<448xi32, #tpu.memory_space<vmem>>)
      tpu.yield
    }) : () -> ()
    %dma_start3A_72 = arith.constant 0 : i32
    %dma_start3A_73 = arith.constant 0 : i32
    %dma_start3A_74 = tpu.memref_slice %arg2[%dma_start3A_72, %dma_start3A_73] : memref<1000000x128xf32, #tpu.memory_space<hbm>> -> memref<1000000x128xf32, #tpu.memory_space<hbm>>
    tpu.enqueue_indirect_dma source(%dma_start3A_74 : memref<1000000x128xf32, #tpu.memory_space<hbm>>) target(%arg7 : memref<448x128xf32, #tpu.memory_space<vmem>>) offsets(%arg5 : memref<448xi32, #tpu.memory_space<vmem>>) semaphore(%arg9 : memref<!tpu.dma_semaphore, #tpu.memory_space<semaphore_mem>>)
    %dma_wait3A_75 = arith.constant 0 : i32
    %dma_wait3A_76 = arith.constant 0 : i32
    %dma_wait3A_77 = tpu.memref_slice %arg2[%dma_wait3A_75, %dma_wait3A_76] : memref<1000000x128xf32, #tpu.memory_space<hbm>> -> memref<1000000x128xf32, #tpu.memory_space<hbm>>
    tpu.wait_indirect_dma semaphore(%arg10 : memref<!tpu.dma_semaphore, #tpu.memory_space<semaphore_mem>>) src(%dma_wait3A_77 : memref<1000000x128xf32, #tpu.memory_space<hbm>>) dst(%arg8 : memref<448x128xf32, #tpu.memory_space<vmem>>)
    %add3A_78 = arith.constant 1344 : i32
    %add3A_79 = arith.addi %mul3A_2, %add3A_78 : i32
    %dma_start3A_80 = arith.constant 0 : i32
    %dma_start3A_81 = tpu.memref_slice %arg4[%add3A_79, %dma_start3A_80] : memref<114688x128xf32, #tpu.memory_space<hbm>> -> memref<448x128xf32, #tpu.memory_space<hbm>>
    %dma_start3A_82 = arith.constant 0 : i32
    %dma_start3A_83 = tpu.memref_slice %arg4[%add3A_79, %dma_start3A_82] : memref<114688x128xf32, #tpu.memory_space<hbm>> -> memref<448x128xf32, #tpu.memory_space<hbm>>
    tpu.enqueue_dma source(%arg8 : memref<448x128xf32, #tpu.memory_space<vmem>>) target(%dma_start3A_83 : memref<448x128xf32, #tpu.memory_space<hbm>>) target_semaphore(%arg12 : memref<!tpu.dma_semaphore, #tpu.memory_space<semaphore_mem>>)
    %dma_wait3A_84 = arith.constant 0 : i32
    %dma_wait3A_85 = tpu.memref_slice %arg4[%add3A_79, %dma_wait3A_84] : memref<114688x128xf32, #tpu.memory_space<hbm>> -> memref<448x128xf32, #tpu.memory_space<hbm>>
    %dma_wait3A_86 = arith.constant 0 : i32
    %dma_wait3A_87 = tpu.memref_slice %arg4[%add3A_79, %dma_wait3A_86] : memref<114688x128xf32, #tpu.memory_space<hbm>> -> memref<448x128xf32, #tpu.memory_space<hbm>>
    tpu.wait_dma2 semaphore(%arg12 : memref<!tpu.dma_semaphore, #tpu.memory_space<semaphore_mem>>) src(%arg8 : memref<448x128xf32, #tpu.memory_space<vmem>>) dst(%dma_wait3A_87 : memref<448x128xf32, #tpu.memory_space<hbm>>)
    %add3A_88 = arith.constant 229376 : i32
    %add3A_89 = arith.addi %add3A_88, %mul3A_2 : i32
    %add3A_90 = arith.constant 2240 : i32
    %add3A_91 = arith.addi %add3A_89, %add3A_90 : i32
    "tpu.region"() ({
      %run_scoped3A = tpu.sem_alloc : memref<!tpu.dma_semaphore, #tpu.memory_space<semaphore_mem>>
      %dma_start3A_161 = tpu.memref_slice %arg3[%add3A_91] : memref<917504xi32, #tpu.memory_space<hbm>> -> memref<448xi32, #tpu.memory_space<hbm>>
      %dma_start3A_162 = tpu.memref_slice %arg3[%add3A_91] : memref<917504xi32, #tpu.memory_space<hbm>> -> memref<448xi32, #tpu.memory_space<hbm>>
      tpu.enqueue_dma source(%dma_start3A_162 : memref<448xi32, #tpu.memory_space<hbm>>) target(%arg6 : memref<448xi32, #tpu.memory_space<vmem>>) target_semaphore(%run_scoped3A : memref<!tpu.dma_semaphore, #tpu.memory_space<semaphore_mem>>)
      %dma_wait3A_163 = tpu.memref_slice %arg3[%add3A_91] : memref<917504xi32, #tpu.memory_space<hbm>> -> memref<448xi32, #tpu.memory_space<hbm>>
      %dma_wait3A_164 = tpu.memref_slice %arg3[%add3A_91] : memref<917504xi32, #tpu.memory_space<hbm>> -> memref<448xi32, #tpu.memory_space<hbm>>
      tpu.wait_dma2 semaphore(%run_scoped3A : memref<!tpu.dma_semaphore, #tpu.memory_space<semaphore_mem>>) src(%dma_wait3A_164 : memref<448xi32, #tpu.memory_space<hbm>>) dst(%arg6 : memref<448xi32, #tpu.memory_space<vmem>>)
      tpu.yield
    }) : () -> ()
    %dma_start3A_92 = arith.constant 0 : i32
    %dma_start3A_93 = arith.constant 0 : i32
    %dma_start3A_94 = tpu.memref_slice %arg2[%dma_start3A_92, %dma_start3A_93] : memref<1000000x128xf32, #tpu.memory_space<hbm>> -> memref<1000000x128xf32, #tpu.memory_space<hbm>>
    tpu.enqueue_indirect_dma source(%dma_start3A_94 : memref<1000000x128xf32, #tpu.memory_space<hbm>>) target(%arg8 : memref<448x128xf32, #tpu.memory_space<vmem>>) offsets(%arg6 : memref<448xi32, #tpu.memory_space<vmem>>) semaphore(%arg10 : memref<!tpu.dma_semaphore, #tpu.memory_space<semaphore_mem>>)
    %dma_wait3A_95 = arith.constant 0 : i32
    %dma_wait3A_96 = arith.constant 0 : i32
    %dma_wait3A_97 = tpu.memref_slice %arg2[%dma_wait3A_95, %dma_wait3A_96] : memref<1000000x128xf32, #tpu.memory_space<hbm>> -> memref<1000000x128xf32, #tpu.memory_space<hbm>>
    tpu.wait_indirect_dma semaphore(%arg9 : memref<!tpu.dma_semaphore, #tpu.memory_space<semaphore_mem>>) src(%dma_wait3A_97 : memref<1000000x128xf32, #tpu.memory_space<hbm>>) dst(%arg7 : memref<448x128xf32, #tpu.memory_space<vmem>>)
    %add3A_98 = arith.constant 1792 : i32
    %add3A_99 = arith.addi %mul3A_2, %add3A_98 : i32
    %dma_start3A_100 = arith.constant 0 : i32
    %dma_start3A_101 = tpu.memref_slice %arg4[%add3A_99, %dma_start3A_100] : memref<114688x128xf32, #tpu.memory_space<hbm>> -> memref<448x128xf32, #tpu.memory_space<hbm>>
    %dma_start3A_102 = arith.constant 0 : i32
    %dma_start3A_103 = tpu.memref_slice %arg4[%add3A_99, %dma_start3A_102] : memref<114688x128xf32, #tpu.memory_space<hbm>> -> memref<448x128xf32, #tpu.memory_space<hbm>>
    tpu.enqueue_dma source(%arg7 : memref<448x128xf32, #tpu.memory_space<vmem>>) target(%dma_start3A_103 : memref<448x128xf32, #tpu.memory_space<hbm>>) target_semaphore(%arg11 : memref<!tpu.dma_semaphore, #tpu.memory_space<semaphore_mem>>)
    %dma_wait3A_104 = arith.constant 0 : i32
    %dma_wait3A_105 = tpu.memref_slice %arg4[%add3A_99, %dma_wait3A_104] : memref<114688x128xf32, #tpu.memory_space<hbm>> -> memref<448x128xf32, #tpu.memory_space<hbm>>
    %dma_wait3A_106 = arith.constant 0 : i32
    %dma_wait3A_107 = tpu.memref_slice %arg4[%add3A_99, %dma_wait3A_106] : memref<114688x128xf32, #tpu.memory_space<hbm>> -> memref<448x128xf32, #tpu.memory_space<hbm>>
    tpu.wait_dma2 semaphore(%arg11 : memref<!tpu.dma_semaphore, #tpu.memory_space<semaphore_mem>>) src(%arg7 : memref<448x128xf32, #tpu.memory_space<vmem>>) dst(%dma_wait3A_107 : memref<448x128xf32, #tpu.memory_space<hbm>>)
    %add3A_108 = arith.constant 229376 : i32
    %add3A_109 = arith.addi %add3A_108, %mul3A_2 : i32
    %add3A_110 = arith.constant 2688 : i32
    %add3A_111 = arith.addi %add3A_109, %add3A_110 : i32
    "tpu.region"() ({
      %run_scoped3A = tpu.sem_alloc : memref<!tpu.dma_semaphore, #tpu.memory_space<semaphore_mem>>
      %dma_start3A_161 = tpu.memref_slice %arg3[%add3A_111] : memref<917504xi32, #tpu.memory_space<hbm>> -> memref<448xi32, #tpu.memory_space<hbm>>
      %dma_start3A_162 = tpu.memref_slice %arg3[%add3A_111] : memref<917504xi32, #tpu.memory_space<hbm>> -> memref<448xi32, #tpu.memory_space<hbm>>
      tpu.enqueue_dma source(%dma_start3A_162 : memref<448xi32, #tpu.memory_space<hbm>>) target(%arg5 : memref<448xi32, #tpu.memory_space<vmem>>) target_semaphore(%run_scoped3A : memref<!tpu.dma_semaphore, #tpu.memory_space<semaphore_mem>>)
      %dma_wait3A_163 = tpu.memref_slice %arg3[%add3A_111] : memref<917504xi32, #tpu.memory_space<hbm>> -> memref<448xi32, #tpu.memory_space<hbm>>
      %dma_wait3A_164 = tpu.memref_slice %arg3[%add3A_111] : memref<917504xi32, #tpu.memory_space<hbm>> -> memref<448xi32, #tpu.memory_space<hbm>>
      tpu.wait_dma2 semaphore(%run_scoped3A : memref<!tpu.dma_semaphore, #tpu.memory_space<semaphore_mem>>) src(%dma_wait3A_164 : memref<448xi32, #tpu.memory_space<hbm>>) dst(%arg5 : memref<448xi32, #tpu.memory_space<vmem>>)
      tpu.yield
    }) : () -> ()
    %dma_start3A_112 = arith.constant 0 : i32
    %dma_start3A_113 = arith.constant 0 : i32
    %dma_start3A_114 = tpu.memref_slice %arg2[%dma_start3A_112, %dma_start3A_113] : memref<1000000x128xf32, #tpu.memory_space<hbm>> -> memref<1000000x128xf32, #tpu.memory_space<hbm>>
    tpu.enqueue_indirect_dma source(%dma_start3A_114 : memref<1000000x128xf32, #tpu.memory_space<hbm>>) target(%arg7 : memref<448x128xf32, #tpu.memory_space<vmem>>) offsets(%arg5 : memref<448xi32, #tpu.memory_space<vmem>>) semaphore(%arg9 : memref<!tpu.dma_semaphore, #tpu.memory_space<semaphore_mem>>)
    %dma_wait3A_115 = arith.constant 0 : i32
    %dma_wait3A_116 = arith.constant 0 : i32
    %dma_wait3A_117 = tpu.memref_slice %arg2[%dma_wait3A_115, %dma_wait3A_116] : memref<1000000x128xf32, #tpu.memory_space<hbm>> -> memref<1000000x128xf32, #tpu.memory_space<hbm>>
    tpu.wait_indirect_dma semaphore(%arg10 : memref<!tpu.dma_semaphore, #tpu.memory_space<semaphore_mem>>) src(%dma_wait3A_117 : memref<1000000x128xf32, #tpu.memory_space<hbm>>) dst(%arg8 : memref<448x128xf32, #tpu.memory_space<vmem>>)
    %add3A_118 = arith.constant 2240 : i32
    %add3A_119 = arith.addi %mul3A_2, %add3A_118 : i32
    %dma_start3A_120 = arith.constant 0 : i32
    %dma_start3A_121 = tpu.memref_slice %arg4[%add3A_119, %dma_start3A_120] : memref<114688x128xf32, #tpu.memory_space<hbm>> -> memref<448x128xf32, #tpu.memory_space<hbm>>
    %dma_start3A_122 = arith.constant 0 : i32
    %dma_start3A_123 = tpu.memref_slice %arg4[%add3A_119, %dma_start3A_122] : memref<114688x128xf32, #tpu.memory_space<hbm>> -> memref<448x128xf32, #tpu.memory_space<hbm>>
    tpu.enqueue_dma source(%arg8 : memref<448x128xf32, #tpu.memory_space<vmem>>) target(%dma_start3A_123 : memref<448x128xf32, #tpu.memory_space<hbm>>) target_semaphore(%arg12 : memref<!tpu.dma_semaphore, #tpu.memory_space<semaphore_mem>>)
    %dma_wait3A_124 = arith.constant 0 : i32
    %dma_wait3A_125 = tpu.memref_slice %arg4[%add3A_119, %dma_wait3A_124] : memref<114688x128xf32, #tpu.memory_space<hbm>> -> memref<448x128xf32, #tpu.memory_space<hbm>>
    %dma_wait3A_126 = arith.constant 0 : i32
    %dma_wait3A_127 = tpu.memref_slice %arg4[%add3A_119, %dma_wait3A_126] : memref<114688x128xf32, #tpu.memory_space<hbm>> -> memref<448x128xf32, #tpu.memory_space<hbm>>
    tpu.wait_dma2 semaphore(%arg12 : memref<!tpu.dma_semaphore, #tpu.memory_space<semaphore_mem>>) src(%arg8 : memref<448x128xf32, #tpu.memory_space<vmem>>) dst(%dma_wait3A_127 : memref<448x128xf32, #tpu.memory_space<hbm>>)
    %add3A_128 = arith.constant 229376 : i32
    %add3A_129 = arith.addi %add3A_128, %mul3A_2 : i32
    %add3A_130 = arith.constant 3136 : i32
    %add3A_131 = arith.addi %add3A_129, %add3A_130 : i32
    "tpu.region"() ({
      %run_scoped3A = tpu.sem_alloc : memref<!tpu.dma_semaphore, #tpu.memory_space<semaphore_mem>>
      %dma_start3A_161 = tpu.memref_slice %arg3[%add3A_131] : memref<917504xi32, #tpu.memory_space<hbm>> -> memref<448xi32, #tpu.memory_space<hbm>>
      %dma_start3A_162 = tpu.memref_slice %arg3[%add3A_131] : memref<917504xi32, #tpu.memory_space<hbm>> -> memref<448xi32, #tpu.memory_space<hbm>>
      tpu.enqueue_dma source(%dma_start3A_162 : memref<448xi32, #tpu.memory_space<hbm>>) target(%arg6 : memref<448xi32, #tpu.memory_space<vmem>>) target_semaphore(%run_scoped3A : memref<!tpu.dma_semaphore, #tpu.memory_space<semaphore_mem>>)
      %dma_wait3A_163 = tpu.memref_slice %arg3[%add3A_131] : memref<917504xi32, #tpu.memory_space<hbm>> -> memref<448xi32, #tpu.memory_space<hbm>>
      %dma_wait3A_164 = tpu.memref_slice %arg3[%add3A_131] : memref<917504xi32, #tpu.memory_space<hbm>> -> memref<448xi32, #tpu.memory_space<hbm>>
      tpu.wait_dma2 semaphore(%run_scoped3A : memref<!tpu.dma_semaphore, #tpu.memory_space<semaphore_mem>>) src(%dma_wait3A_164 : memref<448xi32, #tpu.memory_space<hbm>>) dst(%arg6 : memref<448xi32, #tpu.memory_space<vmem>>)
      tpu.yield
    }) : () -> ()
    %dma_start3A_132 = arith.constant 0 : i32
    %dma_start3A_133 = arith.constant 0 : i32
    %dma_start3A_134 = tpu.memref_slice %arg2[%dma_start3A_132, %dma_start3A_133] : memref<1000000x128xf32, #tpu.memory_space<hbm>> -> memref<1000000x128xf32, #tpu.memory_space<hbm>>
    tpu.enqueue_indirect_dma source(%dma_start3A_134 : memref<1000000x128xf32, #tpu.memory_space<hbm>>) target(%arg8 : memref<448x128xf32, #tpu.memory_space<vmem>>) offsets(%arg6 : memref<448xi32, #tpu.memory_space<vmem>>) semaphore(%arg10 : memref<!tpu.dma_semaphore, #tpu.memory_space<semaphore_mem>>)
    %dma_wait3A_135 = arith.constant 0 : i32
    %dma_wait3A_136 = arith.constant 0 : i32
    %dma_wait3A_137 = tpu.memref_slice %arg2[%dma_wait3A_135, %dma_wait3A_136] : memref<1000000x128xf32, #tpu.memory_space<hbm>> -> memref<1000000x128xf32, #tpu.memory_space<hbm>>
    tpu.wait_indirect_dma semaphore(%arg9 : memref<!tpu.dma_semaphore, #tpu.memory_space<semaphore_mem>>) src(%dma_wait3A_137 : memref<1000000x128xf32, #tpu.memory_space<hbm>>) dst(%arg7 : memref<448x128xf32, #tpu.memory_space<vmem>>)
    %add3A_138 = arith.constant 2688 : i32
    %add3A_139 = arith.addi %mul3A_2, %add3A_138 : i32
    %dma_start3A_140 = arith.constant 0 : i32
    %dma_start3A_141 = tpu.memref_slice %arg4[%add3A_139, %dma_start3A_140] : memref<114688x128xf32, #tpu.memory_space<hbm>> -> memref<448x128xf32, #tpu.memory_space<hbm>>
    %dma_start3A_142 = arith.constant 0 : i32
    %dma_start3A_143 = tpu.memref_slice %arg4[%add3A_139, %dma_start3A_142] : memref<114688x128xf32, #tpu.memory_space<hbm>> -> memref<448x128xf32, #tpu.memory_space<hbm>>
    tpu.enqueue_dma source(%arg7 : memref<448x128xf32, #tpu.memory_space<vmem>>) target(%dma_start3A_143 : memref<448x128xf32, #tpu.memory_space<hbm>>) target_semaphore(%arg11 : memref<!tpu.dma_semaphore, #tpu.memory_space<semaphore_mem>>)
    %dma_wait3A_144 = arith.constant 0 : i32
    %dma_wait3A_145 = arith.constant 0 : i32
    %dma_wait3A_146 = tpu.memref_slice %arg2[%dma_wait3A_144, %dma_wait3A_145] : memref<1000000x128xf32, #tpu.memory_space<hbm>> -> memref<1000000x128xf32, #tpu.memory_space<hbm>>
    tpu.wait_indirect_dma semaphore(%arg10 : memref<!tpu.dma_semaphore, #tpu.memory_space<semaphore_mem>>) src(%dma_wait3A_146 : memref<1000000x128xf32, #tpu.memory_space<hbm>>) dst(%arg8 : memref<448x128xf32, #tpu.memory_space<vmem>>)
    %add3A_147 = arith.constant 3136 : i32
    %add3A_148 = arith.addi %mul3A_2, %add3A_147 : i32
    %dma_start3A_149 = arith.constant 0 : i32
    %dma_start3A_150 = tpu.memref_slice %arg4[%add3A_148, %dma_start3A_149] : memref<114688x128xf32, #tpu.memory_space<hbm>> -> memref<448x128xf32, #tpu.memory_space<hbm>>
    %dma_start3A_151 = arith.constant 0 : i32
    %dma_start3A_152 = tpu.memref_slice %arg4[%add3A_148, %dma_start3A_151] : memref<114688x128xf32, #tpu.memory_space<hbm>> -> memref<448x128xf32, #tpu.memory_space<hbm>>
    tpu.enqueue_dma source(%arg8 : memref<448x128xf32, #tpu.memory_space<vmem>>) target(%dma_start3A_152 : memref<448x128xf32, #tpu.memory_space<hbm>>) target_semaphore(%arg12 : memref<!tpu.dma_semaphore, #tpu.memory_space<semaphore_mem>>)
    %dma_wait3A_153 = arith.constant 0 : i32
    %dma_wait3A_154 = tpu.memref_slice %arg4[%add3A_139, %dma_wait3A_153] : memref<114688x128xf32, #tpu.memory_space<hbm>> -> memref<448x128xf32, #tpu.memory_space<hbm>>
    %dma_wait3A_155 = arith.constant 0 : i32
    %dma_wait3A_156 = tpu.memref_slice %arg4[%add3A_139, %dma_wait3A_155] : memref<114688x128xf32, #tpu.memory_space<hbm>> -> memref<448x128xf32, #tpu.memory_space<hbm>>
    tpu.wait_dma2 semaphore(%arg11 : memref<!tpu.dma_semaphore, #tpu.memory_space<semaphore_mem>>) src(%arg7 : memref<448x128xf32, #tpu.memory_space<vmem>>) dst(%dma_wait3A_156 : memref<448x128xf32, #tpu.memory_space<hbm>>)
    %dma_wait3A_157 = arith.constant 0 : i32
    %dma_wait3A_158 = tpu.memref_slice %arg4[%add3A_148, %dma_wait3A_157] : memref<114688x128xf32, #tpu.memory_space<hbm>> -> memref<448x128xf32, #tpu.memory_space<hbm>>
    %dma_wait3A_159 = arith.constant 0 : i32
    %dma_wait3A_160 = tpu.memref_slice %arg4[%add3A_148, %dma_wait3A_159] : memref<114688x128xf32, #tpu.memory_space<hbm>> -> memref<448x128xf32, #tpu.memory_space<hbm>>
    tpu.wait_dma2 semaphore(%arg12 : memref<!tpu.dma_semaphore, #tpu.memory_space<semaphore_mem>>) src(%arg8 : memref<448x128xf32, #tpu.memory_space<vmem>>) dst(%dma_wait3A_160 : memref<448x128xf32, #tpu.memory_space<hbm>>)
    return
  }
}

#map = affine_map<(d0, d1) -> (0, 0)>
#map1 = affine_map<(d0, d1) -> (0)>
module attributes {stable_mosaic.version = 14 : i64} {
  func.func @gather_kernel(%arg0: i32, %arg1: i32, %arg2: memref<1000000x128xf32, #tpu.memory_space<hbm>>, %arg3: memref<917504xi32, #tpu.memory_space<hbm>>, %arg4: memref<114688x128xf32, #tpu.memory_space<hbm>>, %arg5: memref<448xi32, #tpu.memory_space<vmem>>, %arg6: memref<448xi32, #tpu.memory_space<vmem>>, %arg7: memref<448x128xf32, #tpu.memory_space<vmem>>, %arg8: memref<448x128xf32, #tpu.memory_space<vmem>>, %arg9: memref<!tpu.dma_semaphore, #tpu.memory_space<semaphore_mem>>, %arg10: memref<!tpu.dma_semaphore, #tpu.memory_space<semaphore_mem>>, %arg11: memref<!tpu.dma_semaphore, #tpu.memory_space<semaphore_mem>>, %arg12: memref<!tpu.dma_semaphore, #tpu.memory_space<semaphore_mem>>) attributes {dimension_semantics = [#tpu.dimension_semantics<core_parallel>, #tpu.dimension_semantics<subcore_parallel>], iteration_bounds = array<i64: 2, 16>, scalar_prefetch = 0 : i64, scratch_operands = 8 : i64, tpu.core_type = #tpu.core_type<sc_vector_subcore>, window_params = [{transform_indices = #map}, {transform_indices = #map1}, {transform_indices = #map}]} {
    %mul3A = arith.constant 2 : i32
    %mul3A_0 = arith.muli %arg1, %mul3A : i32
    %add3A = arith.addi %mul3A_0, %arg0 : i32
    %mul3A_1 = arith.constant 3584 : i32
    %mul3A_2 = arith.muli %add3A, %mul3A_1 : i32
    %add3A_3 = arith.constant 114688 : i32
    %add3A_4 = arith.addi %add3A_3, %mul3A_2 : i32
    %add3A_5 = arith.constant 0 : i32
    %add3A_6 = arith.addi %add3A_4, %add3A_5 : i32
    "tpu.region"() ({
      %run_scoped3A = tpu.sem_alloc : memref<!tpu.dma_semaphore, #tpu.memory_space<semaphore_mem>>
      %dma_start3A_161 = tpu.memref_slice %arg3[%add3A_6] : memref<917504xi32, #tpu.memory_space<hbm>> -> memref<448xi32, #tpu.memory_space<hbm>>
      %dma_start3A_162 = tpu.memref_slice %arg3[%add3A_6] : memref<917504xi32, #tpu.memory_space<hbm>> -> memref<448xi32, #tpu.memory_space<hbm>>
      tpu.enqueue_dma source(%dma_start3A_162 : memref<448xi32, #tpu.memory_space<hbm>>) target(%arg5 : memref<448xi32, #tpu.memory_space<vmem>>) target_semaphore(%run_scoped3A : memref<!tpu.dma_semaphore, #tpu.memory_space<semaphore_mem>>)
      %dma_wait3A_163 = tpu.memref_slice %arg3[%add3A_6] : memref<917504xi32, #tpu.memory_space<hbm>> -> memref<448xi32, #tpu.memory_space<hbm>>
      %dma_wait3A_164 = tpu.memref_slice %arg3[%add3A_6] : memref<917504xi32, #tpu.memory_space<hbm>> -> memref<448xi32, #tpu.memory_space<hbm>>
      tpu.wait_dma2 semaphore(%run_scoped3A : memref<!tpu.dma_semaphore, #tpu.memory_space<semaphore_mem>>) src(%dma_wait3A_164 : memref<448xi32, #tpu.memory_space<hbm>>) dst(%arg5 : memref<448xi32, #tpu.memory_space<vmem>>)
      tpu.yield
    }) : () -> ()
    %dma_start3A = arith.constant 0 : i32
    %dma_start3A_7 = arith.constant 0 : i32
    %dma_start3A_8 = tpu.memref_slice %arg2[%dma_start3A, %dma_start3A_7] : memref<1000000x128xf32, #tpu.memory_space<hbm>> -> memref<1000000x128xf32, #tpu.memory_space<hbm>>
    tpu.enqueue_indirect_dma source(%dma_start3A_8 : memref<1000000x128xf32, #tpu.memory_space<hbm>>) target(%arg7 : memref<448x128xf32, #tpu.memory_space<vmem>>) offsets(%arg5 : memref<448xi32, #tpu.memory_space<vmem>>) semaphore(%arg9 : memref<!tpu.dma_semaphore, #tpu.memory_space<semaphore_mem>>)
    %add3A_9 = arith.constant 114688 : i32
    %add3A_10 = arith.addi %add3A_9, %mul3A_2 : i32
    %add3A_11 = arith.constant 448 : i32
    %add3A_12 = arith.addi %add3A_10, %add3A_11 : i32
    "tpu.region"() ({
      %run_scoped3A = tpu.sem_alloc : memref<!tpu.dma_semaphore, #tpu.memory_space<semaphore_mem>>
      %dma_start3A_161 = tpu.memref_slice %arg3[%add3A_12] : memref<917504xi32, #tpu.memory_space<hbm>> -> memref<448xi32, #tpu.memory_space<hbm>>
      %dma_start3A_162 = tpu.memref_slice %arg3[%add3A_12] : memref<917504xi32, #tpu.memory_space<hbm>> -> memref<448xi32, #tpu.memory_space<hbm>>
      tpu.enqueue_dma source(%dma_start3A_162 : memref<448xi32, #tpu.memory_space<hbm>>) target(%arg6 : memref<448xi32, #tpu.memory_space<vmem>>) target_semaphore(%run_scoped3A : memref<!tpu.dma_semaphore, #tpu.memory_space<semaphore_mem>>)
      %dma_wait3A_163 = tpu.memref_slice %arg3[%add3A_12] : memref<917504xi32, #tpu.memory_space<hbm>> -> memref<448xi32, #tpu.memory_space<hbm>>
      %dma_wait3A_164 = tpu.memref_slice %arg3[%add3A_12] : memref<917504xi32, #tpu.memory_space<hbm>> -> memref<448xi32, #tpu.memory_space<hbm>>
      tpu.wait_dma2 semaphore(%run_scoped3A : memref<!tpu.dma_semaphore, #tpu.memory_space<semaphore_mem>>) src(%dma_wait3A_164 : memref<448xi32, #tpu.memory_space<hbm>>) dst(%arg6 : memref<448xi32, #tpu.memory_space<vmem>>)
      tpu.yield
    }) : () -> ()
    %dma_start3A_13 = arith.constant 0 : i32
    %dma_start3A_14 = arith.constant 0 : i32
    %dma_start3A_15 = tpu.memref_slice %arg2[%dma_start3A_13, %dma_start3A_14] : memref<1000000x128xf32, #tpu.memory_space<hbm>> -> memref<1000000x128xf32, #tpu.memory_space<hbm>>
    tpu.enqueue_indirect_dma source(%dma_start3A_15 : memref<1000000x128xf32, #tpu.memory_space<hbm>>) target(%arg8 : memref<448x128xf32, #tpu.memory_space<vmem>>) offsets(%arg6 : memref<448xi32, #tpu.memory_space<vmem>>) semaphore(%arg10 : memref<!tpu.dma_semaphore, #tpu.memory_space<semaphore_mem>>)
    %dma_wait3A = arith.constant 0 : i32
    %dma_wait3A_16 = arith.constant 0 : i32
    %dma_wait3A_17 = tpu.memref_slice %arg2[%dma_wait3A, %dma_wait3A_16] : memref<1000000x128xf32, #tpu.memory_space<hbm>> -> memref<1000000x128xf32, #tpu.memory_space<hbm>>
    tpu.wait_indirect_dma semaphore(%arg9 : memref<!tpu.dma_semaphore, #tpu.memory_space<semaphore_mem>>) src(%dma_wait3A_17 : memref<1000000x128xf32, #tpu.memory_space<hbm>>) dst(%arg7 : memref<448x128xf32, #tpu.memory_space<vmem>>)
    %add3A_18 = arith.constant 0 : i32
    %add3A_19 = arith.addi %mul3A_2, %add3A_18 : i32
    %dma_start3A_20 = arith.constant 0 : i32
    %dma_start3A_21 = tpu.memref_slice %arg4[%add3A_19, %dma_start3A_20] : memref<114688x128xf32, #tpu.memory_space<hbm>> -> memref<448x128xf32, #tpu.memory_space<hbm>>
    %dma_start3A_22 = arith.constant 0 : i32
    %dma_start3A_23 = tpu.memref_slice %arg4[%add3A_19, %dma_start3A_22] : memref<114688x128xf32, #tpu.memory_space<hbm>> -> memref<448x128xf32, #tpu.memory_space<hbm>>
    tpu.enqueue_dma source(%arg7 : memref<448x128xf32, #tpu.memory_space<vmem>>) target(%dma_start3A_23 : memref<448x128xf32, #tpu.memory_space<hbm>>) target_semaphore(%arg11 : memref<!tpu.dma_semaphore, #tpu.memory_space<semaphore_mem>>)
    %dma_wait3A_24 = arith.constant 0 : i32
    %dma_wait3A_25 = tpu.memref_slice %arg4[%add3A_19, %dma_wait3A_24] : memref<114688x128xf32, #tpu.memory_space<hbm>> -> memref<448x128xf32, #tpu.memory_space<hbm>>
    %dma_wait3A_26 = arith.constant 0 : i32
    %dma_wait3A_27 = tpu.memref_slice %arg4[%add3A_19, %dma_wait3A_26] : memref<114688x128xf32, #tpu.memory_space<hbm>> -> memref<448x128xf32, #tpu.memory_space<hbm>>
    tpu.wait_dma2 semaphore(%arg11 : memref<!tpu.dma_semaphore, #tpu.memory_space<semaphore_mem>>) src(%arg7 : memref<448x128xf32, #tpu.memory_space<vmem>>) dst(%dma_wait3A_27 : memref<448x128xf32, #tpu.memory_space<hbm>>)
    %add3A_28 = arith.constant 114688 : i32
    %add3A_29 = arith.addi %add3A_28, %mul3A_2 : i32
    %add3A_30 = arith.constant 896 : i32
    %add3A_31 = arith.addi %add3A_29, %add3A_30 : i32
    "tpu.region"() ({
      %run_scoped3A = tpu.sem_alloc : memref<!tpu.dma_semaphore, #tpu.memory_space<semaphore_mem>>
      %dma_start3A_161 = tpu.memref_slice %arg3[%add3A_31] : memref<917504xi32, #tpu.memory_space<hbm>> -> memref<448xi32, #tpu.memory_space<hbm>>
      %dma_start3A_162 = tpu.memref_slice %arg3[%add3A_31] : memref<917504xi32, #tpu.memory_space<hbm>> -> memref<448xi32, #tpu.memory_space<hbm>>
      tpu.enqueue_dma source(%dma_start3A_162 : memref<448xi32, #tpu.memory_space<hbm>>) target(%arg5 : memref<448xi32, #tpu.memory_space<vmem>>) target_semaphore(%run_scoped3A : memref<!tpu.dma_semaphore, #tpu.memory_space<semaphore_mem>>)
      %dma_wait3A_163 = tpu.memref_slice %arg3[%add3A_31] : memref<917504xi32, #tpu.memory_space<hbm>> -> memref<448xi32, #tpu.memory_space<hbm>>
      %dma_wait3A_164 = tpu.memref_slice %arg3[%add3A_31] : memref<917504xi32, #tpu.memory_space<hbm>> -> memref<448xi32, #tpu.memory_space<hbm>>
      tpu.wait_dma2 semaphore(%run_scoped3A : memref<!tpu.dma_semaphore, #tpu.memory_space<semaphore_mem>>) src(%dma_wait3A_164 : memref<448xi32, #tpu.memory_space<hbm>>) dst(%arg5 : memref<448xi32, #tpu.memory_space<vmem>>)
      tpu.yield
    }) : () -> ()
    %dma_start3A_32 = arith.constant 0 : i32
    %dma_start3A_33 = arith.constant 0 : i32
    %dma_start3A_34 = tpu.memref_slice %arg2[%dma_start3A_32, %dma_start3A_33] : memref<1000000x128xf32, #tpu.memory_space<hbm>> -> memref<1000000x128xf32, #tpu.memory_space<hbm>>
    tpu.enqueue_indirect_dma source(%dma_start3A_34 : memref<1000000x128xf32, #tpu.memory_space<hbm>>) target(%arg7 : memref<448x128xf32, #tpu.memory_space<vmem>>) offsets(%arg5 : memref<448xi32, #tpu.memory_space<vmem>>) semaphore(%arg9 : memref<!tpu.dma_semaphore, #tpu.memory_space<semaphore_mem>>)
    %dma_wait3A_35 = arith.constant 0 : i32
    %dma_wait3A_36 = arith.constant 0 : i32
    %dma_wait3A_37 = tpu.memref_slice %arg2[%dma_wait3A_35, %dma_wait3A_36] : memref<1000000x128xf32, #tpu.memory_space<hbm>> -> memref<1000000x128xf32, #tpu.memory_space<hbm>>
    tpu.wait_indirect_dma semaphore(%arg10 : memref<!tpu.dma_semaphore, #tpu.memory_space<semaphore_mem>>) src(%dma_wait3A_37 : memref<1000000x128xf32, #tpu.memory_space<hbm>>) dst(%arg8 : memref<448x128xf32, #tpu.memory_space<vmem>>)
    %add3A_38 = arith.constant 448 : i32
    %add3A_39 = arith.addi %mul3A_2, %add3A_38 : i32
    %dma_start3A_40 = arith.constant 0 : i32
    %dma_start3A_41 = tpu.memref_slice %arg4[%add3A_39, %dma_start3A_40] : memref<114688x128xf32, #tpu.memory_space<hbm>> -> memref<448x128xf32, #tpu.memory_space<hbm>>
    %dma_start3A_42 = arith.constant 0 : i32
    %dma_start3A_43 = tpu.memref_slice %arg4[%add3A_39, %dma_start3A_42] : memref<114688x128xf32, #tpu.memory_space<hbm>> -> memref<448x128xf32, #tpu.memory_space<hbm>>
    tpu.enqueue_dma source(%arg8 : memref<448x128xf32, #tpu.memory_space<vmem>>) target(%dma_start3A_43 : memref<448x128xf32, #tpu.memory_space<hbm>>) target_semaphore(%arg12 : memref<!tpu.dma_semaphore, #tpu.memory_space<semaphore_mem>>)
    %dma_wait3A_44 = arith.constant 0 : i32
    %dma_wait3A_45 = tpu.memref_slice %arg4[%add3A_39, %dma_wait3A_44] : memref<114688x128xf32, #tpu.memory_space<hbm>> -> memref<448x128xf32, #tpu.memory_space<hbm>>
    %dma_wait3A_46 = arith.constant 0 : i32
    %dma_wait3A_47 = tpu.memref_slice %arg4[%add3A_39, %dma_wait3A_46] : memref<114688x128xf32, #tpu.memory_space<hbm>> -> memref<448x128xf32, #tpu.memory_space<hbm>>
    tpu.wait_dma2 semaphore(%arg12 : memref<!tpu.dma_semaphore, #tpu.memory_space<semaphore_mem>>) src(%arg8 : memref<448x128xf32, #tpu.memory_space<vmem>>) dst(%dma_wait3A_47 : memref<448x128xf32, #tpu.memory_space<hbm>>)
    %add3A_48 = arith.constant 114688 : i32
    %add3A_49 = arith.addi %add3A_48, %mul3A_2 : i32
    %add3A_50 = arith.constant 1344 : i32
    %add3A_51 = arith.addi %add3A_49, %add3A_50 : i32
    "tpu.region"() ({
      %run_scoped3A = tpu.sem_alloc : memref<!tpu.dma_semaphore, #tpu.memory_space<semaphore_mem>>
      %dma_start3A_161 = tpu.memref_slice %arg3[%add3A_51] : memref<917504xi32, #tpu.memory_space<hbm>> -> memref<448xi32, #tpu.memory_space<hbm>>
      %dma_start3A_162 = tpu.memref_slice %arg3[%add3A_51] : memref<917504xi32, #tpu.memory_space<hbm>> -> memref<448xi32, #tpu.memory_space<hbm>>
      tpu.enqueue_dma source(%dma_start3A_162 : memref<448xi32, #tpu.memory_space<hbm>>) target(%arg6 : memref<448xi32, #tpu.memory_space<vmem>>) target_semaphore(%run_scoped3A : memref<!tpu.dma_semaphore, #tpu.memory_space<semaphore_mem>>)
      %dma_wait3A_163 = tpu.memref_slice %arg3[%add3A_51] : memref<917504xi32, #tpu.memory_space<hbm>> -> memref<448xi32, #tpu.memory_space<hbm>>
      %dma_wait3A_164 = tpu.memref_slice %arg3[%add3A_51] : memref<917504xi32, #tpu.memory_space<hbm>> -> memref<448xi32, #tpu.memory_space<hbm>>
      tpu.wait_dma2 semaphore(%run_scoped3A : memref<!tpu.dma_semaphore, #tpu.memory_space<semaphore_mem>>) src(%dma_wait3A_164 : memref<448xi32, #tpu.memory_space<hbm>>) dst(%arg6 : memref<448xi32, #tpu.memory_space<vmem>>)
      tpu.yield
    }) : () -> ()
    %dma_start3A_52 = arith.constant 0 : i32
    %dma_start3A_53 = arith.constant 0 : i32
    %dma_start3A_54 = tpu.memref_slice %arg2[%dma_start3A_52, %dma_start3A_53] : memref<1000000x128xf32, #tpu.memory_space<hbm>> -> memref<1000000x128xf32, #tpu.memory_space<hbm>>
    tpu.enqueue_indirect_dma source(%dma_start3A_54 : memref<1000000x128xf32, #tpu.memory_space<hbm>>) target(%arg8 : memref<448x128xf32, #tpu.memory_space<vmem>>) offsets(%arg6 : memref<448xi32, #tpu.memory_space<vmem>>) semaphore(%arg10 : memref<!tpu.dma_semaphore, #tpu.memory_space<semaphore_mem>>)
    %dma_wait3A_55 = arith.constant 0 : i32
    %dma_wait3A_56 = arith.constant 0 : i32
    %dma_wait3A_57 = tpu.memref_slice %arg2[%dma_wait3A_55, %dma_wait3A_56] : memref<1000000x128xf32, #tpu.memory_space<hbm>> -> memref<1000000x128xf32, #tpu.memory_space<hbm>>
    tpu.wait_indirect_dma semaphore(%arg9 : memref<!tpu.dma_semaphore, #tpu.memory_space<semaphore_mem>>) src(%dma_wait3A_57 : memref<1000000x128xf32, #tpu.memory_space<hbm>>) dst(%arg7 : memref<448x128xf32, #tpu.memory_space<vmem>>)
    %add3A_58 = arith.constant 896 : i32
    %add3A_59 = arith.addi %mul3A_2, %add3A_58 : i32
    %dma_start3A_60 = arith.constant 0 : i32
    %dma_start3A_61 = tpu.memref_slice %arg4[%add3A_59, %dma_start3A_60] : memref<114688x128xf32, #tpu.memory_space<hbm>> -> memref<448x128xf32, #tpu.memory_space<hbm>>
    %dma_start3A_62 = arith.constant 0 : i32
    %dma_start3A_63 = tpu.memref_slice %arg4[%add3A_59, %dma_start3A_62] : memref<114688x128xf32, #tpu.memory_space<hbm>> -> memref<448x128xf32, #tpu.memory_space<hbm>>
    tpu.enqueue_dma source(%arg7 : memref<448x128xf32, #tpu.memory_space<vmem>>) target(%dma_start3A_63 : memref<448x128xf32, #tpu.memory_space<hbm>>) target_semaphore(%arg11 : memref<!tpu.dma_semaphore, #tpu.memory_space<semaphore_mem>>)
    %dma_wait3A_64 = arith.constant 0 : i32
    %dma_wait3A_65 = tpu.memref_slice %arg4[%add3A_59, %dma_wait3A_64] : memref<114688x128xf32, #tpu.memory_space<hbm>> -> memref<448x128xf32, #tpu.memory_space<hbm>>
    %dma_wait3A_66 = arith.constant 0 : i32
    %dma_wait3A_67 = tpu.memref_slice %arg4[%add3A_59, %dma_wait3A_66] : memref<114688x128xf32, #tpu.memory_space<hbm>> -> memref<448x128xf32, #tpu.memory_space<hbm>>
    tpu.wait_dma2 semaphore(%arg11 : memref<!tpu.dma_semaphore, #tpu.memory_space<semaphore_mem>>) src(%arg7 : memref<448x128xf32, #tpu.memory_space<vmem>>) dst(%dma_wait3A_67 : memref<448x128xf32, #tpu.memory_space<hbm>>)
    %add3A_68 = arith.constant 114688 : i32
    %add3A_69 = arith.addi %add3A_68, %mul3A_2 : i32
    %add3A_70 = arith.constant 1792 : i32
    %add3A_71 = arith.addi %add3A_69, %add3A_70 : i32
    "tpu.region"() ({
      %run_scoped3A = tpu.sem_alloc : memref<!tpu.dma_semaphore, #tpu.memory_space<semaphore_mem>>
      %dma_start3A_161 = tpu.memref_slice %arg3[%add3A_71] : memref<917504xi32, #tpu.memory_space<hbm>> -> memref<448xi32, #tpu.memory_space<hbm>>
      %dma_start3A_162 = tpu.memref_slice %arg3[%add3A_71] : memref<917504xi32, #tpu.memory_space<hbm>> -> memref<448xi32, #tpu.memory_space<hbm>>
      tpu.enqueue_dma source(%dma_start3A_162 : memref<448xi32, #tpu.memory_space<hbm>>) target(%arg5 : memref<448xi32, #tpu.memory_space<vmem>>) target_semaphore(%run_scoped3A : memref<!tpu.dma_semaphore, #tpu.memory_space<semaphore_mem>>)
      %dma_wait3A_163 = tpu.memref_slice %arg3[%add3A_71] : memref<917504xi32, #tpu.memory_space<hbm>> -> memref<448xi32, #tpu.memory_space<hbm>>
      %dma_wait3A_164 = tpu.memref_slice %arg3[%add3A_71] : memref<917504xi32, #tpu.memory_space<hbm>> -> memref<448xi32, #tpu.memory_space<hbm>>
      tpu.wait_dma2 semaphore(%run_scoped3A : memref<!tpu.dma_semaphore, #tpu.memory_space<semaphore_mem>>) src(%dma_wait3A_164 : memref<448xi32, #tpu.memory_space<hbm>>) dst(%arg5 : memref<448xi32, #tpu.memory_space<vmem>>)
      tpu.yield
    }) : () -> ()
    %dma_start3A_72 = arith.constant 0 : i32
    %dma_start3A_73 = arith.constant 0 : i32
    %dma_start3A_74 = tpu.memref_slice %arg2[%dma_start3A_72, %dma_start3A_73] : memref<1000000x128xf32, #tpu.memory_space<hbm>> -> memref<1000000x128xf32, #tpu.memory_space<hbm>>
    tpu.enqueue_indirect_dma source(%dma_start3A_74 : memref<1000000x128xf32, #tpu.memory_space<hbm>>) target(%arg7 : memref<448x128xf32, #tpu.memory_space<vmem>>) offsets(%arg5 : memref<448xi32, #tpu.memory_space<vmem>>) semaphore(%arg9 : memref<!tpu.dma_semaphore, #tpu.memory_space<semaphore_mem>>)
    %dma_wait3A_75 = arith.constant 0 : i32
    %dma_wait3A_76 = arith.constant 0 : i32
    %dma_wait3A_77 = tpu.memref_slice %arg2[%dma_wait3A_75, %dma_wait3A_76] : memref<1000000x128xf32, #tpu.memory_space<hbm>> -> memref<1000000x128xf32, #tpu.memory_space<hbm>>
    tpu.wait_indirect_dma semaphore(%arg10 : memref<!tpu.dma_semaphore, #tpu.memory_space<semaphore_mem>>) src(%dma_wait3A_77 : memref<1000000x128xf32, #tpu.memory_space<hbm>>) dst(%arg8 : memref<448x128xf32, #tpu.memory_space<vmem>>)
    %add3A_78 = arith.constant 1344 : i32
    %add3A_79 = arith.addi %mul3A_2, %add3A_78 : i32
    %dma_start3A_80 = arith.constant 0 : i32
    %dma_start3A_81 = tpu.memref_slice %arg4[%add3A_79, %dma_start3A_80] : memref<114688x128xf32, #tpu.memory_space<hbm>> -> memref<448x128xf32, #tpu.memory_space<hbm>>
    %dma_start3A_82 = arith.constant 0 : i32
    %dma_start3A_83 = tpu.memref_slice %arg4[%add3A_79, %dma_start3A_82] : memref<114688x128xf32, #tpu.memory_space<hbm>> -> memref<448x128xf32, #tpu.memory_space<hbm>>
    tpu.enqueue_dma source(%arg8 : memref<448x128xf32, #tpu.memory_space<vmem>>) target(%dma_start3A_83 : memref<448x128xf32, #tpu.memory_space<hbm>>) target_semaphore(%arg12 : memref<!tpu.dma_semaphore, #tpu.memory_space<semaphore_mem>>)
    %dma_wait3A_84 = arith.constant 0 : i32
    %dma_wait3A_85 = tpu.memref_slice %arg4[%add3A_79, %dma_wait3A_84] : memref<114688x128xf32, #tpu.memory_space<hbm>> -> memref<448x128xf32, #tpu.memory_space<hbm>>
    %dma_wait3A_86 = arith.constant 0 : i32
    %dma_wait3A_87 = tpu.memref_slice %arg4[%add3A_79, %dma_wait3A_86] : memref<114688x128xf32, #tpu.memory_space<hbm>> -> memref<448x128xf32, #tpu.memory_space<hbm>>
    tpu.wait_dma2 semaphore(%arg12 : memref<!tpu.dma_semaphore, #tpu.memory_space<semaphore_mem>>) src(%arg8 : memref<448x128xf32, #tpu.memory_space<vmem>>) dst(%dma_wait3A_87 : memref<448x128xf32, #tpu.memory_space<hbm>>)
    %add3A_88 = arith.constant 114688 : i32
    %add3A_89 = arith.addi %add3A_88, %mul3A_2 : i32
    %add3A_90 = arith.constant 2240 : i32
    %add3A_91 = arith.addi %add3A_89, %add3A_90 : i32
    "tpu.region"() ({
      %run_scoped3A = tpu.sem_alloc : memref<!tpu.dma_semaphore, #tpu.memory_space<semaphore_mem>>
      %dma_start3A_161 = tpu.memref_slice %arg3[%add3A_91] : memref<917504xi32, #tpu.memory_space<hbm>> -> memref<448xi32, #tpu.memory_space<hbm>>
      %dma_start3A_162 = tpu.memref_slice %arg3[%add3A_91] : memref<917504xi32, #tpu.memory_space<hbm>> -> memref<448xi32, #tpu.memory_space<hbm>>
      tpu.enqueue_dma source(%dma_start3A_162 : memref<448xi32, #tpu.memory_space<hbm>>) target(%arg6 : memref<448xi32, #tpu.memory_space<vmem>>) target_semaphore(%run_scoped3A : memref<!tpu.dma_semaphore, #tpu.memory_space<semaphore_mem>>)
      %dma_wait3A_163 = tpu.memref_slice %arg3[%add3A_91] : memref<917504xi32, #tpu.memory_space<hbm>> -> memref<448xi32, #tpu.memory_space<hbm>>
      %dma_wait3A_164 = tpu.memref_slice %arg3[%add3A_91] : memref<917504xi32, #tpu.memory_space<hbm>> -> memref<448xi32, #tpu.memory_space<hbm>>
      tpu.wait_dma2 semaphore(%run_scoped3A : memref<!tpu.dma_semaphore, #tpu.memory_space<semaphore_mem>>) src(%dma_wait3A_164 : memref<448xi32, #tpu.memory_space<hbm>>) dst(%arg6 : memref<448xi32, #tpu.memory_space<vmem>>)
      tpu.yield
    }) : () -> ()
    %dma_start3A_92 = arith.constant 0 : i32
    %dma_start3A_93 = arith.constant 0 : i32
    %dma_start3A_94 = tpu.memref_slice %arg2[%dma_start3A_92, %dma_start3A_93] : memref<1000000x128xf32, #tpu.memory_space<hbm>> -> memref<1000000x128xf32, #tpu.memory_space<hbm>>
    tpu.enqueue_indirect_dma source(%dma_start3A_94 : memref<1000000x128xf32, #tpu.memory_space<hbm>>) target(%arg8 : memref<448x128xf32, #tpu.memory_space<vmem>>) offsets(%arg6 : memref<448xi32, #tpu.memory_space<vmem>>) semaphore(%arg10 : memref<!tpu.dma_semaphore, #tpu.memory_space<semaphore_mem>>)
    %dma_wait3A_95 = arith.constant 0 : i32
    %dma_wait3A_96 = arith.constant 0 : i32
    %dma_wait3A_97 = tpu.memref_slice %arg2[%dma_wait3A_95, %dma_wait3A_96] : memref<1000000x128xf32, #tpu.memory_space<hbm>> -> memref<1000000x128xf32, #tpu.memory_space<hbm>>
    tpu.wait_indirect_dma semaphore(%arg9 : memref<!tpu.dma_semaphore, #tpu.memory_space<semaphore_mem>>) src(%dma_wait3A_97 : memref<1000000x128xf32, #tpu.memory_space<hbm>>) dst(%arg7 : memref<448x128xf32, #tpu.memory_space<vmem>>)
    %add3A_98 = arith.constant 1792 : i32
    %add3A_99 = arith.addi %mul3A_2, %add3A_98 : i32
    %dma_start3A_100 = arith.constant 0 : i32
    %dma_start3A_101 = tpu.memref_slice %arg4[%add3A_99, %dma_start3A_100] : memref<114688x128xf32, #tpu.memory_space<hbm>> -> memref<448x128xf32, #tpu.memory_space<hbm>>
    %dma_start3A_102 = arith.constant 0 : i32
    %dma_start3A_103 = tpu.memref_slice %arg4[%add3A_99, %dma_start3A_102] : memref<114688x128xf32, #tpu.memory_space<hbm>> -> memref<448x128xf32, #tpu.memory_space<hbm>>
    tpu.enqueue_dma source(%arg7 : memref<448x128xf32, #tpu.memory_space<vmem>>) target(%dma_start3A_103 : memref<448x128xf32, #tpu.memory_space<hbm>>) target_semaphore(%arg11 : memref<!tpu.dma_semaphore, #tpu.memory_space<semaphore_mem>>)
    %dma_wait3A_104 = arith.constant 0 : i32
    %dma_wait3A_105 = tpu.memref_slice %arg4[%add3A_99, %dma_wait3A_104] : memref<114688x128xf32, #tpu.memory_space<hbm>> -> memref<448x128xf32, #tpu.memory_space<hbm>>
    %dma_wait3A_106 = arith.constant 0 : i32
    %dma_wait3A_107 = tpu.memref_slice %arg4[%add3A_99, %dma_wait3A_106] : memref<114688x128xf32, #tpu.memory_space<hbm>> -> memref<448x128xf32, #tpu.memory_space<hbm>>
    tpu.wait_dma2 semaphore(%arg11 : memref<!tpu.dma_semaphore, #tpu.memory_space<semaphore_mem>>) src(%arg7 : memref<448x128xf32, #tpu.memory_space<vmem>>) dst(%dma_wait3A_107 : memref<448x128xf32, #tpu.memory_space<hbm>>)
    %add3A_108 = arith.constant 114688 : i32
    %add3A_109 = arith.addi %add3A_108, %mul3A_2 : i32
    %add3A_110 = arith.constant 2688 : i32
    %add3A_111 = arith.addi %add3A_109, %add3A_110 : i32
    "tpu.region"() ({
      %run_scoped3A = tpu.sem_alloc : memref<!tpu.dma_semaphore, #tpu.memory_space<semaphore_mem>>
      %dma_start3A_161 = tpu.memref_slice %arg3[%add3A_111] : memref<917504xi32, #tpu.memory_space<hbm>> -> memref<448xi32, #tpu.memory_space<hbm>>
      %dma_start3A_162 = tpu.memref_slice %arg3[%add3A_111] : memref<917504xi32, #tpu.memory_space<hbm>> -> memref<448xi32, #tpu.memory_space<hbm>>
      tpu.enqueue_dma source(%dma_start3A_162 : memref<448xi32, #tpu.memory_space<hbm>>) target(%arg5 : memref<448xi32, #tpu.memory_space<vmem>>) target_semaphore(%run_scoped3A : memref<!tpu.dma_semaphore, #tpu.memory_space<semaphore_mem>>)
      %dma_wait3A_163 = tpu.memref_slice %arg3[%add3A_111] : memref<917504xi32, #tpu.memory_space<hbm>> -> memref<448xi32, #tpu.memory_space<hbm>>
      %dma_wait3A_164 = tpu.memref_slice %arg3[%add3A_111] : memref<917504xi32, #tpu.memory_space<hbm>> -> memref<448xi32, #tpu.memory_space<hbm>>
      tpu.wait_dma2 semaphore(%run_scoped3A : memref<!tpu.dma_semaphore, #tpu.memory_space<semaphore_mem>>) src(%dma_wait3A_164 : memref<448xi32, #tpu.memory_space<hbm>>) dst(%arg5 : memref<448xi32, #tpu.memory_space<vmem>>)
      tpu.yield
    }) : () -> ()
    %dma_start3A_112 = arith.constant 0 : i32
    %dma_start3A_113 = arith.constant 0 : i32
    %dma_start3A_114 = tpu.memref_slice %arg2[%dma_start3A_112, %dma_start3A_113] : memref<1000000x128xf32, #tpu.memory_space<hbm>> -> memref<1000000x128xf32, #tpu.memory_space<hbm>>
    tpu.enqueue_indirect_dma source(%dma_start3A_114 : memref<1000000x128xf32, #tpu.memory_space<hbm>>) target(%arg7 : memref<448x128xf32, #tpu.memory_space<vmem>>) offsets(%arg5 : memref<448xi32, #tpu.memory_space<vmem>>) semaphore(%arg9 : memref<!tpu.dma_semaphore, #tpu.memory_space<semaphore_mem>>)
    %dma_wait3A_115 = arith.constant 0 : i32
    %dma_wait3A_116 = arith.constant 0 : i32
    %dma_wait3A_117 = tpu.memref_slice %arg2[%dma_wait3A_115, %dma_wait3A_116] : memref<1000000x128xf32, #tpu.memory_space<hbm>> -> memref<1000000x128xf32, #tpu.memory_space<hbm>>
    tpu.wait_indirect_dma semaphore(%arg10 : memref<!tpu.dma_semaphore, #tpu.memory_space<semaphore_mem>>) src(%dma_wait3A_117 : memref<1000000x128xf32, #tpu.memory_space<hbm>>) dst(%arg8 : memref<448x128xf32, #tpu.memory_space<vmem>>)
    %add3A_118 = arith.constant 2240 : i32
    %add3A_119 = arith.addi %mul3A_2, %add3A_118 : i32
    %dma_start3A_120 = arith.constant 0 : i32
    %dma_start3A_121 = tpu.memref_slice %arg4[%add3A_119, %dma_start3A_120] : memref<114688x128xf32, #tpu.memory_space<hbm>> -> memref<448x128xf32, #tpu.memory_space<hbm>>
    %dma_start3A_122 = arith.constant 0 : i32
    %dma_start3A_123 = tpu.memref_slice %arg4[%add3A_119, %dma_start3A_122] : memref<114688x128xf32, #tpu.memory_space<hbm>> -> memref<448x128xf32, #tpu.memory_space<hbm>>
    tpu.enqueue_dma source(%arg8 : memref<448x128xf32, #tpu.memory_space<vmem>>) target(%dma_start3A_123 : memref<448x128xf32, #tpu.memory_space<hbm>>) target_semaphore(%arg12 : memref<!tpu.dma_semaphore, #tpu.memory_space<semaphore_mem>>)
    %dma_wait3A_124 = arith.constant 0 : i32
    %dma_wait3A_125 = tpu.memref_slice %arg4[%add3A_119, %dma_wait3A_124] : memref<114688x128xf32, #tpu.memory_space<hbm>> -> memref<448x128xf32, #tpu.memory_space<hbm>>
    %dma_wait3A_126 = arith.constant 0 : i32
    %dma_wait3A_127 = tpu.memref_slice %arg4[%add3A_119, %dma_wait3A_126] : memref<114688x128xf32, #tpu.memory_space<hbm>> -> memref<448x128xf32, #tpu.memory_space<hbm>>
    tpu.wait_dma2 semaphore(%arg12 : memref<!tpu.dma_semaphore, #tpu.memory_space<semaphore_mem>>) src(%arg8 : memref<448x128xf32, #tpu.memory_space<vmem>>) dst(%dma_wait3A_127 : memref<448x128xf32, #tpu.memory_space<hbm>>)
    %add3A_128 = arith.constant 114688 : i32
    %add3A_129 = arith.addi %add3A_128, %mul3A_2 : i32
    %add3A_130 = arith.constant 3136 : i32
    %add3A_131 = arith.addi %add3A_129, %add3A_130 : i32
    "tpu.region"() ({
      %run_scoped3A = tpu.sem_alloc : memref<!tpu.dma_semaphore, #tpu.memory_space<semaphore_mem>>
      %dma_start3A_161 = tpu.memref_slice %arg3[%add3A_131] : memref<917504xi32, #tpu.memory_space<hbm>> -> memref<448xi32, #tpu.memory_space<hbm>>
      %dma_start3A_162 = tpu.memref_slice %arg3[%add3A_131] : memref<917504xi32, #tpu.memory_space<hbm>> -> memref<448xi32, #tpu.memory_space<hbm>>
      tpu.enqueue_dma source(%dma_start3A_162 : memref<448xi32, #tpu.memory_space<hbm>>) target(%arg6 : memref<448xi32, #tpu.memory_space<vmem>>) target_semaphore(%run_scoped3A : memref<!tpu.dma_semaphore, #tpu.memory_space<semaphore_mem>>)
      %dma_wait3A_163 = tpu.memref_slice %arg3[%add3A_131] : memref<917504xi32, #tpu.memory_space<hbm>> -> memref<448xi32, #tpu.memory_space<hbm>>
      %dma_wait3A_164 = tpu.memref_slice %arg3[%add3A_131] : memref<917504xi32, #tpu.memory_space<hbm>> -> memref<448xi32, #tpu.memory_space<hbm>>
      tpu.wait_dma2 semaphore(%run_scoped3A : memref<!tpu.dma_semaphore, #tpu.memory_space<semaphore_mem>>) src(%dma_wait3A_164 : memref<448xi32, #tpu.memory_space<hbm>>) dst(%arg6 : memref<448xi32, #tpu.memory_space<vmem>>)
      tpu.yield
    }) : () -> ()
    %dma_start3A_132 = arith.constant 0 : i32
    %dma_start3A_133 = arith.constant 0 : i32
    %dma_start3A_134 = tpu.memref_slice %arg2[%dma_start3A_132, %dma_start3A_133] : memref<1000000x128xf32, #tpu.memory_space<hbm>> -> memref<1000000x128xf32, #tpu.memory_space<hbm>>
    tpu.enqueue_indirect_dma source(%dma_start3A_134 : memref<1000000x128xf32, #tpu.memory_space<hbm>>) target(%arg8 : memref<448x128xf32, #tpu.memory_space<vmem>>) offsets(%arg6 : memref<448xi32, #tpu.memory_space<vmem>>) semaphore(%arg10 : memref<!tpu.dma_semaphore, #tpu.memory_space<semaphore_mem>>)
    %dma_wait3A_135 = arith.constant 0 : i32
    %dma_wait3A_136 = arith.constant 0 : i32
    %dma_wait3A_137 = tpu.memref_slice %arg2[%dma_wait3A_135, %dma_wait3A_136] : memref<1000000x128xf32, #tpu.memory_space<hbm>> -> memref<1000000x128xf32, #tpu.memory_space<hbm>>
    tpu.wait_indirect_dma semaphore(%arg9 : memref<!tpu.dma_semaphore, #tpu.memory_space<semaphore_mem>>) src(%dma_wait3A_137 : memref<1000000x128xf32, #tpu.memory_space<hbm>>) dst(%arg7 : memref<448x128xf32, #tpu.memory_space<vmem>>)
    %add3A_138 = arith.constant 2688 : i32
    %add3A_139 = arith.addi %mul3A_2, %add3A_138 : i32
    %dma_start3A_140 = arith.constant 0 : i32
    %dma_start3A_141 = tpu.memref_slice %arg4[%add3A_139, %dma_start3A_140] : memref<114688x128xf32, #tpu.memory_space<hbm>> -> memref<448x128xf32, #tpu.memory_space<hbm>>
    %dma_start3A_142 = arith.constant 0 : i32
    %dma_start3A_143 = tpu.memref_slice %arg4[%add3A_139, %dma_start3A_142] : memref<114688x128xf32, #tpu.memory_space<hbm>> -> memref<448x128xf32, #tpu.memory_space<hbm>>
    tpu.enqueue_dma source(%arg7 : memref<448x128xf32, #tpu.memory_space<vmem>>) target(%dma_start3A_143 : memref<448x128xf32, #tpu.memory_space<hbm>>) target_semaphore(%arg11 : memref<!tpu.dma_semaphore, #tpu.memory_space<semaphore_mem>>)
    %dma_wait3A_144 = arith.constant 0 : i32
    %dma_wait3A_145 = arith.constant 0 : i32
    %dma_wait3A_146 = tpu.memref_slice %arg2[%dma_wait3A_144, %dma_wait3A_145] : memref<1000000x128xf32, #tpu.memory_space<hbm>> -> memref<1000000x128xf32, #tpu.memory_space<hbm>>
    tpu.wait_indirect_dma semaphore(%arg10 : memref<!tpu.dma_semaphore, #tpu.memory_space<semaphore_mem>>) src(%dma_wait3A_146 : memref<1000000x128xf32, #tpu.memory_space<hbm>>) dst(%arg8 : memref<448x128xf32, #tpu.memory_space<vmem>>)
    %add3A_147 = arith.constant 3136 : i32
    %add3A_148 = arith.addi %mul3A_2, %add3A_147 : i32
    %dma_start3A_149 = arith.constant 0 : i32
    %dma_start3A_150 = tpu.memref_slice %arg4[%add3A_148, %dma_start3A_149] : memref<114688x128xf32, #tpu.memory_space<hbm>> -> memref<448x128xf32, #tpu.memory_space<hbm>>
    %dma_start3A_151 = arith.constant 0 : i32
    %dma_start3A_152 = tpu.memref_slice %arg4[%add3A_148, %dma_start3A_151] : memref<114688x128xf32, #tpu.memory_space<hbm>> -> memref<448x128xf32, #tpu.memory_space<hbm>>
    tpu.enqueue_dma source(%arg8 : memref<448x128xf32, #tpu.memory_space<vmem>>) target(%dma_start3A_152 : memref<448x128xf32, #tpu.memory_space<hbm>>) target_semaphore(%arg12 : memref<!tpu.dma_semaphore, #tpu.memory_space<semaphore_mem>>)
    %dma_wait3A_153 = arith.constant 0 : i32
    %dma_wait3A_154 = tpu.memref_slice %arg4[%add3A_139, %dma_wait3A_153] : memref<114688x128xf32, #tpu.memory_space<hbm>> -> memref<448x128xf32, #tpu.memory_space<hbm>>
    %dma_wait3A_155 = arith.constant 0 : i32
    %dma_wait3A_156 = tpu.memref_slice %arg4[%add3A_139, %dma_wait3A_155] : memref<114688x128xf32, #tpu.memory_space<hbm>> -> memref<448x128xf32, #tpu.memory_space<hbm>>
    tpu.wait_dma2 semaphore(%arg11 : memref<!tpu.dma_semaphore, #tpu.memory_space<semaphore_mem>>) src(%arg7 : memref<448x128xf32, #tpu.memory_space<vmem>>) dst(%dma_wait3A_156 : memref<448x128xf32, #tpu.memory_space<hbm>>)
    %dma_wait3A_157 = arith.constant 0 : i32
    %dma_wait3A_158 = tpu.memref_slice %arg4[%add3A_148, %dma_wait3A_157] : memref<114688x128xf32, #tpu.memory_space<hbm>> -> memref<448x128xf32, #tpu.memory_space<hbm>>
    %dma_wait3A_159 = arith.constant 0 : i32
    %dma_wait3A_160 = tpu.memref_slice %arg4[%add3A_148, %dma_wait3A_159] : memref<114688x128xf32, #tpu.memory_space<hbm>> -> memref<448x128xf32, #tpu.memory_space<hbm>>
    tpu.wait_dma2 semaphore(%arg12 : memref<!tpu.dma_semaphore, #tpu.memory_space<semaphore_mem>>) src(%arg8 : memref<448x128xf32, #tpu.memory_space<vmem>>) dst(%dma_wait3A_160 : memref<448x128xf32, #tpu.memory_space<hbm>>)
    return
  }
}

#map = affine_map<(d0, d1) -> (0, 0)>
#map1 = affine_map<(d0, d1) -> (0)>
module attributes {stable_mosaic.version = 14 : i64} {
  func.func @gather_kernel(%arg0: i32, %arg1: i32, %arg2: memref<1000000x128xf32, #tpu.memory_space<hbm>>, %arg3: memref<917504xi32, #tpu.memory_space<hbm>>, %arg4: memref<114688x128xf32, #tpu.memory_space<hbm>>, %arg5: memref<448xi32, #tpu.memory_space<vmem>>, %arg6: memref<448xi32, #tpu.memory_space<vmem>>, %arg7: memref<448x128xf32, #tpu.memory_space<vmem>>, %arg8: memref<448x128xf32, #tpu.memory_space<vmem>>, %arg9: memref<!tpu.dma_semaphore, #tpu.memory_space<semaphore_mem>>, %arg10: memref<!tpu.dma_semaphore, #tpu.memory_space<semaphore_mem>>, %arg11: memref<!tpu.dma_semaphore, #tpu.memory_space<semaphore_mem>>, %arg12: memref<!tpu.dma_semaphore, #tpu.memory_space<semaphore_mem>>) attributes {dimension_semantics = [#tpu.dimension_semantics<core_parallel>, #tpu.dimension_semantics<subcore_parallel>], iteration_bounds = array<i64: 2, 16>, scalar_prefetch = 0 : i64, scratch_operands = 8 : i64, tpu.core_type = #tpu.core_type<sc_vector_subcore>, window_params = [{transform_indices = #map}, {transform_indices = #map1}, {transform_indices = #map}]} {
    %mul3A = arith.constant 2 : i32
    %mul3A_0 = arith.muli %arg1, %mul3A : i32
    %add3A = arith.addi %mul3A_0, %arg0 : i32
    %mul3A_1 = arith.constant 3584 : i32
    %mul3A_2 = arith.muli %add3A, %mul3A_1 : i32
    %add3A_3 = arith.constant 0 : i32
    %add3A_4 = arith.addi %add3A_3, %mul3A_2 : i32
    %add3A_5 = arith.constant 0 : i32
    %add3A_6 = arith.addi %add3A_4, %add3A_5 : i32
    "tpu.region"() ({
      %run_scoped3A = tpu.sem_alloc : memref<!tpu.dma_semaphore, #tpu.memory_space<semaphore_mem>>
      %dma_start3A_161 = tpu.memref_slice %arg3[%add3A_6] : memref<917504xi32, #tpu.memory_space<hbm>> -> memref<448xi32, #tpu.memory_space<hbm>>
      %dma_start3A_162 = tpu.memref_slice %arg3[%add3A_6] : memref<917504xi32, #tpu.memory_space<hbm>> -> memref<448xi32, #tpu.memory_space<hbm>>
      tpu.enqueue_dma source(%dma_start3A_162 : memref<448xi32, #tpu.memory_space<hbm>>) target(%arg5 : memref<448xi32, #tpu.memory_space<vmem>>) target_semaphore(%run_scoped3A : memref<!tpu.dma_semaphore, #tpu.memory_space<semaphore_mem>>)
      %dma_wait3A_163 = tpu.memref_slice %arg3[%add3A_6] : memref<917504xi32, #tpu.memory_space<hbm>> -> memref<448xi32, #tpu.memory_space<hbm>>
      %dma_wait3A_164 = tpu.memref_slice %arg3[%add3A_6] : memref<917504xi32, #tpu.memory_space<hbm>> -> memref<448xi32, #tpu.memory_space<hbm>>
      tpu.wait_dma2 semaphore(%run_scoped3A : memref<!tpu.dma_semaphore, #tpu.memory_space<semaphore_mem>>) src(%dma_wait3A_164 : memref<448xi32, #tpu.memory_space<hbm>>) dst(%arg5 : memref<448xi32, #tpu.memory_space<vmem>>)
      tpu.yield
    }) : () -> ()
    %dma_start3A = arith.constant 0 : i32
    %dma_start3A_7 = arith.constant 0 : i32
    %dma_start3A_8 = tpu.memref_slice %arg2[%dma_start3A, %dma_start3A_7] : memref<1000000x128xf32, #tpu.memory_space<hbm>> -> memref<1000000x128xf32, #tpu.memory_space<hbm>>
    tpu.enqueue_indirect_dma source(%dma_start3A_8 : memref<1000000x128xf32, #tpu.memory_space<hbm>>) target(%arg7 : memref<448x128xf32, #tpu.memory_space<vmem>>) offsets(%arg5 : memref<448xi32, #tpu.memory_space<vmem>>) semaphore(%arg9 : memref<!tpu.dma_semaphore, #tpu.memory_space<semaphore_mem>>)
    %add3A_9 = arith.constant 0 : i32
    %add3A_10 = arith.addi %add3A_9, %mul3A_2 : i32
    %add3A_11 = arith.constant 448 : i32
    %add3A_12 = arith.addi %add3A_10, %add3A_11 : i32
    "tpu.region"() ({
      %run_scoped3A = tpu.sem_alloc : memref<!tpu.dma_semaphore, #tpu.memory_space<semaphore_mem>>
      %dma_start3A_161 = tpu.memref_slice %arg3[%add3A_12] : memref<917504xi32, #tpu.memory_space<hbm>> -> memref<448xi32, #tpu.memory_space<hbm>>
      %dma_start3A_162 = tpu.memref_slice %arg3[%add3A_12] : memref<917504xi32, #tpu.memory_space<hbm>> -> memref<448xi32, #tpu.memory_space<hbm>>
      tpu.enqueue_dma source(%dma_start3A_162 : memref<448xi32, #tpu.memory_space<hbm>>) target(%arg6 : memref<448xi32, #tpu.memory_space<vmem>>) target_semaphore(%run_scoped3A : memref<!tpu.dma_semaphore, #tpu.memory_space<semaphore_mem>>)
      %dma_wait3A_163 = tpu.memref_slice %arg3[%add3A_12] : memref<917504xi32, #tpu.memory_space<hbm>> -> memref<448xi32, #tpu.memory_space<hbm>>
      %dma_wait3A_164 = tpu.memref_slice %arg3[%add3A_12] : memref<917504xi32, #tpu.memory_space<hbm>> -> memref<448xi32, #tpu.memory_space<hbm>>
      tpu.wait_dma2 semaphore(%run_scoped3A : memref<!tpu.dma_semaphore, #tpu.memory_space<semaphore_mem>>) src(%dma_wait3A_164 : memref<448xi32, #tpu.memory_space<hbm>>) dst(%arg6 : memref<448xi32, #tpu.memory_space<vmem>>)
      tpu.yield
    }) : () -> ()
    %dma_start3A_13 = arith.constant 0 : i32
    %dma_start3A_14 = arith.constant 0 : i32
    %dma_start3A_15 = tpu.memref_slice %arg2[%dma_start3A_13, %dma_start3A_14] : memref<1000000x128xf32, #tpu.memory_space<hbm>> -> memref<1000000x128xf32, #tpu.memory_space<hbm>>
    tpu.enqueue_indirect_dma source(%dma_start3A_15 : memref<1000000x128xf32, #tpu.memory_space<hbm>>) target(%arg8 : memref<448x128xf32, #tpu.memory_space<vmem>>) offsets(%arg6 : memref<448xi32, #tpu.memory_space<vmem>>) semaphore(%arg10 : memref<!tpu.dma_semaphore, #tpu.memory_space<semaphore_mem>>)
    %dma_wait3A = arith.constant 0 : i32
    %dma_wait3A_16 = arith.constant 0 : i32
    %dma_wait3A_17 = tpu.memref_slice %arg2[%dma_wait3A, %dma_wait3A_16] : memref<1000000x128xf32, #tpu.memory_space<hbm>> -> memref<1000000x128xf32, #tpu.memory_space<hbm>>
    tpu.wait_indirect_dma semaphore(%arg9 : memref<!tpu.dma_semaphore, #tpu.memory_space<semaphore_mem>>) src(%dma_wait3A_17 : memref<1000000x128xf32, #tpu.memory_space<hbm>>) dst(%arg7 : memref<448x128xf32, #tpu.memory_space<vmem>>)
    %add3A_18 = arith.constant 0 : i32
    %add3A_19 = arith.addi %mul3A_2, %add3A_18 : i32
    %dma_start3A_20 = arith.constant 0 : i32
    %dma_start3A_21 = tpu.memref_slice %arg4[%add3A_19, %dma_start3A_20] : memref<114688x128xf32, #tpu.memory_space<hbm>> -> memref<448x128xf32, #tpu.memory_space<hbm>>
    %dma_start3A_22 = arith.constant 0 : i32
    %dma_start3A_23 = tpu.memref_slice %arg4[%add3A_19, %dma_start3A_22] : memref<114688x128xf32, #tpu.memory_space<hbm>> -> memref<448x128xf32, #tpu.memory_space<hbm>>
    tpu.enqueue_dma source(%arg7 : memref<448x128xf32, #tpu.memory_space<vmem>>) target(%dma_start3A_23 : memref<448x128xf32, #tpu.memory_space<hbm>>) target_semaphore(%arg11 : memref<!tpu.dma_semaphore, #tpu.memory_space<semaphore_mem>>)
    %dma_wait3A_24 = arith.constant 0 : i32
    %dma_wait3A_25 = tpu.memref_slice %arg4[%add3A_19, %dma_wait3A_24] : memref<114688x128xf32, #tpu.memory_space<hbm>> -> memref<448x128xf32, #tpu.memory_space<hbm>>
    %dma_wait3A_26 = arith.constant 0 : i32
    %dma_wait3A_27 = tpu.memref_slice %arg4[%add3A_19, %dma_wait3A_26] : memref<114688x128xf32, #tpu.memory_space<hbm>> -> memref<448x128xf32, #tpu.memory_space<hbm>>
    tpu.wait_dma2 semaphore(%arg11 : memref<!tpu.dma_semaphore, #tpu.memory_space<semaphore_mem>>) src(%arg7 : memref<448x128xf32, #tpu.memory_space<vmem>>) dst(%dma_wait3A_27 : memref<448x128xf32, #tpu.memory_space<hbm>>)
    %add3A_28 = arith.constant 0 : i32
    %add3A_29 = arith.addi %add3A_28, %mul3A_2 : i32
    %add3A_30 = arith.constant 896 : i32
    %add3A_31 = arith.addi %add3A_29, %add3A_30 : i32
    "tpu.region"() ({
      %run_scoped3A = tpu.sem_alloc : memref<!tpu.dma_semaphore, #tpu.memory_space<semaphore_mem>>
      %dma_start3A_161 = tpu.memref_slice %arg3[%add3A_31] : memref<917504xi32, #tpu.memory_space<hbm>> -> memref<448xi32, #tpu.memory_space<hbm>>
      %dma_start3A_162 = tpu.memref_slice %arg3[%add3A_31] : memref<917504xi32, #tpu.memory_space<hbm>> -> memref<448xi32, #tpu.memory_space<hbm>>
      tpu.enqueue_dma source(%dma_start3A_162 : memref<448xi32, #tpu.memory_space<hbm>>) target(%arg5 : memref<448xi32, #tpu.memory_space<vmem>>) target_semaphore(%run_scoped3A : memref<!tpu.dma_semaphore, #tpu.memory_space<semaphore_mem>>)
      %dma_wait3A_163 = tpu.memref_slice %arg3[%add3A_31] : memref<917504xi32, #tpu.memory_space<hbm>> -> memref<448xi32, #tpu.memory_space<hbm>>
      %dma_wait3A_164 = tpu.memref_slice %arg3[%add3A_31] : memref<917504xi32, #tpu.memory_space<hbm>> -> memref<448xi32, #tpu.memory_space<hbm>>
      tpu.wait_dma2 semaphore(%run_scoped3A : memref<!tpu.dma_semaphore, #tpu.memory_space<semaphore_mem>>) src(%dma_wait3A_164 : memref<448xi32, #tpu.memory_space<hbm>>) dst(%arg5 : memref<448xi32, #tpu.memory_space<vmem>>)
      tpu.yield
    }) : () -> ()
    %dma_start3A_32 = arith.constant 0 : i32
    %dma_start3A_33 = arith.constant 0 : i32
    %dma_start3A_34 = tpu.memref_slice %arg2[%dma_start3A_32, %dma_start3A_33] : memref<1000000x128xf32, #tpu.memory_space<hbm>> -> memref<1000000x128xf32, #tpu.memory_space<hbm>>
    tpu.enqueue_indirect_dma source(%dma_start3A_34 : memref<1000000x128xf32, #tpu.memory_space<hbm>>) target(%arg7 : memref<448x128xf32, #tpu.memory_space<vmem>>) offsets(%arg5 : memref<448xi32, #tpu.memory_space<vmem>>) semaphore(%arg9 : memref<!tpu.dma_semaphore, #tpu.memory_space<semaphore_mem>>)
    %dma_wait3A_35 = arith.constant 0 : i32
    %dma_wait3A_36 = arith.constant 0 : i32
    %dma_wait3A_37 = tpu.memref_slice %arg2[%dma_wait3A_35, %dma_wait3A_36] : memref<1000000x128xf32, #tpu.memory_space<hbm>> -> memref<1000000x128xf32, #tpu.memory_space<hbm>>
    tpu.wait_indirect_dma semaphore(%arg10 : memref<!tpu.dma_semaphore, #tpu.memory_space<semaphore_mem>>) src(%dma_wait3A_37 : memref<1000000x128xf32, #tpu.memory_space<hbm>>) dst(%arg8 : memref<448x128xf32, #tpu.memory_space<vmem>>)
    %add3A_38 = arith.constant 448 : i32
    %add3A_39 = arith.addi %mul3A_2, %add3A_38 : i32
    %dma_start3A_40 = arith.constant 0 : i32
    %dma_start3A_41 = tpu.memref_slice %arg4[%add3A_39, %dma_start3A_40] : memref<114688x128xf32, #tpu.memory_space<hbm>> -> memref<448x128xf32, #tpu.memory_space<hbm>>
    %dma_start3A_42 = arith.constant 0 : i32
    %dma_start3A_43 = tpu.memref_slice %arg4[%add3A_39, %dma_start3A_42] : memref<114688x128xf32, #tpu.memory_space<hbm>> -> memref<448x128xf32, #tpu.memory_space<hbm>>
    tpu.enqueue_dma source(%arg8 : memref<448x128xf32, #tpu.memory_space<vmem>>) target(%dma_start3A_43 : memref<448x128xf32, #tpu.memory_space<hbm>>) target_semaphore(%arg12 : memref<!tpu.dma_semaphore, #tpu.memory_space<semaphore_mem>>)
    %dma_wait3A_44 = arith.constant 0 : i32
    %dma_wait3A_45 = tpu.memref_slice %arg4[%add3A_39, %dma_wait3A_44] : memref<114688x128xf32, #tpu.memory_space<hbm>> -> memref<448x128xf32, #tpu.memory_space<hbm>>
    %dma_wait3A_46 = arith.constant 0 : i32
    %dma_wait3A_47 = tpu.memref_slice %arg4[%add3A_39, %dma_wait3A_46] : memref<114688x128xf32, #tpu.memory_space<hbm>> -> memref<448x128xf32, #tpu.memory_space<hbm>>
    tpu.wait_dma2 semaphore(%arg12 : memref<!tpu.dma_semaphore, #tpu.memory_space<semaphore_mem>>) src(%arg8 : memref<448x128xf32, #tpu.memory_space<vmem>>) dst(%dma_wait3A_47 : memref<448x128xf32, #tpu.memory_space<hbm>>)
    %add3A_48 = arith.constant 0 : i32
    %add3A_49 = arith.addi %add3A_48, %mul3A_2 : i32
    %add3A_50 = arith.constant 1344 : i32
    %add3A_51 = arith.addi %add3A_49, %add3A_50 : i32
    "tpu.region"() ({
      %run_scoped3A = tpu.sem_alloc : memref<!tpu.dma_semaphore, #tpu.memory_space<semaphore_mem>>
      %dma_start3A_161 = tpu.memref_slice %arg3[%add3A_51] : memref<917504xi32, #tpu.memory_space<hbm>> -> memref<448xi32, #tpu.memory_space<hbm>>
      %dma_start3A_162 = tpu.memref_slice %arg3[%add3A_51] : memref<917504xi32, #tpu.memory_space<hbm>> -> memref<448xi32, #tpu.memory_space<hbm>>
      tpu.enqueue_dma source(%dma_start3A_162 : memref<448xi32, #tpu.memory_space<hbm>>) target(%arg6 : memref<448xi32, #tpu.memory_space<vmem>>) target_semaphore(%run_scoped3A : memref<!tpu.dma_semaphore, #tpu.memory_space<semaphore_mem>>)
      %dma_wait3A_163 = tpu.memref_slice %arg3[%add3A_51] : memref<917504xi32, #tpu.memory_space<hbm>> -> memref<448xi32, #tpu.memory_space<hbm>>
      %dma_wait3A_164 = tpu.memref_slice %arg3[%add3A_51] : memref<917504xi32, #tpu.memory_space<hbm>> -> memref<448xi32, #tpu.memory_space<hbm>>
      tpu.wait_dma2 semaphore(%run_scoped3A : memref<!tpu.dma_semaphore, #tpu.memory_space<semaphore_mem>>) src(%dma_wait3A_164 : memref<448xi32, #tpu.memory_space<hbm>>) dst(%arg6 : memref<448xi32, #tpu.memory_space<vmem>>)
      tpu.yield
    }) : () -> ()
    %dma_start3A_52 = arith.constant 0 : i32
    %dma_start3A_53 = arith.constant 0 : i32
    %dma_start3A_54 = tpu.memref_slice %arg2[%dma_start3A_52, %dma_start3A_53] : memref<1000000x128xf32, #tpu.memory_space<hbm>> -> memref<1000000x128xf32, #tpu.memory_space<hbm>>
    tpu.enqueue_indirect_dma source(%dma_start3A_54 : memref<1000000x128xf32, #tpu.memory_space<hbm>>) target(%arg8 : memref<448x128xf32, #tpu.memory_space<vmem>>) offsets(%arg6 : memref<448xi32, #tpu.memory_space<vmem>>) semaphore(%arg10 : memref<!tpu.dma_semaphore, #tpu.memory_space<semaphore_mem>>)
    %dma_wait3A_55 = arith.constant 0 : i32
    %dma_wait3A_56 = arith.constant 0 : i32
    %dma_wait3A_57 = tpu.memref_slice %arg2[%dma_wait3A_55, %dma_wait3A_56] : memref<1000000x128xf32, #tpu.memory_space<hbm>> -> memref<1000000x128xf32, #tpu.memory_space<hbm>>
    tpu.wait_indirect_dma semaphore(%arg9 : memref<!tpu.dma_semaphore, #tpu.memory_space<semaphore_mem>>) src(%dma_wait3A_57 : memref<1000000x128xf32, #tpu.memory_space<hbm>>) dst(%arg7 : memref<448x128xf32, #tpu.memory_space<vmem>>)
    %add3A_58 = arith.constant 896 : i32
    %add3A_59 = arith.addi %mul3A_2, %add3A_58 : i32
    %dma_start3A_60 = arith.constant 0 : i32
    %dma_start3A_61 = tpu.memref_slice %arg4[%add3A_59, %dma_start3A_60] : memref<114688x128xf32, #tpu.memory_space<hbm>> -> memref<448x128xf32, #tpu.memory_space<hbm>>
    %dma_start3A_62 = arith.constant 0 : i32
    %dma_start3A_63 = tpu.memref_slice %arg4[%add3A_59, %dma_start3A_62] : memref<114688x128xf32, #tpu.memory_space<hbm>> -> memref<448x128xf32, #tpu.memory_space<hbm>>
    tpu.enqueue_dma source(%arg7 : memref<448x128xf32, #tpu.memory_space<vmem>>) target(%dma_start3A_63 : memref<448x128xf32, #tpu.memory_space<hbm>>) target_semaphore(%arg11 : memref<!tpu.dma_semaphore, #tpu.memory_space<semaphore_mem>>)
    %dma_wait3A_64 = arith.constant 0 : i32
    %dma_wait3A_65 = tpu.memref_slice %arg4[%add3A_59, %dma_wait3A_64] : memref<114688x128xf32, #tpu.memory_space<hbm>> -> memref<448x128xf32, #tpu.memory_space<hbm>>
    %dma_wait3A_66 = arith.constant 0 : i32
    %dma_wait3A_67 = tpu.memref_slice %arg4[%add3A_59, %dma_wait3A_66] : memref<114688x128xf32, #tpu.memory_space<hbm>> -> memref<448x128xf32, #tpu.memory_space<hbm>>
    tpu.wait_dma2 semaphore(%arg11 : memref<!tpu.dma_semaphore, #tpu.memory_space<semaphore_mem>>) src(%arg7 : memref<448x128xf32, #tpu.memory_space<vmem>>) dst(%dma_wait3A_67 : memref<448x128xf32, #tpu.memory_space<hbm>>)
    %add3A_68 = arith.constant 0 : i32
    %add3A_69 = arith.addi %add3A_68, %mul3A_2 : i32
    %add3A_70 = arith.constant 1792 : i32
    %add3A_71 = arith.addi %add3A_69, %add3A_70 : i32
    "tpu.region"() ({
      %run_scoped3A = tpu.sem_alloc : memref<!tpu.dma_semaphore, #tpu.memory_space<semaphore_mem>>
      %dma_start3A_161 = tpu.memref_slice %arg3[%add3A_71] : memref<917504xi32, #tpu.memory_space<hbm>> -> memref<448xi32, #tpu.memory_space<hbm>>
      %dma_start3A_162 = tpu.memref_slice %arg3[%add3A_71] : memref<917504xi32, #tpu.memory_space<hbm>> -> memref<448xi32, #tpu.memory_space<hbm>>
      tpu.enqueue_dma source(%dma_start3A_162 : memref<448xi32, #tpu.memory_space<hbm>>) target(%arg5 : memref<448xi32, #tpu.memory_space<vmem>>) target_semaphore(%run_scoped3A : memref<!tpu.dma_semaphore, #tpu.memory_space<semaphore_mem>>)
      %dma_wait3A_163 = tpu.memref_slice %arg3[%add3A_71] : memref<917504xi32, #tpu.memory_space<hbm>> -> memref<448xi32, #tpu.memory_space<hbm>>
      %dma_wait3A_164 = tpu.memref_slice %arg3[%add3A_71] : memref<917504xi32, #tpu.memory_space<hbm>> -> memref<448xi32, #tpu.memory_space<hbm>>
      tpu.wait_dma2 semaphore(%run_scoped3A : memref<!tpu.dma_semaphore, #tpu.memory_space<semaphore_mem>>) src(%dma_wait3A_164 : memref<448xi32, #tpu.memory_space<hbm>>) dst(%arg5 : memref<448xi32, #tpu.memory_space<vmem>>)
      tpu.yield
    }) : () -> ()
    %dma_start3A_72 = arith.constant 0 : i32
    %dma_start3A_73 = arith.constant 0 : i32
    %dma_start3A_74 = tpu.memref_slice %arg2[%dma_start3A_72, %dma_start3A_73] : memref<1000000x128xf32, #tpu.memory_space<hbm>> -> memref<1000000x128xf32, #tpu.memory_space<hbm>>
    tpu.enqueue_indirect_dma source(%dma_start3A_74 : memref<1000000x128xf32, #tpu.memory_space<hbm>>) target(%arg7 : memref<448x128xf32, #tpu.memory_space<vmem>>) offsets(%arg5 : memref<448xi32, #tpu.memory_space<vmem>>) semaphore(%arg9 : memref<!tpu.dma_semaphore, #tpu.memory_space<semaphore_mem>>)
    %dma_wait3A_75 = arith.constant 0 : i32
    %dma_wait3A_76 = arith.constant 0 : i32
    %dma_wait3A_77 = tpu.memref_slice %arg2[%dma_wait3A_75, %dma_wait3A_76] : memref<1000000x128xf32, #tpu.memory_space<hbm>> -> memref<1000000x128xf32, #tpu.memory_space<hbm>>
    tpu.wait_indirect_dma semaphore(%arg10 : memref<!tpu.dma_semaphore, #tpu.memory_space<semaphore_mem>>) src(%dma_wait3A_77 : memref<1000000x128xf32, #tpu.memory_space<hbm>>) dst(%arg8 : memref<448x128xf32, #tpu.memory_space<vmem>>)
    %add3A_78 = arith.constant 1344 : i32
    %add3A_79 = arith.addi %mul3A_2, %add3A_78 : i32
    %dma_start3A_80 = arith.constant 0 : i32
    %dma_start3A_81 = tpu.memref_slice %arg4[%add3A_79, %dma_start3A_80] : memref<114688x128xf32, #tpu.memory_space<hbm>> -> memref<448x128xf32, #tpu.memory_space<hbm>>
    %dma_start3A_82 = arith.constant 0 : i32
    %dma_start3A_83 = tpu.memref_slice %arg4[%add3A_79, %dma_start3A_82] : memref<114688x128xf32, #tpu.memory_space<hbm>> -> memref<448x128xf32, #tpu.memory_space<hbm>>
    tpu.enqueue_dma source(%arg8 : memref<448x128xf32, #tpu.memory_space<vmem>>) target(%dma_start3A_83 : memref<448x128xf32, #tpu.memory_space<hbm>>) target_semaphore(%arg12 : memref<!tpu.dma_semaphore, #tpu.memory_space<semaphore_mem>>)
    %dma_wait3A_84 = arith.constant 0 : i32
    %dma_wait3A_85 = tpu.memref_slice %arg4[%add3A_79, %dma_wait3A_84] : memref<114688x128xf32, #tpu.memory_space<hbm>> -> memref<448x128xf32, #tpu.memory_space<hbm>>
    %dma_wait3A_86 = arith.constant 0 : i32
    %dma_wait3A_87 = tpu.memref_slice %arg4[%add3A_79, %dma_wait3A_86] : memref<114688x128xf32, #tpu.memory_space<hbm>> -> memref<448x128xf32, #tpu.memory_space<hbm>>
    tpu.wait_dma2 semaphore(%arg12 : memref<!tpu.dma_semaphore, #tpu.memory_space<semaphore_mem>>) src(%arg8 : memref<448x128xf32, #tpu.memory_space<vmem>>) dst(%dma_wait3A_87 : memref<448x128xf32, #tpu.memory_space<hbm>>)
    %add3A_88 = arith.constant 0 : i32
    %add3A_89 = arith.addi %add3A_88, %mul3A_2 : i32
    %add3A_90 = arith.constant 2240 : i32
    %add3A_91 = arith.addi %add3A_89, %add3A_90 : i32
    "tpu.region"() ({
      %run_scoped3A = tpu.sem_alloc : memref<!tpu.dma_semaphore, #tpu.memory_space<semaphore_mem>>
      %dma_start3A_161 = tpu.memref_slice %arg3[%add3A_91] : memref<917504xi32, #tpu.memory_space<hbm>> -> memref<448xi32, #tpu.memory_space<hbm>>
      %dma_start3A_162 = tpu.memref_slice %arg3[%add3A_91] : memref<917504xi32, #tpu.memory_space<hbm>> -> memref<448xi32, #tpu.memory_space<hbm>>
      tpu.enqueue_dma source(%dma_start3A_162 : memref<448xi32, #tpu.memory_space<hbm>>) target(%arg6 : memref<448xi32, #tpu.memory_space<vmem>>) target_semaphore(%run_scoped3A : memref<!tpu.dma_semaphore, #tpu.memory_space<semaphore_mem>>)
      %dma_wait3A_163 = tpu.memref_slice %arg3[%add3A_91] : memref<917504xi32, #tpu.memory_space<hbm>> -> memref<448xi32, #tpu.memory_space<hbm>>
      %dma_wait3A_164 = tpu.memref_slice %arg3[%add3A_91] : memref<917504xi32, #tpu.memory_space<hbm>> -> memref<448xi32, #tpu.memory_space<hbm>>
      tpu.wait_dma2 semaphore(%run_scoped3A : memref<!tpu.dma_semaphore, #tpu.memory_space<semaphore_mem>>) src(%dma_wait3A_164 : memref<448xi32, #tpu.memory_space<hbm>>) dst(%arg6 : memref<448xi32, #tpu.memory_space<vmem>>)
      tpu.yield
    }) : () -> ()
    %dma_start3A_92 = arith.constant 0 : i32
    %dma_start3A_93 = arith.constant 0 : i32
    %dma_start3A_94 = tpu.memref_slice %arg2[%dma_start3A_92, %dma_start3A_93] : memref<1000000x128xf32, #tpu.memory_space<hbm>> -> memref<1000000x128xf32, #tpu.memory_space<hbm>>
    tpu.enqueue_indirect_dma source(%dma_start3A_94 : memref<1000000x128xf32, #tpu.memory_space<hbm>>) target(%arg8 : memref<448x128xf32, #tpu.memory_space<vmem>>) offsets(%arg6 : memref<448xi32, #tpu.memory_space<vmem>>) semaphore(%arg10 : memref<!tpu.dma_semaphore, #tpu.memory_space<semaphore_mem>>)
    %dma_wait3A_95 = arith.constant 0 : i32
    %dma_wait3A_96 = arith.constant 0 : i32
    %dma_wait3A_97 = tpu.memref_slice %arg2[%dma_wait3A_95, %dma_wait3A_96] : memref<1000000x128xf32, #tpu.memory_space<hbm>> -> memref<1000000x128xf32, #tpu.memory_space<hbm>>
    tpu.wait_indirect_dma semaphore(%arg9 : memref<!tpu.dma_semaphore, #tpu.memory_space<semaphore_mem>>) src(%dma_wait3A_97 : memref<1000000x128xf32, #tpu.memory_space<hbm>>) dst(%arg7 : memref<448x128xf32, #tpu.memory_space<vmem>>)
    %add3A_98 = arith.constant 1792 : i32
    %add3A_99 = arith.addi %mul3A_2, %add3A_98 : i32
    %dma_start3A_100 = arith.constant 0 : i32
    %dma_start3A_101 = tpu.memref_slice %arg4[%add3A_99, %dma_start3A_100] : memref<114688x128xf32, #tpu.memory_space<hbm>> -> memref<448x128xf32, #tpu.memory_space<hbm>>
    %dma_start3A_102 = arith.constant 0 : i32
    %dma_start3A_103 = tpu.memref_slice %arg4[%add3A_99, %dma_start3A_102] : memref<114688x128xf32, #tpu.memory_space<hbm>> -> memref<448x128xf32, #tpu.memory_space<hbm>>
    tpu.enqueue_dma source(%arg7 : memref<448x128xf32, #tpu.memory_space<vmem>>) target(%dma_start3A_103 : memref<448x128xf32, #tpu.memory_space<hbm>>) target_semaphore(%arg11 : memref<!tpu.dma_semaphore, #tpu.memory_space<semaphore_mem>>)
    %dma_wait3A_104 = arith.constant 0 : i32
    %dma_wait3A_105 = tpu.memref_slice %arg4[%add3A_99, %dma_wait3A_104] : memref<114688x128xf32, #tpu.memory_space<hbm>> -> memref<448x128xf32, #tpu.memory_space<hbm>>
    %dma_wait3A_106 = arith.constant 0 : i32
    %dma_wait3A_107 = tpu.memref_slice %arg4[%add3A_99, %dma_wait3A_106] : memref<114688x128xf32, #tpu.memory_space<hbm>> -> memref<448x128xf32, #tpu.memory_space<hbm>>
    tpu.wait_dma2 semaphore(%arg11 : memref<!tpu.dma_semaphore, #tpu.memory_space<semaphore_mem>>) src(%arg7 : memref<448x128xf32, #tpu.memory_space<vmem>>) dst(%dma_wait3A_107 : memref<448x128xf32, #tpu.memory_space<hbm>>)
    %add3A_108 = arith.constant 0 : i32
    %add3A_109 = arith.addi %add3A_108, %mul3A_2 : i32
    %add3A_110 = arith.constant 2688 : i32
    %add3A_111 = arith.addi %add3A_109, %add3A_110 : i32
    "tpu.region"() ({
      %run_scoped3A = tpu.sem_alloc : memref<!tpu.dma_semaphore, #tpu.memory_space<semaphore_mem>>
      %dma_start3A_161 = tpu.memref_slice %arg3[%add3A_111] : memref<917504xi32, #tpu.memory_space<hbm>> -> memref<448xi32, #tpu.memory_space<hbm>>
      %dma_start3A_162 = tpu.memref_slice %arg3[%add3A_111] : memref<917504xi32, #tpu.memory_space<hbm>> -> memref<448xi32, #tpu.memory_space<hbm>>
      tpu.enqueue_dma source(%dma_start3A_162 : memref<448xi32, #tpu.memory_space<hbm>>) target(%arg5 : memref<448xi32, #tpu.memory_space<vmem>>) target_semaphore(%run_scoped3A : memref<!tpu.dma_semaphore, #tpu.memory_space<semaphore_mem>>)
      %dma_wait3A_163 = tpu.memref_slice %arg3[%add3A_111] : memref<917504xi32, #tpu.memory_space<hbm>> -> memref<448xi32, #tpu.memory_space<hbm>>
      %dma_wait3A_164 = tpu.memref_slice %arg3[%add3A_111] : memref<917504xi32, #tpu.memory_space<hbm>> -> memref<448xi32, #tpu.memory_space<hbm>>
      tpu.wait_dma2 semaphore(%run_scoped3A : memref<!tpu.dma_semaphore, #tpu.memory_space<semaphore_mem>>) src(%dma_wait3A_164 : memref<448xi32, #tpu.memory_space<hbm>>) dst(%arg5 : memref<448xi32, #tpu.memory_space<vmem>>)
      tpu.yield
    }) : () -> ()
    %dma_start3A_112 = arith.constant 0 : i32
    %dma_start3A_113 = arith.constant 0 : i32
    %dma_start3A_114 = tpu.memref_slice %arg2[%dma_start3A_112, %dma_start3A_113] : memref<1000000x128xf32, #tpu.memory_space<hbm>> -> memref<1000000x128xf32, #tpu.memory_space<hbm>>
    tpu.enqueue_indirect_dma source(%dma_start3A_114 : memref<1000000x128xf32, #tpu.memory_space<hbm>>) target(%arg7 : memref<448x128xf32, #tpu.memory_space<vmem>>) offsets(%arg5 : memref<448xi32, #tpu.memory_space<vmem>>) semaphore(%arg9 : memref<!tpu.dma_semaphore, #tpu.memory_space<semaphore_mem>>)
    %dma_wait3A_115 = arith.constant 0 : i32
    %dma_wait3A_116 = arith.constant 0 : i32
    %dma_wait3A_117 = tpu.memref_slice %arg2[%dma_wait3A_115, %dma_wait3A_116] : memref<1000000x128xf32, #tpu.memory_space<hbm>> -> memref<1000000x128xf32, #tpu.memory_space<hbm>>
    tpu.wait_indirect_dma semaphore(%arg10 : memref<!tpu.dma_semaphore, #tpu.memory_space<semaphore_mem>>) src(%dma_wait3A_117 : memref<1000000x128xf32, #tpu.memory_space<hbm>>) dst(%arg8 : memref<448x128xf32, #tpu.memory_space<vmem>>)
    %add3A_118 = arith.constant 2240 : i32
    %add3A_119 = arith.addi %mul3A_2, %add3A_118 : i32
    %dma_start3A_120 = arith.constant 0 : i32
    %dma_start3A_121 = tpu.memref_slice %arg4[%add3A_119, %dma_start3A_120] : memref<114688x128xf32, #tpu.memory_space<hbm>> -> memref<448x128xf32, #tpu.memory_space<hbm>>
    %dma_start3A_122 = arith.constant 0 : i32
    %dma_start3A_123 = tpu.memref_slice %arg4[%add3A_119, %dma_start3A_122] : memref<114688x128xf32, #tpu.memory_space<hbm>> -> memref<448x128xf32, #tpu.memory_space<hbm>>
    tpu.enqueue_dma source(%arg8 : memref<448x128xf32, #tpu.memory_space<vmem>>) target(%dma_start3A_123 : memref<448x128xf32, #tpu.memory_space<hbm>>) target_semaphore(%arg12 : memref<!tpu.dma_semaphore, #tpu.memory_space<semaphore_mem>>)
    %dma_wait3A_124 = arith.constant 0 : i32
    %dma_wait3A_125 = tpu.memref_slice %arg4[%add3A_119, %dma_wait3A_124] : memref<114688x128xf32, #tpu.memory_space<hbm>> -> memref<448x128xf32, #tpu.memory_space<hbm>>
    %dma_wait3A_126 = arith.constant 0 : i32
    %dma_wait3A_127 = tpu.memref_slice %arg4[%add3A_119, %dma_wait3A_126] : memref<114688x128xf32, #tpu.memory_space<hbm>> -> memref<448x128xf32, #tpu.memory_space<hbm>>
    tpu.wait_dma2 semaphore(%arg12 : memref<!tpu.dma_semaphore, #tpu.memory_space<semaphore_mem>>) src(%arg8 : memref<448x128xf32, #tpu.memory_space<vmem>>) dst(%dma_wait3A_127 : memref<448x128xf32, #tpu.memory_space<hbm>>)
    %add3A_128 = arith.constant 0 : i32
    %add3A_129 = arith.addi %add3A_128, %mul3A_2 : i32
    %add3A_130 = arith.constant 3136 : i32
    %add3A_131 = arith.addi %add3A_129, %add3A_130 : i32
    "tpu.region"() ({
      %run_scoped3A = tpu.sem_alloc : memref<!tpu.dma_semaphore, #tpu.memory_space<semaphore_mem>>
      %dma_start3A_161 = tpu.memref_slice %arg3[%add3A_131] : memref<917504xi32, #tpu.memory_space<hbm>> -> memref<448xi32, #tpu.memory_space<hbm>>
      %dma_start3A_162 = tpu.memref_slice %arg3[%add3A_131] : memref<917504xi32, #tpu.memory_space<hbm>> -> memref<448xi32, #tpu.memory_space<hbm>>
      tpu.enqueue_dma source(%dma_start3A_162 : memref<448xi32, #tpu.memory_space<hbm>>) target(%arg6 : memref<448xi32, #tpu.memory_space<vmem>>) target_semaphore(%run_scoped3A : memref<!tpu.dma_semaphore, #tpu.memory_space<semaphore_mem>>)
      %dma_wait3A_163 = tpu.memref_slice %arg3[%add3A_131] : memref<917504xi32, #tpu.memory_space<hbm>> -> memref<448xi32, #tpu.memory_space<hbm>>
      %dma_wait3A_164 = tpu.memref_slice %arg3[%add3A_131] : memref<917504xi32, #tpu.memory_space<hbm>> -> memref<448xi32, #tpu.memory_space<hbm>>
      tpu.wait_dma2 semaphore(%run_scoped3A : memref<!tpu.dma_semaphore, #tpu.memory_space<semaphore_mem>>) src(%dma_wait3A_164 : memref<448xi32, #tpu.memory_space<hbm>>) dst(%arg6 : memref<448xi32, #tpu.memory_space<vmem>>)
      tpu.yield
    }) : () -> ()
    %dma_start3A_132 = arith.constant 0 : i32
    %dma_start3A_133 = arith.constant 0 : i32
    %dma_start3A_134 = tpu.memref_slice %arg2[%dma_start3A_132, %dma_start3A_133] : memref<1000000x128xf32, #tpu.memory_space<hbm>> -> memref<1000000x128xf32, #tpu.memory_space<hbm>>
    tpu.enqueue_indirect_dma source(%dma_start3A_134 : memref<1000000x128xf32, #tpu.memory_space<hbm>>) target(%arg8 : memref<448x128xf32, #tpu.memory_space<vmem>>) offsets(%arg6 : memref<448xi32, #tpu.memory_space<vmem>>) semaphore(%arg10 : memref<!tpu.dma_semaphore, #tpu.memory_space<semaphore_mem>>)
    %dma_wait3A_135 = arith.constant 0 : i32
    %dma_wait3A_136 = arith.constant 0 : i32
    %dma_wait3A_137 = tpu.memref_slice %arg2[%dma_wait3A_135, %dma_wait3A_136] : memref<1000000x128xf32, #tpu.memory_space<hbm>> -> memref<1000000x128xf32, #tpu.memory_space<hbm>>
    tpu.wait_indirect_dma semaphore(%arg9 : memref<!tpu.dma_semaphore, #tpu.memory_space<semaphore_mem>>) src(%dma_wait3A_137 : memref<1000000x128xf32, #tpu.memory_space<hbm>>) dst(%arg7 : memref<448x128xf32, #tpu.memory_space<vmem>>)
    %add3A_138 = arith.constant 2688 : i32
    %add3A_139 = arith.addi %mul3A_2, %add3A_138 : i32
    %dma_start3A_140 = arith.constant 0 : i32
    %dma_start3A_141 = tpu.memref_slice %arg4[%add3A_139, %dma_start3A_140] : memref<114688x128xf32, #tpu.memory_space<hbm>> -> memref<448x128xf32, #tpu.memory_space<hbm>>
    %dma_start3A_142 = arith.constant 0 : i32
    %dma_start3A_143 = tpu.memref_slice %arg4[%add3A_139, %dma_start3A_142] : memref<114688x128xf32, #tpu.memory_space<hbm>> -> memref<448x128xf32, #tpu.memory_space<hbm>>
    tpu.enqueue_dma source(%arg7 : memref<448x128xf32, #tpu.memory_space<vmem>>) target(%dma_start3A_143 : memref<448x128xf32, #tpu.memory_space<hbm>>) target_semaphore(%arg11 : memref<!tpu.dma_semaphore, #tpu.memory_space<semaphore_mem>>)
    %dma_wait3A_144 = arith.constant 0 : i32
    %dma_wait3A_145 = arith.constant 0 : i32
    %dma_wait3A_146 = tpu.memref_slice %arg2[%dma_wait3A_144, %dma_wait3A_145] : memref<1000000x128xf32, #tpu.memory_space<hbm>> -> memref<1000000x128xf32, #tpu.memory_space<hbm>>
    tpu.wait_indirect_dma semaphore(%arg10 : memref<!tpu.dma_semaphore, #tpu.memory_space<semaphore_mem>>) src(%dma_wait3A_146 : memref<1000000x128xf32, #tpu.memory_space<hbm>>) dst(%arg8 : memref<448x128xf32, #tpu.memory_space<vmem>>)
    %add3A_147 = arith.constant 3136 : i32
    %add3A_148 = arith.addi %mul3A_2, %add3A_147 : i32
    %dma_start3A_149 = arith.constant 0 : i32
    %dma_start3A_150 = tpu.memref_slice %arg4[%add3A_148, %dma_start3A_149] : memref<114688x128xf32, #tpu.memory_space<hbm>> -> memref<448x128xf32, #tpu.memory_space<hbm>>
    %dma_start3A_151 = arith.constant 0 : i32
    %dma_start3A_152 = tpu.memref_slice %arg4[%add3A_148, %dma_start3A_151] : memref<114688x128xf32, #tpu.memory_space<hbm>> -> memref<448x128xf32, #tpu.memory_space<hbm>>
    tpu.enqueue_dma source(%arg8 : memref<448x128xf32, #tpu.memory_space<vmem>>) target(%dma_start3A_152 : memref<448x128xf32, #tpu.memory_space<hbm>>) target_semaphore(%arg12 : memref<!tpu.dma_semaphore, #tpu.memory_space<semaphore_mem>>)
    %dma_wait3A_153 = arith.constant 0 : i32
    %dma_wait3A_154 = tpu.memref_slice %arg4[%add3A_139, %dma_wait3A_153] : memref<114688x128xf32, #tpu.memory_space<hbm>> -> memref<448x128xf32, #tpu.memory_space<hbm>>
    %dma_wait3A_155 = arith.constant 0 : i32
    %dma_wait3A_156 = tpu.memref_slice %arg4[%add3A_139, %dma_wait3A_155] : memref<114688x128xf32, #tpu.memory_space<hbm>> -> memref<448x128xf32, #tpu.memory_space<hbm>>
    tpu.wait_dma2 semaphore(%arg11 : memref<!tpu.dma_semaphore, #tpu.memory_space<semaphore_mem>>) src(%arg7 : memref<448x128xf32, #tpu.memory_space<vmem>>) dst(%dma_wait3A_156 : memref<448x128xf32, #tpu.memory_space<hbm>>)
    %dma_wait3A_157 = arith.constant 0 : i32
    %dma_wait3A_158 = tpu.memref_slice %arg4[%add3A_148, %dma_wait3A_157] : memref<114688x128xf32, #tpu.memory_space<hbm>> -> memref<448x128xf32, #tpu.memory_space<hbm>>
    %dma_wait3A_159 = arith.constant 0 : i32
    %dma_wait3A_160 = tpu.memref_slice %arg4[%add3A_148, %dma_wait3A_159] : memref<114688x128xf32, #tpu.memory_space<hbm>> -> memref<448x128xf32, #tpu.memory_space<hbm>>
    tpu.wait_dma2 semaphore(%arg12 : memref<!tpu.dma_semaphore, #tpu.memory_space<semaphore_mem>>) src(%arg8 : memref<448x128xf32, #tpu.memory_space<vmem>>) dst(%dma_wait3A_160 : memref<448x128xf32, #tpu.memory_space<hbm>>)
    return
  }
}

module attributes {stable_mosaic.version = 14 : i64} {
  func.func @body(%arg0: i32, %arg1: memref<64x8192xf32, #tpu.memory_space<vmem>>, %arg2: memref<8192x128xf32, #tpu.memory_space<vmem>>) attributes {dimension_semantics = [#tpu.dimension_semantics<parallel>], iteration_bounds = array<i64: 123>, scalar_prefetch = 0 : i64, scratch_operands = 0 : i64, tpu.core_type = #tpu.core_type<tc>, window_params = [{transform_indices = @transform_0, window_bounds = array<i64: 64, 8192>}, {transform_indices = @transform_1, window_bounds = array<i64: 8192, 128>}]} {
    %get3A = arith.constant 0 : index
    %get3A_0 = arith.constant 0 : index
    %get3A_1 = vector.load %arg1[%get3A, %get3A_0] : memref<64x8192xf32, #tpu.memory_space<vmem>>, vector<64x8192xf32>
    %transpose3A = tpu.transpose %get3A_1, [1, 0] : vector<64x8192xf32> -> vector<8192x64xf32>
    %mul3A = arith.constant 8.000000e+00 : f32
    %mul3A_2 = vector.broadcast %mul3A : f32 to vector<8192x64xf32>
    %mul3A_3 = arith.mulf %transpose3A, %mul3A_2 : vector<8192x64xf32>
    %swap3A = arith.constant 0 : index
    %swap3A_4 = arith.constant 0 : index
    %swap3A_5 = vector.load %arg2[%swap3A, %swap3A_4] : memref<8192x128xf32, #tpu.memory_space<vmem>>, vector<8192x64xf32>
    tpu.vector_store %arg2[%swap3A, %swap3A_4], %mul3A_3 {strides = array<i32>} : memref<8192x128xf32, #tpu.memory_space<vmem>>, vector<8192x64xf32>,
    return
  }
  func.func @transform_0(%arg0: i32) -> (i32, i32) {
    %c0_i32 = arith.constant 0 : i32
    %c0_i32_0 = arith.constant 0 : i32
    return %c0_i32, %arg0 : i32, i32
  }
  func.func @transform_1(%arg0: i32) -> (i32, i32) {
    %c0_i32 = arith.constant 0 : i32
    %c0_i32_0 = arith.constant 0 : i32
    return %arg0, %c0_i32 : i32, i32
  }
}

</mosaic_0001>

<sc_bundles>
// kernel: kernel.11.cloned.1.call-start
scs
__scs_entry_jumppad:
0x0: {  	(pc) =	sbr.rel $0x88, $3  }
0x1: {  	(tag) =	ssettag $0x0;
	lr =	simm.s32 $0x1  }
0x2: {  	[smem:$0x3F9F] =	sst lr;
	_ =	strace $0xD0000000  }
0x3: {  	_ = 	snop  }
0x4: {  	_ = 	snop  }
0x5: {  	_ = 	snop  }
0x6: {  	_ = 	snop  }
0x7: {  	_ = 	snop  }
__scs_overlays_trampoline_lowered:
0x8: {  	[smem:$0x3FAE] =	sst s0  }
0x9: {  	[smem:$0x3FAF] =	sst s1  }
0xa: {  	[smem:$0x3FB0] =	sst s2  }
0xb: {  	[smem:$0x3FB1] =	sst s3  }
0xc: {  	[smem:$0x3FB2] =	sst s4  }
0xd: {  	[smem:$0x3FB3] =	sst s5  }
0xe: {  	[smem:$0x3FB4] =	sst s6  }
0xf: {  	[smem:$0x3FB5] =	sst s7  }
0x10: {  	[smem:$0x3FB6] =	sst s8  }
0x11: {  	[smem:$0x3FB7] =	sst s9;
	s0 =	simm.s32 @!p0 $0x0  }
0x12: {  	s1 =	sld [smem:$0x3F9D];
	s0 =	simm.s32 @p0 $0x1  }
0x13: {  	[smem:$0x3FB8] =	sst s0;
	s0 =	simm.s32 @!p1 $0x0  }
0x14: {  	s2 =	sld [smem:$0x3F9C];
	s0 =	simm.s32 @p1 $0x1  }
0x15: {  	[smem:$0x3FB9] =	sst s0;
	s0 =	simm.s32 @!p2 $0x0  }
0x16: {  	s3 =	sld [smem:$0x3FDB];
	s0 =	simm.s32 @p2 $0x1  }
0x17: {  	s4 =	simm.s32 $0x1BF5;
	[smem:$0x3FBB] =	sst s0  }
0x18: {  	s0 =	sld [smem:$0x3F9E];
	_ =	swait.ge [sflag:s4], $0x0  }
0x19: {  	s7 =	sld [smem:$0x3F9F]  }
0x1a: {  	s8 =	sadd.s32 $0xFFFFE003, lr  }
0x1b: {  	s9 =	sadd.s32 $0xFFFFFEF7, lr;
	s5 =	simm.s32 $0xFFFFFFFF;
	p2 =	slt.u32 s8, $0xFFFFF086  }
0x1c: {  	p1 =	slt.u32 s9, $0xF7A;
	s5 =	simm.s32 @!p2 $0x0  }
0x1d: {  	s5 =	simm.s32 @p1 $0x1;
	p0 =	seq.s32 s7, s2  }
0x1e: {  	s7 =	smul.u32 @!p0 $0xF7A, s2;
	p2 =	seq.s32 @!p0 s5, $0x0  }
0x1f: {  	s9 =	smul.u32 $0xF7A, s1;
	s8 =	simm.s32 @!p0 $0x1BF5;
	p2 =	por !p2, p0  }
0x20: {  	[sflag:s8] =	ssyncset.s32 @!p0 $0xFFFFF086;
	s6 =	sadd.s32 @!p0 s3, s7;
	s7 =	simm.s32 @!p0 $0x108  }
0x21: {  	s3 =	sadd.s32 s3, s9;
	s6 =	sadd.s32 @!p0 $0x88, s6;
	s7 =	simm.s32 @p2 $0x1082  }
0x22: {  	[simem:s7], [sflag:s8] =	dma.local @!p0 [hbm:s6], $0xF7A  }
0x23: {  	s9 =	sor.u32 $0xD0000000, s2;
	s6 =	simm.s32 $0x108;
	_ =	swait.ge @!p0 [sflag:s8], $0x0  }
0x24: {  	s3 =	sadd.s32 $0x88, s3;
	s6 =	simm.s32 @!p1 $0x1082;
	[sflag:s4] =	ssyncset.s32 $0xFFFFF086  }
0x25: {  	[simem:s6], [sflag:s4] =	dma.local [hbm:s3], $0xF7A  }
0x26: {  	[smem:$0x3F9F] =	sst s1;
	(tag) =	ssettag s2;
	_ =	strace s9  }
0x27: {  	s1 =	sld [smem:$0x3FAF]  }
0x28: {  	s2 =	sld [smem:$0x3FB0]  }
0x29: {  	s4 =	sld [smem:$0x3FB2]  }
0x2a: {  	p0 =	seq.s32 s5, $0x0;
	s5 =	sld [smem:$0x3FB3]  }
0x2b: {  	s6 =	sld [smem:$0x3FB4]  }
0x2c: {  	s7 =	sld [smem:$0x3FB5]  }
0x2d: {  	s3 =	simm.s32 $0x108;
	s8 =	sld [smem:$0x3FB6]  }
0x2e: {  	s3 =	simm.s32 @!p0 $0x1082;
	s9 =	sld [smem:$0x3FB7]  }
0x2f: {  	lr =	sadd.s32 s0, s3;
	s0 =	sld [smem:$0x3FAE]  }
0x30: {  	s3 =	sld [smem:$0x3FB1]  }
0x31: {  	[smem:$0x3FBA] =	sst s10  }
0x32: {  	s10 =	sld [smem:$0x3FB8];
	_ =	sdelay $0x3  }
0x33: {  	p0 =	seq.s32 s10, $0x1;
	s10 =	sld [smem:$0x3FBA];
	_ =	sdelay $0x3  }
0x34: {  	[smem:$0x3FBA] =	sst s10  }
0x35: {  	s10 =	sld [smem:$0x3FB9];
	_ =	sdelay $0x3  }
0x36: {  	p1 =	seq.s32 s10, $0x1;
	s10 =	sld [smem:$0x3FBA];
	_ =	sdelay $0x3  }
0x37: {  	[smem:$0x3FBA] =	sst s10  }
0x38: {  	s10 =	sld [smem:$0x3FBB]  }
0x39: {  	_ = 	snop;
	(pc) =	sbr.ind lr, $3  }
0x3a: {  	_ = 	snop  }
0x3b: {  	_ = 	snop  }
0x3c: {  	p2 =	seq.s32 s10, $0x1;
	s10 =	sld [smem:$0x3FBA]  }
0x3d: {  	_ =	shalt  }
0x3e: {  	_ =	shalt  }
0x3f: {  	_ =	shalt  }
0x40: {  	_ =	shalt  }
0x41: {  	_ =	shalt  }
0x42: {  	_ =	shalt  }
0x43: {  	_ =	shalt  }
0x44: {  	_ =	shalt  }
0x45: {  	_ =	shalt  }
0x46: {  	_ =	shalt  }
0x47: {  	_ =	shalt  }
0x48: {  	_ =	shalt  }
0x49: {  	_ =	shalt  }
0x4a: {  	_ =	shalt  }
0x4b: {  	_ =	shalt  }
0x4c: {  	_ =	shalt  }
0x4d: {  	_ =	shalt  }
0x4e: {  	_ =	shalt  }
0x4f: {  	_ =	shalt  }
0x50: {  	_ =	shalt  }
0x51: {  	_ =	shalt  }
0x52: {  	_ =	shalt  }
0x53: {  	_ =	shalt  }
0x54: {  	_ =	shalt  }
0x55: {  	_ =	shalt  }
0x56: {  	_ =	shalt  }
0x57: {  	_ =	shalt  }
0x58: {  	_ =	shalt  }
0x59: {  	_ =	shalt  }
0x5a: {  	_ =	shalt  }
0x5b: {  	_ =	shalt  }
0x5c: {  	_ =	shalt  }
0x5d: {  	_ =	shalt  }
0x5e: {  	_ =	shalt  }
0x5f: {  	_ =	shalt  }
0x60: {  	_ =	shalt  }
0x61: {  	_ =	shalt  }
0x62: {  	_ =	shalt  }
0x63: {  	_ =	shalt  }
0x64: {  	_ =	shalt  }
0x65: {  	_ =	shalt  }
0x66: {  	_ =	shalt  }
0x67: {  	_ =	shalt  }
0x68: {  	_ =	shalt  }
0x69: {  	_ =	shalt  }
0x6a: {  	_ =	shalt  }
0x6b: {  	_ =	shalt  }
0x6c: {  	_ =	shalt  }
0x6d: {  	_ =	shalt  }
0x6e: {  	_ =	shalt  }
0x6f: {  	_ =	shalt  }
0x70: {  	_ =	shalt  }
0x71: {  	_ =	shalt  }
0x72: {  	_ =	shalt  }
0x73: {  	_ =	shalt  }
0x74: {  	_ =	shalt  }
0x75: {  	_ =	shalt  }
0x76: {  	_ =	shalt  }
0x77: {  	_ =	shalt  }
0x78: {  	_ =	shalt  }
0x79: {  	_ =	shalt  }
0x7a: {  	_ =	shalt  }
0x7b: {  	_ =	shalt  }
0x7c: {  	_ =	shalt  }
0x7d: {  	_ =	shalt  }
0x7e: {  	_ =	shalt  }
0x7f: {  	_ =	shalt  }
0x80: {  	_ =	shalt  }
0x81: {  	_ =	shalt  }
0x82: {  	_ =	shalt  }
0x83: {  	_ =	shalt  }
0x84: {  	_ =	shalt  }
0x85: {  	_ =	shalt  }
0x86: {  	_ =	shalt  }
0x87: {  	_ =	shalt  }
.Lfunc_end0:
.L_simem_size_0:
called_computation_lowered:
.L_overlay_start_0:
0x88: {  	s2 =	sld [smem:$0x3FD9]  }
0x89: {  	s3 =	sld [smem:$0x3FFE];
	_ =	sdelay $0x1  }
0x8a: {  	s1 =	srdreg.scid  }
0x8b: {  	s0 =	sand.u32 $0x1, s1  }
0x8c: {  	s17 =	sshll.u32 s0, $0xA;
	s2 =	sadd.s32 s3, s2  }
0x8d: {  	s2 =	sadd.s32 s2, s17  }
0x8e: {  	[smem:$0x3FC6] =	sst s2  }
0x8f: {  	_ = 	snop  }
0x90: {  	s18 =	sld [smem:$0x3FD0];
	(tm) =	ssettm $0x1  }
0x91: {  	s19 =	sld [smem:$0x3FFB];
	_ =	sdelay $0x3  }
0x92: {  	_ =	strace s19  }
0x93: {  	s2 =	sld [smem:$0x3FFC];
	_ =	sdelay $0x3  }
0x94: {  	_ =	strace s2  }
0x95: {  	s2 =	sld [smem:$0x3FFD];
	_ =	sdelay $0x3  }
0x96: {  	_ =	strace s2  }
0x97: {  	_ =	strace $0x8FFFFFFF  }
0x98: {  	s20 =	sld [smem:$0x3FDB];
	_ =	sdelay $0x1  }
0x99: {  	s4 =	simm.s32 $_scs_section_size  }
0x9a: {  	s5 =	simm.s32 $_size__tile_overlayer_lowered;
	s6 =	simm.s32 $_tile_overlayer_lowered  }
0x9b: {  	s7 =	simm.s32 $0x1BFF;
	s21 =	sshll.u32 s6, $0x1;
	s4 =	sadd.s32 s4, s20  }
0x9c: {  	s22 =	simm.s32 $0x0;
	s5 =	sshll.u32 s5, $0x1;
	s6 =	sadd.s32 s21, s4  }
0x9d: {  	[timem:s22], [sflag:s7] =	dma.local [hbm:s6], s5  }
0x9e: {  	_ =	swait.ge [sflag:s7], s5  }
0x9f: {  	s5 =	ssub.s32 $0x0, s5;
	[sflag:s7] =	ssyncset.done $0x0  }
0xa0: {  	[sflag:s7] =	ssyncadd.s32 s5;
	_ =	sdelay $0x1  }
0xa1: {  	s23 =	simm.s32 $0x1B8B  }
0xa2: {  	_ =	swait.ge [sflag:s23], $0x1  }
0xa3: {  	[sflag:s23] =	ssyncset.done $0x0  }
0xa4: {  	[sflag:s23] =	ssyncadd.s32 $0xFFFFFFFF  }
0xa5: {  	s5 =	sld [smem:$0x0]  }
0xa6: {  	s6 =	sand.u32 $0xFFFFFFFE, s1  }
0xa7: {  	p0 =	sne.s32 s1, s6  }
0xa8: {  	s6 =	sshll.u32 @p0 s6, $0xE  }
0xa9: {  	s6 =	sadd.s32 @p0 $0x11B8D, s6;
	s7 =	sshll.u32 @p0 s5, $0x11  }
0xaa: {  	s6 =	sor.u32 @p0 s7, s6  }
0xab: {  	[sflag:s6] =	ssyncadd.remote.s32 @p0 $0x1;
	_ =	sdelay $0x1  }
0xac: {  	s6 =	simm.s32 @p0 $0x1B8D  }
0xad: {  	_ =	swait.eq @p0 [sflag:s6], $0x1  }
0xae: {  	[sflag:s6] =	ssyncadd.s32 @p0 $0xFFFFFFFF  }
0xaf: {  	s7 =	sshll.u32 @!p0 s1, $0xE  }
0xb0: {  	s7 =	sor.u32 @!p0 $0x4000, s7;
	s6 =	simm.s32 @!p0 $0x1B8D  }
0xb1: {  	s5 =	sshll.u32 @!p0 s5, $0x11;
	s7 =	sadd.s32 @!p0 $0x11B8D, s7;
	_ =	swait.eq @!p0 [sflag:s6], $0x1  }
0xb2: {  	s5 =	sor.u32 @!p0 s5, s7;
	[sflag:s6] =	ssyncadd.s32 @!p0 $0xFFFFFFFF  }
0xb3: {  	s25 =	simm.s32 $0x1B8E;
	s24 =	sld [smem:$0x3FFE];
	[sflag:s5] =	ssyncadd.remote.s32 @!p0 $0x1  }
0xb4: {  	s26 =	simm.s32 $execute0_lowered;
	[smem:$0x3FD2] =	sst s25  }
0xb5: {  	s6 =	sshll.u32 s26, $0x1;
	_ =	strace $0x8000005B;
	[dreg:$0x1] =	wrdreg $0xFFFFFFFF  }
0xb6: {  	s28 =	simm.s32 $_size_execute0_lowered;
	s4 =	sadd.s32 s4, s6;
	[dreg:$0x0] =	wrdreg $0x0  }
0xb7: {  	s6 =	sshll.u32 s28, $0x1;
	[dreg:$0x2] =	wrdreg s4  }
0xb8: {  	[dreg:$0x3] =	wrdreg s6  }
0xb9: {  	[dreg:$0x4] =	wrdreg $0xC0  }
0xba: {  	_ =	task [dreg:s22], $0x5FFFF  }
0xbb: {  	[dreg:$0x1] =	wrdreg $0xFFFFFFFF  }
0xbc: {  	[dreg:$0x0] =	wrdreg $0x60  }
0xbd: {  	[dreg:$0x2] =	wrdreg s24  }
0xbe: {  	[dreg:$0x3] =	wrdreg s18  }
0xbf: {  	[dreg:$0x4] =	wrdreg $0x9  }
0xc0: {  	_ =	task.clear_ibuf [dreg:s22], $0x5FFFF;
	_ =	strace $0x9000005B  }
0xc1: {  	s29 =	simm.s32 $0x9;
	_ =	strace $0x8000005D  }
0xc2: {  	_ =	swait.ge [sflag:s29], $0x1  }
0xc3: {  	[sflag:s29] =	ssyncadd.s32 $0xFFFFFFFF  }
0xc4: {  	_ =	strace $0x9000005D  }
0xc5: {  	_ =	sfence  }
0xc6: {  	s30 =	sld [smem:$0x0];
	_ =	sdelay $0x2  }
0xc7: {  	s31 =	sshll.u32 s1, $0xD;
	s1 =	sshrl.u32 s1, $0x2  }
0xc8: {  	s4 =	sand.u32 $0x4000, s31;
	s1 =	sadd.s32 s1, s30  }
0xc9: {  	s0 =	sor.u32 s4, s0;
	s1 =	sshll.u32 s1, $0x11  }
0xca: {  	s0 =	sor.u32 s1, s0  }
0xcb: {  	s0 =	sadd.s32 $0x8F2B, s0  }
0xcc: {  	[sflag:s0] =	ssyncadd.remote.s32 $0x1  }
0xcd: {  	_ =	sfence.sel $0xFFFF  }
0xce: {  	[dreg:$0x0] =	wrdreg $0xFFFFFFFF;
	(pc) =	sbr.abs _section_cstart, $3  }
0xcf: {  	[dreg:$0x1] =	wrdreg $0xFFFFFFFF  }
0xd0: {  	_ =	task.clear_ibuf [dreg:s22], $0x2FFFF;
	_ =	strace $0x9FFFFFFF  }
0xd1: {  	(tm) =	ssettm $0x7FFFFFFF  }
tec
execute0_lowered:
.L_overlay_start_1:
0x0: {  	(tag) =	ssettag $0x1  }
0x1: {  	s1 =	srdreg.scid;
	s0 =	stileid.u32  }
0x2: {  	s30 =	sand.u32 $0x1, s1;
	s26 =	sshll.u32 s0, $0x1  }
0x3: {  	s12 =	sor.u32 s30, s26  }
0x4: {  	s5 =	rddreg [dreg:$0x0];
	s28 =	smul.u32 $0xE00, s12  }
0x5: {  	s29 =	rddreg [dreg:$0x1];
	s2 =	simm.s32 $0x0  }
0x6: {  	[smem:$0x7FF] =	sst s2;
	s26 =	sadd.s32 $0x5800, s5;
	s3 =	sshrl.u32 s28, $0x3  }
0x7: {  	s4 =	simm.s32 $0x5;
	_ =	strace $0x8000005C;
	s3 =	sadd.s32 s26, s3  }
0x8: {  	[tilespmem:s2], [sflag:$0x5] =	stream.linear.gather [hbm4b:s3+s2], $0x1C0, $0x38;
	[tilespmem:$0x1C400] =	vst v63  }
0x9: {  	s6 =	simm.s32 $0x1C0;
	_ =	swait.ge [sflag:s4], $0x1C0  }
0xa: {  	s7 =	simm.s32 $0x400;
	s16 =	sor.u32 $0x1C0, s28;
	[sflag:s4] =	ssyncset.done $0x0  }
0xb: {  	s5 =	sadd.s32 $0x21800, s5;
	s8 =	sshrl.u32 s16, $0x3;
	[sflag:s4] =	ssyncadd.s32 $0xFFFFFE40  }
0xc: {  	[tilespmem:s7], [sflag:$0x1] =	stream.indirect.gather [hbm4b:s5+s6], $0x80, s2, s6, $0xb8;
	[tilespmem:$0x1C400] =	vst v63  }
0xd: {  	s9 =	simm.s32 $0x200;
	s8 =	sadd.s32 s26, s8  }
0xe: {  	[tilespmem:s9], [sflag:$0x5] =	stream.linear.gather [hbm4b:s8+s2], $0x1C0, $0x38;
	[tilespmem:$0x1C400] =	vst v63  }
0xf: {  	_ =	swait.ge [sflag:s4], $0x1C0  }
0x10: {  	[sflag:s4] =	ssyncset.done $0x0  }
0x11: {  	s10 =	simm.s32 $0xE400;
	s11 =	simm.s32 $0x1;
	[sflag:s4] =	ssyncadd.s32 $0xFFFFFE40  }
0x12: {  	[tilespmem:s10], [sflag:$0x2] =	stream.indirect.gather [hbm4b:s5+s6], $0x80, s9, s6, $0xb8;
	[tilespmem:$0x1C400] =	vst v63  }
0x13: {  	s12 =	smul.u32 $0xE000, s12;
	_ =	swait.ge [sflag:s11], $0xE000  }
0x14: {  	[sflag:s11] =	ssyncset.done $0x0  }
0x15: {  	s13 =	simm.s32 $0x3;
	s12 =	sadd.s32 s29, s12;
	[sflag:s11] =	ssyncadd.s32 $0xFFFF2000  }
0x16: {  	[hbm4b:s12+s2] =	stream.linear.scatter [tilespmem:s7], [sflag:$0x3], $0xE000, $0x38;
	[tilespmem:$0x1C400] =	vst v63  }
0x17: {  	s19 =	sadd.s32 $0x380, s28;
	_ =	swait.ge [sflag:s13], $0xE000  }
0x18: {  	s14 =	sshrl.u32 s19, $0x3;
	[sflag:s13] =	ssyncset.done $0x0  }
0x19: {  	s14 =	sadd.s32 s26, s14;
	[sflag:s13] =	ssyncadd.s32 $0xFFFF2000  }
0x1a: {  	[tilespmem:s2], [sflag:$0x5] =	stream.linear.gather [hbm4b:s14+s2], $0x1C0, $0x38;
	[tilespmem:$0x1C400] =	vst v63  }
0x1b: {  	_ =	swait.ge [sflag:s4], $0x1C0  }
0x1c: {  	[sflag:s4] =	ssyncset.done $0x0  }
0x1d: {  	s15 =	simm.s32 $0x2;
	[sflag:s4] =	ssyncadd.s32 $0xFFFFFE40  }
0x1e: {  	[tilespmem:s7], [sflag:$0x1] =	stream.indirect.gather [hbm4b:s5+s6], $0x80, s2, s6, $0xb8;
	[tilespmem:$0x1C400] =	vst v63  }
0x1f: {  	_ =	swait.ge [sflag:s15], $0xE000  }
0x20: {  	s16 =	sshll.u32 s16, $0x4;
	[sflag:s15] =	ssyncset.done $0x0  }
0x21: {  	s17 =	sadd.s32 s29, s16;
	s16 =	simm.s32 $0x4;
	[sflag:s15] =	ssyncadd.s32 $0xFFFF2000  }
0x22: {  	[hbm4b:s17+s2] =	stream.linear.scatter [tilespmem:s10], [sflag:$0x4], $0xE000, $0x38;
	[tilespmem:$0x1C400] =	vst v63  }
0x23: {  	s21 =	sadd.s32 $0x540, s28;
	_ =	swait.ge [sflag:s16], $0xE000  }
0x24: {  	s18 =	sshrl.u32 s21, $0x3;
	[sflag:s16] =	ssyncset.done $0x0  }
0x25: {  	s18 =	sadd.s32 s26, s18;
	[sflag:s16] =	ssyncadd.s32 $0xFFFF2000  }
0x26: {  	[tilespmem:s9], [sflag:$0x5] =	stream.linear.gather [hbm4b:s18+s2], $0x1C0, $0x38;
	[tilespmem:$0x1C400] =	vst v63  }
0x27: {  	_ =	swait.ge [sflag:s4], $0x1C0  }
0x28: {  	[sflag:s4] =	ssyncset.done $0x0  }
0x29: {  	[sflag:s4] =	ssyncadd.s32 $0xFFFFFE40  }
0x2a: {  	[tilespmem:s10], [sflag:$0x2] =	stream.indirect.gather [hbm4b:s5+s6], $0x80, s9, s6, $0xb8;
	[tilespmem:$0x1C400] =	vst v63  }
0x2b: {  	_ =	swait.ge [sflag:s11], $0xE000  }
0x2c: {  	s19 =	sshll.u32 s19, $0x4;
	[sflag:s11] =	ssyncset.done $0x0  }
0x2d: {  	s19 =	sadd.s32 s29, s19;
	[sflag:s11] =	ssyncadd.s32 $0xFFFF2000  }
0x2e: {  	[hbm4b:s19+s2] =	stream.linear.scatter [tilespmem:s7], [sflag:$0x3], $0xE000, $0x38;
	[tilespmem:$0x1C400] =	vst v63  }
0x2f: {  	s23 =	sadd.s32 $0x700, s28;
	_ =	swait.ge [sflag:s13], $0xE000  }
0x30: {  	s20 =	sshrl.u32 s23, $0x3;
	[sflag:s13] =	ssyncset.done $0x0  }
0x31: {  	s20 =	sadd.s32 s26, s20;
	[sflag:s13] =	ssyncadd.s32 $0xFFFF2000  }
0x32: {  	[tilespmem:s2], [sflag:$0x5] =	stream.linear.gather [hbm4b:s20+s2], $0x1C0, $0x38;
	[tilespmem:$0x1C400] =	vst v63  }
0x33: {  	_ =	swait.ge [sflag:s4], $0x1C0  }
0x34: {  	[sflag:s4] =	ssyncset.done $0x0  }
0x35: {  	[sflag:s4] =	ssyncadd.s32 $0xFFFFFE40  }
0x36: {  	[tilespmem:s7], [sflag:$0x1] =	stream.indirect.gather [hbm4b:s5+s6], $0x80, s2, s6, $0xb8;
	[tilespmem:$0x1C400] =	vst v63  }
0x37: {  	_ =	swait.ge [sflag:s15], $0xE000  }
0x38: {  	s21 =	sshll.u32 s21, $0x4;
	[sflag:s15] =	ssyncset.done $0x0  }
0x39: {  	s21 =	sadd.s32 s29, s21;
	[sflag:s15] =	ssyncadd.s32 $0xFFFF2000  }
0x3a: {  	[hbm4b:s21+s2] =	stream.linear.scatter [tilespmem:s10], [sflag:$0x4], $0xE000, $0x38;
	[tilespmem:$0x1C400] =	vst v63  }
0x3b: {  	s25 =	sadd.s32 $0x8C0, s28;
	_ =	swait.ge [sflag:s16], $0xE000  }
0x3c: {  	s22 =	sshrl.u32 s25, $0x3;
	[sflag:s16] =	ssyncset.done $0x0  }
0x3d: {  	s22 =	sadd.s32 s26, s22;
	[sflag:s16] =	ssyncadd.s32 $0xFFFF2000  }
0x3e: {  	[tilespmem:s9], [sflag:$0x5] =	stream.linear.gather [hbm4b:s22+s2], $0x1C0, $0x38;
	[tilespmem:$0x1C400] =	vst v63  }
0x3f: {  	_ =	swait.ge [sflag:s4], $0x1C0  }
0x40: {  	[sflag:s4] =	ssyncset.done $0x0  }
0x41: {  	[sflag:s4] =	ssyncadd.s32 $0xFFFFFE40  }
0x42: {  	[tilespmem:s10], [sflag:$0x2] =	stream.indirect.gather [hbm4b:s5+s6], $0x80, s9, s6, $0xb8;
	[tilespmem:$0x1C400] =	vst v63  }
0x43: {  	_ =	swait.ge [sflag:s11], $0xE000  }
0x44: {  	s23 =	sshll.u32 s23, $0x4;
	[sflag:s11] =	ssyncset.done $0x0  }
0x45: {  	s23 =	sadd.s32 s29, s23;
	[sflag:s11] =	ssyncadd.s32 $0xFFFF2000  }
0x46: {  	[hbm4b:s23+s2] =	stream.linear.scatter [tilespmem:s7], [sflag:$0x3], $0xE000, $0x38;
	[tilespmem:$0x1C400] =	vst v63  }
0x47: {  	s31 =	sadd.s32 $0xA80, s28;
	_ =	swait.ge [sflag:s13], $0xE000  }
0x48: {  	s24 =	sshrl.u32 s31, $0x3;
	[sflag:s13] =	ssyncset.done $0x0  }
0x49: {  	s24 =	sadd.s32 s26, s24;
	[sflag:s13] =	ssyncadd.s32 $0xFFFF2000  }
0x4a: {  	[tilespmem:s2], [sflag:$0x5] =	stream.linear.gather [hbm4b:s24+s2], $0x1C0, $0x38;
	[tilespmem:$0x1C400] =	vst v63  }
0x4b: {  	_ =	swait.ge [sflag:s4], $0x1C0  }
0x4c: {  	[sflag:s4] =	ssyncset.done $0x0  }
0x4d: {  	[sflag:s4] =	ssyncadd.s32 $0xFFFFFE40  }
0x4e: {  	[tilespmem:s7], [sflag:$0x1] =	stream.indirect.gather [hbm4b:s5+s6], $0x80, s2, s6, $0xb8;
	[tilespmem:$0x1C400] =	vst v63  }
0x4f: {  	_ =	swait.ge [sflag:s15], $0xE000  }
0x50: {  	s25 =	sshll.u32 s25, $0x4;
	[sflag:s15] =	ssyncset.done $0x0  }
0x51: {  	s25 =	sadd.s32 s29, s25;
	[sflag:s15] =	ssyncadd.s32 $0xFFFF2000  }
0x52: {  	[hbm4b:s25+s2] =	stream.linear.scatter [tilespmem:s10], [sflag:$0x4], $0xE000, $0x38;
	[tilespmem:$0x1C400] =	vst v63  }
0x53: {  	s1 =	sadd.s32 $0xC40, s28;
	_ =	swait.ge [sflag:s16], $0xE000  }
0x54: {  	s28 =	sshrl.u32 s1, $0x3;
	[sflag:s16] =	ssyncset.done $0x0  }
0x55: {  	s26 =	sadd.s32 s26, s28;
	[sflag:s16] =	ssyncadd.s32 $0xFFFF2000  }
0x56: {  	[tilespmem:s9], [sflag:$0x5] =	stream.linear.gather [hbm4b:s26+s2], $0x1C0, $0x38;
	[tilespmem:$0x1C400] =	vst v63  }
0x57: {  	_ =	swait.ge [sflag:s4], $0x1C0  }
0x58: {  	[sflag:s4] =	ssyncset.done $0x0  }
0x59: {  	[sflag:s4] =	ssyncadd.s32 $0xFFFFFE40  }
0x5a: {  	[tilespmem:s10], [sflag:$0x2] =	stream.indirect.gather [hbm4b:s5+s6], $0x80, s9, s6, $0xb8;
	[tilespmem:$0x1C400] =	vst v63  }
0x5b: {  	s1 =	sshll.u32 s1, $0x4;
	_ =	swait.ge [sflag:s11], $0xE000  }
0x5c: {  	s28 =	sshll.u32 s31, $0x4;
	s31 =	ssub.s32 $0x2, s30;
	[sflag:s11] =	ssyncset.done $0x0  }
0x5d: {  	s28 =	sadd.s32 s29, s28;
	s30 =	sshrl.u32 s31, $0x1;
	[sflag:s11] =	ssyncadd.s32 $0xFFFF2000  }
0x5e: {  	[hbm4b:s28+s2] =	stream.linear.scatter [tilespmem:s7], [sflag:$0x3], $0xE000, $0x38;
	[tilespmem:$0x1C400] =	vst v63  }
0x5f: {  	s29 =	sadd.s32 s29, s1;
	s1 =	ssub.s32 s31, s30;
	_ =	swait.ge [sflag:s15], $0xE000  }
0x60: {  	s1 =	smax.u32 s1, $0x1;
	[sflag:s15] =	ssyncset.done $0x0  }
0x61: {  	p0 =	sne.s32 s1, $0x1;
	[sflag:s15] =	ssyncadd.s32 $0xFFFF2000  }
0x62: {  	[hbm4b:s29+s2] =	stream.linear.scatter [tilespmem:s10], [sflag:$0x4], $0xE000, $0x38;
	[tilespmem:$0x1C400] =	vst v63  }
.Ltmp0:
0x63: {  	_ =	swait.ge [sflag:s13], $0xE000;
	(pc) =	sbr.rel @!p0 .LBB2_2-.Ltmp0, $4  }
0x64: {  	[sflag:s13] =	ssyncset.done $0x0  }
0x65: {  	[sflag:s13] =	ssyncadd.s32 $0xFFFF2000  }
0x66: {  	_ =	swait.ge [sflag:s16], $0xE000  }
0x67: {  	s30 =	sadd.s32 $0xFFFFFFFF, s1;
	[sflag:s16] =	ssyncset.done $0x0  }
.LBB2_1:
0x68: {  	p0 =	sne.s32 s30, $0x1;
	s30 =	sadd.s32 $0xFFFFFFFF, s30;
	[sflag:s16] =	ssyncadd.s32 $0xFFFF2000  }
0x69: {  	[tilespmem:s2], [sflag:$0x5] =	stream.linear.gather [hbm4b:s3+s2], $0x1C0, $0x38;
	[tilespmem:$0x1C400] =	vst v63  }
0x6a: {  	_ =	swait.ge [sflag:s4], $0x1C0  }
0x6b: {  	[sflag:s4] =	ssyncset.done $0x0  }
0x6c: {  	[sflag:s4] =	ssyncadd.s32 $0xFFFFFE40  }
0x6d: {  	[tilespmem:s7], [sflag:$0x1] =	stream.indirect.gather [hbm4b:s5+s6], $0x80, s2, s6, $0xb8;
	[tilespmem:$0x1C400] =	vst v63  }
0x6e: {  	_ = 	snop  }
0x6f: {  	[tilespmem:s9], [sflag:$0x5] =	stream.linear.gather [hbm4b:s8+s2], $0x1C0, $0x38;
	[tilespmem:$0x1C400] =	vst v63  }
0x70: {  	_ =	swait.ge [sflag:s4], $0x1C0  }
0x71: {  	[sflag:s4] =	ssyncset.done $0x0  }
0x72: {  	[sflag:s4] =	ssyncadd.s32 $0xFFFFFE40  }
0x73: {  	[tilespmem:s10], [sflag:$0x2] =	stream.indirect.gather [hbm4b:s5+s6], $0x80, s9, s6, $0xb8;
	[tilespmem:$0x1C400] =	vst v63  }
0x74: {  	_ =	swait.ge [sflag:s11], $0xE000  }
0x75: {  	[sflag:s11] =	ssyncset.done $0x0  }
0x76: {  	[sflag:s11] =	ssyncadd.s32 $0xFFFF2000  }
0x77: {  	[hbm4b:s12+s2] =	stream.linear.scatter [tilespmem:s7], [sflag:$0x3], $0xE000, $0x38;
	[tilespmem:$0x1C400] =	vst v63  }
0x78: {  	_ =	swait.ge [sflag:s13], $0xE000  }
0x79: {  	[sflag:s13] =	ssyncset.done $0x0  }
0x7a: {  	[sflag:s13] =	ssyncadd.s32 $0xFFFF2000  }
0x7b: {  	[tilespmem:s2], [sflag:$0x5] =	stream.linear.gather [hbm4b:s14+s2], $0x1C0, $0x38;
	[tilespmem:$0x1C400] =	vst v63  }
0x7c: {  	_ =	swait.ge [sflag:s4], $0x1C0  }
0x7d: {  	[sflag:s4] =	ssyncset.done $0x0  }
0x7e: {  	[sflag:s4] =	ssyncadd.s32 $0xFFFFFE40  }
0x7f: {  	[tilespmem:s7], [sflag:$0x1] =	stream.indirect.gather [hbm4b:s5+s6], $0x80, s2, s6, $0xb8;
	[tilespmem:$0x1C400] =	vst v63  }
0x80: {  	_ =	swait.ge [sflag:s15], $0xE000  }
0x81: {  	[sflag:s15] =	ssyncset.done $0x0  }
0x82: {  	[sflag:s15] =	ssyncadd.s32 $0xFFFF2000  }
0x83: {  	[hbm4b:s17+s2] =	stream.linear.scatter [tilespmem:s10], [sflag:$0x4], $0xE000, $0x38;
	[tilespmem:$0x1C400] =	vst v63  }
0x84: {  	_ =	swait.ge [sflag:s16], $0xE000  }
0x85: {  	[sflag:s16] =	ssyncset.done $0x0  }
0x86: {  	[sflag:s16] =	ssyncadd.s32 $0xFFFF2000  }
0x87: {  	[tilespmem:s9], [sflag:$0x5] =	stream.linear.gather [hbm4b:s18+s2], $0x1C0, $0x38;
	[tilespmem:$0x1C400] =	vst v63  }
0x88: {  	_ =	swait.ge [sflag:s4], $0x1C0  }
0x89: {  	[sflag:s4] =	ssyncset.done $0x0  }
0x8a: {  	[sflag:s4] =	ssyncadd.s32 $0xFFFFFE40  }
0x8b: {  	[tilespmem:s10], [sflag:$0x2] =	stream.indirect.gather [hbm4b:s5+s6], $0x80, s9, s6, $0xb8;
	[tilespmem:$0x1C400] =	vst v63  }
0x8c: {  	_ =	swait.ge [sflag:s11], $0xE000  }
0x8d: {  	[sflag:s11] =	ssyncset.done $0x0  }
0x8e: {  	[sflag:s11] =	ssyncadd.s32 $0xFFFF2000  }
0x8f: {  	[hbm4b:s19+s2] =	stream.linear.scatter [tilespmem:s7], [sflag:$0x3], $0xE000, $0x38;
	[tilespmem:$0x1C400] =	vst v63  }
0x90: {  	_ =	swait.ge [sflag:s13], $0xE000  }
0x91: {  	[sflag:s13] =	ssyncset.done $0x0  }
0x92: {  	[sflag:s13] =	ssyncadd.s32 $0xFFFF2000  }
0x93: {  	[tilespmem:s2], [sflag:$0x5] =	stream.linear.gather [hbm4b:s20+s2], $0x1C0, $0x38;
	[tilespmem:$0x1C400] =	vst v63  }
0x94: {  	_ =	swait.ge [sflag:s4], $0x1C0  }
0x95: {  	[sflag:s4] =	ssyncset.done $0x0  }
0x96: {  	[sflag:s4] =	ssyncadd.s32 $0xFFFFFE40  }
0x97: {  	[tilespmem:s7], [sflag:$0x1] =	stream.indirect.gather [hbm4b:s5+s6], $0x80, s2, s6, $0xb8;
	[tilespmem:$0x1C400] =	vst v63  }
0x98: {  	_ =	swait.ge [sflag:s15], $0xE000  }
0x99: {  	[sflag:s15] =	ssyncset.done $0x0  }
0x9a: {  	[sflag:s15] =	ssyncadd.s32 $0xFFFF2000  }
0x9b: {  	[hbm4b:s21+s2] =	stream.linear.scatter [tilespmem:s10], [sflag:$0x4], $0xE000, $0x38;
	[tilespmem:$0x1C400] =	vst v63  }
0x9c: {  	_ =	swait.ge [sflag:s16], $0xE000  }
0x9d: {  	[sflag:s16] =	ssyncset.done $0x0  }
0x9e: {  	[sflag:s16] =	ssyncadd.s32 $0xFFFF2000  }
0x9f: {  	[tilespmem:s9], [sflag:$0x5] =	stream.linear.gather [hbm4b:s22+s2], $0x1C0, $0x38;
	[tilespmem:$0x1C400] =	vst v63  }
0xa0: {  	_ =	swait.ge [sflag:s4], $0x1C0  }
0xa1: {  	[sflag:s4] =	ssyncset.done $0x0  }
0xa2: {  	[sflag:s4] =	ssyncadd.s32 $0xFFFFFE40  }
0xa3: {  	[tilespmem:s10], [sflag:$0x2] =	stream.indirect.gather [hbm4b:s5+s6], $0x80, s9, s6, $0xb8;
	[tilespmem:$0x1C400] =	vst v63  }
0xa4: {  	_ =	swait.ge [sflag:s11], $0xE000  }
0xa5: {  	[sflag:s11] =	ssyncset.done $0x0  }
0xa6: {  	[sflag:s11] =	ssyncadd.s32 $0xFFFF2000  }
0xa7: {  	[hbm4b:s23+s2] =	stream.linear.scatter [tilespmem:s7], [sflag:$0x3], $0xE000, $0x38;
	[tilespmem:$0x1C400] =	vst v63  }
0xa8: {  	_ =	swait.ge [sflag:s13], $0xE000  }
0xa9: {  	[sflag:s13] =	ssyncset.done $0x0  }
0xaa: {  	[sflag:s13] =	ssyncadd.s32 $0xFFFF2000  }
0xab: {  	[tilespmem:s2], [sflag:$0x5] =	stream.linear.gather [hbm4b:s24+s2], $0x1C0, $0x38;
	[tilespmem:$0x1C400] =	vst v63  }
0xac: {  	_ =	swait.ge [sflag:s4], $0x1C0  }
0xad: {  	[sflag:s4] =	ssyncset.done $0x0  }
0xae: {  	[sflag:s4] =	ssyncadd.s32 $0xFFFFFE40  }
0xaf: {  	[tilespmem:s7], [sflag:$0x1] =	stream.indirect.gather [hbm4b:s5+s6], $0x80, s2, s6, $0xb8;
	[tilespmem:$0x1C400] =	vst v63  }
0xb0: {  	_ =	swait.ge [sflag:s15], $0xE000  }
0xb1: {  	[sflag:s15] =	ssyncset.done $0x0  }
0xb2: {  	[sflag:s15] =	ssyncadd.s32 $0xFFFF2000  }
0xb3: {  	[hbm4b:s25+s2] =	stream.linear.scatter [tilespmem:s10], [sflag:$0x4], $0xE000, $0x38;
	[tilespmem:$0x1C400] =	vst v63  }
0xb4: {  	_ =	swait.ge [sflag:s16], $0xE000  }
0xb5: {  	[sflag:s16] =	ssyncset.done $0x0  }
0xb6: {  	[sflag:s16] =	ssyncadd.s32 $0xFFFF2000  }
0xb7: {  	[tilespmem:s9], [sflag:$0x5] =	stream.linear.gather [hbm4b:s26+s2], $0x1C0, $0x38;
	[tilespmem:$0x1C400] =	vst v63  }
0xb8: {  	_ =	swait.ge [sflag:s4], $0x1C0  }
0xb9: {  	[sflag:s4] =	ssyncset.done $0x0  }
0xba: {  	[sflag:s4] =	ssyncadd.s32 $0xFFFFFE40  }
0xbb: {  	[tilespmem:s10], [sflag:$0x2] =	stream.indirect.gather [hbm4b:s5+s6], $0x80, s9, s6, $0xb8;
	[tilespmem:$0x1C400] =	vst v63  }
0xbc: {  	_ =	swait.ge [sflag:s11], $0xE000  }
0xbd: {  	[sflag:s11] =	ssyncset.done $0x0  }
0xbe: {  	[sflag:s11] =	ssyncadd.s32 $0xFFFF2000  }
0xbf: {  	[hbm4b:s28+s2] =	stream.linear.scatter [tilespmem:s7], [sflag:$0x3], $0xE000, $0x38;
	[tilespmem:$0x1C400] =	vst v63  }
0xc0: {  	_ =	swait.ge [sflag:s15], $0xE000  }
0xc1: {  	[sflag:s15] =	ssyncset.done $0x0  }
0xc2: {  	[sflag:s15] =	ssyncadd.s32 $0xFFFF2000  }
0xc3: {  	[hbm4b:s29+s2] =	stream.linear.scatter [tilespmem:s10], [sflag:$0x4], $0xE000, $0x38;
	[tilespmem:$0x1C400] =	vst v63  }
.Ltmp1:
0xc4: {  	_ =	swait.ge [sflag:s13], $0xE000;
	(pc) =	sbr.rel @p0 .LBB2_1-.Ltmp1, $4  }
0xc5: {  	[sflag:s13] =	ssyncset.done $0x0  }
0xc6: {  	[sflag:s13] =	ssyncadd.s32 $0xFFFF2000  }
0xc7: {  	_ =	swait.ge [sflag:s16], $0xE000  }
0xc8: {  	[sflag:s16] =	ssyncset.done $0x0  }
.LBB2_2:
0xc9: {  	[sflag:s16] =	ssyncadd.s32 $0xFFFF2000  }
0xca: {  	_ =	sfence.sel $0x180000  }
0xcb: {  	[bflag:$0x0] =	sbarrier.arrive $0xFFFF  }
0xcc: {  	_ =	strace $0x9000005C  }
0xcd: {  	[bflag:$0x2] =	sbarrier.arrive $0xFFFF  }
0xce: {  	p0 =	sne.s32 s0, $0x0;
	s0 =	rddreg [dreg:$0x2]  }
0xcf: {  	s0 =	sadd.s32 @!p0 $0x100000, s0  }
0xd0: {  	[sflag:s0] =	ssyncadd.tile.s32 @!p0 $0x1;
	_ =	shalt  }
.Lfunc_end2:
_tile_overlayer_lowered:
.L_overlay_start_2:
0xd1: {  	(tag) =	ssettag $0x2  }
0xd2: {  	s0 =	rddreg [dreg:$0x0];
	s2 =	stileid.u32  }
0xd3: {  	s1 =	rddreg [dreg:$0x1];
	p0 =	sne.s32 s2, $0x0  }
0xd4: {  	s3 =	rddreg [dreg:$0x2];
	[bflag:$0x3] =	sbarrier.arrive $0xFFFF;
	s2 =	simm.s32 @!p0 $0x1C05  }
0xd5: {  	[timem:s3], [sflag:s2] =	dma.local @!p0 [hbm:s0], s1  }
0xd6: {  	s0 =	simm.s32 @!p0 $0x5  }
0xd7: {  	_ =	swait.ge @!p0 [sflag:s0], s1  }
0xd8: {  	s1 =	ssub.s32 @!p0 $0x0, s1;
	[sflag:s0] =	ssyncset.done @!p0 $0x0  }
0xd9: {  	[sflag:s0] =	ssyncadd.s32 @!p0 s1  }
0xda: {  	[bflag:$0x3] =	sbarrier.arrive $0xFFFF  }
0xdb: {  	_ =	shalt  }

// kernel: kernel.14.cloned.1.call-start
scs
__scs_entry_jumppad:
0x0: {  	(pc) =	sbr.rel $0x88, $3  }
0x1: {  	(tag) =	ssettag $0x0;
	lr =	simm.s32 $0x1  }
0x2: {  	[smem:$0x3F9F] =	sst lr;
	_ =	strace $0xD0000000  }
0x3: {  	_ = 	snop  }
0x4: {  	_ = 	snop  }
0x5: {  	_ = 	snop  }
0x6: {  	_ = 	snop  }
0x7: {  	_ = 	snop  }
__scs_overlays_trampoline_lowered:
0x8: {  	[smem:$0x3FAE] =	sst s0  }
0x9: {  	[smem:$0x3FAF] =	sst s1  }
0xa: {  	[smem:$0x3FB0] =	sst s2  }
0xb: {  	[smem:$0x3FB1] =	sst s3  }
0xc: {  	[smem:$0x3FB2] =	sst s4  }
0xd: {  	[smem:$0x3FB3] =	sst s5  }
0xe: {  	[smem:$0x3FB4] =	sst s6  }
0xf: {  	[smem:$0x3FB5] =	sst s7  }
0x10: {  	[smem:$0x3FB6] =	sst s8  }
0x11: {  	[smem:$0x3FB7] =	sst s9;
	s0 =	simm.s32 @!p0 $0x0  }
0x12: {  	s1 =	sld [smem:$0x3F9D];
	s0 =	simm.s32 @p0 $0x1  }
0x13: {  	[smem:$0x3FB8] =	sst s0;
	s0 =	simm.s32 @!p1 $0x0  }
0x14: {  	s2 =	sld [smem:$0x3F9C];
	s0 =	simm.s32 @p1 $0x1  }
0x15: {  	[smem:$0x3FB9] =	sst s0;
	s0 =	simm.s32 @!p2 $0x0  }
0x16: {  	s3 =	sld [smem:$0x3FDB];
	s0 =	simm.s32 @p2 $0x1  }
0x17: {  	s4 =	simm.s32 $0x1BF5;
	[smem:$0x3FBB] =	sst s0  }
0x18: {  	s0 =	sld [smem:$0x3F9E];
	_ =	swait.ge [sflag:s4], $0x0  }
0x19: {  	s7 =	sld [smem:$0x3F9F]  }
0x1a: {  	s8 =	sadd.s32 $0xFFFFE003, lr  }
0x1b: {  	s9 =	sadd.s32 $0xFFFFFEF7, lr;
	s5 =	simm.s32 $0xFFFFFFFF;
	p2 =	slt.u32 s8, $0xFFFFF086  }
0x1c: {  	p1 =	slt.u32 s9, $0xF7A;
	s5 =	simm.s32 @!p2 $0x0  }
0x1d: {  	s5 =	simm.s32 @p1 $0x1;
	p0 =	seq.s32 s7, s2  }
0x1e: {  	s7 =	smul.u32 @!p0 $0xF7A, s2;
	p2 =	seq.s32 @!p0 s5, $0x0  }
0x1f: {  	s9 =	smul.u32 $0xF7A, s1;
	s8 =	simm.s32 @!p0 $0x1BF5;
	p2 =	por !p2, p0  }
0x20: {  	[sflag:s8] =	ssyncset.s32 @!p0 $0xFFFFF086;
	s6 =	sadd.s32 @!p0 s3, s7;
	s7 =	simm.s32 @!p0 $0x108  }
0x21: {  	s3 =	sadd.s32 s3, s9;
	s6 =	sadd.s32 @!p0 $0x88, s6;
	s7 =	simm.s32 @p2 $0x1082  }
0x22: {  	[simem:s7], [sflag:s8] =	dma.local @!p0 [hbm:s6], $0xF7A  }
0x23: {  	s9 =	sor.u32 $0xD0000000, s2;
	s6 =	simm.s32 $0x108;
	_ =	swait.ge @!p0 [sflag:s8], $0x0  }
0x24: {  	s3 =	sadd.s32 $0x88, s3;
	s6 =	simm.s32 @!p1 $0x1082;
	[sflag:s4] =	ssyncset.s32 $0xFFFFF086  }
0x25: {  	[simem:s6], [sflag:s4] =	dma.local [hbm:s3], $0xF7A  }
0x26: {  	[smem:$0x3F9F] =	sst s1;
	(tag) =	ssettag s2;
	_ =	strace s9  }
0x27: {  	s1 =	sld [smem:$0x3FAF]  }
0x28: {  	s2 =	sld [smem:$0x3FB0]  }
0x29: {  	s4 =	sld [smem:$0x3FB2]  }
0x2a: {  	p0 =	seq.s32 s5, $0x0;
	s5 =	sld [smem:$0x3FB3]  }
0x2b: {  	s6 =	sld [smem:$0x3FB4]  }
0x2c: {  	s7 =	sld [smem:$0x3FB5]  }
0x2d: {  	s3 =	simm.s32 $0x108;
	s8 =	sld [smem:$0x3FB6]  }
0x2e: {  	s3 =	simm.s32 @!p0 $0x1082;
	s9 =	sld [smem:$0x3FB7]  }
0x2f: {  	lr =	sadd.s32 s0, s3;
	s0 =	sld [smem:$0x3FAE]  }
0x30: {  	s3 =	sld [smem:$0x3FB1]  }
0x31: {  	[smem:$0x3FBA] =	sst s10  }
0x32: {  	s10 =	sld [smem:$0x3FB8];
	_ =	sdelay $0x3  }
0x33: {  	p0 =	seq.s32 s10, $0x1;
	s10 =	sld [smem:$0x3FBA];
	_ =	sdelay $0x3  }
0x34: {  	[smem:$0x3FBA] =	sst s10  }
0x35: {  	s10 =	sld [smem:$0x3FB9];
	_ =	sdelay $0x3  }
0x36: {  	p1 =	seq.s32 s10, $0x1;
	s10 =	sld [smem:$0x3FBA];
	_ =	sdelay $0x3  }
0x37: {  	[smem:$0x3FBA] =	sst s10  }
0x38: {  	s10 =	sld [smem:$0x3FBB]  }
0x39: {  	_ = 	snop;
	(pc) =	sbr.ind lr, $3  }
0x3a: {  	_ = 	snop  }
0x3b: {  	_ = 	snop  }
0x3c: {  	p2 =	seq.s32 s10, $0x1;
	s10 =	sld [smem:$0x3FBA]  }
0x3d: {  	_ =	shalt  }
0x3e: {  	_ =	shalt  }
0x3f: {  	_ =	shalt  }
0x40: {  	_ =	shalt  }
0x41: {  	_ =	shalt  }
0x42: {  	_ =	shalt  }
0x43: {  	_ =	shalt  }
0x44: {  	_ =	shalt  }
0x45: {  	_ =	shalt  }
0x46: {  	_ =	shalt  }
0x47: {  	_ =	shalt  }
0x48: {  	_ =	shalt  }
0x49: {  	_ =	shalt  }
0x4a: {  	_ =	shalt  }
0x4b: {  	_ =	shalt  }
0x4c: {  	_ =	shalt  }
0x4d: {  	_ =	shalt  }
0x4e: {  	_ =	shalt  }
0x4f: {  	_ =	shalt  }
0x50: {  	_ =	shalt  }
0x51: {  	_ =	shalt  }
0x52: {  	_ =	shalt  }
0x53: {  	_ =	shalt  }
0x54: {  	_ =	shalt  }
0x55: {  	_ =	shalt  }
0x56: {  	_ =	shalt  }
0x57: {  	_ =	shalt  }
0x58: {  	_ =	shalt  }
0x59: {  	_ =	shalt  }
0x5a: {  	_ =	shalt  }
0x5b: {  	_ =	shalt  }
0x5c: {  	_ =	shalt  }
0x5d: {  	_ =	shalt  }
0x5e: {  	_ =	shalt  }
0x5f: {  	_ =	shalt  }
0x60: {  	_ =	shalt  }
0x61: {  	_ =	shalt  }
0x62: {  	_ =	shalt  }
0x63: {  	_ =	shalt  }
0x64: {  	_ =	shalt  }
0x65: {  	_ =	shalt  }
0x66: {  	_ =	shalt  }
0x67: {  	_ =	shalt  }
0x68: {  	_ =	shalt  }
0x69: {  	_ =	shalt  }
0x6a: {  	_ =	shalt  }
0x6b: {  	_ =	shalt  }
0x6c: {  	_ =	shalt  }
0x6d: {  	_ =	shalt  }
0x6e: {  	_ =	shalt  }
0x6f: {  	_ =	shalt  }
0x70: {  	_ =	shalt  }
0x71: {  	_ =	shalt  }
0x72: {  	_ =	shalt  }
0x73: {  	_ =	shalt  }
0x74: {  	_ =	shalt  }
0x75: {  	_ =	shalt  }
0x76: {  	_ =	shalt  }
0x77: {  	_ =	shalt  }
0x78: {  	_ =	shalt  }
0x79: {  	_ =	shalt  }
0x7a: {  	_ =	shalt  }
0x7b: {  	_ =	shalt  }
0x7c: {  	_ =	shalt  }
0x7d: {  	_ =	shalt  }
0x7e: {  	_ =	shalt  }
0x7f: {  	_ =	shalt  }
0x80: {  	_ =	shalt  }
0x81: {  	_ =	shalt  }
0x82: {  	_ =	shalt  }
0x83: {  	_ =	shalt  }
0x84: {  	_ =	shalt  }
0x85: {  	_ =	shalt  }
0x86: {  	_ =	shalt  }
0x87: {  	_ =	shalt  }
.Lfunc_end0:
.L_simem_size_0:
called_computation.1_lowered:
.L_overlay_start_0:
0x88: {  	s2 =	sld [smem:$0x3FD9]  }
0x89: {  	s3 =	sld [smem:$0x3FFE];
	_ =	sdelay $0x1  }
0x8a: {  	s1 =	srdreg.scid  }
0x8b: {  	s0 =	sand.u32 $0x1, s1  }
0x8c: {  	s17 =	sshll.u32 s0, $0xA;
	s2 =	sadd.s32 s3, s2  }
0x8d: {  	s2 =	sadd.s32 s2, s17  }
0x8e: {  	[smem:$0x3FC6] =	sst s2  }
0x8f: {  	_ = 	snop  }
0x90: {  	(tm) =	ssettm $0x1  }
0x91: {  	s18 =	sld [smem:$0x3FFB];
	_ =	sdelay $0x3  }
0x92: {  	_ =	strace s18  }
0x93: {  	s2 =	sld [smem:$0x3FFC];
	_ =	sdelay $0x3  }
0x94: {  	_ =	strace s2  }
0x95: {  	s2 =	sld [smem:$0x3FFD];
	_ =	sdelay $0x3  }
0x96: {  	_ =	strace s2  }
0x97: {  	_ =	strace $0x8FFFFFFF  }
0x98: {  	s19 =	sld [smem:$0x3FDB];
	_ =	sdelay $0x1  }
0x99: {  	s20 =	simm.s32 $_scs_section_size  }
0x9a: {  	s4 =	simm.s32 $_size__tile_overlayer_lowered;
	s5 =	simm.s32 $_tile_overlayer_lowered  }
0x9b: {  	s6 =	simm.s32 $0x1BFF;
	s21 =	sshll.u32 s5, $0x1;
	s3 =	sadd.s32 s20, s19  }
0x9c: {  	s22 =	simm.s32 $0x0;
	s4 =	sshll.u32 s4, $0x1;
	s5 =	sadd.s32 s21, s3  }
0x9d: {  	[timem:s22], [sflag:s6] =	dma.local [hbm:s5], s4  }
0x9e: {  	_ =	swait.ge [sflag:s6], s4  }
0x9f: {  	s4 =	ssub.s32 $0x0, s4;
	[sflag:s6] =	ssyncset.done $0x0  }
0xa0: {  	[sflag:s6] =	ssyncadd.s32 s4;
	_ =	sdelay $0x1  }
0xa1: {  	s23 =	simm.s32 $0x1B8B  }
0xa2: {  	_ =	swait.ge [sflag:s23], $0x1  }
0xa3: {  	[sflag:s23] =	ssyncset.done $0x0  }
0xa4: {  	[sflag:s23] =	ssyncadd.s32 $0xFFFFFFFF  }
0xa5: {  	s4 =	sld [smem:$0x0]  }
0xa6: {  	s5 =	sand.u32 $0xFFFFFFFE, s1  }
0xa7: {  	p0 =	sne.s32 s1, s5  }
0xa8: {  	s5 =	sshll.u32 @p0 s5, $0xE  }
0xa9: {  	s5 =	sadd.s32 @p0 $0x11B8D, s5;
	s6 =	sshll.u32 @p0 s4, $0x11  }
0xaa: {  	s5 =	sor.u32 @p0 s6, s5  }
0xab: {  	[sflag:s5] =	ssyncadd.remote.s32 @p0 $0x1;
	_ =	sdelay $0x1  }
0xac: {  	s5 =	simm.s32 @p0 $0x1B8D  }
0xad: {  	_ =	swait.eq @p0 [sflag:s5], $0x1  }
0xae: {  	[sflag:s5] =	ssyncadd.s32 @p0 $0xFFFFFFFF  }
0xaf: {  	s6 =	sshll.u32 @!p0 s1, $0xE  }
0xb0: {  	s6 =	sor.u32 @!p0 $0x4000, s6;
	s5 =	simm.s32 @!p0 $0x1B8D  }
0xb1: {  	s4 =	sshll.u32 @!p0 s4, $0x11;
	s6 =	sadd.s32 @!p0 $0x11B8D, s6;
	_ =	swait.eq @!p0 [sflag:s5], $0x1  }
0xb2: {  	s4 =	sor.u32 @!p0 s4, s6;
	[sflag:s5] =	ssyncadd.s32 @!p0 $0xFFFFFFFF  }
0xb3: {  	s25 =	simm.s32 $0x1B8E;
	s24 =	sld [smem:$0x3FFE];
	[sflag:s4] =	ssyncadd.remote.s32 @!p0 $0x1  }
0xb4: {  	s26 =	simm.s32 $execute0_lowered;
	[smem:$0x3FD2] =	sst s25  }
0xb5: {  	s5 =	sshll.u32 s26, $0x1;
	_ =	strace $0x80000058;
	[dreg:$0x1] =	wrdreg $0xFFFFFFFF  }
0xb6: {  	s28 =	simm.s32 $_size_execute0_lowered;
	s3 =	sadd.s32 s3, s5;
	[dreg:$0x0] =	wrdreg $0x0  }
0xb7: {  	s5 =	sshll.u32 s28, $0x1;
	[dreg:$0x2] =	wrdreg s3  }
0xb8: {  	[dreg:$0x3] =	wrdreg s5  }
0xb9: {  	[dreg:$0x4] =	wrdreg $0xC0  }
0xba: {  	_ =	task [dreg:s22], $0x5FFFF  }
0xbb: {  	[dreg:$0x1] =	wrdreg $0xFFFFFFFF  }
0xbc: {  	[dreg:$0x0] =	wrdreg $0x60  }
0xbd: {  	[dreg:$0x2] =	wrdreg s24  }
0xbe: {  	[dreg:$0x3] =	wrdreg $0xA  }
0xbf: {  	_ =	task.clear_ibuf [dreg:s22], $0x4FFFF;
	_ =	strace $0x90000058  }
0xc0: {  	s29 =	simm.s32 $0xA;
	_ =	strace $0x8000005A  }
0xc1: {  	_ =	swait.ge [sflag:s29], $0x1  }
0xc2: {  	[sflag:s29] =	ssyncadd.s32 $0xFFFFFFFF  }
0xc3: {  	_ =	strace $0x9000005A  }
0xc4: {  	_ =	sfence  }
0xc5: {  	s30 =	sld [smem:$0x0];
	_ =	sdelay $0x2  }
0xc6: {  	s31 =	sshll.u32 s1, $0xD;
	s1 =	sshrl.u32 s1, $0x2  }
0xc7: {  	s4 =	sand.u32 $0x4000, s31;
	s1 =	sadd.s32 s1, s30  }
0xc8: {  	s0 =	sor.u32 s4, s0;
	s1 =	sshll.u32 s1, $0x11  }
0xc9: {  	s0 =	sor.u32 s1, s0  }
0xca: {  	s0 =	sadd.s32 $0x8F2B, s0  }
0xcb: {  	[sflag:s0] =	ssyncadd.remote.s32 $0x1  }
0xcc: {  	_ =	sfence.sel $0xFFFF  }
0xcd: {  	[dreg:$0x0] =	wrdreg $0xFFFFFFFF;
	(pc) =	sbr.abs _section_cstart, $3  }
0xce: {  	[dreg:$0x1] =	wrdreg $0xFFFFFFFF  }
0xcf: {  	_ =	task.clear_ibuf [dreg:s22], $0x2FFFF;
	_ =	strace $0x9FFFFFFF  }
0xd0: {  	(tm) =	ssettm $0x7FFFFFFF  }
0xd1: {  	_ =	shalt  }
tec
execute0_lowered:
.L_overlay_start_1:
0x0: {  	(tag) =	ssettag $0x1  }
0x1: {  	s1 =	srdreg.scid;
	s0 =	stileid.u32  }
0x2: {  	s29 =	sand.u32 $0x1, s1;
	s31 =	sshll.u32 s0, $0x1  }
0x3: {  	s19 =	sor.u32 s29, s31  }
0x4: {  	s3 =	smul.u32 $0xE00, s19;
	_ =	sdelay $0x1  }
0x5: {  	s12 =	rddreg [dreg:$0x0];
	s2 =	simm.s32 $0x0;
	s3 =	sshrl.u32 s3, $0x3  }
0x6: {  	s4 =	simm.s32 $0x5;
	[smem:$0x7FF] =	sst s2;
	s26 =	sadd.s32 s3, s12  }
0x7: {  	s1 =	rddreg [dreg:$0x1];
	_ =	strace $0x80000059;
	s3 =	sadd.s32 $0x9000, s26  }
0x8: {  	[tilespmem:s2], [sflag:$0x5] =	stream.linear.gather [hbm4b:s3+s2], $0x1C0, $0x38;
	[tilespmem:$0x1C400] =	vst v63  }
0x9: {  	_ =	swait.ge [sflag:s4], $0x1C0  }
0xa: {  	s6 =	simm.s32 $0x1C0;
	[sflag:s4] =	ssyncset.done $0x0  }
0xb: {  	s7 =	simm.s32 $0x400;
	s5 =	sadd.s32 $0x21800, s12;
	[sflag:s4] =	ssyncadd.s32 $0xFFFFFE40  }
0xc: {  	[tilespmem:s7], [sflag:$0x1] =	stream.indirect.gather [hbm4b:s5+s6], $0x80, s2, s6, $0xb8;
	[tilespmem:$0x1C400] =	vst v63  }
0xd: {  	s9 =	simm.s32 $0x200;
	s8 =	sadd.s32 $0x9038, s26  }
0xe: {  	[tilespmem:s9], [sflag:$0x5] =	stream.linear.gather [hbm4b:s8+s2], $0x1C0, $0x38;
	[tilespmem:$0x1C400] =	vst v63  }
0xf: {  	_ =	swait.ge [sflag:s4], $0x1C0  }
0x10: {  	[sflag:s4] =	ssyncset.done $0x0  }
0x11: {  	s10 =	simm.s32 $0xE400;
	s11 =	simm.s32 $0x1;
	[sflag:s4] =	ssyncadd.s32 $0xFFFFFE40  }
0x12: {  	[tilespmem:s10], [sflag:$0x2] =	stream.indirect.gather [hbm4b:s5+s6], $0x80, s9, s6, $0xb8;
	[tilespmem:$0x1C400] =	vst v63  }
0x13: {  	s13 =	smul.u32 $0xE000, s19;
	_ =	swait.ge [sflag:s11], $0xE000  }
0x14: {  	s20 =	sadd.s32 $0x19E3C00, s12;
	[sflag:s11] =	ssyncset.done $0x0  }
0x15: {  	s12 =	sadd.s32 s20, s13;
	s13 =	simm.s32 $0x3;
	[sflag:s11] =	ssyncadd.s32 $0xFFFF2000  }
0x16: {  	[hbm4b:s12+s2] =	stream.linear.scatter [tilespmem:s7], [sflag:$0x3], $0xE000, $0x38;
	[tilespmem:$0x1C400] =	vst v63  }
0x17: {  	_ =	swait.ge [sflag:s13], $0xE000  }
0x18: {  	[sflag:s13] =	ssyncset.done $0x0  }
0x19: {  	s14 =	sadd.s32 $0x9070, s26;
	[sflag:s13] =	ssyncadd.s32 $0xFFFF2000  }
0x1a: {  	[tilespmem:s2], [sflag:$0x5] =	stream.linear.gather [hbm4b:s14+s2], $0x1C0, $0x38;
	[tilespmem:$0x1C400] =	vst v63  }
0x1b: {  	_ =	swait.ge [sflag:s4], $0x1C0  }
0x1c: {  	[sflag:s4] =	ssyncset.done $0x0  }
0x1d: {  	s15 =	simm.s32 $0x2;
	[sflag:s4] =	ssyncadd.s32 $0xFFFFFE40  }
0x1e: {  	[tilespmem:s7], [sflag:$0x1] =	stream.indirect.gather [hbm4b:s5+s6], $0x80, s2, s6, $0xb8;
	[tilespmem:$0x1C400] =	vst v63  }
0x1f: {  	_ =	swait.ge [sflag:s15], $0xE000  }
0x20: {  	[sflag:s15] =	ssyncset.done $0x0  }
0x21: {  	s16 =	simm.s32 $0x4;
	s17 =	sadd.s32 $0x1C00, s12;
	[sflag:s15] =	ssyncadd.s32 $0xFFFF2000  }
0x22: {  	[hbm4b:s17+s2] =	stream.linear.scatter [tilespmem:s10], [sflag:$0x4], $0xE000, $0x38;
	[tilespmem:$0x1C400] =	vst v63  }
0x23: {  	_ =	swait.ge [sflag:s16], $0xE000  }
0x24: {  	[sflag:s16] =	ssyncset.done $0x0  }
0x25: {  	s18 =	sadd.s32 $0x90A8, s26;
	[sflag:s16] =	ssyncadd.s32 $0xFFFF2000  }
0x26: {  	[tilespmem:s9], [sflag:$0x5] =	stream.linear.gather [hbm4b:s18+s2], $0x1C0, $0x38;
	[tilespmem:$0x1C400] =	vst v63  }
0x27: {  	_ =	swait.ge [sflag:s4], $0x1C0  }
0x28: {  	[sflag:s4] =	ssyncset.done $0x0  }
0x29: {  	s19 =	smul.u32 $0x70000, s19;
	[sflag:s4] =	ssyncadd.s32 $0xFFFFFE40  }
0x2a: {  	[tilespmem:s10], [sflag:$0x2] =	stream.indirect.gather [hbm4b:s5+s6], $0x80, s9, s6, $0xb8;
	[tilespmem:$0x1C400] =	vst v63  }
0x2b: {  	s19 =	sshrl.u32 s19, $0x3;
	_ =	swait.ge [sflag:s11], $0xE000  }
0x2c: {  	s30 =	sadd.s32 s20, s19;
	[sflag:s11] =	ssyncset.done $0x0  }
0x2d: {  	s19 =	sadd.s32 $0x3800, s30;
	[sflag:s11] =	ssyncadd.s32 $0xFFFF2000  }
0x2e: {  	[hbm4b:s19+s2] =	stream.linear.scatter [tilespmem:s7], [sflag:$0x3], $0xE000, $0x38;
	[tilespmem:$0x1C400] =	vst v63  }
0x2f: {  	_ =	swait.ge [sflag:s13], $0xE000  }
0x30: {  	[sflag:s13] =	ssyncset.done $0x0  }
0x31: {  	s20 =	sadd.s32 $0x90E0, s26;
	[sflag:s13] =	ssyncadd.s32 $0xFFFF2000  }
0x32: {  	[tilespmem:s2], [sflag:$0x5] =	stream.linear.gather [hbm4b:s20+s2], $0x1C0, $0x38;
	[tilespmem:$0x1C400] =	vst v63  }
0x33: {  	_ =	swait.ge [sflag:s4], $0x1C0  }
0x34: {  	[sflag:s4] =	ssyncset.done $0x0  }
0x35: {  	[sflag:s4] =	ssyncadd.s32 $0xFFFFFE40  }
0x36: {  	[tilespmem:s7], [sflag:$0x1] =	stream.indirect.gather [hbm4b:s5+s6], $0x80, s2, s6, $0xb8;
	[tilespmem:$0x1C400] =	vst v63  }
0x37: {  	_ =	swait.ge [sflag:s15], $0xE000  }
0x38: {  	[sflag:s15] =	ssyncset.done $0x0  }
0x39: {  	s21 =	sadd.s32 $0x5400, s30;
	[sflag:s15] =	ssyncadd.s32 $0xFFFF2000  }
0x3a: {  	[hbm4b:s21+s2] =	stream.linear.scatter [tilespmem:s10], [sflag:$0x4], $0xE000, $0x38;
	[tilespmem:$0x1C400] =	vst v63  }
0x3b: {  	_ =	swait.ge [sflag:s16], $0xE000  }
0x3c: {  	[sflag:s16] =	ssyncset.done $0x0  }
0x3d: {  	s22 =	sadd.s32 $0x9118, s26;
	[sflag:s16] =	ssyncadd.s32 $0xFFFF2000  }
0x3e: {  	[tilespmem:s9], [sflag:$0x5] =	stream.linear.gather [hbm4b:s22+s2], $0x1C0, $0x38;
	[tilespmem:$0x1C400] =	vst v63  }
0x3f: {  	_ =	swait.ge [sflag:s4], $0x1C0  }
0x40: {  	[sflag:s4] =	ssyncset.done $0x0  }
0x41: {  	[sflag:s4] =	ssyncadd.s32 $0xFFFFFE40  }
0x42: {  	[tilespmem:s10], [sflag:$0x2] =	stream.indirect.gather [hbm4b:s5+s6], $0x80, s9, s6, $0xb8;
	[tilespmem:$0x1C400] =	vst v63  }
0x43: {  	_ =	swait.ge [sflag:s11], $0xE000  }
0x44: {  	[sflag:s11] =	ssyncset.done $0x0  }
0x45: {  	s23 =	sadd.s32 $0x7000, s30;
	[sflag:s11] =	ssyncadd.s32 $0xFFFF2000  }
0x46: {  	[hbm4b:s23+s2] =	stream.linear.scatter [tilespmem:s7], [sflag:$0x3], $0xE000, $0x38;
	[tilespmem:$0x1C400] =	vst v63  }
0x47: {  	_ =	swait.ge [sflag:s13], $0xE000  }
0x48: {  	[sflag:s13] =	ssyncset.done $0x0  }
0x49: {  	s24 =	sadd.s32 $0x9150, s26;
	[sflag:s13] =	ssyncadd.s32 $0xFFFF2000  }
0x4a: {  	[tilespmem:s2], [sflag:$0x5] =	stream.linear.gather [hbm4b:s24+s2], $0x1C0, $0x38;
	[tilespmem:$0x1C400] =	vst v63  }
0x4b: {  	_ =	swait.ge [sflag:s4], $0x1C0  }
0x4c: {  	[sflag:s4] =	ssyncset.done $0x0  }
0x4d: {  	[sflag:s4] =	ssyncadd.s32 $0xFFFFFE40  }
0x4e: {  	[tilespmem:s7], [sflag:$0x1] =	stream.indirect.gather [hbm4b:s5+s6], $0x80, s2, s6, $0xb8;
	[tilespmem:$0x1C400] =	vst v63  }
0x4f: {  	_ =	swait.ge [sflag:s15], $0xE000  }
0x50: {  	[sflag:s15] =	ssyncset.done $0x0  }
0x51: {  	s25 =	sadd.s32 $0x8C00, s30;
	[sflag:s15] =	ssyncadd.s32 $0xFFFF2000  }
0x52: {  	[hbm4b:s25+s2] =	stream.linear.scatter [tilespmem:s10], [sflag:$0x4], $0xE000, $0x38;
	[tilespmem:$0x1C400] =	vst v63  }
0x53: {  	_ =	swait.ge [sflag:s16], $0xE000  }
0x54: {  	[sflag:s16] =	ssyncset.done $0x0  }
0x55: {  	s26 =	sadd.s32 $0x9188, s26;
	[sflag:s16] =	ssyncadd.s32 $0xFFFF2000  }
0x56: {  	[tilespmem:s9], [sflag:$0x5] =	stream.linear.gather [hbm4b:s26+s2], $0x1C0, $0x38;
	[tilespmem:$0x1C400] =	vst v63  }
0x57: {  	_ =	swait.ge [sflag:s4], $0x1C0  }
0x58: {  	[sflag:s4] =	ssyncset.done $0x0  }
0x59: {  	[sflag:s4] =	ssyncadd.s32 $0xFFFFFE40  }
0x5a: {  	[tilespmem:s10], [sflag:$0x2] =	stream.indirect.gather [hbm4b:s5+s6], $0x80, s9, s6, $0xb8;
	[tilespmem:$0x1C400] =	vst v63  }
0x5b: {  	_ =	swait.ge [sflag:s11], $0xE000  }
0x5c: {  	s31 =	ssub.s32 $0x2, s29;
	s28 =	sadd.s32 $0xA800, s30;
	[sflag:s11] =	ssyncset.done $0x0  }
0x5d: {  	s29 =	sadd.s32 $0xC400, s30;
	s30 =	sshrl.u32 s31, $0x1;
	[sflag:s11] =	ssyncadd.s32 $0xFFFF2000  }
0x5e: {  	[hbm4b:s28+s2] =	stream.linear.scatter [tilespmem:s7], [sflag:$0x3], $0xE000, $0x38;
	[tilespmem:$0x1C400] =	vst v63  }
0x5f: {  	s30 =	ssub.s32 s31, s30;
	_ =	swait.ge [sflag:s15], $0xE000  }
0x60: {  	s30 =	smax.u32 s30, $0x1;
	[sflag:s15] =	ssyncset.done $0x0  }
0x61: {  	p0 =	sne.s32 s30, $0x1;
	[sflag:s15] =	ssyncadd.s32 $0xFFFF2000  }
0x62: {  	[hbm4b:s29+s2] =	stream.linear.scatter [tilespmem:s10], [sflag:$0x4], $0xE000, $0x38;
	[tilespmem:$0x1C400] =	vst v63  }
.Ltmp0:
0x63: {  	_ =	swait.ge [sflag:s13], $0xE000;
	(pc) =	sbr.rel @!p0 .LBB2_2-.Ltmp0, $4  }
0x64: {  	[sflag:s13] =	ssyncset.done $0x0  }
0x65: {  	[sflag:s13] =	ssyncadd.s32 $0xFFFF2000  }
0x66: {  	_ =	swait.ge [sflag:s16], $0xE000  }
0x67: {  	s30 =	sadd.s32 $0xFFFFFFFF, s30;
	[sflag:s16] =	ssyncset.done $0x0  }
.LBB2_1:
0x68: {  	p0 =	sne.s32 s30, $0x1;
	s30 =	sadd.s32 $0xFFFFFFFF, s30;
	[sflag:s16] =	ssyncadd.s32 $0xFFFF2000  }
0x69: {  	[tilespmem:s2], [sflag:$0x5] =	stream.linear.gather [hbm4b:s3+s2], $0x1C0, $0x38;
	[tilespmem:$0x1C400] =	vst v63  }
0x6a: {  	_ =	swait.ge [sflag:s4], $0x1C0  }
0x6b: {  	[sflag:s4] =	ssyncset.done $0x0  }
0x6c: {  	[sflag:s4] =	ssyncadd.s32 $0xFFFFFE40  }
0x6d: {  	[tilespmem:s7], [sflag:$0x1] =	stream.indirect.gather [hbm4b:s5+s6], $0x80, s2, s6, $0xb8;
	[tilespmem:$0x1C400] =	vst v63  }
0x6e: {  	_ = 	snop  }
0x6f: {  	[tilespmem:s9], [sflag:$0x5] =	stream.linear.gather [hbm4b:s8+s2], $0x1C0, $0x38;
	[tilespmem:$0x1C400] =	vst v63  }
0x70: {  	_ =	swait.ge [sflag:s4], $0x1C0  }
0x71: {  	[sflag:s4] =	ssyncset.done $0x0  }
0x72: {  	[sflag:s4] =	ssyncadd.s32 $0xFFFFFE40  }
0x73: {  	[tilespmem:s10], [sflag:$0x2] =	stream.indirect.gather [hbm4b:s5+s6], $0x80, s9, s6, $0xb8;
	[tilespmem:$0x1C400] =	vst v63  }
0x74: {  	_ =	swait.ge [sflag:s11], $0xE000  }
0x75: {  	[sflag:s11] =	ssyncset.done $0x0  }
0x76: {  	[sflag:s11] =	ssyncadd.s32 $0xFFFF2000  }
0x77: {  	[hbm4b:s12+s2] =	stream.linear.scatter [tilespmem:s7], [sflag:$0x3], $0xE000, $0x38;
	[tilespmem:$0x1C400] =	vst v63  }
0x78: {  	_ =	swait.ge [sflag:s13], $0xE000  }
0x79: {  	[sflag:s13] =	ssyncset.done $0x0  }
0x7a: {  	[sflag:s13] =	ssyncadd.s32 $0xFFFF2000  }
0x7b: {  	[tilespmem:s2], [sflag:$0x5] =	stream.linear.gather [hbm4b:s14+s2], $0x1C0, $0x38;
	[tilespmem:$0x1C400] =	vst v63  }
0x7c: {  	_ =	swait.ge [sflag:s4], $0x1C0  }
0x7d: {  	[sflag:s4] =	ssyncset.done $0x0  }
0x7e: {  	[sflag:s4] =	ssyncadd.s32 $0xFFFFFE40  }
0x7f: {  	[tilespmem:s7], [sflag:$0x1] =	stream.indirect.gather [hbm4b:s5+s6], $0x80, s2, s6, $0xb8;
	[tilespmem:$0x1C400] =	vst v63  }
0x80: {  	_ =	swait.ge [sflag:s15], $0xE000  }
0x81: {  	[sflag:s15] =	ssyncset.done $0x0  }
0x82: {  	[sflag:s15] =	ssyncadd.s32 $0xFFFF2000  }
0x83: {  	[hbm4b:s17+s2] =	stream.linear.scatter [tilespmem:s10], [sflag:$0x4], $0xE000, $0x38;
	[tilespmem:$0x1C400] =	vst v63  }
0x84: {  	_ =	swait.ge [sflag:s16], $0xE000  }
0x85: {  	[sflag:s16] =	ssyncset.done $0x0  }
0x86: {  	[sflag:s16] =	ssyncadd.s32 $0xFFFF2000  }
0x87: {  	[tilespmem:s9], [sflag:$0x5] =	stream.linear.gather [hbm4b:s18+s2], $0x1C0, $0x38;
	[tilespmem:$0x1C400] =	vst v63  }
0x88: {  	_ =	swait.ge [sflag:s4], $0x1C0  }
0x89: {  	[sflag:s4] =	ssyncset.done $0x0  }
0x8a: {  	[sflag:s4] =	ssyncadd.s32 $0xFFFFFE40  }
0x8b: {  	[tilespmem:s10], [sflag:$0x2] =	stream.indirect.gather [hbm4b:s5+s6], $0x80, s9, s6, $0xb8;
	[tilespmem:$0x1C400] =	vst v63  }
0x8c: {  	_ =	swait.ge [sflag:s11], $0xE000  }
0x8d: {  	[sflag:s11] =	ssyncset.done $0x0  }
0x8e: {  	[sflag:s11] =	ssyncadd.s32 $0xFFFF2000  }
0x8f: {  	[hbm4b:s19+s2] =	stream.linear.scatter [tilespmem:s7], [sflag:$0x3], $0xE000, $0x38;
	[tilespmem:$0x1C400] =	vst v63  }
0x90: {  	_ =	swait.ge [sflag:s13], $0xE000  }
0x91: {  	[sflag:s13] =	ssyncset.done $0x0  }
0x92: {  	[sflag:s13] =	ssyncadd.s32 $0xFFFF2000  }
0x93: {  	[tilespmem:s2], [sflag:$0x5] =	stream.linear.gather [hbm4b:s20+s2], $0x1C0, $0x38;
	[tilespmem:$0x1C400] =	vst v63  }
0x94: {  	_ =	swait.ge [sflag:s4], $0x1C0  }
0x95: {  	[sflag:s4] =	ssyncset.done $0x0  }
0x96: {  	[sflag:s4] =	ssyncadd.s32 $0xFFFFFE40  }
0x97: {  	[tilespmem:s7], [sflag:$0x1] =	stream.indirect.gather [hbm4b:s5+s6], $0x80, s2, s6, $0xb8;
	[tilespmem:$0x1C400] =	vst v63  }
0x98: {  	_ =	swait.ge [sflag:s15], $0xE000  }
0x99: {  	[sflag:s15] =	ssyncset.done $0x0  }
0x9a: {  	[sflag:s15] =	ssyncadd.s32 $0xFFFF2000  }
0x9b: {  	[hbm4b:s21+s2] =	stream.linear.scatter [tilespmem:s10], [sflag:$0x4], $0xE000, $0x38;
	[tilespmem:$0x1C400] =	vst v63  }
0x9c: {  	_ =	swait.ge [sflag:s16], $0xE000  }
0x9d: {  	[sflag:s16] =	ssyncset.done $0x0  }
0x9e: {  	[sflag:s16] =	ssyncadd.s32 $0xFFFF2000  }
0x9f: {  	[tilespmem:s9], [sflag:$0x5] =	stream.linear.gather [hbm4b:s22+s2], $0x1C0, $0x38;
	[tilespmem:$0x1C400] =	vst v63  }
0xa0: {  	_ =	swait.ge [sflag:s4], $0x1C0  }
0xa1: {  	[sflag:s4] =	ssyncset.done $0x0  }
0xa2: {  	[sflag:s4] =	ssyncadd.s32 $0xFFFFFE40  }
0xa3: {  	[tilespmem:s10], [sflag:$0x2] =	stream.indirect.gather [hbm4b:s5+s6], $0x80, s9, s6, $0xb8;
	[tilespmem:$0x1C400] =	vst v63  }
0xa4: {  	_ =	swait.ge [sflag:s11], $0xE000  }
0xa5: {  	[sflag:s11] =	ssyncset.done $0x0  }
0xa6: {  	[sflag:s11] =	ssyncadd.s32 $0xFFFF2000  }
0xa7: {  	[hbm4b:s23+s2] =	stream.linear.scatter [tilespmem:s7], [sflag:$0x3], $0xE000, $0x38;
	[tilespmem:$0x1C400] =	vst v63  }
0xa8: {  	_ =	swait.ge [sflag:s13], $0xE000  }
0xa9: {  	[sflag:s13] =	ssyncset.done $0x0  }
0xaa: {  	[sflag:s13] =	ssyncadd.s32 $0xFFFF2000  }
0xab: {  	[tilespmem:s2], [sflag:$0x5] =	stream.linear.gather [hbm4b:s24+s2], $0x1C0, $0x38;
	[tilespmem:$0x1C400] =	vst v63  }
0xac: {  	_ =	swait.ge [sflag:s4], $0x1C0  }
0xad: {  	[sflag:s4] =	ssyncset.done $0x0  }
0xae: {  	[sflag:s4] =	ssyncadd.s32 $0xFFFFFE40  }
0xaf: {  	[tilespmem:s7], [sflag:$0x1] =	stream.indirect.gather [hbm4b:s5+s6], $0x80, s2, s6, $0xb8;
	[tilespmem:$0x1C400] =	vst v63  }
0xb0: {  	_ =	swait.ge [sflag:s15], $0xE000  }
0xb1: {  	[sflag:s15] =	ssyncset.done $0x0  }
0xb2: {  	[sflag:s15] =	ssyncadd.s32 $0xFFFF2000  }
0xb3: {  	[hbm4b:s25+s2] =	stream.linear.scatter [tilespmem:s10], [sflag:$0x4], $0xE000, $0x38;
	[tilespmem:$0x1C400] =	vst v63  }
0xb4: {  	_ =	swait.ge [sflag:s16], $0xE000  }
0xb5: {  	[sflag:s16] =	ssyncset.done $0x0  }
0xb6: {  	[sflag:s16] =	ssyncadd.s32 $0xFFFF2000  }
0xb7: {  	[tilespmem:s9], [sflag:$0x5] =	stream.linear.gather [hbm4b:s26+s2], $0x1C0, $0x38;
	[tilespmem:$0x1C400] =	vst v63  }
0xb8: {  	_ =	swait.ge [sflag:s4], $0x1C0  }
0xb9: {  	[sflag:s4] =	ssyncset.done $0x0  }
0xba: {  	[sflag:s4] =	ssyncadd.s32 $0xFFFFFE40  }
0xbb: {  	[tilespmem:s10], [sflag:$0x2] =	stream.indirect.gather [hbm4b:s5+s6], $0x80, s9, s6, $0xb8;
	[tilespmem:$0x1C400] =	vst v63  }
0xbc: {  	_ =	swait.ge [sflag:s11], $0xE000  }
0xbd: {  	[sflag:s11] =	ssyncset.done $0x0  }
0xbe: {  	[sflag:s11] =	ssyncadd.s32 $0xFFFF2000  }
0xbf: {  	[hbm4b:s28+s2] =	stream.linear.scatter [tilespmem:s7], [sflag:$0x3], $0xE000, $0x38;
	[tilespmem:$0x1C400] =	vst v63  }
0xc0: {  	_ =	swait.ge [sflag:s15], $0xE000  }
0xc1: {  	[sflag:s15] =	ssyncset.done $0x0  }
0xc2: {  	[sflag:s15] =	ssyncadd.s32 $0xFFFF2000  }
0xc3: {  	[hbm4b:s29+s2] =	stream.linear.scatter [tilespmem:s10], [sflag:$0x4], $0xE000, $0x38;
	[tilespmem:$0x1C400] =	vst v63  }
.Ltmp1:
0xc4: {  	_ =	swait.ge [sflag:s13], $0xE000;
	(pc) =	sbr.rel @p0 .LBB2_1-.Ltmp1, $4  }
0xc5: {  	[sflag:s13] =	ssyncset.done $0x0  }
0xc6: {  	[sflag:s13] =	ssyncadd.s32 $0xFFFF2000  }
0xc7: {  	_ =	swait.ge [sflag:s16], $0xE000  }
0xc8: {  	[sflag:s16] =	ssyncset.done $0x0  }
.LBB2_2:
0xc9: {  	[sflag:s16] =	ssyncadd.s32 $0xFFFF2000  }
0xca: {  	_ =	sfence.sel $0x180000  }
0xcb: {  	[bflag:$0x0] =	sbarrier.arrive $0xFFFF  }
0xcc: {  	p0 =	sne.s32 s0, $0x0;
	_ =	strace $0x90000059  }
0xcd: {  	s0 =	sadd.s32 @!p0 $0x100000, s1;
	[bflag:$0x2] =	sbarrier.arrive $0xFFFF  }
0xce: {  	[sflag:s0] =	ssyncadd.tile.s32 @!p0 $0x1;
	_ =	shalt  }
.Lfunc_end2:
_tile_overlayer_lowered:
.L_overlay_start_2:
0xcf: {  	(tag) =	ssettag $0x2  }
0xd0: {  	s0 =	rddreg [dreg:$0x0];
	s2 =	stileid.u32  }
0xd1: {  	s1 =	rddreg [dreg:$0x1];
	p0 =	sne.s32 s2, $0x0  }
0xd2: {  	s3 =	rddreg [dreg:$0x2];
	[bflag:$0x3] =	sbarrier.arrive $0xFFFF;
	s2 =	simm.s32 @!p0 $0x1C05  }
0xd3: {  	[timem:s3], [sflag:s2] =	dma.local @!p0 [hbm:s0], s1  }
0xd4: {  	s0 =	simm.s32 @!p0 $0x5  }
0xd5: {  	_ =	swait.ge @!p0 [sflag:s0], s1  }
0xd6: {  	s1 =	ssub.s32 @!p0 $0x0, s1;
	[sflag:s0] =	ssyncset.done @!p0 $0x0  }
0xd7: {  	[sflag:s0] =	ssyncadd.s32 @!p0 s1  }
0xd8: {  	[bflag:$0x3] =	sbarrier.arrive $0xFFFF  }
0xd9: {  	_ =	shalt  }

// kernel: kernel.17.cloned.1.call-start
scs
__scs_entry_jumppad:
0x0: {  	(pc) =	sbr.rel $0x88, $3  }
0x1: {  	(tag) =	ssettag $0x0;
	lr =	simm.s32 $0x1  }
0x2: {  	[smem:$0x3F9F] =	sst lr;
	_ =	strace $0xD0000000  }
0x3: {  	_ = 	snop  }
0x4: {  	_ = 	snop  }
0x5: {  	_ = 	snop  }
0x6: {  	_ = 	snop  }
0x7: {  	_ = 	snop  }
__scs_overlays_trampoline_lowered:
0x8: {  	[smem:$0x3FAE] =	sst s0  }
0x9: {  	[smem:$0x3FAF] =	sst s1  }
0xa: {  	[smem:$0x3FB0] =	sst s2  }
0xb: {  	[smem:$0x3FB1] =	sst s3  }
0xc: {  	[smem:$0x3FB2] =	sst s4  }
0xd: {  	[smem:$0x3FB3] =	sst s5  }
0xe: {  	[smem:$0x3FB4] =	sst s6  }
0xf: {  	[smem:$0x3FB5] =	sst s7  }
0x10: {  	[smem:$0x3FB6] =	sst s8  }
0x11: {  	[smem:$0x3FB7] =	sst s9;
	s0 =	simm.s32 @!p0 $0x0  }
0x12: {  	s1 =	sld [smem:$0x3F9D];
	s0 =	simm.s32 @p0 $0x1  }
0x13: {  	[smem:$0x3FB8] =	sst s0;
	s0 =	simm.s32 @!p1 $0x0  }
0x14: {  	s2 =	sld [smem:$0x3F9C];
	s0 =	simm.s32 @p1 $0x1  }
0x15: {  	[smem:$0x3FB9] =	sst s0;
	s0 =	simm.s32 @!p2 $0x0  }
0x16: {  	s3 =	sld [smem:$0x3FDB];
	s0 =	simm.s32 @p2 $0x1  }
0x17: {  	s4 =	simm.s32 $0x1BF5;
	[smem:$0x3FBB] =	sst s0  }
0x18: {  	s0 =	sld [smem:$0x3F9E];
	_ =	swait.ge [sflag:s4], $0x0  }
0x19: {  	s7 =	sld [smem:$0x3F9F]  }
0x1a: {  	s8 =	sadd.s32 $0xFFFFE003, lr  }
0x1b: {  	s9 =	sadd.s32 $0xFFFFFEF7, lr;
	s5 =	simm.s32 $0xFFFFFFFF;
	p2 =	slt.u32 s8, $0xFFFFF086  }
0x1c: {  	p1 =	slt.u32 s9, $0xF7A;
	s5 =	simm.s32 @!p2 $0x0  }
0x1d: {  	s5 =	simm.s32 @p1 $0x1;
	p0 =	seq.s32 s7, s2  }
0x1e: {  	s7 =	smul.u32 @!p0 $0xF7A, s2;
	p2 =	seq.s32 @!p0 s5, $0x0  }
0x1f: {  	s9 =	smul.u32 $0xF7A, s1;
	s8 =	simm.s32 @!p0 $0x1BF5;
	p2 =	por !p2, p0  }
0x20: {  	[sflag:s8] =	ssyncset.s32 @!p0 $0xFFFFF086;
	s6 =	sadd.s32 @!p0 s3, s7;
	s7 =	simm.s32 @!p0 $0x108  }
0x21: {  	s3 =	sadd.s32 s3, s9;
	s6 =	sadd.s32 @!p0 $0x88, s6;
	s7 =	simm.s32 @p2 $0x1082  }
0x22: {  	[simem:s7], [sflag:s8] =	dma.local @!p0 [hbm:s6], $0xF7A  }
0x23: {  	s9 =	sor.u32 $0xD0000000, s2;
	s6 =	simm.s32 $0x108;
	_ =	swait.ge @!p0 [sflag:s8], $0x0  }
0x24: {  	s3 =	sadd.s32 $0x88, s3;
	s6 =	simm.s32 @!p1 $0x1082;
	[sflag:s4] =	ssyncset.s32 $0xFFFFF086  }
0x25: {  	[simem:s6], [sflag:s4] =	dma.local [hbm:s3], $0xF7A  }
0x26: {  	[smem:$0x3F9F] =	sst s1;
	(tag) =	ssettag s2;
	_ =	strace s9  }
0x27: {  	s1 =	sld [smem:$0x3FAF]  }
0x28: {  	s2 =	sld [smem:$0x3FB0]  }
0x29: {  	s4 =	sld [smem:$0x3FB2]  }
0x2a: {  	p0 =	seq.s32 s5, $0x0;
	s5 =	sld [smem:$0x3FB3]  }
0x2b: {  	s6 =	sld [smem:$0x3FB4]  }
0x2c: {  	s7 =	sld [smem:$0x3FB5]  }
0x2d: {  	s3 =	simm.s32 $0x108;
	s8 =	sld [smem:$0x3FB6]  }
0x2e: {  	s3 =	simm.s32 @!p0 $0x1082;
	s9 =	sld [smem:$0x3FB7]  }
0x2f: {  	lr =	sadd.s32 s0, s3;
	s0 =	sld [smem:$0x3FAE]  }
0x30: {  	s3 =	sld [smem:$0x3FB1]  }
0x31: {  	[smem:$0x3FBA] =	sst s10  }
0x32: {  	s10 =	sld [smem:$0x3FB8];
	_ =	sdelay $0x3  }
0x33: {  	p0 =	seq.s32 s10, $0x1;
	s10 =	sld [smem:$0x3FBA];
	_ =	sdelay $0x3  }
0x34: {  	[smem:$0x3FBA] =	sst s10  }
0x35: {  	s10 =	sld [smem:$0x3FB9];
	_ =	sdelay $0x3  }
0x36: {  	p1 =	seq.s32 s10, $0x1;
	s10 =	sld [smem:$0x3FBA];
	_ =	sdelay $0x3  }
0x37: {  	[smem:$0x3FBA] =	sst s10  }
0x38: {  	s10 =	sld [smem:$0x3FBB]  }
0x39: {  	_ = 	snop;
	(pc) =	sbr.ind lr, $3  }
0x3a: {  	_ = 	snop  }
0x3b: {  	_ = 	snop  }
0x3c: {  	p2 =	seq.s32 s10, $0x1;
	s10 =	sld [smem:$0x3FBA]  }
0x3d: {  	_ =	shalt  }
0x3e: {  	_ =	shalt  }
0x3f: {  	_ =	shalt  }
0x40: {  	_ =	shalt  }
0x41: {  	_ =	shalt  }
0x42: {  	_ =	shalt  }
0x43: {  	_ =	shalt  }
0x44: {  	_ =	shalt  }
0x45: {  	_ =	shalt  }
0x46: {  	_ =	shalt  }
0x47: {  	_ =	shalt  }
0x48: {  	_ =	shalt  }
0x49: {  	_ =	shalt  }
0x4a: {  	_ =	shalt  }
0x4b: {  	_ =	shalt  }
0x4c: {  	_ =	shalt  }
0x4d: {  	_ =	shalt  }
0x4e: {  	_ =	shalt  }
0x4f: {  	_ =	shalt  }
0x50: {  	_ =	shalt  }
0x51: {  	_ =	shalt  }
0x52: {  	_ =	shalt  }
0x53: {  	_ =	shalt  }
0x54: {  	_ =	shalt  }
0x55: {  	_ =	shalt  }
0x56: {  	_ =	shalt  }
0x57: {  	_ =	shalt  }
0x58: {  	_ =	shalt  }
0x59: {  	_ =	shalt  }
0x5a: {  	_ =	shalt  }
0x5b: {  	_ =	shalt  }
0x5c: {  	_ =	shalt  }
0x5d: {  	_ =	shalt  }
0x5e: {  	_ =	shalt  }
0x5f: {  	_ =	shalt  }
0x60: {  	_ =	shalt  }
0x61: {  	_ =	shalt  }
0x62: {  	_ =	shalt  }
0x63: {  	_ =	shalt  }
0x64: {  	_ =	shalt  }
0x65: {  	_ =	shalt  }
0x66: {  	_ =	shalt  }
0x67: {  	_ =	shalt  }
0x68: {  	_ =	shalt  }
0x69: {  	_ =	shalt  }
0x6a: {  	_ =	shalt  }
0x6b: {  	_ =	shalt  }
0x6c: {  	_ =	shalt  }
0x6d: {  	_ =	shalt  }
0x6e: {  	_ =	shalt  }
0x6f: {  	_ =	shalt  }
0x70: {  	_ =	shalt  }
0x71: {  	_ =	shalt  }
0x72: {  	_ =	shalt  }
0x73: {  	_ =	shalt  }
0x74: {  	_ =	shalt  }
0x75: {  	_ =	shalt  }
0x76: {  	_ =	shalt  }
0x77: {  	_ =	shalt  }
0x78: {  	_ =	shalt  }
0x79: {  	_ =	shalt  }
0x7a: {  	_ =	shalt  }
0x7b: {  	_ =	shalt  }
0x7c: {  	_ =	shalt  }
0x7d: {  	_ =	shalt  }
0x7e: {  	_ =	shalt  }
0x7f: {  	_ =	shalt  }
0x80: {  	_ =	shalt  }
0x81: {  	_ =	shalt  }
0x82: {  	_ =	shalt  }
0x83: {  	_ =	shalt  }
0x84: {  	_ =	shalt  }
0x85: {  	_ =	shalt  }
0x86: {  	_ =	shalt  }
0x87: {  	_ =	shalt  }
.Lfunc_end0:
.L_simem_size_0:
called_computation.2_lowered:
.L_overlay_start_0:
0x88: {  	s2 =	sld [smem:$0x3FD9]  }
0x89: {  	s3 =	sld [smem:$0x3FFE];
	_ =	sdelay $0x1  }
0x8a: {  	s1 =	srdreg.scid  }
0x8b: {  	s0 =	sand.u32 $0x1, s1  }
0x8c: {  	s17 =	sshll.u32 s0, $0xA;
	s2 =	sadd.s32 s3, s2  }
0x8d: {  	s2 =	sadd.s32 s2, s17  }
0x8e: {  	[smem:$0x3FC6] =	sst s2  }
0x8f: {  	_ = 	snop  }
0x90: {  	(tm) =	ssettm $0x1  }
0x91: {  	s18 =	sld [smem:$0x3FFB];
	_ =	sdelay $0x3  }
0x92: {  	_ =	strace s18  }
0x93: {  	s2 =	sld [smem:$0x3FFC];
	_ =	sdelay $0x3  }
0x94: {  	_ =	strace s2  }
0x95: {  	s2 =	sld [smem:$0x3FFD];
	_ =	sdelay $0x3  }
0x96: {  	_ =	strace s2  }
0x97: {  	_ =	strace $0x8FFFFFFF  }
0x98: {  	s19 =	sld [smem:$0x3FDB];
	_ =	sdelay $0x1  }
0x99: {  	s20 =	simm.s32 $_scs_section_size  }
0x9a: {  	s4 =	simm.s32 $_size__tile_overlayer_lowered;
	s5 =	simm.s32 $_tile_overlayer_lowered  }
0x9b: {  	s6 =	simm.s32 $0x1BFF;
	s21 =	sshll.u32 s5, $0x1;
	s3 =	sadd.s32 s20, s19  }
0x9c: {  	s22 =	simm.s32 $0x0;
	s4 =	sshll.u32 s4, $0x1;
	s5 =	sadd.s32 s21, s3  }
0x9d: {  	[timem:s22], [sflag:s6] =	dma.local [hbm:s5], s4  }
0x9e: {  	_ =	swait.ge [sflag:s6], s4  }
0x9f: {  	s4 =	ssub.s32 $0x0, s4;
	[sflag:s6] =	ssyncset.done $0x0  }
0xa0: {  	[sflag:s6] =	ssyncadd.s32 s4;
	_ =	sdelay $0x1  }
0xa1: {  	s23 =	simm.s32 $0x1B8B  }
0xa2: {  	_ =	swait.ge [sflag:s23], $0x1  }
0xa3: {  	[sflag:s23] =	ssyncset.done $0x0  }
0xa4: {  	[sflag:s23] =	ssyncadd.s32 $0xFFFFFFFF  }
0xa5: {  	s4 =	sld [smem:$0x0]  }
0xa6: {  	s5 =	sand.u32 $0xFFFFFFFE, s1  }
0xa7: {  	p0 =	sne.s32 s1, s5  }
0xa8: {  	s5 =	sshll.u32 @p0 s5, $0xE  }
0xa9: {  	s5 =	sadd.s32 @p0 $0x11B8D, s5;
	s6 =	sshll.u32 @p0 s4, $0x11  }
0xaa: {  	s5 =	sor.u32 @p0 s6, s5  }
0xab: {  	[sflag:s5] =	ssyncadd.remote.s32 @p0 $0x1;
	_ =	sdelay $0x1  }
0xac: {  	s5 =	simm.s32 @p0 $0x1B8D  }
0xad: {  	_ =	swait.eq @p0 [sflag:s5], $0x1  }
0xae: {  	[sflag:s5] =	ssyncadd.s32 @p0 $0xFFFFFFFF  }
0xaf: {  	s6 =	sshll.u32 @!p0 s1, $0xE  }
0xb0: {  	s6 =	sor.u32 @!p0 $0x4000, s6;
	s5 =	simm.s32 @!p0 $0x1B8D  }
0xb1: {  	s4 =	sshll.u32 @!p0 s4, $0x11;
	s6 =	sadd.s32 @!p0 $0x11B8D, s6;
	_ =	swait.eq @!p0 [sflag:s5], $0x1  }
0xb2: {  	s4 =	sor.u32 @!p0 s4, s6;
	[sflag:s5] =	ssyncadd.s32 @!p0 $0xFFFFFFFF  }
0xb3: {  	s25 =	simm.s32 $0x1B8E;
	s24 =	sld [smem:$0x3FFE];
	[sflag:s4] =	ssyncadd.remote.s32 @!p0 $0x1  }
0xb4: {  	s26 =	simm.s32 $execute0_lowered;
	[smem:$0x3FD2] =	sst s25  }
0xb5: {  	s5 =	sshll.u32 s26, $0x1;
	_ =	strace $0x80000055;
	[dreg:$0x1] =	wrdreg $0xFFFFFFFF  }
0xb6: {  	s28 =	simm.s32 $_size_execute0_lowered;
	s3 =	sadd.s32 s3, s5;
	[dreg:$0x0] =	wrdreg $0x0  }
0xb7: {  	s5 =	sshll.u32 s28, $0x1;
	[dreg:$0x2] =	wrdreg s3  }
0xb8: {  	[dreg:$0x3] =	wrdreg s5  }
0xb9: {  	[dreg:$0x4] =	wrdreg $0xC0  }
0xba: {  	_ =	task [dreg:s22], $0x5FFFF  }
0xbb: {  	[dreg:$0x1] =	wrdreg $0xFFFFFFFF  }
0xbc: {  	[dreg:$0x0] =	wrdreg $0x60  }
0xbd: {  	[dreg:$0x2] =	wrdreg s24  }
0xbe: {  	[dreg:$0x3] =	wrdreg $0xB  }
0xbf: {  	_ =	task.clear_ibuf [dreg:s22], $0x4FFFF;
	_ =	strace $0x90000055  }
0xc0: {  	s29 =	simm.s32 $0xB;
	_ =	strace $0x80000057  }
0xc1: {  	_ =	swait.ge [sflag:s29], $0x1  }
0xc2: {  	[sflag:s29] =	ssyncadd.s32 $0xFFFFFFFF  }
0xc3: {  	_ =	strace $0x90000057  }
0xc4: {  	_ =	sfence  }
0xc5: {  	s30 =	sld [smem:$0x0];
	_ =	sdelay $0x2  }
0xc6: {  	s31 =	sshll.u32 s1, $0xD;
	s1 =	sshrl.u32 s1, $0x2  }
0xc7: {  	s4 =	sand.u32 $0x4000, s31;
	s1 =	sadd.s32 s1, s30  }
0xc8: {  	s0 =	sor.u32 s4, s0;
	s1 =	sshll.u32 s1, $0x11  }
0xc9: {  	s0 =	sor.u32 s1, s0  }
0xca: {  	s0 =	sadd.s32 $0x8F2B, s0  }
0xcb: {  	[sflag:s0] =	ssyncadd.remote.s32 $0x1  }
0xcc: {  	_ =	sfence.sel $0xFFFF  }
0xcd: {  	[dreg:$0x0] =	wrdreg $0xFFFFFFFF;
	(pc) =	sbr.abs _section_cstart, $3  }
0xce: {  	[dreg:$0x1] =	wrdreg $0xFFFFFFFF  }
0xcf: {  	_ =	task.clear_ibuf [dreg:s22], $0x2FFFF;
	_ =	strace $0x9FFFFFFF  }
0xd0: {  	(tm) =	ssettm $0x7FFFFFFF  }
0xd1: {  	_ =	shalt  }
tec
execute0_lowered:
.L_overlay_start_1:
0x0: {  	(tag) =	ssettag $0x1  }
0x1: {  	s1 =	srdreg.scid;
	s0 =	stileid.u32  }
0x2: {  	s29 =	sand.u32 $0x1, s1;
	s31 =	sshll.u32 s0, $0x1  }
0x3: {  	s19 =	sor.u32 s29, s31  }
0x4: {  	s3 =	smul.u32 $0xE00, s19;
	_ =	sdelay $0x1  }
0x5: {  	s12 =	rddreg [dreg:$0x0];
	s2 =	simm.s32 $0x0;
	s3 =	sshrl.u32 s3, $0x3  }
0x6: {  	s4 =	simm.s32 $0x5;
	[smem:$0x7FF] =	sst s2;
	s26 =	sadd.s32 s3, s12  }
0x7: {  	s1 =	rddreg [dreg:$0x1];
	_ =	strace $0x80000056;
	s3 =	sadd.s32 $0xC800, s26  }
0x8: {  	[tilespmem:s2], [sflag:$0x5] =	stream.linear.gather [hbm4b:s3+s2], $0x1C0, $0x38;
	[tilespmem:$0x1C400] =	vst v63  }
0x9: {  	_ =	swait.ge [sflag:s4], $0x1C0  }
0xa: {  	s6 =	simm.s32 $0x1C0;
	[sflag:s4] =	ssyncset.done $0x0  }
0xb: {  	s7 =	simm.s32 $0x400;
	s5 =	sadd.s32 $0x21800, s12;
	[sflag:s4] =	ssyncadd.s32 $0xFFFFFE40  }
0xc: {  	[tilespmem:s7], [sflag:$0x1] =	stream.indirect.gather [hbm4b:s5+s6], $0x80, s2, s6, $0xb8;
	[tilespmem:$0x1C400] =	vst v63  }
0xd: {  	s9 =	simm.s32 $0x200;
	s8 =	sadd.s32 $0xC838, s26  }
0xe: {  	[tilespmem:s9], [sflag:$0x5] =	stream.linear.gather [hbm4b:s8+s2], $0x1C0, $0x38;
	[tilespmem:$0x1C400] =	vst v63  }
0xf: {  	_ =	swait.ge [sflag:s4], $0x1C0  }
0x10: {  	[sflag:s4] =	ssyncset.done $0x0  }
0x11: {  	s10 =	simm.s32 $0xE400;
	s11 =	simm.s32 $0x1;
	[sflag:s4] =	ssyncadd.s32 $0xFFFFFE40  }
0x12: {  	[tilespmem:s10], [sflag:$0x2] =	stream.indirect.gather [hbm4b:s5+s6], $0x80, s9, s6, $0xb8;
	[tilespmem:$0x1C400] =	vst v63  }
0x13: {  	s13 =	smul.u32 $0xE000, s19;
	_ =	swait.ge [sflag:s11], $0xE000  }
0x14: {  	s20 =	sadd.s32 $0x1823C00, s12;
	[sflag:s11] =	ssyncset.done $0x0  }
0x15: {  	s12 =	sadd.s32 s20, s13;
	s13 =	simm.s32 $0x3;
	[sflag:s11] =	ssyncadd.s32 $0xFFFF2000  }
0x16: {  	[hbm4b:s12+s2] =	stream.linear.scatter [tilespmem:s7], [sflag:$0x3], $0xE000, $0x38;
	[tilespmem:$0x1C400] =	vst v63  }
0x17: {  	_ =	swait.ge [sflag:s13], $0xE000  }
0x18: {  	[sflag:s13] =	ssyncset.done $0x0  }
0x19: {  	s14 =	sadd.s32 $0xC870, s26;
	[sflag:s13] =	ssyncadd.s32 $0xFFFF2000  }
0x1a: {  	[tilespmem:s2], [sflag:$0x5] =	stream.linear.gather [hbm4b:s14+s2], $0x1C0, $0x38;
	[tilespmem:$0x1C400] =	vst v63  }
0x1b: {  	_ =	swait.ge [sflag:s4], $0x1C0  }
0x1c: {  	[sflag:s4] =	ssyncset.done $0x0  }
0x1d: {  	s15 =	simm.s32 $0x2;
	[sflag:s4] =	ssyncadd.s32 $0xFFFFFE40  }
0x1e: {  	[tilespmem:s7], [sflag:$0x1] =	stream.indirect.gather [hbm4b:s5+s6], $0x80, s2, s6, $0xb8;
	[tilespmem:$0x1C400] =	vst v63  }
0x1f: {  	_ =	swait.ge [sflag:s15], $0xE000  }
0x20: {  	[sflag:s15] =	ssyncset.done $0x0  }
0x21: {  	s16 =	simm.s32 $0x4;
	s17 =	sadd.s32 $0x1C00, s12;
	[sflag:s15] =	ssyncadd.s32 $0xFFFF2000  }
0x22: {  	[hbm4b:s17+s2] =	stream.linear.scatter [tilespmem:s10], [sflag:$0x4], $0xE000, $0x38;
	[tilespmem:$0x1C400] =	vst v63  }
0x23: {  	_ =	swait.ge [sflag:s16], $0xE000  }
0x24: {  	[sflag:s16] =	ssyncset.done $0x0  }
0x25: {  	s18 =	sadd.s32 $0xC8A8, s26;
	[sflag:s16] =	ssyncadd.s32 $0xFFFF2000  }
0x26: {  	[tilespmem:s9], [sflag:$0x5] =	stream.linear.gather [hbm4b:s18+s2], $0x1C0, $0x38;
	[tilespmem:$0x1C400] =	vst v63  }
0x27: {  	_ =	swait.ge [sflag:s4], $0x1C0  }
0x28: {  	[sflag:s4] =	ssyncset.done $0x0  }
0x29: {  	s19 =	smul.u32 $0x70000, s19;
	[sflag:s4] =	ssyncadd.s32 $0xFFFFFE40  }
0x2a: {  	[tilespmem:s10], [sflag:$0x2] =	stream.indirect.gather [hbm4b:s5+s6], $0x80, s9, s6, $0xb8;
	[tilespmem:$0x1C400] =	vst v63  }
0x2b: {  	s19 =	sshrl.u32 s19, $0x3;
	_ =	swait.ge [sflag:s11], $0xE000  }
0x2c: {  	s30 =	sadd.s32 s20, s19;
	[sflag:s11] =	ssyncset.done $0x0  }
0x2d: {  	s19 =	sadd.s32 $0x3800, s30;
	[sflag:s11] =	ssyncadd.s32 $0xFFFF2000  }
0x2e: {  	[hbm4b:s19+s2] =	stream.linear.scatter [tilespmem:s7], [sflag:$0x3], $0xE000, $0x38;
	[tilespmem:$0x1C400] =	vst v63  }
0x2f: {  	_ =	swait.ge [sflag:s13], $0xE000  }
0x30: {  	[sflag:s13] =	ssyncset.done $0x0  }
0x31: {  	s20 =	sadd.s32 $0xC8E0, s26;
	[sflag:s13] =	ssyncadd.s32 $0xFFFF2000  }
0x32: {  	[tilespmem:s2], [sflag:$0x5] =	stream.linear.gather [hbm4b:s20+s2], $0x1C0, $0x38;
	[tilespmem:$0x1C400] =	vst v63  }
0x33: {  	_ =	swait.ge [sflag:s4], $0x1C0  }
0x34: {  	[sflag:s4] =	ssyncset.done $0x0  }
0x35: {  	[sflag:s4] =	ssyncadd.s32 $0xFFFFFE40  }
0x36: {  	[tilespmem:s7], [sflag:$0x1] =	stream.indirect.gather [hbm4b:s5+s6], $0x80, s2, s6, $0xb8;
	[tilespmem:$0x1C400] =	vst v63  }
0x37: {  	_ =	swait.ge [sflag:s15], $0xE000  }
0x38: {  	[sflag:s15] =	ssyncset.done $0x0  }
0x39: {  	s21 =	sadd.s32 $0x5400, s30;
	[sflag:s15] =	ssyncadd.s32 $0xFFFF2000  }
0x3a: {  	[hbm4b:s21+s2] =	stream.linear.scatter [tilespmem:s10], [sflag:$0x4], $0xE000, $0x38;
	[tilespmem:$0x1C400] =	vst v63  }
0x3b: {  	_ =	swait.ge [sflag:s16], $0xE000  }
0x3c: {  	[sflag:s16] =	ssyncset.done $0x0  }
0x3d: {  	s22 =	sadd.s32 $0xC918, s26;
	[sflag:s16] =	ssyncadd.s32 $0xFFFF2000  }
0x3e: {  	[tilespmem:s9], [sflag:$0x5] =	stream.linear.gather [hbm4b:s22+s2], $0x1C0, $0x38;
	[tilespmem:$0x1C400] =	vst v63  }
0x3f: {  	_ =	swait.ge [sflag:s4], $0x1C0  }
0x40: {  	[sflag:s4] =	ssyncset.done $0x0  }
0x41: {  	[sflag:s4] =	ssyncadd.s32 $0xFFFFFE40  }
0x42: {  	[tilespmem:s10], [sflag:$0x2] =	stream.indirect.gather [hbm4b:s5+s6], $0x80, s9, s6, $0xb8;
	[tilespmem:$0x1C400] =	vst v63  }
0x43: {  	_ =	swait.ge [sflag:s11], $0xE000  }
0x44: {  	[sflag:s11] =	ssyncset.done $0x0  }
0x45: {  	s23 =	sadd.s32 $0x7000, s30;
	[sflag:s11] =	ssyncadd.s32 $0xFFFF2000  }
0x46: {  	[hbm4b:s23+s2] =	stream.linear.scatter [tilespmem:s7], [sflag:$0x3], $0xE000, $0x38;
	[tilespmem:$0x1C400] =	vst v63  }
0x47: {  	_ =	swait.ge [sflag:s13], $0xE000  }
0x48: {  	[sflag:s13] =	ssyncset.done $0x0  }
0x49: {  	s24 =	sadd.s32 $0xC950, s26;
	[sflag:s13] =	ssyncadd.s32 $0xFFFF2000  }
0x4a: {  	[tilespmem:s2], [sflag:$0x5] =	stream.linear.gather [hbm4b:s24+s2], $0x1C0, $0x38;
	[tilespmem:$0x1C400] =	vst v63  }
0x4b: {  	_ =	swait.ge [sflag:s4], $0x1C0  }
0x4c: {  	[sflag:s4] =	ssyncset.done $0x0  }
0x4d: {  	[sflag:s4] =	ssyncadd.s32 $0xFFFFFE40  }
0x4e: {  	[tilespmem:s7], [sflag:$0x1] =	stream.indirect.gather [hbm4b:s5+s6], $0x80, s2, s6, $0xb8;
	[tilespmem:$0x1C400] =	vst v63  }
0x4f: {  	_ =	swait.ge [sflag:s15], $0xE000  }
0x50: {  	[sflag:s15] =	ssyncset.done $0x0  }
0x51: {  	s25 =	sadd.s32 $0x8C00, s30;
	[sflag:s15] =	ssyncadd.s32 $0xFFFF2000  }
0x52: {  	[hbm4b:s25+s2] =	stream.linear.scatter [tilespmem:s10], [sflag:$0x4], $0xE000, $0x38;
	[tilespmem:$0x1C400] =	vst v63  }
0x53: {  	_ =	swait.ge [sflag:s16], $0xE000  }
0x54: {  	[sflag:s16] =	ssyncset.done $0x0  }
0x55: {  	s26 =	sadd.s32 $0xC988, s26;
	[sflag:s16] =	ssyncadd.s32 $0xFFFF2000  }
0x56: {  	[tilespmem:s9], [sflag:$0x5] =	stream.linear.gather [hbm4b:s26+s2], $0x1C0, $0x38;
	[tilespmem:$0x1C400] =	vst v63  }
0x57: {  	_ =	swait.ge [sflag:s4], $0x1C0  }
0x58: {  	[sflag:s4] =	ssyncset.done $0x0  }
0x59: {  	[sflag:s4] =	ssyncadd.s32 $0xFFFFFE40  }
0x5a: {  	[tilespmem:s10], [sflag:$0x2] =	stream.indirect.gather [hbm4b:s5+s6], $0x80, s9, s6, $0xb8;
	[tilespmem:$0x1C400] =	vst v63  }
0x5b: {  	_ =	swait.ge [sflag:s11], $0xE000  }
0x5c: {  	s31 =	ssub.s32 $0x2, s29;
	s28 =	sadd.s32 $0xA800, s30;
	[sflag:s11] =	ssyncset.done $0x0  }
0x5d: {  	s29 =	sadd.s32 $0xC400, s30;
	s30 =	sshrl.u32 s31, $0x1;
	[sflag:s11] =	ssyncadd.s32 $0xFFFF2000  }
0x5e: {  	[hbm4b:s28+s2] =	stream.linear.scatter [tilespmem:s7], [sflag:$0x3], $0xE000, $0x38;
	[tilespmem:$0x1C400] =	vst v63  }
0x5f: {  	s30 =	ssub.s32 s31, s30;
	_ =	swait.ge [sflag:s15], $0xE000  }
0x60: {  	s30 =	smax.u32 s30, $0x1;
	[sflag:s15] =	ssyncset.done $0x0  }
0x61: {  	p0 =	sne.s32 s30, $0x1;
	[sflag:s15] =	ssyncadd.s32 $0xFFFF2000  }
0x62: {  	[hbm4b:s29+s2] =	stream.linear.scatter [tilespmem:s10], [sflag:$0x4], $0xE000, $0x38;
	[tilespmem:$0x1C400] =	vst v63  }
.Ltmp0:
0x63: {  	_ =	swait.ge [sflag:s13], $0xE000;
	(pc) =	sbr.rel @!p0 .LBB2_2-.Ltmp0, $4  }
0x64: {  	[sflag:s13] =	ssyncset.done $0x0  }
0x65: {  	[sflag:s13] =	ssyncadd.s32 $0xFFFF2000  }
0x66: {  	_ =	swait.ge [sflag:s16], $0xE000  }
0x67: {  	s30 =	sadd.s32 $0xFFFFFFFF, s30;
	[sflag:s16] =	ssyncset.done $0x0  }
.LBB2_1:
0x68: {  	p0 =	sne.s32 s30, $0x1;
	s30 =	sadd.s32 $0xFFFFFFFF, s30;
	[sflag:s16] =	ssyncadd.s32 $0xFFFF2000  }
0x69: {  	[tilespmem:s2], [sflag:$0x5] =	stream.linear.gather [hbm4b:s3+s2], $0x1C0, $0x38;
	[tilespmem:$0x1C400] =	vst v63  }
0x6a: {  	_ =	swait.ge [sflag:s4], $0x1C0  }
0x6b: {  	[sflag:s4] =	ssyncset.done $0x0  }
0x6c: {  	[sflag:s4] =	ssyncadd.s32 $0xFFFFFE40  }
0x6d: {  	[tilespmem:s7], [sflag:$0x1] =	stream.indirect.gather [hbm4b:s5+s6], $0x80, s2, s6, $0xb8;
	[tilespmem:$0x1C400] =	vst v63  }
0x6e: {  	_ = 	snop  }
0x6f: {  	[tilespmem:s9], [sflag:$0x5] =	stream.linear.gather [hbm4b:s8+s2], $0x1C0, $0x38;
	[tilespmem:$0x1C400] =	vst v63  }
0x70: {  	_ =	swait.ge [sflag:s4], $0x1C0  }
0x71: {  	[sflag:s4] =	ssyncset.done $0x0  }
0x72: {  	[sflag:s4] =	ssyncadd.s32 $0xFFFFFE40  }
0x73: {  	[tilespmem:s10], [sflag:$0x2] =	stream.indirect.gather [hbm4b:s5+s6], $0x80, s9, s6, $0xb8;
	[tilespmem:$0x1C400] =	vst v63  }
0x74: {  	_ =	swait.ge [sflag:s11], $0xE000  }
0x75: {  	[sflag:s11] =	ssyncset.done $0x0  }
0x76: {  	[sflag:s11] =	ssyncadd.s32 $0xFFFF2000  }
0x77: {  	[hbm4b:s12+s2] =	stream.linear.scatter [tilespmem:s7], [sflag:$0x3], $0xE000, $0x38;
	[tilespmem:$0x1C400] =	vst v63  }
0x78: {  	_ =	swait.ge [sflag:s13], $0xE000  }
0x79: {  	[sflag:s13] =	ssyncset.done $0x0  }
0x7a: {  	[sflag:s13] =	ssyncadd.s32 $0xFFFF2000  }
0x7b: {  	[tilespmem:s2], [sflag:$0x5] =	stream.linear.gather [hbm4b:s14+s2], $0x1C0, $0x38;
	[tilespmem:$0x1C400] =	vst v63  }
0x7c: {  	_ =	swait.ge [sflag:s4], $0x1C0  }
0x7d: {  	[sflag:s4] =	ssyncset.done $0x0  }
0x7e: {  	[sflag:s4] =	ssyncadd.s32 $0xFFFFFE40  }
0x7f: {  	[tilespmem:s7], [sflag:$0x1] =	stream.indirect.gather [hbm4b:s5+s6], $0x80, s2, s6, $0xb8;
	[tilespmem:$0x1C400] =	vst v63  }
0x80: {  	_ =	swait.ge [sflag:s15], $0xE000  }
0x81: {  	[sflag:s15] =	ssyncset.done $0x0  }
0x82: {  	[sflag:s15] =	ssyncadd.s32 $0xFFFF2000  }
0x83: {  	[hbm4b:s17+s2] =	stream.linear.scatter [tilespmem:s10], [sflag:$0x4], $0xE000, $0x38;
	[tilespmem:$0x1C400] =	vst v63  }
0x84: {  	_ =	swait.ge [sflag:s16], $0xE000  }
0x85: {  	[sflag:s16] =	ssyncset.done $0x0  }
0x86: {  	[sflag:s16] =	ssyncadd.s32 $0xFFFF2000  }
0x87: {  	[tilespmem:s9], [sflag:$0x5] =	stream.linear.gather [hbm4b:s18+s2], $0x1C0, $0x38;
	[tilespmem:$0x1C400] =	vst v63  }
0x88: {  	_ =	swait.ge [sflag:s4], $0x1C0  }
0x89: {  	[sflag:s4] =	ssyncset.done $0x0  }
0x8a: {  	[sflag:s4] =	ssyncadd.s32 $0xFFFFFE40  }
0x8b: {  	[tilespmem:s10], [sflag:$0x2] =	stream.indirect.gather [hbm4b:s5+s6], $0x80, s9, s6, $0xb8;
	[tilespmem:$0x1C400] =	vst v63  }
0x8c: {  	_ =	swait.ge [sflag:s11], $0xE000  }
0x8d: {  	[sflag:s11] =	ssyncset.done $0x0  }
0x8e: {  	[sflag:s11] =	ssyncadd.s32 $0xFFFF2000  }
0x8f: {  	[hbm4b:s19+s2] =	stream.linear.scatter [tilespmem:s7], [sflag:$0x3], $0xE000, $0x38;
	[tilespmem:$0x1C400] =	vst v63  }
0x90: {  	_ =	swait.ge [sflag:s13], $0xE000  }
0x91: {  	[sflag:s13] =	ssyncset.done $0x0  }
0x92: {  	[sflag:s13] =	ssyncadd.s32 $0xFFFF2000  }
0x93: {  	[tilespmem:s2], [sflag:$0x5] =	stream.linear.gather [hbm4b:s20+s2], $0x1C0, $0x38;
	[tilespmem:$0x1C400] =	vst v63  }
0x94: {  	_ =	swait.ge [sflag:s4], $0x1C0  }
0x95: {  	[sflag:s4] =	ssyncset.done $0x0  }
0x96: {  	[sflag:s4] =	ssyncadd.s32 $0xFFFFFE40  }
0x97: {  	[tilespmem:s7], [sflag:$0x1] =	stream.indirect.gather [hbm4b:s5+s6], $0x80, s2, s6, $0xb8;
	[tilespmem:$0x1C400] =	vst v63  }
0x98: {  	_ =	swait.ge [sflag:s15], $0xE000  }
0x99: {  	[sflag:s15] =	ssyncset.done $0x0  }
0x9a: {  	[sflag:s15] =	ssyncadd.s32 $0xFFFF2000  }
0x9b: {  	[hbm4b:s21+s2] =	stream.linear.scatter [tilespmem:s10], [sflag:$0x4], $0xE000, $0x38;
	[tilespmem:$0x1C400] =	vst v63  }
0x9c: {  	_ =	swait.ge [sflag:s16], $0xE000  }
0x9d: {  	[sflag:s16] =	ssyncset.done $0x0  }
0x9e: {  	[sflag:s16] =	ssyncadd.s32 $0xFFFF2000  }
0x9f: {  	[tilespmem:s9], [sflag:$0x5] =	stream.linear.gather [hbm4b:s22+s2], $0x1C0, $0x38;
	[tilespmem:$0x1C400] =	vst v63  }
0xa0: {  	_ =	swait.ge [sflag:s4], $0x1C0  }
0xa1: {  	[sflag:s4] =	ssyncset.done $0x0  }
0xa2: {  	[sflag:s4] =	ssyncadd.s32 $0xFFFFFE40  }
0xa3: {  	[tilespmem:s10], [sflag:$0x2] =	stream.indirect.gather [hbm4b:s5+s6], $0x80, s9, s6, $0xb8;
	[tilespmem:$0x1C400] =	vst v63  }
0xa4: {  	_ =	swait.ge [sflag:s11], $0xE000  }
0xa5: {  	[sflag:s11] =	ssyncset.done $0x0  }
0xa6: {  	[sflag:s11] =	ssyncadd.s32 $0xFFFF2000  }
0xa7: {  	[hbm4b:s23+s2] =	stream.linear.scatter [tilespmem:s7], [sflag:$0x3], $0xE000, $0x38;
	[tilespmem:$0x1C400] =	vst v63  }
0xa8: {  	_ =	swait.ge [sflag:s13], $0xE000  }
0xa9: {  	[sflag:s13] =	ssyncset.done $0x0  }
0xaa: {  	[sflag:s13] =	ssyncadd.s32 $0xFFFF2000  }
0xab: {  	[tilespmem:s2], [sflag:$0x5] =	stream.linear.gather [hbm4b:s24+s2], $0x1C0, $0x38;
	[tilespmem:$0x1C400] =	vst v63  }
0xac: {  	_ =	swait.ge [sflag:s4], $0x1C0  }
0xad: {  	[sflag:s4] =	ssyncset.done $0x0  }
0xae: {  	[sflag:s4] =	ssyncadd.s32 $0xFFFFFE40  }
0xaf: {  	[tilespmem:s7], [sflag:$0x1] =	stream.indirect.gather [hbm4b:s5+s6], $0x80, s2, s6, $0xb8;
	[tilespmem:$0x1C400] =	vst v63  }
0xb0: {  	_ =	swait.ge [sflag:s15], $0xE000  }
0xb1: {  	[sflag:s15] =	ssyncset.done $0x0  }
0xb2: {  	[sflag:s15] =	ssyncadd.s32 $0xFFFF2000  }
0xb3: {  	[hbm4b:s25+s2] =	stream.linear.scatter [tilespmem:s10], [sflag:$0x4], $0xE000, $0x38;
	[tilespmem:$0x1C400] =	vst v63  }
0xb4: {  	_ =	swait.ge [sflag:s16], $0xE000  }
0xb5: {  	[sflag:s16] =	ssyncset.done $0x0  }
0xb6: {  	[sflag:s16] =	ssyncadd.s32 $0xFFFF2000  }
0xb7: {  	[tilespmem:s9], [sflag:$0x5] =	stream.linear.gather [hbm4b:s26+s2], $0x1C0, $0x38;
	[tilespmem:$0x1C400] =	vst v63  }
0xb8: {  	_ =	swait.ge [sflag:s4], $0x1C0  }
0xb9: {  	[sflag:s4] =	ssyncset.done $0x0  }
0xba: {  	[sflag:s4] =	ssyncadd.s32 $0xFFFFFE40  }
0xbb: {  	[tilespmem:s10], [sflag:$0x2] =	stream.indirect.gather [hbm4b:s5+s6], $0x80, s9, s6, $0xb8;
	[tilespmem:$0x1C400] =	vst v63  }
0xbc: {  	_ =	swait.ge [sflag:s11], $0xE000  }
0xbd: {  	[sflag:s11] =	ssyncset.done $0x0  }
0xbe: {  	[sflag:s11] =	ssyncadd.s32 $0xFFFF2000  }
0xbf: {  	[hbm4b:s28+s2] =	stream.linear.scatter [tilespmem:s7], [sflag:$0x3], $0xE000, $0x38;
	[tilespmem:$0x1C400] =	vst v63  }
0xc0: {  	_ =	swait.ge [sflag:s15], $0xE000  }
0xc1: {  	[sflag:s15] =	ssyncset.done $0x0  }
0xc2: {  	[sflag:s15] =	ssyncadd.s32 $0xFFFF2000  }
0xc3: {  	[hbm4b:s29+s2] =	stream.linear.scatter [tilespmem:s10], [sflag:$0x4], $0xE000, $0x38;
	[tilespmem:$0x1C400] =	vst v63  }
.Ltmp1:
0xc4: {  	_ =	swait.ge [sflag:s13], $0xE000;
	(pc) =	sbr.rel @p0 .LBB2_1-.Ltmp1, $4  }
0xc5: {  	[sflag:s13] =	ssyncset.done $0x0  }
0xc6: {  	[sflag:s13] =	ssyncadd.s32 $0xFFFF2000  }
0xc7: {  	_ =	swait.ge [sflag:s16], $0xE000  }
0xc8: {  	[sflag:s16] =	ssyncset.done $0x0  }
.LBB2_2:
0xc9: {  	[sflag:s16] =	ssyncadd.s32 $0xFFFF2000  }
0xca: {  	_ =	sfence.sel $0x180000  }
0xcb: {  	[bflag:$0x0] =	sbarrier.arrive $0xFFFF  }
0xcc: {  	p0 =	sne.s32 s0, $0x0;
	_ =	strace $0x90000056  }
0xcd: {  	s0 =	sadd.s32 @!p0 $0x100000, s1;
	[bflag:$0x2] =	sbarrier.arrive $0xFFFF  }
0xce: {  	[sflag:s0] =	ssyncadd.tile.s32 @!p0 $0x1;
	_ =	shalt  }
.Lfunc_end2:
_tile_overlayer_lowered:
.L_overlay_start_2:
0xcf: {  	(tag) =	ssettag $0x2  }
0xd0: {  	s0 =	rddreg [dreg:$0x0];
	s2 =	stileid.u32  }
0xd1: {  	s1 =	rddreg [dreg:$0x1];
	p0 =	sne.s32 s2, $0x0  }
0xd2: {  	s3 =	rddreg [dreg:$0x2];
	[bflag:$0x3] =	sbarrier.arrive $0xFFFF;
	s2 =	simm.s32 @!p0 $0x1C05  }
0xd3: {  	[timem:s3], [sflag:s2] =	dma.local @!p0 [hbm:s0], s1  }
0xd4: {  	s0 =	simm.s32 @!p0 $0x5  }
0xd5: {  	_ =	swait.ge @!p0 [sflag:s0], s1  }
0xd6: {  	s1 =	ssub.s32 @!p0 $0x0, s1;
	[sflag:s0] =	ssyncset.done @!p0 $0x0  }
0xd7: {  	[sflag:s0] =	ssyncadd.s32 @!p0 s1  }
0xd8: {  	[bflag:$0x3] =	sbarrier.arrive $0xFFFF  }
0xd9: {  	_ =	shalt  }

// kernel: kernel.20.cloned.1.call-start
scs
__scs_entry_jumppad:
0x0: {  	(pc) =	sbr.rel $0x88, $3  }
0x1: {  	(tag) =	ssettag $0x0;
	lr =	simm.s32 $0x1  }
0x2: {  	[smem:$0x3F9F] =	sst lr;
	_ =	strace $0xD0000000  }
0x3: {  	_ = 	snop  }
0x4: {  	_ = 	snop  }
0x5: {  	_ = 	snop  }
0x6: {  	_ = 	snop  }
0x7: {  	_ = 	snop  }
__scs_overlays_trampoline_lowered:
0x8: {  	[smem:$0x3FAE] =	sst s0  }
0x9: {  	[smem:$0x3FAF] =	sst s1  }
0xa: {  	[smem:$0x3FB0] =	sst s2  }
0xb: {  	[smem:$0x3FB1] =	sst s3  }
0xc: {  	[smem:$0x3FB2] =	sst s4  }
0xd: {  	[smem:$0x3FB3] =	sst s5  }
0xe: {  	[smem:$0x3FB4] =	sst s6  }
0xf: {  	[smem:$0x3FB5] =	sst s7  }
0x10: {  	[smem:$0x3FB6] =	sst s8  }
0x11: {  	[smem:$0x3FB7] =	sst s9;
	s0 =	simm.s32 @!p0 $0x0  }
0x12: {  	s1 =	sld [smem:$0x3F9D];
	s0 =	simm.s32 @p0 $0x1  }
0x13: {  	[smem:$0x3FB8] =	sst s0;
	s0 =	simm.s32 @!p1 $0x0  }
0x14: {  	s2 =	sld [smem:$0x3F9C];
	s0 =	simm.s32 @p1 $0x1  }
0x15: {  	[smem:$0x3FB9] =	sst s0;
	s0 =	simm.s32 @!p2 $0x0  }
0x16: {  	s3 =	sld [smem:$0x3FDB];
	s0 =	simm.s32 @p2 $0x1  }
0x17: {  	s4 =	simm.s32 $0x1BF5;
	[smem:$0x3FBB] =	sst s0  }
0x18: {  	s0 =	sld [smem:$0x3F9E];
	_ =	swait.ge [sflag:s4], $0x0  }
0x19: {  	s7 =	sld [smem:$0x3F9F]  }
0x1a: {  	s8 =	sadd.s32 $0xFFFFE003, lr  }
0x1b: {  	s9 =	sadd.s32 $0xFFFFFEF7, lr;
	s5 =	simm.s32 $0xFFFFFFFF;
	p2 =	slt.u32 s8, $0xFFFFF086  }
0x1c: {  	p1 =	slt.u32 s9, $0xF7A;
	s5 =	simm.s32 @!p2 $0x0  }
0x1d: {  	s5 =	simm.s32 @p1 $0x1;
	p0 =	seq.s32 s7, s2  }
0x1e: {  	s7 =	smul.u32 @!p0 $0xF7A, s2;
	p2 =	seq.s32 @!p0 s5, $0x0  }
0x1f: {  	s9 =	smul.u32 $0xF7A, s1;
	s8 =	simm.s32 @!p0 $0x1BF5;
	p2 =	por !p2, p0  }
0x20: {  	[sflag:s8] =	ssyncset.s32 @!p0 $0xFFFFF086;
	s6 =	sadd.s32 @!p0 s3, s7;
	s7 =	simm.s32 @!p0 $0x108  }
0x21: {  	s3 =	sadd.s32 s3, s9;
	s6 =	sadd.s32 @!p0 $0x88, s6;
	s7 =	simm.s32 @p2 $0x1082  }
0x22: {  	[simem:s7], [sflag:s8] =	dma.local @!p0 [hbm:s6], $0xF7A  }
0x23: {  	s9 =	sor.u32 $0xD0000000, s2;
	s6 =	simm.s32 $0x108;
	_ =	swait.ge @!p0 [sflag:s8], $0x0  }
0x24: {  	s3 =	sadd.s32 $0x88, s3;
	s6 =	simm.s32 @!p1 $0x1082;
	[sflag:s4] =	ssyncset.s32 $0xFFFFF086  }
0x25: {  	[simem:s6], [sflag:s4] =	dma.local [hbm:s3], $0xF7A  }
0x26: {  	[smem:$0x3F9F] =	sst s1;
	(tag) =	ssettag s2;
	_ =	strace s9  }
0x27: {  	s1 =	sld [smem:$0x3FAF]  }
0x28: {  	s2 =	sld [smem:$0x3FB0]  }
0x29: {  	s4 =	sld [smem:$0x3FB2]  }
0x2a: {  	p0 =	seq.s32 s5, $0x0;
	s5 =	sld [smem:$0x3FB3]  }
0x2b: {  	s6 =	sld [smem:$0x3FB4]  }
0x2c: {  	s7 =	sld [smem:$0x3FB5]  }
0x2d: {  	s3 =	simm.s32 $0x108;
	s8 =	sld [smem:$0x3FB6]  }
0x2e: {  	s3 =	simm.s32 @!p0 $0x1082;
	s9 =	sld [smem:$0x3FB7]  }
0x2f: {  	lr =	sadd.s32 s0, s3;
	s0 =	sld [smem:$0x3FAE]  }
0x30: {  	s3 =	sld [smem:$0x3FB1]  }
0x31: {  	[smem:$0x3FBA] =	sst s10  }
0x32: {  	s10 =	sld [smem:$0x3FB8];
	_ =	sdelay $0x3  }
0x33: {  	p0 =	seq.s32 s10, $0x1;
	s10 =	sld [smem:$0x3FBA];
	_ =	sdelay $0x3  }
0x34: {  	[smem:$0x3FBA] =	sst s10  }
0x35: {  	s10 =	sld [smem:$0x3FB9];
	_ =	sdelay $0x3  }
0x36: {  	p1 =	seq.s32 s10, $0x1;
	s10 =	sld [smem:$0x3FBA];
	_ =	sdelay $0x3  }
0x37: {  	[smem:$0x3FBA] =	sst s10  }
0x38: {  	s10 =	sld [smem:$0x3FBB]  }
0x39: {  	_ = 	snop;
	(pc) =	sbr.ind lr, $3  }
0x3a: {  	_ = 	snop  }
0x3b: {  	_ = 	snop  }
0x3c: {  	p2 =	seq.s32 s10, $0x1;
	s10 =	sld [smem:$0x3FBA]  }
0x3d: {  	_ =	shalt  }
0x3e: {  	_ =	shalt  }
0x3f: {  	_ =	shalt  }
0x40: {  	_ =	shalt  }
0x41: {  	_ =	shalt  }
0x42: {  	_ =	shalt  }
0x43: {  	_ =	shalt  }
0x44: {  	_ =	shalt  }
0x45: {  	_ =	shalt  }
0x46: {  	_ =	shalt  }
0x47: {  	_ =	shalt  }
0x48: {  	_ =	shalt  }
0x49: {  	_ =	shalt  }
0x4a: {  	_ =	shalt  }
0x4b: {  	_ =	shalt  }
0x4c: {  	_ =	shalt  }
0x4d: {  	_ =	shalt  }
0x4e: {  	_ =	shalt  }
0x4f: {  	_ =	shalt  }
0x50: {  	_ =	shalt  }
0x51: {  	_ =	shalt  }
0x52: {  	_ =	shalt  }
0x53: {  	_ =	shalt  }
0x54: {  	_ =	shalt  }
0x55: {  	_ =	shalt  }
0x56: {  	_ =	shalt  }
0x57: {  	_ =	shalt  }
0x58: {  	_ =	shalt  }
0x59: {  	_ =	shalt  }
0x5a: {  	_ =	shalt  }
0x5b: {  	_ =	shalt  }
0x5c: {  	_ =	shalt  }
0x5d: {  	_ =	shalt  }
0x5e: {  	_ =	shalt  }
0x5f: {  	_ =	shalt  }
0x60: {  	_ =	shalt  }
0x61: {  	_ =	shalt  }
0x62: {  	_ =	shalt  }
0x63: {  	_ =	shalt  }
0x64: {  	_ =	shalt  }
0x65: {  	_ =	shalt  }
0x66: {  	_ =	shalt  }
0x67: {  	_ =	shalt  }
0x68: {  	_ =	shalt  }
0x69: {  	_ =	shalt  }
0x6a: {  	_ =	shalt  }
0x6b: {  	_ =	shalt  }
0x6c: {  	_ =	shalt  }
0x6d: {  	_ =	shalt  }
0x6e: {  	_ =	shalt  }
0x6f: {  	_ =	shalt  }
0x70: {  	_ =	shalt  }
0x71: {  	_ =	shalt  }
0x72: {  	_ =	shalt  }
0x73: {  	_ =	shalt  }
0x74: {  	_ =	shalt  }
0x75: {  	_ =	shalt  }
0x76: {  	_ =	shalt  }
0x77: {  	_ =	shalt  }
0x78: {  	_ =	shalt  }
0x79: {  	_ =	shalt  }
0x7a: {  	_ =	shalt  }
0x7b: {  	_ =	shalt  }
0x7c: {  	_ =	shalt  }
0x7d: {  	_ =	shalt  }
0x7e: {  	_ =	shalt  }
0x7f: {  	_ =	shalt  }
0x80: {  	_ =	shalt  }
0x81: {  	_ =	shalt  }
0x82: {  	_ =	shalt  }
0x83: {  	_ =	shalt  }
0x84: {  	_ =	shalt  }
0x85: {  	_ =	shalt  }
0x86: {  	_ =	shalt  }
0x87: {  	_ =	shalt  }
.Lfunc_end0:
.L_simem_size_0:
called_computation.3_lowered:
.L_overlay_start_0:
0x88: {  	s2 =	sld [smem:$0x3FD9]  }
0x89: {  	s3 =	sld [smem:$0x3FFE];
	_ =	sdelay $0x1  }
0x8a: {  	s1 =	srdreg.scid  }
0x8b: {  	s0 =	sand.u32 $0x1, s1  }
0x8c: {  	s17 =	sshll.u32 s0, $0xA;
	s2 =	sadd.s32 s3, s2  }
0x8d: {  	s2 =	sadd.s32 s2, s17  }
0x8e: {  	[smem:$0x3FC6] =	sst s2  }
0x8f: {  	_ = 	snop  }
0x90: {  	(tm) =	ssettm $0x1  }
0x91: {  	s18 =	sld [smem:$0x3FFB];
	_ =	sdelay $0x3  }
0x92: {  	_ =	strace s18  }
0x93: {  	s2 =	sld [smem:$0x3FFC];
	_ =	sdelay $0x3  }
0x94: {  	_ =	strace s2  }
0x95: {  	s2 =	sld [smem:$0x3FFD];
	_ =	sdelay $0x3  }
0x96: {  	_ =	strace s2  }
0x97: {  	_ =	strace $0x8FFFFFFF  }
0x98: {  	s19 =	sld [smem:$0x3FDB];
	_ =	sdelay $0x1  }
0x99: {  	s20 =	simm.s32 $_scs_section_size  }
0x9a: {  	s4 =	simm.s32 $_size__tile_overlayer_lowered;
	s5 =	simm.s32 $_tile_overlayer_lowered  }
0x9b: {  	s6 =	simm.s32 $0x1BFF;
	s21 =	sshll.u32 s5, $0x1;
	s3 =	sadd.s32 s20, s19  }
0x9c: {  	s22 =	simm.s32 $0x0;
	s4 =	sshll.u32 s4, $0x1;
	s5 =	sadd.s32 s21, s3  }
0x9d: {  	[timem:s22], [sflag:s6] =	dma.local [hbm:s5], s4  }
0x9e: {  	_ =	swait.ge [sflag:s6], s4  }
0x9f: {  	s4 =	ssub.s32 $0x0, s4;
	[sflag:s6] =	ssyncset.done $0x0  }
0xa0: {  	[sflag:s6] =	ssyncadd.s32 s4;
	_ =	sdelay $0x1  }
0xa1: {  	s23 =	simm.s32 $0x1B8B  }
0xa2: {  	_ =	swait.ge [sflag:s23], $0x1  }
0xa3: {  	[sflag:s23] =	ssyncset.done $0x0  }
0xa4: {  	[sflag:s23] =	ssyncadd.s32 $0xFFFFFFFF  }
0xa5: {  	s4 =	sld [smem:$0x0]  }
0xa6: {  	s5 =	sand.u32 $0xFFFFFFFE, s1  }
0xa7: {  	p0 =	sne.s32 s1, s5  }
0xa8: {  	s5 =	sshll.u32 @p0 s5, $0xE  }
0xa9: {  	s5 =	sadd.s32 @p0 $0x11B8D, s5;
	s6 =	sshll.u32 @p0 s4, $0x11  }
0xaa: {  	s5 =	sor.u32 @p0 s6, s5  }
0xab: {  	[sflag:s5] =	ssyncadd.remote.s32 @p0 $0x1;
	_ =	sdelay $0x1  }
0xac: {  	s5 =	simm.s32 @p0 $0x1B8D  }
0xad: {  	_ =	swait.eq @p0 [sflag:s5], $0x1  }
0xae: {  	[sflag:s5] =	ssyncadd.s32 @p0 $0xFFFFFFFF  }
0xaf: {  	s6 =	sshll.u32 @!p0 s1, $0xE  }
0xb0: {  	s6 =	sor.u32 @!p0 $0x4000, s6;
	s5 =	simm.s32 @!p0 $0x1B8D  }
0xb1: {  	s4 =	sshll.u32 @!p0 s4, $0x11;
	s6 =	sadd.s32 @!p0 $0x11B8D, s6;
	_ =	swait.eq @!p0 [sflag:s5], $0x1  }
0xb2: {  	s4 =	sor.u32 @!p0 s4, s6;
	[sflag:s5] =	ssyncadd.s32 @!p0 $0xFFFFFFFF  }
0xb3: {  	s25 =	simm.s32 $0x1B8E;
	s24 =	sld [smem:$0x3FFE];
	[sflag:s4] =	ssyncadd.remote.s32 @!p0 $0x1  }
0xb4: {  	s26 =	simm.s32 $execute0_lowered;
	[smem:$0x3FD2] =	sst s25  }
0xb5: {  	s5 =	sshll.u32 s26, $0x1;
	_ =	strace $0x80000052;
	[dreg:$0x1] =	wrdreg $0xFFFFFFFF  }
0xb6: {  	s28 =	simm.s32 $_size_execute0_lowered;
	s3 =	sadd.s32 s3, s5;
	[dreg:$0x0] =	wrdreg $0x0  }
0xb7: {  	s5 =	sshll.u32 s28, $0x1;
	[dreg:$0x2] =	wrdreg s3  }
0xb8: {  	[dreg:$0x3] =	wrdreg s5  }
0xb9: {  	[dreg:$0x4] =	wrdreg $0xC0  }
0xba: {  	_ =	task [dreg:s22], $0x5FFFF  }
0xbb: {  	[dreg:$0x1] =	wrdreg $0xFFFFFFFF  }
0xbc: {  	[dreg:$0x0] =	wrdreg $0x60  }
0xbd: {  	[dreg:$0x2] =	wrdreg s24  }
0xbe: {  	[dreg:$0x3] =	wrdreg $0xC  }
0xbf: {  	_ =	task.clear_ibuf [dreg:s22], $0x4FFFF;
	_ =	strace $0x90000052  }
0xc0: {  	s29 =	simm.s32 $0xC;
	_ =	strace $0x80000054  }
0xc1: {  	_ =	swait.ge [sflag:s29], $0x1  }
0xc2: {  	[sflag:s29] =	ssyncadd.s32 $0xFFFFFFFF  }
0xc3: {  	_ =	strace $0x90000054  }
0xc4: {  	_ =	sfence  }
0xc5: {  	s30 =	sld [smem:$0x0];
	_ =	sdelay $0x2  }
0xc6: {  	s31 =	sshll.u32 s1, $0xD;
	s1 =	sshrl.u32 s1, $0x2  }
0xc7: {  	s4 =	sand.u32 $0x4000, s31;
	s1 =	sadd.s32 s1, s30  }
0xc8: {  	s0 =	sor.u32 s4, s0;
	s1 =	sshll.u32 s1, $0x11  }
0xc9: {  	s0 =	sor.u32 s1, s0  }
0xca: {  	s0 =	sadd.s32 $0x8F2B, s0  }
0xcb: {  	[sflag:s0] =	ssyncadd.remote.s32 $0x1  }
0xcc: {  	_ =	sfence.sel $0xFFFF  }
0xcd: {  	[dreg:$0x0] =	wrdreg $0xFFFFFFFF;
	(pc) =	sbr.abs _section_cstart, $3  }
0xce: {  	[dreg:$0x1] =	wrdreg $0xFFFFFFFF  }
0xcf: {  	_ =	task.clear_ibuf [dreg:s22], $0x2FFFF;
	_ =	strace $0x9FFFFFFF  }
0xd0: {  	(tm) =	ssettm $0x7FFFFFFF  }
0xd1: {  	_ =	shalt  }
tec
execute0_lowered:
.L_overlay_start_1:
0x0: {  	(tag) =	ssettag $0x1  }
0x1: {  	s1 =	srdreg.scid;
	s0 =	stileid.u32  }
0x2: {  	s29 =	sand.u32 $0x1, s1;
	s31 =	sshll.u32 s0, $0x1  }
0x3: {  	s19 =	sor.u32 s29, s31  }
0x4: {  	s3 =	smul.u32 $0xE00, s19;
	_ =	sdelay $0x1  }
0x5: {  	s12 =	rddreg [dreg:$0x0];
	s2 =	simm.s32 $0x0;
	s3 =	sshrl.u32 s3, $0x3  }
0x6: {  	s4 =	simm.s32 $0x5;
	[smem:$0x7FF] =	sst s2;
	s26 =	sadd.s32 s3, s12  }
0x7: {  	s1 =	rddreg [dreg:$0x1];
	_ =	strace $0x80000053;
	s3 =	sadd.s32 $0x10000, s26  }
0x8: {  	[tilespmem:s2], [sflag:$0x5] =	stream.linear.gather [hbm4b:s3+s2], $0x1C0, $0x38;
	[tilespmem:$0x1C400] =	vst v63  }
0x9: {  	_ =	swait.ge [sflag:s4], $0x1C0  }
0xa: {  	s6 =	simm.s32 $0x1C0;
	[sflag:s4] =	ssyncset.done $0x0  }
0xb: {  	s7 =	simm.s32 $0x400;
	s5 =	sadd.s32 $0x21800, s12;
	[sflag:s4] =	ssyncadd.s32 $0xFFFFFE40  }
0xc: {  	[tilespmem:s7], [sflag:$0x1] =	stream.indirect.gather [hbm4b:s5+s6], $0x80, s2, s6, $0xb8;
	[tilespmem:$0x1C400] =	vst v63  }
0xd: {  	s9 =	simm.s32 $0x200;
	s8 =	sadd.s32 $0x10038, s26  }
0xe: {  	[tilespmem:s9], [sflag:$0x5] =	stream.linear.gather [hbm4b:s8+s2], $0x1C0, $0x38;
	[tilespmem:$0x1C400] =	vst v63  }
0xf: {  	_ =	swait.ge [sflag:s4], $0x1C0  }
0x10: {  	[sflag:s4] =	ssyncset.done $0x0  }
0x11: {  	s10 =	simm.s32 $0xE400;
	s11 =	simm.s32 $0x1;
	[sflag:s4] =	ssyncadd.s32 $0xFFFFFE40  }
0x12: {  	[tilespmem:s10], [sflag:$0x2] =	stream.indirect.gather [hbm4b:s5+s6], $0x80, s9, s6, $0xb8;
	[tilespmem:$0x1C400] =	vst v63  }
0x13: {  	s13 =	smul.u32 $0xE000, s19;
	_ =	swait.ge [sflag:s11], $0xE000  }
0x14: {  	s20 =	sadd.s32 $0x1663C00, s12;
	[sflag:s11] =	ssyncset.done $0x0  }
0x15: {  	s12 =	sadd.s32 s20, s13;
	s13 =	simm.s32 $0x3;
	[sflag:s11] =	ssyncadd.s32 $0xFFFF2000  }
0x16: {  	[hbm4b:s12+s2] =	stream.linear.scatter [tilespmem:s7], [sflag:$0x3], $0xE000, $0x38;
	[tilespmem:$0x1C400] =	vst v63  }
0x17: {  	_ =	swait.ge [sflag:s13], $0xE000  }
0x18: {  	[sflag:s13] =	ssyncset.done $0x0  }
0x19: {  	s14 =	sadd.s32 $0x10070, s26;
	[sflag:s13] =	ssyncadd.s32 $0xFFFF2000  }
0x1a: {  	[tilespmem:s2], [sflag:$0x5] =	stream.linear.gather [hbm4b:s14+s2], $0x1C0, $0x38;
	[tilespmem:$0x1C400] =	vst v63  }
0x1b: {  	_ =	swait.ge [sflag:s4], $0x1C0  }
0x1c: {  	[sflag:s4] =	ssyncset.done $0x0  }
0x1d: {  	s15 =	simm.s32 $0x2;
	[sflag:s4] =	ssyncadd.s32 $0xFFFFFE40  }
0x1e: {  	[tilespmem:s7], [sflag:$0x1] =	stream.indirect.gather [hbm4b:s5+s6], $0x80, s2, s6, $0xb8;
	[tilespmem:$0x1C400] =	vst v63  }
0x1f: {  	_ =	swait.ge [sflag:s15], $0xE000  }
0x20: {  	[sflag:s15] =	ssyncset.done $0x0  }
0x21: {  	s16 =	simm.s32 $0x4;
	s17 =	sadd.s32 $0x1C00, s12;
	[sflag:s15] =	ssyncadd.s32 $0xFFFF2000  }
0x22: {  	[hbm4b:s17+s2] =	stream.linear.scatter [tilespmem:s10], [sflag:$0x4], $0xE000, $0x38;
	[tilespmem:$0x1C400] =	vst v63  }
0x23: {  	_ =	swait.ge [sflag:s16], $0xE000  }
0x24: {  	[sflag:s16] =	ssyncset.done $0x0  }
0x25: {  	s18 =	sadd.s32 $0x100A8, s26;
	[sflag:s16] =	ssyncadd.s32 $0xFFFF2000  }
0x26: {  	[tilespmem:s9], [sflag:$0x5] =	stream.linear.gather [hbm4b:s18+s2], $0x1C0, $0x38;
	[tilespmem:$0x1C400] =	vst v63  }
0x27: {  	_ =	swait.ge [sflag:s4], $0x1C0  }
0x28: {  	[sflag:s4] =	ssyncset.done $0x0  }
0x29: {  	s19 =	smul.u32 $0x70000, s19;
	[sflag:s4] =	ssyncadd.s32 $0xFFFFFE40  }
0x2a: {  	[tilespmem:s10], [sflag:$0x2] =	stream.indirect.gather [hbm4b:s5+s6], $0x80, s9, s6, $0xb8;
	[tilespmem:$0x1C400] =	vst v63  }
0x2b: {  	s19 =	sshrl.u32 s19, $0x3;
	_ =	swait.ge [sflag:s11], $0xE000  }
0x2c: {  	s30 =	sadd.s32 s20, s19;
	[sflag:s11] =	ssyncset.done $0x0  }
0x2d: {  	s19 =	sadd.s32 $0x3800, s30;
	[sflag:s11] =	ssyncadd.s32 $0xFFFF2000  }
0x2e: {  	[hbm4b:s19+s2] =	stream.linear.scatter [tilespmem:s7], [sflag:$0x3], $0xE000, $0x38;
	[tilespmem:$0x1C400] =	vst v63  }
0x2f: {  	_ =	swait.ge [sflag:s13], $0xE000  }
0x30: {  	[sflag:s13] =	ssyncset.done $0x0  }
0x31: {  	s20 =	sadd.s32 $0x100E0, s26;
	[sflag:s13] =	ssyncadd.s32 $0xFFFF2000  }
0x32: {  	[tilespmem:s2], [sflag:$0x5] =	stream.linear.gather [hbm4b:s20+s2], $0x1C0, $0x38;
	[tilespmem:$0x1C400] =	vst v63  }
0x33: {  	_ =	swait.ge [sflag:s4], $0x1C0  }
0x34: {  	[sflag:s4] =	ssyncset.done $0x0  }
0x35: {  	[sflag:s4] =	ssyncadd.s32 $0xFFFFFE40  }
0x36: {  	[tilespmem:s7], [sflag:$0x1] =	stream.indirect.gather [hbm4b:s5+s6], $0x80, s2, s6, $0xb8;
	[tilespmem:$0x1C400] =	vst v63  }
0x37: {  	_ =	swait.ge [sflag:s15], $0xE000  }
0x38: {  	[sflag:s15] =	ssyncset.done $0x0  }
0x39: {  	s21 =	sadd.s32 $0x5400, s30;
	[sflag:s15] =	ssyncadd.s32 $0xFFFF2000  }
0x3a: {  	[hbm4b:s21+s2] =	stream.linear.scatter [tilespmem:s10], [sflag:$0x4], $0xE000, $0x38;
	[tilespmem:$0x1C400] =	vst v63  }
0x3b: {  	_ =	swait.ge [sflag:s16], $0xE000  }
0x3c: {  	[sflag:s16] =	ssyncset.done $0x0  }
0x3d: {  	s22 =	sadd.s32 $0x10118, s26;
	[sflag:s16] =	ssyncadd.s32 $0xFFFF2000  }
0x3e: {  	[tilespmem:s9], [sflag:$0x5] =	stream.linear.gather [hbm4b:s22+s2], $0x1C0, $0x38;
	[tilespmem:$0x1C400] =	vst v63  }
0x3f: {  	_ =	swait.ge [sflag:s4], $0x1C0  }
0x40: {  	[sflag:s4] =	ssyncset.done $0x0  }
0x41: {  	[sflag:s4] =	ssyncadd.s32 $0xFFFFFE40  }
0x42: {  	[tilespmem:s10], [sflag:$0x2] =	stream.indirect.gather [hbm4b:s5+s6], $0x80, s9, s6, $0xb8;
	[tilespmem:$0x1C400] =	vst v63  }
0x43: {  	_ =	swait.ge [sflag:s11], $0xE000  }
0x44: {  	[sflag:s11] =	ssyncset.done $0x0  }
0x45: {  	s23 =	sadd.s32 $0x7000, s30;
	[sflag:s11] =	ssyncadd.s32 $0xFFFF2000  }
0x46: {  	[hbm4b:s23+s2] =	stream.linear.scatter [tilespmem:s7], [sflag:$0x3], $0xE000, $0x38;
	[tilespmem:$0x1C400] =	vst v63  }
0x47: {  	_ =	swait.ge [sflag:s13], $0xE000  }
0x48: {  	[sflag:s13] =	ssyncset.done $0x0  }
0x49: {  	s24 =	sadd.s32 $0x10150, s26;
	[sflag:s13] =	ssyncadd.s32 $0xFFFF2000  }
0x4a: {  	[tilespmem:s2], [sflag:$0x5] =	stream.linear.gather [hbm4b:s24+s2], $0x1C0, $0x38;
	[tilespmem:$0x1C400] =	vst v63  }
0x4b: {  	_ =	swait.ge [sflag:s4], $0x1C0  }
0x4c: {  	[sflag:s4] =	ssyncset.done $0x0  }
0x4d: {  	[sflag:s4] =	ssyncadd.s32 $0xFFFFFE40  }
0x4e: {  	[tilespmem:s7], [sflag:$0x1] =	stream.indirect.gather [hbm4b:s5+s6], $0x80, s2, s6, $0xb8;
	[tilespmem:$0x1C400] =	vst v63  }
0x4f: {  	_ =	swait.ge [sflag:s15], $0xE000  }
0x50: {  	[sflag:s15] =	ssyncset.done $0x0  }
0x51: {  	s25 =	sadd.s32 $0x8C00, s30;
	[sflag:s15] =	ssyncadd.s32 $0xFFFF2000  }
0x52: {  	[hbm4b:s25+s2] =	stream.linear.scatter [tilespmem:s10], [sflag:$0x4], $0xE000, $0x38;
	[tilespmem:$0x1C400] =	vst v63  }
0x53: {  	_ =	swait.ge [sflag:s16], $0xE000  }
0x54: {  	[sflag:s16] =	ssyncset.done $0x0  }
0x55: {  	s26 =	sadd.s32 $0x10188, s26;
	[sflag:s16] =	ssyncadd.s32 $0xFFFF2000  }
0x56: {  	[tilespmem:s9], [sflag:$0x5] =	stream.linear.gather [hbm4b:s26+s2], $0x1C0, $0x38;
	[tilespmem:$0x1C400] =	vst v63  }
0x57: {  	_ =	swait.ge [sflag:s4], $0x1C0  }
0x58: {  	[sflag:s4] =	ssyncset.done $0x0  }
0x59: {  	[sflag:s4] =	ssyncadd.s32 $0xFFFFFE40  }
0x5a: {  	[tilespmem:s10], [sflag:$0x2] =	stream.indirect.gather [hbm4b:s5+s6], $0x80, s9, s6, $0xb8;
	[tilespmem:$0x1C400] =	vst v63  }
0x5b: {  	_ =	swait.ge [sflag:s11], $0xE000  }
0x5c: {  	s31 =	ssub.s32 $0x2, s29;
	s28 =	sadd.s32 $0xA800, s30;
	[sflag:s11] =	ssyncset.done $0x0  }
0x5d: {  	s29 =	sadd.s32 $0xC400, s30;
	s30 =	sshrl.u32 s31, $0x1;
	[sflag:s11] =	ssyncadd.s32 $0xFFFF2000  }
0x5e: {  	[hbm4b:s28+s2] =	stream.linear.scatter [tilespmem:s7], [sflag:$0x3], $0xE000, $0x38;
	[tilespmem:$0x1C400] =	vst v63  }
0x5f: {  	s30 =	ssub.s32 s31, s30;
	_ =	swait.ge [sflag:s15], $0xE000  }
0x60: {  	s30 =	smax.u32 s30, $0x1;
	[sflag:s15] =	ssyncset.done $0x0  }
0x61: {  	p0 =	sne.s32 s30, $0x1;
	[sflag:s15] =	ssyncadd.s32 $0xFFFF2000  }
0x62: {  	[hbm4b:s29+s2] =	stream.linear.scatter [tilespmem:s10], [sflag:$0x4], $0xE000, $0x38;
	[tilespmem:$0x1C400] =	vst v63  }
.Ltmp0:
0x63: {  	_ =	swait.ge [sflag:s13], $0xE000;
	(pc) =	sbr.rel @!p0 .LBB2_2-.Ltmp0, $4  }
0x64: {  	[sflag:s13] =	ssyncset.done $0x0  }
0x65: {  	[sflag:s13] =	ssyncadd.s32 $0xFFFF2000  }
0x66: {  	_ =	swait.ge [sflag:s16], $0xE000  }
0x67: {  	s30 =	sadd.s32 $0xFFFFFFFF, s30;
	[sflag:s16] =	ssyncset.done $0x0  }
.LBB2_1:
0x68: {  	p0 =	sne.s32 s30, $0x1;
	s30 =	sadd.s32 $0xFFFFFFFF, s30;
	[sflag:s16] =	ssyncadd.s32 $0xFFFF2000  }
0x69: {  	[tilespmem:s2], [sflag:$0x5] =	stream.linear.gather [hbm4b:s3+s2], $0x1C0, $0x38;
	[tilespmem:$0x1C400] =	vst v63  }
0x6a: {  	_ =	swait.ge [sflag:s4], $0x1C0  }
0x6b: {  	[sflag:s4] =	ssyncset.done $0x0  }
0x6c: {  	[sflag:s4] =	ssyncadd.s32 $0xFFFFFE40  }
0x6d: {  	[tilespmem:s7], [sflag:$0x1] =	stream.indirect.gather [hbm4b:s5+s6], $0x80, s2, s6, $0xb8;
	[tilespmem:$0x1C400] =	vst v63  }
0x6e: {  	_ = 	snop  }
0x6f: {  	[tilespmem:s9], [sflag:$0x5] =	stream.linear.gather [hbm4b:s8+s2], $0x1C0, $0x38;
	[tilespmem:$0x1C400] =	vst v63  }
0x70: {  	_ =	swait.ge [sflag:s4], $0x1C0  }
0x71: {  	[sflag:s4] =	ssyncset.done $0x0  }
0x72: {  	[sflag:s4] =	ssyncadd.s32 $0xFFFFFE40  }
0x73: {  	[tilespmem:s10], [sflag:$0x2] =	stream.indirect.gather [hbm4b:s5+s6], $0x80, s9, s6, $0xb8;
	[tilespmem:$0x1C400] =	vst v63  }
0x74: {  	_ =	swait.ge [sflag:s11], $0xE000  }
0x75: {  	[sflag:s11] =	ssyncset.done $0x0  }
0x76: {  	[sflag:s11] =	ssyncadd.s32 $0xFFFF2000  }
0x77: {  	[hbm4b:s12+s2] =	stream.linear.scatter [tilespmem:s7], [sflag:$0x3], $0xE000, $0x38;
	[tilespmem:$0x1C400] =	vst v63  }
0x78: {  	_ =	swait.ge [sflag:s13], $0xE000  }
0x79: {  	[sflag:s13] =	ssyncset.done $0x0  }
0x7a: {  	[sflag:s13] =	ssyncadd.s32 $0xFFFF2000  }
0x7b: {  	[tilespmem:s2], [sflag:$0x5] =	stream.linear.gather [hbm4b:s14+s2], $0x1C0, $0x38;
	[tilespmem:$0x1C400] =	vst v63  }
0x7c: {  	_ =	swait.ge [sflag:s4], $0x1C0  }
0x7d: {  	[sflag:s4] =	ssyncset.done $0x0  }
0x7e: {  	[sflag:s4] =	ssyncadd.s32 $0xFFFFFE40  }
0x7f: {  	[tilespmem:s7], [sflag:$0x1] =	stream.indirect.gather [hbm4b:s5+s6], $0x80, s2, s6, $0xb8;
	[tilespmem:$0x1C400] =	vst v63  }
0x80: {  	_ =	swait.ge [sflag:s15], $0xE000  }
0x81: {  	[sflag:s15] =	ssyncset.done $0x0  }
0x82: {  	[sflag:s15] =	ssyncadd.s32 $0xFFFF2000  }
0x83: {  	[hbm4b:s17+s2] =	stream.linear.scatter [tilespmem:s10], [sflag:$0x4], $0xE000, $0x38;
	[tilespmem:$0x1C400] =	vst v63  }
0x84: {  	_ =	swait.ge [sflag:s16], $0xE000  }
0x85: {  	[sflag:s16] =	ssyncset.done $0x0  }
0x86: {  	[sflag:s16] =	ssyncadd.s32 $0xFFFF2000  }
0x87: {  	[tilespmem:s9], [sflag:$0x5] =	stream.linear.gather [hbm4b:s18+s2], $0x1C0, $0x38;
	[tilespmem:$0x1C400] =	vst v63  }
0x88: {  	_ =	swait.ge [sflag:s4], $0x1C0  }
0x89: {  	[sflag:s4] =	ssyncset.done $0x0  }
0x8a: {  	[sflag:s4] =	ssyncadd.s32 $0xFFFFFE40  }
0x8b: {  	[tilespmem:s10], [sflag:$0x2] =	stream.indirect.gather [hbm4b:s5+s6], $0x80, s9, s6, $0xb8;
	[tilespmem:$0x1C400] =	vst v63  }
0x8c: {  	_ =	swait.ge [sflag:s11], $0xE000  }
0x8d: {  	[sflag:s11] =	ssyncset.done $0x0  }
0x8e: {  	[sflag:s11] =	ssyncadd.s32 $0xFFFF2000  }
0x8f: {  	[hbm4b:s19+s2] =	stream.linear.scatter [tilespmem:s7], [sflag:$0x3], $0xE000, $0x38;
	[tilespmem:$0x1C400] =	vst v63  }
0x90: {  	_ =	swait.ge [sflag:s13], $0xE000  }
0x91: {  	[sflag:s13] =	ssyncset.done $0x0  }
0x92: {  	[sflag:s13] =	ssyncadd.s32 $0xFFFF2000  }
0x93: {  	[tilespmem:s2], [sflag:$0x5] =	stream.linear.gather [hbm4b:s20+s2], $0x1C0, $0x38;
	[tilespmem:$0x1C400] =	vst v63  }
0x94: {  	_ =	swait.ge [sflag:s4], $0x1C0  }
0x95: {  	[sflag:s4] =	ssyncset.done $0x0  }
0x96: {  	[sflag:s4] =	ssyncadd.s32 $0xFFFFFE40  }
0x97: {  	[tilespmem:s7], [sflag:$0x1] =	stream.indirect.gather [hbm4b:s5+s6], $0x80, s2, s6, $0xb8;
	[tilespmem:$0x1C400] =	vst v63  }
0x98: {  	_ =	swait.ge [sflag:s15], $0xE000  }
0x99: {  	[sflag:s15] =	ssyncset.done $0x0  }
0x9a: {  	[sflag:s15] =	ssyncadd.s32 $0xFFFF2000  }
0x9b: {  	[hbm4b:s21+s2] =	stream.linear.scatter [tilespmem:s10], [sflag:$0x4], $0xE000, $0x38;
	[tilespmem:$0x1C400] =	vst v63  }
0x9c: {  	_ =	swait.ge [sflag:s16], $0xE000  }
0x9d: {  	[sflag:s16] =	ssyncset.done $0x0  }
0x9e: {  	[sflag:s16] =	ssyncadd.s32 $0xFFFF2000  }
0x9f: {  	[tilespmem:s9], [sflag:$0x5] =	stream.linear.gather [hbm4b:s22+s2], $0x1C0, $0x38;
	[tilespmem:$0x1C400] =	vst v63  }
0xa0: {  	_ =	swait.ge [sflag:s4], $0x1C0  }
0xa1: {  	[sflag:s4] =	ssyncset.done $0x0  }
0xa2: {  	[sflag:s4] =	ssyncadd.s32 $0xFFFFFE40  }
0xa3: {  	[tilespmem:s10], [sflag:$0x2] =	stream.indirect.gather [hbm4b:s5+s6], $0x80, s9, s6, $0xb8;
	[tilespmem:$0x1C400] =	vst v63  }
0xa4: {  	_ =	swait.ge [sflag:s11], $0xE000  }
0xa5: {  	[sflag:s11] =	ssyncset.done $0x0  }
0xa6: {  	[sflag:s11] =	ssyncadd.s32 $0xFFFF2000  }
0xa7: {  	[hbm4b:s23+s2] =	stream.linear.scatter [tilespmem:s7], [sflag:$0x3], $0xE000, $0x38;
	[tilespmem:$0x1C400] =	vst v63  }
0xa8: {  	_ =	swait.ge [sflag:s13], $0xE000  }
0xa9: {  	[sflag:s13] =	ssyncset.done $0x0  }
0xaa: {  	[sflag:s13] =	ssyncadd.s32 $0xFFFF2000  }
0xab: {  	[tilespmem:s2], [sflag:$0x5] =	stream.linear.gather [hbm4b:s24+s2], $0x1C0, $0x38;
	[tilespmem:$0x1C400] =	vst v63  }
0xac: {  	_ =	swait.ge [sflag:s4], $0x1C0  }
0xad: {  	[sflag:s4] =	ssyncset.done $0x0  }
0xae: {  	[sflag:s4] =	ssyncadd.s32 $0xFFFFFE40  }
0xaf: {  	[tilespmem:s7], [sflag:$0x1] =	stream.indirect.gather [hbm4b:s5+s6], $0x80, s2, s6, $0xb8;
	[tilespmem:$0x1C400] =	vst v63  }
0xb0: {  	_ =	swait.ge [sflag:s15], $0xE000  }
0xb1: {  	[sflag:s15] =	ssyncset.done $0x0  }
0xb2: {  	[sflag:s15] =	ssyncadd.s32 $0xFFFF2000  }
0xb3: {  	[hbm4b:s25+s2] =	stream.linear.scatter [tilespmem:s10], [sflag:$0x4], $0xE000, $0x38;
	[tilespmem:$0x1C400] =	vst v63  }
0xb4: {  	_ =	swait.ge [sflag:s16], $0xE000  }
0xb5: {  	[sflag:s16] =	ssyncset.done $0x0  }
0xb6: {  	[sflag:s16] =	ssyncadd.s32 $0xFFFF2000  }
0xb7: {  	[tilespmem:s9], [sflag:$0x5] =	stream.linear.gather [hbm4b:s26+s2], $0x1C0, $0x38;
	[tilespmem:$0x1C400] =	vst v63  }
0xb8: {  	_ =	swait.ge [sflag:s4], $0x1C0  }
0xb9: {  	[sflag:s4] =	ssyncset.done $0x0  }
0xba: {  	[sflag:s4] =	ssyncadd.s32 $0xFFFFFE40  }
0xbb: {  	[tilespmem:s10], [sflag:$0x2] =	stream.indirect.gather [hbm4b:s5+s6], $0x80, s9, s6, $0xb8;
	[tilespmem:$0x1C400] =	vst v63  }
0xbc: {  	_ =	swait.ge [sflag:s11], $0xE000  }
0xbd: {  	[sflag:s11] =	ssyncset.done $0x0  }
0xbe: {  	[sflag:s11] =	ssyncadd.s32 $0xFFFF2000  }
0xbf: {  	[hbm4b:s28+s2] =	stream.linear.scatter [tilespmem:s7], [sflag:$0x3], $0xE000, $0x38;
	[tilespmem:$0x1C400] =	vst v63  }
0xc0: {  	_ =	swait.ge [sflag:s15], $0xE000  }
0xc1: {  	[sflag:s15] =	ssyncset.done $0x0  }
0xc2: {  	[sflag:s15] =	ssyncadd.s32 $0xFFFF2000  }
0xc3: {  	[hbm4b:s29+s2] =	stream.linear.scatter [tilespmem:s10], [sflag:$0x4], $0xE000, $0x38;
	[tilespmem:$0x1C400] =	vst v63  }
.Ltmp1:
0xc4: {  	_ =	swait.ge [sflag:s13], $0xE000;
	(pc) =	sbr.rel @p0 .LBB2_1-.Ltmp1, $4  }
0xc5: {  	[sflag:s13] =	ssyncset.done $0x0  }
0xc6: {  	[sflag:s13] =	ssyncadd.s32 $0xFFFF2000  }
0xc7: {  	_ =	swait.ge [sflag:s16], $0xE000  }
0xc8: {  	[sflag:s16] =	ssyncset.done $0x0  }
.LBB2_2:
0xc9: {  	[sflag:s16] =	ssyncadd.s32 $0xFFFF2000  }
0xca: {  	_ =	sfence.sel $0x180000  }
0xcb: {  	[bflag:$0x0] =	sbarrier.arrive $0xFFFF  }
0xcc: {  	p0 =	sne.s32 s0, $0x0;
	_ =	strace $0x90000053  }
0xcd: {  	s0 =	sadd.s32 @!p0 $0x100000, s1;
	[bflag:$0x2] =	sbarrier.arrive $0xFFFF  }
0xce: {  	[sflag:s0] =	ssyncadd.tile.s32 @!p0 $0x1;
	_ =	shalt  }
.Lfunc_end2:
_tile_overlayer_lowered:
.L_overlay_start_2:
0xcf: {  	(tag) =	ssettag $0x2  }
0xd0: {  	s0 =	rddreg [dreg:$0x0];
	s2 =	stileid.u32  }
0xd1: {  	s1 =	rddreg [dreg:$0x1];
	p0 =	sne.s32 s2, $0x0  }
0xd2: {  	s3 =	rddreg [dreg:$0x2];
	[bflag:$0x3] =	sbarrier.arrive $0xFFFF;
	s2 =	simm.s32 @!p0 $0x1C05  }
0xd3: {  	[timem:s3], [sflag:s2] =	dma.local @!p0 [hbm:s0], s1  }
0xd4: {  	s0 =	simm.s32 @!p0 $0x5  }
0xd5: {  	_ =	swait.ge @!p0 [sflag:s0], s1  }
0xd6: {  	s1 =	ssub.s32 @!p0 $0x0, s1;
	[sflag:s0] =	ssyncset.done @!p0 $0x0  }
0xd7: {  	[sflag:s0] =	ssyncadd.s32 @!p0 s1  }
0xd8: {  	[bflag:$0x3] =	sbarrier.arrive $0xFFFF  }
0xd9: {  	_ =	shalt  }

// kernel: kernel.23.cloned.1.call-start
scs
__scs_entry_jumppad:
0x0: {  	(pc) =	sbr.rel $0x88, $3  }
0x1: {  	(tag) =	ssettag $0x0;
	lr =	simm.s32 $0x1  }
0x2: {  	[smem:$0x3F9F] =	sst lr;
	_ =	strace $0xD0000000  }
0x3: {  	_ = 	snop  }
0x4: {  	_ = 	snop  }
0x5: {  	_ = 	snop  }
0x6: {  	_ = 	snop  }
0x7: {  	_ = 	snop  }
__scs_overlays_trampoline_lowered:
0x8: {  	[smem:$0x3FAE] =	sst s0  }
0x9: {  	[smem:$0x3FAF] =	sst s1  }
0xa: {  	[smem:$0x3FB0] =	sst s2  }
0xb: {  	[smem:$0x3FB1] =	sst s3  }
0xc: {  	[smem:$0x3FB2] =	sst s4  }
0xd: {  	[smem:$0x3FB3] =	sst s5  }
0xe: {  	[smem:$0x3FB4] =	sst s6  }
0xf: {  	[smem:$0x3FB5] =	sst s7  }
0x10: {  	[smem:$0x3FB6] =	sst s8  }
0x11: {  	[smem:$0x3FB7] =	sst s9;
	s0 =	simm.s32 @!p0 $0x0  }
0x12: {  	s1 =	sld [smem:$0x3F9D];
	s0 =	simm.s32 @p0 $0x1  }
0x13: {  	[smem:$0x3FB8] =	sst s0;
	s0 =	simm.s32 @!p1 $0x0  }
0x14: {  	s2 =	sld [smem:$0x3F9C];
	s0 =	simm.s32 @p1 $0x1  }
0x15: {  	[smem:$0x3FB9] =	sst s0;
	s0 =	simm.s32 @!p2 $0x0  }
0x16: {  	s3 =	sld [smem:$0x3FDB];
	s0 =	simm.s32 @p2 $0x1  }
0x17: {  	s4 =	simm.s32 $0x1BF5;
	[smem:$0x3FBB] =	sst s0  }
0x18: {  	s0 =	sld [smem:$0x3F9E];
	_ =	swait.ge [sflag:s4], $0x0  }
0x19: {  	s7 =	sld [smem:$0x3F9F]  }
0x1a: {  	s8 =	sadd.s32 $0xFFFFE003, lr  }
0x1b: {  	s9 =	sadd.s32 $0xFFFFFEF7, lr;
	s5 =	simm.s32 $0xFFFFFFFF;
	p2 =	slt.u32 s8, $0xFFFFF086  }
0x1c: {  	p1 =	slt.u32 s9, $0xF7A;
	s5 =	simm.s32 @!p2 $0x0  }
0x1d: {  	s5 =	simm.s32 @p1 $0x1;
	p0 =	seq.s32 s7, s2  }
0x1e: {  	s7 =	smul.u32 @!p0 $0xF7A, s2;
	p2 =	seq.s32 @!p0 s5, $0x0  }
0x1f: {  	s9 =	smul.u32 $0xF7A, s1;
	s8 =	simm.s32 @!p0 $0x1BF5;
	p2 =	por !p2, p0  }
0x20: {  	[sflag:s8] =	ssyncset.s32 @!p0 $0xFFFFF086;
	s6 =	sadd.s32 @!p0 s3, s7;
	s7 =	simm.s32 @!p0 $0x108  }
0x21: {  	s3 =	sadd.s32 s3, s9;
	s6 =	sadd.s32 @!p0 $0x88, s6;
	s7 =	simm.s32 @p2 $0x1082  }
0x22: {  	[simem:s7], [sflag:s8] =	dma.local @!p0 [hbm:s6], $0xF7A  }
0x23: {  	s9 =	sor.u32 $0xD0000000, s2;
	s6 =	simm.s32 $0x108;
	_ =	swait.ge @!p0 [sflag:s8], $0x0  }
0x24: {  	s3 =	sadd.s32 $0x88, s3;
	s6 =	simm.s32 @!p1 $0x1082;
	[sflag:s4] =	ssyncset.s32 $0xFFFFF086  }
0x25: {  	[simem:s6], [sflag:s4] =	dma.local [hbm:s3], $0xF7A  }
0x26: {  	[smem:$0x3F9F] =	sst s1;
	(tag) =	ssettag s2;
	_ =	strace s9  }
0x27: {  	s1 =	sld [smem:$0x3FAF]  }
0x28: {  	s2 =	sld [smem:$0x3FB0]  }
0x29: {  	s4 =	sld [smem:$0x3FB2]  }
0x2a: {  	p0 =	seq.s32 s5, $0x0;
	s5 =	sld [smem:$0x3FB3]  }
0x2b: {  	s6 =	sld [smem:$0x3FB4]  }
0x2c: {  	s7 =	sld [smem:$0x3FB5]  }
0x2d: {  	s3 =	simm.s32 $0x108;
	s8 =	sld [smem:$0x3FB6]  }
0x2e: {  	s3 =	simm.s32 @!p0 $0x1082;
	s9 =	sld [smem:$0x3FB7]  }
0x2f: {  	lr =	sadd.s32 s0, s3;
	s0 =	sld [smem:$0x3FAE]  }
0x30: {  	s3 =	sld [smem:$0x3FB1]  }
0x31: {  	[smem:$0x3FBA] =	sst s10  }
0x32: {  	s10 =	sld [smem:$0x3FB8];
	_ =	sdelay $0x3  }
0x33: {  	p0 =	seq.s32 s10, $0x1;
	s10 =	sld [smem:$0x3FBA];
	_ =	sdelay $0x3  }
0x34: {  	[smem:$0x3FBA] =	sst s10  }
0x35: {  	s10 =	sld [smem:$0x3FB9];
	_ =	sdelay $0x3  }
0x36: {  	p1 =	seq.s32 s10, $0x1;
	s10 =	sld [smem:$0x3FBA];
	_ =	sdelay $0x3  }
0x37: {  	[smem:$0x3FBA] =	sst s10  }
0x38: {  	s10 =	sld [smem:$0x3FBB]  }
0x39: {  	_ = 	snop;
	(pc) =	sbr.ind lr, $3  }
0x3a: {  	_ = 	snop  }
0x3b: {  	_ = 	snop  }
0x3c: {  	p2 =	seq.s32 s10, $0x1;
	s10 =	sld [smem:$0x3FBA]  }
0x3d: {  	_ =	shalt  }
0x3e: {  	_ =	shalt  }
0x3f: {  	_ =	shalt  }
0x40: {  	_ =	shalt  }
0x41: {  	_ =	shalt  }
0x42: {  	_ =	shalt  }
0x43: {  	_ =	shalt  }
0x44: {  	_ =	shalt  }
0x45: {  	_ =	shalt  }
0x46: {  	_ =	shalt  }
0x47: {  	_ =	shalt  }
0x48: {  	_ =	shalt  }
0x49: {  	_ =	shalt  }
0x4a: {  	_ =	shalt  }
0x4b: {  	_ =	shalt  }
0x4c: {  	_ =	shalt  }
0x4d: {  	_ =	shalt  }
0x4e: {  	_ =	shalt  }
0x4f: {  	_ =	shalt  }
0x50: {  	_ =	shalt  }
0x51: {  	_ =	shalt  }
0x52: {  	_ =	shalt  }
0x53: {  	_ =	shalt  }
0x54: {  	_ =	shalt  }
0x55: {  	_ =	shalt  }
0x56: {  	_ =	shalt  }
0x57: {  	_ =	shalt  }
0x58: {  	_ =	shalt  }
0x59: {  	_ =	shalt  }
0x5a: {  	_ =	shalt  }
0x5b: {  	_ =	shalt  }
0x5c: {  	_ =	shalt  }
0x5d: {  	_ =	shalt  }
0x5e: {  	_ =	shalt  }
0x5f: {  	_ =	shalt  }
0x60: {  	_ =	shalt  }
0x61: {  	_ =	shalt  }
0x62: {  	_ =	shalt  }
0x63: {  	_ =	shalt  }
0x64: {  	_ =	shalt  }
0x65: {  	_ =	shalt  }
0x66: {  	_ =	shalt  }
0x67: {  	_ =	shalt  }
0x68: {  	_ =	shalt  }
0x69: {  	_ =	shalt  }
0x6a: {  	_ =	shalt  }
0x6b: {  	_ =	shalt  }
0x6c: {  	_ =	shalt  }
0x6d: {  	_ =	shalt  }
0x6e: {  	_ =	shalt  }
0x6f: {  	_ =	shalt  }
0x70: {  	_ =	shalt  }
0x71: {  	_ =	shalt  }
0x72: {  	_ =	shalt  }
0x73: {  	_ =	shalt  }
0x74: {  	_ =	shalt  }
0x75: {  	_ =	shalt  }
0x76: {  	_ =	shalt  }
0x77: {  	_ =	shalt  }
0x78: {  	_ =	shalt  }
0x79: {  	_ =	shalt  }
0x7a: {  	_ =	shalt  }
0x7b: {  	_ =	shalt  }
0x7c: {  	_ =	shalt  }
0x7d: {  	_ =	shalt  }
0x7e: {  	_ =	shalt  }
0x7f: {  	_ =	shalt  }
0x80: {  	_ =	shalt  }
0x81: {  	_ =	shalt  }
0x82: {  	_ =	shalt  }
0x83: {  	_ =	shalt  }
0x84: {  	_ =	shalt  }
0x85: {  	_ =	shalt  }
0x86: {  	_ =	shalt  }
0x87: {  	_ =	shalt  }
.Lfunc_end0:
.L_simem_size_0:
called_computation.4_lowered:
.L_overlay_start_0:
0x88: {  	s2 =	sld [smem:$0x3FD9]  }
0x89: {  	s3 =	sld [smem:$0x3FFE];
	_ =	sdelay $0x1  }
0x8a: {  	s1 =	srdreg.scid  }
0x8b: {  	s0 =	sand.u32 $0x1, s1  }
0x8c: {  	s17 =	sshll.u32 s0, $0xA;
	s2 =	sadd.s32 s3, s2  }
0x8d: {  	s2 =	sadd.s32 s2, s17  }
0x8e: {  	[smem:$0x3FC6] =	sst s2  }
0x8f: {  	_ = 	snop  }
0x90: {  	(tm) =	ssettm $0x1  }
0x91: {  	s18 =	sld [smem:$0x3FFB];
	_ =	sdelay $0x3  }
0x92: {  	_ =	strace s18  }
0x93: {  	s2 =	sld [smem:$0x3FFC];
	_ =	sdelay $0x3  }
0x94: {  	_ =	strace s2  }
0x95: {  	s2 =	sld [smem:$0x3FFD];
	_ =	sdelay $0x3  }
0x96: {  	_ =	strace s2  }
0x97: {  	_ =	strace $0x8FFFFFFF  }
0x98: {  	s19 =	sld [smem:$0x3FDB];
	_ =	sdelay $0x1  }
0x99: {  	s20 =	simm.s32 $_scs_section_size  }
0x9a: {  	s4 =	simm.s32 $_size__tile_overlayer_lowered;
	s5 =	simm.s32 $_tile_overlayer_lowered  }
0x9b: {  	s6 =	simm.s32 $0x1BFF;
	s21 =	sshll.u32 s5, $0x1;
	s3 =	sadd.s32 s20, s19  }
0x9c: {  	s22 =	simm.s32 $0x0;
	s4 =	sshll.u32 s4, $0x1;
	s5 =	sadd.s32 s21, s3  }
0x9d: {  	[timem:s22], [sflag:s6] =	dma.local [hbm:s5], s4  }
0x9e: {  	_ =	swait.ge [sflag:s6], s4  }
0x9f: {  	s4 =	ssub.s32 $0x0, s4;
	[sflag:s6] =	ssyncset.done $0x0  }
0xa0: {  	[sflag:s6] =	ssyncadd.s32 s4;
	_ =	sdelay $0x1  }
0xa1: {  	s23 =	simm.s32 $0x1B8B  }
0xa2: {  	_ =	swait.ge [sflag:s23], $0x1  }
0xa3: {  	[sflag:s23] =	ssyncset.done $0x0  }
0xa4: {  	[sflag:s23] =	ssyncadd.s32 $0xFFFFFFFF  }
0xa5: {  	s4 =	sld [smem:$0x0]  }
0xa6: {  	s5 =	sand.u32 $0xFFFFFFFE, s1  }
0xa7: {  	p0 =	sne.s32 s1, s5  }
0xa8: {  	s5 =	sshll.u32 @p0 s5, $0xE  }
0xa9: {  	s5 =	sadd.s32 @p0 $0x11B8D, s5;
	s6 =	sshll.u32 @p0 s4, $0x11  }
0xaa: {  	s5 =	sor.u32 @p0 s6, s5  }
0xab: {  	[sflag:s5] =	ssyncadd.remote.s32 @p0 $0x1;
	_ =	sdelay $0x1  }
0xac: {  	s5 =	simm.s32 @p0 $0x1B8D  }
0xad: {  	_ =	swait.eq @p0 [sflag:s5], $0x1  }
0xae: {  	[sflag:s5] =	ssyncadd.s32 @p0 $0xFFFFFFFF  }
0xaf: {  	s6 =	sshll.u32 @!p0 s1, $0xE  }
0xb0: {  	s6 =	sor.u32 @!p0 $0x4000, s6;
	s5 =	simm.s32 @!p0 $0x1B8D  }
0xb1: {  	s4 =	sshll.u32 @!p0 s4, $0x11;
	s6 =	sadd.s32 @!p0 $0x11B8D, s6;
	_ =	swait.eq @!p0 [sflag:s5], $0x1  }
0xb2: {  	s4 =	sor.u32 @!p0 s4, s6;
	[sflag:s5] =	ssyncadd.s32 @!p0 $0xFFFFFFFF  }
0xb3: {  	s25 =	simm.s32 $0x1B8E;
	s24 =	sld [smem:$0x3FFE];
	[sflag:s4] =	ssyncadd.remote.s32 @!p0 $0x1  }
0xb4: {  	s26 =	simm.s32 $execute0_lowered;
	[smem:$0x3FD2] =	sst s25  }
0xb5: {  	s5 =	sshll.u32 s26, $0x1;
	_ =	strace $0x8000004F;
	[dreg:$0x1] =	wrdreg $0xFFFFFFFF  }
0xb6: {  	s28 =	simm.s32 $_size_execute0_lowered;
	s3 =	sadd.s32 s3, s5;
	[dreg:$0x0] =	wrdreg $0x0  }
0xb7: {  	s5 =	sshll.u32 s28, $0x1;
	[dreg:$0x2] =	wrdreg s3  }
0xb8: {  	[dreg:$0x3] =	wrdreg s5  }
0xb9: {  	[dreg:$0x4] =	wrdreg $0xC0  }
0xba: {  	_ =	task [dreg:s22], $0x5FFFF  }
0xbb: {  	[dreg:$0x1] =	wrdreg $0xFFFFFFFF  }
0xbc: {  	[dreg:$0x0] =	wrdreg $0x60  }
0xbd: {  	[dreg:$0x2] =	wrdreg s24  }
0xbe: {  	[dreg:$0x3] =	wrdreg $0xD  }
0xbf: {  	_ =	task.clear_ibuf [dreg:s22], $0x4FFFF;
	_ =	strace $0x9000004F  }
0xc0: {  	s29 =	simm.s32 $0xD;
	_ =	strace $0x80000051  }
0xc1: {  	_ =	swait.ge [sflag:s29], $0x1  }
0xc2: {  	[sflag:s29] =	ssyncadd.s32 $0xFFFFFFFF  }
0xc3: {  	_ =	strace $0x90000051  }
0xc4: {  	_ =	sfence  }
0xc5: {  	s30 =	sld [smem:$0x0];
	_ =	sdelay $0x2  }
0xc6: {  	s31 =	sshll.u32 s1, $0xD;
	s1 =	sshrl.u32 s1, $0x2  }
0xc7: {  	s4 =	sand.u32 $0x4000, s31;
	s1 =	sadd.s32 s1, s30  }
0xc8: {  	s0 =	sor.u32 s4, s0;
	s1 =	sshll.u32 s1, $0x11  }
0xc9: {  	s0 =	sor.u32 s1, s0  }
0xca: {  	s0 =	sadd.s32 $0x8F2B, s0  }
0xcb: {  	[sflag:s0] =	ssyncadd.remote.s32 $0x1  }
0xcc: {  	_ =	sfence.sel $0xFFFF  }
0xcd: {  	[dreg:$0x0] =	wrdreg $0xFFFFFFFF;
	(pc) =	sbr.abs _section_cstart, $3  }
0xce: {  	[dreg:$0x1] =	wrdreg $0xFFFFFFFF  }
0xcf: {  	_ =	task.clear_ibuf [dreg:s22], $0x2FFFF;
	_ =	strace $0x9FFFFFFF  }
0xd0: {  	(tm) =	ssettm $0x7FFFFFFF  }
0xd1: {  	_ =	shalt  }
tec
execute0_lowered:
.L_overlay_start_1:
0x0: {  	(tag) =	ssettag $0x1  }
0x1: {  	s1 =	srdreg.scid;
	s0 =	stileid.u32  }
0x2: {  	s29 =	sand.u32 $0x1, s1;
	s31 =	sshll.u32 s0, $0x1  }
0x3: {  	s19 =	sor.u32 s29, s31  }
0x4: {  	s3 =	smul.u32 $0xE00, s19;
	_ =	sdelay $0x1  }
0x5: {  	s12 =	rddreg [dreg:$0x0];
	s2 =	simm.s32 $0x0;
	s3 =	sshrl.u32 s3, $0x3  }
0x6: {  	s4 =	simm.s32 $0x5;
	[smem:$0x7FF] =	sst s2;
	s26 =	sadd.s32 s3, s12  }
0x7: {  	s1 =	rddreg [dreg:$0x1];
	_ =	strace $0x80000050;
	s3 =	sadd.s32 $0x13800, s26  }
0x8: {  	[tilespmem:s2], [sflag:$0x5] =	stream.linear.gather [hbm4b:s3+s2], $0x1C0, $0x38;
	[tilespmem:$0x1C400] =	vst v63  }
0x9: {  	_ =	swait.ge [sflag:s4], $0x1C0  }
0xa: {  	s6 =	simm.s32 $0x1C0;
	[sflag:s4] =	ssyncset.done $0x0  }
0xb: {  	s7 =	simm.s32 $0x400;
	s5 =	sadd.s32 $0x21800, s12;
	[sflag:s4] =	ssyncadd.s32 $0xFFFFFE40  }
0xc: {  	[tilespmem:s7], [sflag:$0x1] =	stream.indirect.gather [hbm4b:s5+s6], $0x80, s2, s6, $0xb8;
	[tilespmem:$0x1C400] =	vst v63  }
0xd: {  	s9 =	simm.s32 $0x200;
	s8 =	sadd.s32 $0x13838, s26  }
0xe: {  	[tilespmem:s9], [sflag:$0x5] =	stream.linear.gather [hbm4b:s8+s2], $0x1C0, $0x38;
	[tilespmem:$0x1C400] =	vst v63  }
0xf: {  	_ =	swait.ge [sflag:s4], $0x1C0  }
0x10: {  	[sflag:s4] =	ssyncset.done $0x0  }
0x11: {  	s10 =	simm.s32 $0xE400;
	s11 =	simm.s32 $0x1;
	[sflag:s4] =	ssyncadd.s32 $0xFFFFFE40  }
0x12: {  	[tilespmem:s10], [sflag:$0x2] =	stream.indirect.gather [hbm4b:s5+s6], $0x80, s9, s6, $0xb8;
	[tilespmem:$0x1C400] =	vst v63  }
0x13: {  	s13 =	smul.u32 $0xE000, s19;
	_ =	swait.ge [sflag:s11], $0xE000  }
0x14: {  	s20 =	sadd.s32 $0x14A3C00, s12;
	[sflag:s11] =	ssyncset.done $0x0  }
0x15: {  	s12 =	sadd.s32 s20, s13;
	s13 =	simm.s32 $0x3;
	[sflag:s11] =	ssyncadd.s32 $0xFFFF2000  }
0x16: {  	[hbm4b:s12+s2] =	stream.linear.scatter [tilespmem:s7], [sflag:$0x3], $0xE000, $0x38;
	[tilespmem:$0x1C400] =	vst v63  }
0x17: {  	_ =	swait.ge [sflag:s13], $0xE000  }
0x18: {  	[sflag:s13] =	ssyncset.done $0x0  }
0x19: {  	s14 =	sadd.s32 $0x13870, s26;
	[sflag:s13] =	ssyncadd.s32 $0xFFFF2000  }
0x1a: {  	[tilespmem:s2], [sflag:$0x5] =	stream.linear.gather [hbm4b:s14+s2], $0x1C0, $0x38;
	[tilespmem:$0x1C400] =	vst v63  }
0x1b: {  	_ =	swait.ge [sflag:s4], $0x1C0  }
0x1c: {  	[sflag:s4] =	ssyncset.done $0x0  }
0x1d: {  	s15 =	simm.s32 $0x2;
	[sflag:s4] =	ssyncadd.s32 $0xFFFFFE40  }
0x1e: {  	[tilespmem:s7], [sflag:$0x1] =	stream.indirect.gather [hbm4b:s5+s6], $0x80, s2, s6, $0xb8;
	[tilespmem:$0x1C400] =	vst v63  }
0x1f: {  	_ =	swait.ge [sflag:s15], $0xE000  }
0x20: {  	[sflag:s15] =	ssyncset.done $0x0  }
0x21: {  	s16 =	simm.s32 $0x4;
	s17 =	sadd.s32 $0x1C00, s12;
	[sflag:s15] =	ssyncadd.s32 $0xFFFF2000  }
0x22: {  	[hbm4b:s17+s2] =	stream.linear.scatter [tilespmem:s10], [sflag:$0x4], $0xE000, $0x38;
	[tilespmem:$0x1C400] =	vst v63  }
0x23: {  	_ =	swait.ge [sflag:s16], $0xE000  }
0x24: {  	[sflag:s16] =	ssyncset.done $0x0  }
0x25: {  	s18 =	sadd.s32 $0x138A8, s26;
	[sflag:s16] =	ssyncadd.s32 $0xFFFF2000  }
0x26: {  	[tilespmem:s9], [sflag:$0x5] =	stream.linear.gather [hbm4b:s18+s2], $0x1C0, $0x38;
	[tilespmem:$0x1C400] =	vst v63  }
0x27: {  	_ =	swait.ge [sflag:s4], $0x1C0  }
0x28: {  	[sflag:s4] =	ssyncset.done $0x0  }
0x29: {  	s19 =	smul.u32 $0x70000, s19;
	[sflag:s4] =	ssyncadd.s32 $0xFFFFFE40  }
0x2a: {  	[tilespmem:s10], [sflag:$0x2] =	stream.indirect.gather [hbm4b:s5+s6], $0x80, s9, s6, $0xb8;
	[tilespmem:$0x1C400] =	vst v63  }
0x2b: {  	s19 =	sshrl.u32 s19, $0x3;
	_ =	swait.ge [sflag:s11], $0xE000  }
0x2c: {  	s30 =	sadd.s32 s20, s19;
	[sflag:s11] =	ssyncset.done $0x0  }
0x2d: {  	s19 =	sadd.s32 $0x3800, s30;
	[sflag:s11] =	ssyncadd.s32 $0xFFFF2000  }
0x2e: {  	[hbm4b:s19+s2] =	stream.linear.scatter [tilespmem:s7], [sflag:$0x3], $0xE000, $0x38;
	[tilespmem:$0x1C400] =	vst v63  }
0x2f: {  	_ =	swait.ge [sflag:s13], $0xE000  }
0x30: {  	[sflag:s13] =	ssyncset.done $0x0  }
0x31: {  	s20 =	sadd.s32 $0x138E0, s26;
	[sflag:s13] =	ssyncadd.s32 $0xFFFF2000  }
0x32: {  	[tilespmem:s2], [sflag:$0x5] =	stream.linear.gather [hbm4b:s20+s2], $0x1C0, $0x38;
	[tilespmem:$0x1C400] =	vst v63  }
0x33: {  	_ =	swait.ge [sflag:s4], $0x1C0  }
0x34: {  	[sflag:s4] =	ssyncset.done $0x0  }
0x35: {  	[sflag:s4] =	ssyncadd.s32 $0xFFFFFE40  }
0x36: {  	[tilespmem:s7], [sflag:$0x1] =	stream.indirect.gather [hbm4b:s5+s6], $0x80, s2, s6, $0xb8;
	[tilespmem:$0x1C400] =	vst v63  }
0x37: {  	_ =	swait.ge [sflag:s15], $0xE000  }
0x38: {  	[sflag:s15] =	ssyncset.done $0x0  }
0x39: {  	s21 =	sadd.s32 $0x5400, s30;
	[sflag:s15] =	ssyncadd.s32 $0xFFFF2000  }
0x3a: {  	[hbm4b:s21+s2] =	stream.linear.scatter [tilespmem:s10], [sflag:$0x4], $0xE000, $0x38;
	[tilespmem:$0x1C400] =	vst v63  }
0x3b: {  	_ =	swait.ge [sflag:s16], $0xE000  }
0x3c: {  	[sflag:s16] =	ssyncset.done $0x0  }
0x3d: {  	s22 =	sadd.s32 $0x13918, s26;
	[sflag:s16] =	ssyncadd.s32 $0xFFFF2000  }
0x3e: {  	[tilespmem:s9], [sflag:$0x5] =	stream.linear.gather [hbm4b:s22+s2], $0x1C0, $0x38;
	[tilespmem:$0x1C400] =	vst v63  }
0x3f: {  	_ =	swait.ge [sflag:s4], $0x1C0  }
0x40: {  	[sflag:s4] =	ssyncset.done $0x0  }
0x41: {  	[sflag:s4] =	ssyncadd.s32 $0xFFFFFE40  }
0x42: {  	[tilespmem:s10], [sflag:$0x2] =	stream.indirect.gather [hbm4b:s5+s6], $0x80, s9, s6, $0xb8;
	[tilespmem:$0x1C400] =	vst v63  }
0x43: {  	_ =	swait.ge [sflag:s11], $0xE000  }
0x44: {  	[sflag:s11] =	ssyncset.done $0x0  }
0x45: {  	s23 =	sadd.s32 $0x7000, s30;
	[sflag:s11] =	ssyncadd.s32 $0xFFFF2000  }
0x46: {  	[hbm4b:s23+s2] =	stream.linear.scatter [tilespmem:s7], [sflag:$0x3], $0xE000, $0x38;
	[tilespmem:$0x1C400] =	vst v63  }
0x47: {  	_ =	swait.ge [sflag:s13], $0xE000  }
0x48: {  	[sflag:s13] =	ssyncset.done $0x0  }
0x49: {  	s24 =	sadd.s32 $0x13950, s26;
	[sflag:s13] =	ssyncadd.s32 $0xFFFF2000  }
0x4a: {  	[tilespmem:s2], [sflag:$0x5] =	stream.linear.gather [hbm4b:s24+s2], $0x1C0, $0x38;
	[tilespmem:$0x1C400] =	vst v63  }
0x4b: {  	_ =	swait.ge [sflag:s4], $0x1C0  }
0x4c: {  	[sflag:s4] =	ssyncset.done $0x0  }
0x4d: {  	[sflag:s4] =	ssyncadd.s32 $0xFFFFFE40  }
0x4e: {  	[tilespmem:s7], [sflag:$0x1] =	stream.indirect.gather [hbm4b:s5+s6], $0x80, s2, s6, $0xb8;
	[tilespmem:$0x1C400] =	vst v63  }
0x4f: {  	_ =	swait.ge [sflag:s15], $0xE000  }
0x50: {  	[sflag:s15] =	ssyncset.done $0x0  }
0x51: {  	s25 =	sadd.s32 $0x8C00, s30;
	[sflag:s15] =	ssyncadd.s32 $0xFFFF2000  }
0x52: {  	[hbm4b:s25+s2] =	stream.linear.scatter [tilespmem:s10], [sflag:$0x4], $0xE000, $0x38;
	[tilespmem:$0x1C400] =	vst v63  }
0x53: {  	_ =	swait.ge [sflag:s16], $0xE000  }
0x54: {  	[sflag:s16] =	ssyncset.done $0x0  }
0x55: {  	s26 =	sadd.s32 $0x13988, s26;
	[sflag:s16] =	ssyncadd.s32 $0xFFFF2000  }
0x56: {  	[tilespmem:s9], [sflag:$0x5] =	stream.linear.gather [hbm4b:s26+s2], $0x1C0, $0x38;
	[tilespmem:$0x1C400] =	vst v63  }
0x57: {  	_ =	swait.ge [sflag:s4], $0x1C0  }
0x58: {  	[sflag:s4] =	ssyncset.done $0x0  }
0x59: {  	[sflag:s4] =	ssyncadd.s32 $0xFFFFFE40  }
0x5a: {  	[tilespmem:s10], [sflag:$0x2] =	stream.indirect.gather [hbm4b:s5+s6], $0x80, s9, s6, $0xb8;
	[tilespmem:$0x1C400] =	vst v63  }
0x5b: {  	_ =	swait.ge [sflag:s11], $0xE000  }
0x5c: {  	s31 =	ssub.s32 $0x2, s29;
	s28 =	sadd.s32 $0xA800, s30;
	[sflag:s11] =	ssyncset.done $0x0  }
0x5d: {  	s29 =	sadd.s32 $0xC400, s30;
	s30 =	sshrl.u32 s31, $0x1;
	[sflag:s11] =	ssyncadd.s32 $0xFFFF2000  }
0x5e: {  	[hbm4b:s28+s2] =	stream.linear.scatter [tilespmem:s7], [sflag:$0x3], $0xE000, $0x38;
	[tilespmem:$0x1C400] =	vst v63  }
0x5f: {  	s30 =	ssub.s32 s31, s30;
	_ =	swait.ge [sflag:s15], $0xE000  }
0x60: {  	s30 =	smax.u32 s30, $0x1;
	[sflag:s15] =	ssyncset.done $0x0  }
0x61: {  	p0 =	sne.s32 s30, $0x1;
	[sflag:s15] =	ssyncadd.s32 $0xFFFF2000  }
0x62: {  	[hbm4b:s29+s2] =	stream.linear.scatter [tilespmem:s10], [sflag:$0x4], $0xE000, $0x38;
	[tilespmem:$0x1C400] =	vst v63  }
.Ltmp0:
0x63: {  	_ =	swait.ge [sflag:s13], $0xE000;
	(pc) =	sbr.rel @!p0 .LBB2_2-.Ltmp0, $4  }
0x64: {  	[sflag:s13] =	ssyncset.done $0x0  }
0x65: {  	[sflag:s13] =	ssyncadd.s32 $0xFFFF2000  }
0x66: {  	_ =	swait.ge [sflag:s16], $0xE000  }
0x67: {  	s30 =	sadd.s32 $0xFFFFFFFF, s30;
	[sflag:s16] =	ssyncset.done $0x0  }
.LBB2_1:
0x68: {  	p0 =	sne.s32 s30, $0x1;
	s30 =	sadd.s32 $0xFFFFFFFF, s30;
	[sflag:s16] =	ssyncadd.s32 $0xFFFF2000  }
0x69: {  	[tilespmem:s2], [sflag:$0x5] =	stream.linear.gather [hbm4b:s3+s2], $0x1C0, $0x38;
	[tilespmem:$0x1C400] =	vst v63  }
0x6a: {  	_ =	swait.ge [sflag:s4], $0x1C0  }
0x6b: {  	[sflag:s4] =	ssyncset.done $0x0  }
0x6c: {  	[sflag:s4] =	ssyncadd.s32 $0xFFFFFE40  }
0x6d: {  	[tilespmem:s7], [sflag:$0x1] =	stream.indirect.gather [hbm4b:s5+s6], $0x80, s2, s6, $0xb8;
	[tilespmem:$0x1C400] =	vst v63  }
0x6e: {  	_ = 	snop  }
0x6f: {  	[tilespmem:s9], [sflag:$0x5] =	stream.linear.gather [hbm4b:s8+s2], $0x1C0, $0x38;
	[tilespmem:$0x1C400] =	vst v63  }
0x70: {  	_ =	swait.ge [sflag:s4], $0x1C0  }
0x71: {  	[sflag:s4] =	ssyncset.done $0x0  }
0x72: {  	[sflag:s4] =	ssyncadd.s32 $0xFFFFFE40  }
0x73: {  	[tilespmem:s10], [sflag:$0x2] =	stream.indirect.gather [hbm4b:s5+s6], $0x80, s9, s6, $0xb8;
	[tilespmem:$0x1C400] =	vst v63  }
0x74: {  	_ =	swait.ge [sflag:s11], $0xE000  }
0x75: {  	[sflag:s11] =	ssyncset.done $0x0  }
0x76: {  	[sflag:s11] =	ssyncadd.s32 $0xFFFF2000  }
0x77: {  	[hbm4b:s12+s2] =	stream.linear.scatter [tilespmem:s7], [sflag:$0x3], $0xE000, $0x38;
	[tilespmem:$0x1C400] =	vst v63  }
0x78: {  	_ =	swait.ge [sflag:s13], $0xE000  }
0x79: {  	[sflag:s13] =	ssyncset.done $0x0  }
0x7a: {  	[sflag:s13] =	ssyncadd.s32 $0xFFFF2000  }
0x7b: {  	[tilespmem:s2], [sflag:$0x5] =	stream.linear.gather [hbm4b:s14+s2], $0x1C0, $0x38;
	[tilespmem:$0x1C400] =	vst v63  }
0x7c: {  	_ =	swait.ge [sflag:s4], $0x1C0  }
0x7d: {  	[sflag:s4] =	ssyncset.done $0x0  }
0x7e: {  	[sflag:s4] =	ssyncadd.s32 $0xFFFFFE40  }
0x7f: {  	[tilespmem:s7], [sflag:$0x1] =	stream.indirect.gather [hbm4b:s5+s6], $0x80, s2, s6, $0xb8;
	[tilespmem:$0x1C400] =	vst v63  }
0x80: {  	_ =	swait.ge [sflag:s15], $0xE000  }
0x81: {  	[sflag:s15] =	ssyncset.done $0x0  }
0x82: {  	[sflag:s15] =	ssyncadd.s32 $0xFFFF2000  }
0x83: {  	[hbm4b:s17+s2] =	stream.linear.scatter [tilespmem:s10], [sflag:$0x4], $0xE000, $0x38;
	[tilespmem:$0x1C400] =	vst v63  }
0x84: {  	_ =	swait.ge [sflag:s16], $0xE000  }
0x85: {  	[sflag:s16] =	ssyncset.done $0x0  }
0x86: {  	[sflag:s16] =	ssyncadd.s32 $0xFFFF2000  }
0x87: {  	[tilespmem:s9], [sflag:$0x5] =	stream.linear.gather [hbm4b:s18+s2], $0x1C0, $0x38;
	[tilespmem:$0x1C400] =	vst v63  }
0x88: {  	_ =	swait.ge [sflag:s4], $0x1C0  }
0x89: {  	[sflag:s4] =	ssyncset.done $0x0  }
0x8a: {  	[sflag:s4] =	ssyncadd.s32 $0xFFFFFE40  }
0x8b: {  	[tilespmem:s10], [sflag:$0x2] =	stream.indirect.gather [hbm4b:s5+s6], $0x80, s9, s6, $0xb8;
	[tilespmem:$0x1C400] =	vst v63  }
0x8c: {  	_ =	swait.ge [sflag:s11], $0xE000  }
0x8d: {  	[sflag:s11] =	ssyncset.done $0x0  }
0x8e: {  	[sflag:s11] =	ssyncadd.s32 $0xFFFF2000  }
0x8f: {  	[hbm4b:s19+s2] =	stream.linear.scatter [tilespmem:s7], [sflag:$0x3], $0xE000, $0x38;
	[tilespmem:$0x1C400] =	vst v63  }
0x90: {  	_ =	swait.ge [sflag:s13], $0xE000  }
0x91: {  	[sflag:s13] =	ssyncset.done $0x0  }
0x92: {  	[sflag:s13] =	ssyncadd.s32 $0xFFFF2000  }
0x93: {  	[tilespmem:s2], [sflag:$0x5] =	stream.linear.gather [hbm4b:s20+s2], $0x1C0, $0x38;
	[tilespmem:$0x1C400] =	vst v63  }
0x94: {  	_ =	swait.ge [sflag:s4], $0x1C0  }
0x95: {  	[sflag:s4] =	ssyncset.done $0x0  }
0x96: {  	[sflag:s4] =	ssyncadd.s32 $0xFFFFFE40  }
0x97: {  	[tilespmem:s7], [sflag:$0x1] =	stream.indirect.gather [hbm4b:s5+s6], $0x80, s2, s6, $0xb8;
	[tilespmem:$0x1C400] =	vst v63  }
0x98: {  	_ =	swait.ge [sflag:s15], $0xE000  }
0x99: {  	[sflag:s15] =	ssyncset.done $0x0  }
0x9a: {  	[sflag:s15] =	ssyncadd.s32 $0xFFFF2000  }
0x9b: {  	[hbm4b:s21+s2] =	stream.linear.scatter [tilespmem:s10], [sflag:$0x4], $0xE000, $0x38;
	[tilespmem:$0x1C400] =	vst v63  }
0x9c: {  	_ =	swait.ge [sflag:s16], $0xE000  }
0x9d: {  	[sflag:s16] =	ssyncset.done $0x0  }
0x9e: {  	[sflag:s16] =	ssyncadd.s32 $0xFFFF2000  }
0x9f: {  	[tilespmem:s9], [sflag:$0x5] =	stream.linear.gather [hbm4b:s22+s2], $0x1C0, $0x38;
	[tilespmem:$0x1C400] =	vst v63  }
0xa0: {  	_ =	swait.ge [sflag:s4], $0x1C0  }
0xa1: {  	[sflag:s4] =	ssyncset.done $0x0  }
0xa2: {  	[sflag:s4] =	ssyncadd.s32 $0xFFFFFE40  }
0xa3: {  	[tilespmem:s10], [sflag:$0x2] =	stream.indirect.gather [hbm4b:s5+s6], $0x80, s9, s6, $0xb8;
	[tilespmem:$0x1C400] =	vst v63  }
0xa4: {  	_ =	swait.ge [sflag:s11], $0xE000  }
0xa5: {  	[sflag:s11] =	ssyncset.done $0x0  }
0xa6: {  	[sflag:s11] =	ssyncadd.s32 $0xFFFF2000  }
0xa7: {  	[hbm4b:s23+s2] =	stream.linear.scatter [tilespmem:s7], [sflag:$0x3], $0xE000, $0x38;
	[tilespmem:$0x1C400] =	vst v63  }
0xa8: {  	_ =	swait.ge [sflag:s13], $0xE000  }
0xa9: {  	[sflag:s13] =	ssyncset.done $0x0  }
0xaa: {  	[sflag:s13] =	ssyncadd.s32 $0xFFFF2000  }
0xab: {  	[tilespmem:s2], [sflag:$0x5] =	stream.linear.gather [hbm4b:s24+s2], $0x1C0, $0x38;
	[tilespmem:$0x1C400] =	vst v63  }
0xac: {  	_ =	swait.ge [sflag:s4], $0x1C0  }
0xad: {  	[sflag:s4] =	ssyncset.done $0x0  }
0xae: {  	[sflag:s4] =	ssyncadd.s32 $0xFFFFFE40  }
0xaf: {  	[tilespmem:s7], [sflag:$0x1] =	stream.indirect.gather [hbm4b:s5+s6], $0x80, s2, s6, $0xb8;
	[tilespmem:$0x1C400] =	vst v63  }
0xb0: {  	_ =	swait.ge [sflag:s15], $0xE000  }
0xb1: {  	[sflag:s15] =	ssyncset.done $0x0  }
0xb2: {  	[sflag:s15] =	ssyncadd.s32 $0xFFFF2000  }
0xb3: {  	[hbm4b:s25+s2] =	stream.linear.scatter [tilespmem:s10], [sflag:$0x4], $0xE000, $0x38;
	[tilespmem:$0x1C400] =	vst v63  }
0xb4: {  	_ =	swait.ge [sflag:s16], $0xE000  }
0xb5: {  	[sflag:s16] =	ssyncset.done $0x0  }
0xb6: {  	[sflag:s16] =	ssyncadd.s32 $0xFFFF2000  }
0xb7: {  	[tilespmem:s9], [sflag:$0x5] =	stream.linear.gather [hbm4b:s26+s2], $0x1C0, $0x38;
	[tilespmem:$0x1C400] =	vst v63  }
0xb8: {  	_ =	swait.ge [sflag:s4], $0x1C0  }
0xb9: {  	[sflag:s4] =	ssyncset.done $0x0  }
0xba: {  	[sflag:s4] =	ssyncadd.s32 $0xFFFFFE40  }
0xbb: {  	[tilespmem:s10], [sflag:$0x2] =	stream.indirect.gather [hbm4b:s5+s6], $0x80, s9, s6, $0xb8;
	[tilespmem:$0x1C400] =	vst v63  }
0xbc: {  	_ =	swait.ge [sflag:s11], $0xE000  }
0xbd: {  	[sflag:s11] =	ssyncset.done $0x0  }
0xbe: {  	[sflag:s11] =	ssyncadd.s32 $0xFFFF2000  }
0xbf: {  	[hbm4b:s28+s2] =	stream.linear.scatter [tilespmem:s7], [sflag:$0x3], $0xE000, $0x38;
	[tilespmem:$0x1C400] =	vst v63  }
0xc0: {  	_ =	swait.ge [sflag:s15], $0xE000  }
0xc1: {  	[sflag:s15] =	ssyncset.done $0x0  }
0xc2: {  	[sflag:s15] =	ssyncadd.s32 $0xFFFF2000  }
0xc3: {  	[hbm4b:s29+s2] =	stream.linear.scatter [tilespmem:s10], [sflag:$0x4], $0xE000, $0x38;
	[tilespmem:$0x1C400] =	vst v63  }
.Ltmp1:
0xc4: {  	_ =	swait.ge [sflag:s13], $0xE000;
	(pc) =	sbr.rel @p0 .LBB2_1-.Ltmp1, $4  }
0xc5: {  	[sflag:s13] =	ssyncset.done $0x0  }
0xc6: {  	[sflag:s13] =	ssyncadd.s32 $0xFFFF2000  }
0xc7: {  	_ =	swait.ge [sflag:s16], $0xE000  }
0xc8: {  	[sflag:s16] =	ssyncset.done $0x0  }
.LBB2_2:
0xc9: {  	[sflag:s16] =	ssyncadd.s32 $0xFFFF2000  }
0xca: {  	_ =	sfence.sel $0x180000  }
0xcb: {  	[bflag:$0x0] =	sbarrier.arrive $0xFFFF  }
0xcc: {  	p0 =	sne.s32 s0, $0x0;
	_ =	strace $0x90000050  }
0xcd: {  	s0 =	sadd.s32 @!p0 $0x100000, s1;
	[bflag:$0x2] =	sbarrier.arrive $0xFFFF  }
0xce: {  	[sflag:s0] =	ssyncadd.tile.s32 @!p0 $0x1;
	_ =	shalt  }
.Lfunc_end2:
_tile_overlayer_lowered:
.L_overlay_start_2:
0xcf: {  	(tag) =	ssettag $0x2  }
0xd0: {  	s0 =	rddreg [dreg:$0x0];
	s2 =	stileid.u32  }
0xd1: {  	s1 =	rddreg [dreg:$0x1];
	p0 =	sne.s32 s2, $0x0  }
0xd2: {  	s3 =	rddreg [dreg:$0x2];
	[bflag:$0x3] =	sbarrier.arrive $0xFFFF;
	s2 =	simm.s32 @!p0 $0x1C05  }
0xd3: {  	[timem:s3], [sflag:s2] =	dma.local @!p0 [hbm:s0], s1  }
0xd4: {  	s0 =	simm.s32 @!p0 $0x5  }
0xd5: {  	_ =	swait.ge @!p0 [sflag:s0], s1  }
0xd6: {  	s1 =	ssub.s32 @!p0 $0x0, s1;
	[sflag:s0] =	ssyncset.done @!p0 $0x0  }
0xd7: {  	[sflag:s0] =	ssyncadd.s32 @!p0 s1  }
0xd8: {  	[bflag:$0x3] =	sbarrier.arrive $0xFFFF  }
0xd9: {  	_ =	shalt  }

// kernel: kernel.26.cloned.1.call-start
scs
__scs_entry_jumppad:
0x0: {  	(pc) =	sbr.rel $0x88, $3  }
0x1: {  	(tag) =	ssettag $0x0;
	lr =	simm.s32 $0x1  }
0x2: {  	[smem:$0x3F9F] =	sst lr;
	_ =	strace $0xD0000000  }
0x3: {  	_ = 	snop  }
0x4: {  	_ = 	snop  }
0x5: {  	_ = 	snop  }
0x6: {  	_ = 	snop  }
0x7: {  	_ = 	snop  }
__scs_overlays_trampoline_lowered:
0x8: {  	[smem:$0x3FAE] =	sst s0  }
0x9: {  	[smem:$0x3FAF] =	sst s1  }
0xa: {  	[smem:$0x3FB0] =	sst s2  }
0xb: {  	[smem:$0x3FB1] =	sst s3  }
0xc: {  	[smem:$0x3FB2] =	sst s4  }
0xd: {  	[smem:$0x3FB3] =	sst s5  }
0xe: {  	[smem:$0x3FB4] =	sst s6  }
0xf: {  	[smem:$0x3FB5] =	sst s7  }
0x10: {  	[smem:$0x3FB6] =	sst s8  }
0x11: {  	[smem:$0x3FB7] =	sst s9;
	s0 =	simm.s32 @!p0 $0x0  }
0x12: {  	s1 =	sld [smem:$0x3F9D];
	s0 =	simm.s32 @p0 $0x1  }
0x13: {  	[smem:$0x3FB8] =	sst s0;
	s0 =	simm.s32 @!p1 $0x0  }
0x14: {  	s2 =	sld [smem:$0x3F9C];
	s0 =	simm.s32 @p1 $0x1  }
0x15: {  	[smem:$0x3FB9] =	sst s0;
	s0 =	simm.s32 @!p2 $0x0  }
0x16: {  	s3 =	sld [smem:$0x3FDB];
	s0 =	simm.s32 @p2 $0x1  }
0x17: {  	s4 =	simm.s32 $0x1BF5;
	[smem:$0x3FBB] =	sst s0  }
0x18: {  	s0 =	sld [smem:$0x3F9E];
	_ =	swait.ge [sflag:s4], $0x0  }
0x19: {  	s7 =	sld [smem:$0x3F9F]  }
0x1a: {  	s8 =	sadd.s32 $0xFFFFE003, lr  }
0x1b: {  	s9 =	sadd.s32 $0xFFFFFEF7, lr;
	s5 =	simm.s32 $0xFFFFFFFF;
	p2 =	slt.u32 s8, $0xFFFFF086  }
0x1c: {  	p1 =	slt.u32 s9, $0xF7A;
	s5 =	simm.s32 @!p2 $0x0  }
0x1d: {  	s5 =	simm.s32 @p1 $0x1;
	p0 =	seq.s32 s7, s2  }
0x1e: {  	s7 =	smul.u32 @!p0 $0xF7A, s2;
	p2 =	seq.s32 @!p0 s5, $0x0  }
0x1f: {  	s9 =	smul.u32 $0xF7A, s1;
	s8 =	simm.s32 @!p0 $0x1BF5;
	p2 =	por !p2, p0  }
0x20: {  	[sflag:s8] =	ssyncset.s32 @!p0 $0xFFFFF086;
	s6 =	sadd.s32 @!p0 s3, s7;
	s7 =	simm.s32 @!p0 $0x108  }
0x21: {  	s3 =	sadd.s32 s3, s9;
	s6 =	sadd.s32 @!p0 $0x88, s6;
	s7 =	simm.s32 @p2 $0x1082  }
0x22: {  	[simem:s7], [sflag:s8] =	dma.local @!p0 [hbm:s6], $0xF7A  }
0x23: {  	s9 =	sor.u32 $0xD0000000, s2;
	s6 =	simm.s32 $0x108;
	_ =	swait.ge @!p0 [sflag:s8], $0x0  }
0x24: {  	s3 =	sadd.s32 $0x88, s3;
	s6 =	simm.s32 @!p1 $0x1082;
	[sflag:s4] =	ssyncset.s32 $0xFFFFF086  }
0x25: {  	[simem:s6], [sflag:s4] =	dma.local [hbm:s3], $0xF7A  }
0x26: {  	[smem:$0x3F9F] =	sst s1;
	(tag) =	ssettag s2;
	_ =	strace s9  }
0x27: {  	s1 =	sld [smem:$0x3FAF]  }
0x28: {  	s2 =	sld [smem:$0x3FB0]  }
0x29: {  	s4 =	sld [smem:$0x3FB2]  }
0x2a: {  	p0 =	seq.s32 s5, $0x0;
	s5 =	sld [smem:$0x3FB3]  }
0x2b: {  	s6 =	sld [smem:$0x3FB4]  }
0x2c: {  	s7 =	sld [smem:$0x3FB5]  }
0x2d: {  	s3 =	simm.s32 $0x108;
	s8 =	sld [smem:$0x3FB6]  }
0x2e: {  	s3 =	simm.s32 @!p0 $0x1082;
	s9 =	sld [smem:$0x3FB7]  }
0x2f: {  	lr =	sadd.s32 s0, s3;
	s0 =	sld [smem:$0x3FAE]  }
0x30: {  	s3 =	sld [smem:$0x3FB1]  }
0x31: {  	[smem:$0x3FBA] =	sst s10  }
0x32: {  	s10 =	sld [smem:$0x3FB8];
	_ =	sdelay $0x3  }
0x33: {  	p0 =	seq.s32 s10, $0x1;
	s10 =	sld [smem:$0x3FBA];
	_ =	sdelay $0x3  }
0x34: {  	[smem:$0x3FBA] =	sst s10  }
0x35: {  	s10 =	sld [smem:$0x3FB9];
	_ =	sdelay $0x3  }
0x36: {  	p1 =	seq.s32 s10, $0x1;
	s10 =	sld [smem:$0x3FBA];
	_ =	sdelay $0x3  }
0x37: {  	[smem:$0x3FBA] =	sst s10  }
0x38: {  	s10 =	sld [smem:$0x3FBB]  }
0x39: {  	_ = 	snop;
	(pc) =	sbr.ind lr, $3  }
0x3a: {  	_ = 	snop  }
0x3b: {  	_ = 	snop  }
0x3c: {  	p2 =	seq.s32 s10, $0x1;
	s10 =	sld [smem:$0x3FBA]  }
0x3d: {  	_ =	shalt  }
0x3e: {  	_ =	shalt  }
0x3f: {  	_ =	shalt  }
0x40: {  	_ =	shalt  }
0x41: {  	_ =	shalt  }
0x42: {  	_ =	shalt  }
0x43: {  	_ =	shalt  }
0x44: {  	_ =	shalt  }
0x45: {  	_ =	shalt  }
0x46: {  	_ =	shalt  }
0x47: {  	_ =	shalt  }
0x48: {  	_ =	shalt  }
0x49: {  	_ =	shalt  }
0x4a: {  	_ =	shalt  }
0x4b: {  	_ =	shalt  }
0x4c: {  	_ =	shalt  }
0x4d: {  	_ =	shalt  }
0x4e: {  	_ =	shalt  }
0x4f: {  	_ =	shalt  }
0x50: {  	_ =	shalt  }
0x51: {  	_ =	shalt  }
0x52: {  	_ =	shalt  }
0x53: {  	_ =	shalt  }
0x54: {  	_ =	shalt  }
0x55: {  	_ =	shalt  }
0x56: {  	_ =	shalt  }
0x57: {  	_ =	shalt  }
0x58: {  	_ =	shalt  }
0x59: {  	_ =	shalt  }
0x5a: {  	_ =	shalt  }
0x5b: {  	_ =	shalt  }
0x5c: {  	_ =	shalt  }
0x5d: {  	_ =	shalt  }
0x5e: {  	_ =	shalt  }
0x5f: {  	_ =	shalt  }
0x60: {  	_ =	shalt  }
0x61: {  	_ =	shalt  }
0x62: {  	_ =	shalt  }
0x63: {  	_ =	shalt  }
0x64: {  	_ =	shalt  }
0x65: {  	_ =	shalt  }
0x66: {  	_ =	shalt  }
0x67: {  	_ =	shalt  }
0x68: {  	_ =	shalt  }
0x69: {  	_ =	shalt  }
0x6a: {  	_ =	shalt  }
0x6b: {  	_ =	shalt  }
0x6c: {  	_ =	shalt  }
0x6d: {  	_ =	shalt  }
0x6e: {  	_ =	shalt  }
0x6f: {  	_ =	shalt  }
0x70: {  	_ =	shalt  }
0x71: {  	_ =	shalt  }
0x72: {  	_ =	shalt  }
0x73: {  	_ =	shalt  }
0x74: {  	_ =	shalt  }
0x75: {  	_ =	shalt  }
0x76: {  	_ =	shalt  }
0x77: {  	_ =	shalt  }
0x78: {  	_ =	shalt  }
0x79: {  	_ =	shalt  }
0x7a: {  	_ =	shalt  }
0x7b: {  	_ =	shalt  }
0x7c: {  	_ =	shalt  }
0x7d: {  	_ =	shalt  }
0x7e: {  	_ =	shalt  }
0x7f: {  	_ =	shalt  }
0x80: {  	_ =	shalt  }
0x81: {  	_ =	shalt  }
0x82: {  	_ =	shalt  }
0x83: {  	_ =	shalt  }
0x84: {  	_ =	shalt  }
0x85: {  	_ =	shalt  }
0x86: {  	_ =	shalt  }
0x87: {  	_ =	shalt  }
.Lfunc_end0:
.L_simem_size_0:
called_computation.5_lowered:
.L_overlay_start_0:
0x88: {  	s2 =	sld [smem:$0x3FD9]  }
0x89: {  	s3 =	sld [smem:$0x3FFE];
	_ =	sdelay $0x1  }
0x8a: {  	s1 =	srdreg.scid  }
0x8b: {  	s0 =	sand.u32 $0x1, s1  }
0x8c: {  	s17 =	sshll.u32 s0, $0xA;
	s2 =	sadd.s32 s3, s2  }
0x8d: {  	s2 =	sadd.s32 s2, s17  }
0x8e: {  	[smem:$0x3FC6] =	sst s2  }
0x8f: {  	_ = 	snop  }
0x90: {  	(tm) =	ssettm $0x1  }
0x91: {  	s18 =	sld [smem:$0x3FFB];
	_ =	sdelay $0x3  }
0x92: {  	_ =	strace s18  }
0x93: {  	s2 =	sld [smem:$0x3FFC];
	_ =	sdelay $0x3  }
0x94: {  	_ =	strace s2  }
0x95: {  	s2 =	sld [smem:$0x3FFD];
	_ =	sdelay $0x3  }
0x96: {  	_ =	strace s2  }
0x97: {  	_ =	strace $0x8FFFFFFF  }
0x98: {  	s19 =	sld [smem:$0x3FDB];
	_ =	sdelay $0x1  }
0x99: {  	s20 =	simm.s32 $_scs_section_size  }
0x9a: {  	s4 =	simm.s32 $_size__tile_overlayer_lowered;
	s5 =	simm.s32 $_tile_overlayer_lowered  }
0x9b: {  	s6 =	simm.s32 $0x1BFF;
	s21 =	sshll.u32 s5, $0x1;
	s3 =	sadd.s32 s20, s19  }
0x9c: {  	s22 =	simm.s32 $0x0;
	s4 =	sshll.u32 s4, $0x1;
	s5 =	sadd.s32 s21, s3  }
0x9d: {  	[timem:s22], [sflag:s6] =	dma.local [hbm:s5], s4  }
0x9e: {  	_ =	swait.ge [sflag:s6], s4  }
0x9f: {  	s4 =	ssub.s32 $0x0, s4;
	[sflag:s6] =	ssyncset.done $0x0  }
0xa0: {  	[sflag:s6] =	ssyncadd.s32 s4;
	_ =	sdelay $0x1  }
0xa1: {  	s23 =	simm.s32 $0x1B8B  }
0xa2: {  	_ =	swait.ge [sflag:s23], $0x1  }
0xa3: {  	[sflag:s23] =	ssyncset.done $0x0  }
0xa4: {  	[sflag:s23] =	ssyncadd.s32 $0xFFFFFFFF  }
0xa5: {  	s4 =	sld [smem:$0x0]  }
0xa6: {  	s5 =	sand.u32 $0xFFFFFFFE, s1  }
0xa7: {  	p0 =	sne.s32 s1, s5  }
0xa8: {  	s5 =	sshll.u32 @p0 s5, $0xE  }
0xa9: {  	s5 =	sadd.s32 @p0 $0x11B8D, s5;
	s6 =	sshll.u32 @p0 s4, $0x11  }
0xaa: {  	s5 =	sor.u32 @p0 s6, s5  }
0xab: {  	[sflag:s5] =	ssyncadd.remote.s32 @p0 $0x1;
	_ =	sdelay $0x1  }
0xac: {  	s5 =	simm.s32 @p0 $0x1B8D  }
0xad: {  	_ =	swait.eq @p0 [sflag:s5], $0x1  }
0xae: {  	[sflag:s5] =	ssyncadd.s32 @p0 $0xFFFFFFFF  }
0xaf: {  	s6 =	sshll.u32 @!p0 s1, $0xE  }
0xb0: {  	s6 =	sor.u32 @!p0 $0x4000, s6;
	s5 =	simm.s32 @!p0 $0x1B8D  }
0xb1: {  	s4 =	sshll.u32 @!p0 s4, $0x11;
	s6 =	sadd.s32 @!p0 $0x11B8D, s6;
	_ =	swait.eq @!p0 [sflag:s5], $0x1  }
0xb2: {  	s4 =	sor.u32 @!p0 s4, s6;
	[sflag:s5] =	ssyncadd.s32 @!p0 $0xFFFFFFFF  }
0xb3: {  	s25 =	simm.s32 $0x1B8E;
	s24 =	sld [smem:$0x3FFE];
	[sflag:s4] =	ssyncadd.remote.s32 @!p0 $0x1  }
0xb4: {  	s26 =	simm.s32 $execute0_lowered;
	[smem:$0x3FD2] =	sst s25  }
0xb5: {  	s5 =	sshll.u32 s26, $0x1;
	_ =	strace $0x8000004C;
	[dreg:$0x1] =	wrdreg $0xFFFFFFFF  }
0xb6: {  	s28 =	simm.s32 $_size_execute0_lowered;
	s3 =	sadd.s32 s3, s5;
	[dreg:$0x0] =	wrdreg $0x0  }
0xb7: {  	s5 =	sshll.u32 s28, $0x1;
	[dreg:$0x2] =	wrdreg s3  }
0xb8: {  	[dreg:$0x3] =	wrdreg s5  }
0xb9: {  	[dreg:$0x4] =	wrdreg $0xC0  }
0xba: {  	_ =	task [dreg:s22], $0x5FFFF  }
0xbb: {  	[dreg:$0x1] =	wrdreg $0xFFFFFFFF  }
0xbc: {  	[dreg:$0x0] =	wrdreg $0x60  }
0xbd: {  	[dreg:$0x2] =	wrdreg s24  }
0xbe: {  	[dreg:$0x3] =	wrdreg $0xE  }
0xbf: {  	_ =	task.clear_ibuf [dreg:s22], $0x4FFFF;
	_ =	strace $0x9000004C  }
0xc0: {  	s29 =	simm.s32 $0xE;
	_ =	strace $0x8000004E  }
0xc1: {  	_ =	swait.ge [sflag:s29], $0x1  }
0xc2: {  	[sflag:s29] =	ssyncadd.s32 $0xFFFFFFFF  }
0xc3: {  	_ =	strace $0x9000004E  }
0xc4: {  	_ =	sfence  }
0xc5: {  	s30 =	sld [smem:$0x0];
	_ =	sdelay $0x2  }
0xc6: {  	s31 =	sshll.u32 s1, $0xD;
	s1 =	sshrl.u32 s1, $0x2  }
0xc7: {  	s4 =	sand.u32 $0x4000, s31;
	s1 =	sadd.s32 s1, s30  }
0xc8: {  	s0 =	sor.u32 s4, s0;
	s1 =	sshll.u32 s1, $0x11  }
0xc9: {  	s0 =	sor.u32 s1, s0  }
0xca: {  	s0 =	sadd.s32 $0x8F2B, s0  }
0xcb: {  	[sflag:s0] =	ssyncadd.remote.s32 $0x1  }
0xcc: {  	_ =	sfence.sel $0xFFFF  }
0xcd: {  	[dreg:$0x0] =	wrdreg $0xFFFFFFFF;
	(pc) =	sbr.abs _section_cstart, $3  }
0xce: {  	[dreg:$0x1] =	wrdreg $0xFFFFFFFF  }
0xcf: {  	_ =	task.clear_ibuf [dreg:s22], $0x2FFFF;
	_ =	strace $0x9FFFFFFF  }
0xd0: {  	(tm) =	ssettm $0x7FFFFFFF  }
0xd1: {  	_ =	shalt  }
tec
execute0_lowered:
.L_overlay_start_1:
0x0: {  	(tag) =	ssettag $0x1  }
0x1: {  	s1 =	srdreg.scid;
	s0 =	stileid.u32  }
0x2: {  	s29 =	sand.u32 $0x1, s1;
	s31 =	sshll.u32 s0, $0x1  }
0x3: {  	s19 =	sor.u32 s29, s31  }
0x4: {  	s3 =	smul.u32 $0xE00, s19;
	_ =	sdelay $0x1  }
0x5: {  	s12 =	rddreg [dreg:$0x0];
	s2 =	simm.s32 $0x0;
	s3 =	sshrl.u32 s3, $0x3  }
0x6: {  	s4 =	simm.s32 $0x5;
	[smem:$0x7FF] =	sst s2;
	s26 =	sadd.s32 s3, s12  }
0x7: {  	s1 =	rddreg [dreg:$0x1];
	_ =	strace $0x8000004D;
	s3 =	sadd.s32 $0x17000, s26  }
0x8: {  	[tilespmem:s2], [sflag:$0x5] =	stream.linear.gather [hbm4b:s3+s2], $0x1C0, $0x38;
	[tilespmem:$0x1C400] =	vst v63  }
0x9: {  	_ =	swait.ge [sflag:s4], $0x1C0  }
0xa: {  	s6 =	simm.s32 $0x1C0;
	[sflag:s4] =	ssyncset.done $0x0  }
0xb: {  	s7 =	simm.s32 $0x400;
	s5 =	sadd.s32 $0x21800, s12;
	[sflag:s4] =	ssyncadd.s32 $0xFFFFFE40  }
0xc: {  	[tilespmem:s7], [sflag:$0x1] =	stream.indirect.gather [hbm4b:s5+s6], $0x80, s2, s6, $0xb8;
	[tilespmem:$0x1C400] =	vst v63  }
0xd: {  	s9 =	simm.s32 $0x200;
	s8 =	sadd.s32 $0x17038, s26  }
0xe: {  	[tilespmem:s9], [sflag:$0x5] =	stream.linear.gather [hbm4b:s8+s2], $0x1C0, $0x38;
	[tilespmem:$0x1C400] =	vst v63  }
0xf: {  	_ =	swait.ge [sflag:s4], $0x1C0  }
0x10: {  	[sflag:s4] =	ssyncset.done $0x0  }
0x11: {  	s10 =	simm.s32 $0xE400;
	s11 =	simm.s32 $0x1;
	[sflag:s4] =	ssyncadd.s32 $0xFFFFFE40  }
0x12: {  	[tilespmem:s10], [sflag:$0x2] =	stream.indirect.gather [hbm4b:s5+s6], $0x80, s9, s6, $0xb8;
	[tilespmem:$0x1C400] =	vst v63  }
0x13: {  	s13 =	smul.u32 $0xE000, s19;
	_ =	swait.ge [sflag:s11], $0xE000  }
0x14: {  	s20 =	sadd.s32 $0x12E3C00, s12;
	[sflag:s11] =	ssyncset.done $0x0  }
0x15: {  	s12 =	sadd.s32 s20, s13;
	s13 =	simm.s32 $0x3;
	[sflag:s11] =	ssyncadd.s32 $0xFFFF2000  }
0x16: {  	[hbm4b:s12+s2] =	stream.linear.scatter [tilespmem:s7], [sflag:$0x3], $0xE000, $0x38;
	[tilespmem:$0x1C400] =	vst v63  }
0x17: {  	_ =	swait.ge [sflag:s13], $0xE000  }
0x18: {  	[sflag:s13] =	ssyncset.done $0x0  }
0x19: {  	s14 =	sadd.s32 $0x17070, s26;
	[sflag:s13] =	ssyncadd.s32 $0xFFFF2000  }
0x1a: {  	[tilespmem:s2], [sflag:$0x5] =	stream.linear.gather [hbm4b:s14+s2], $0x1C0, $0x38;
	[tilespmem:$0x1C400] =	vst v63  }
0x1b: {  	_ =	swait.ge [sflag:s4], $0x1C0  }
0x1c: {  	[sflag:s4] =	ssyncset.done $0x0  }
0x1d: {  	s15 =	simm.s32 $0x2;
	[sflag:s4] =	ssyncadd.s32 $0xFFFFFE40  }
0x1e: {  	[tilespmem:s7], [sflag:$0x1] =	stream.indirect.gather [hbm4b:s5+s6], $0x80, s2, s6, $0xb8;
	[tilespmem:$0x1C400] =	vst v63  }
0x1f: {  	_ =	swait.ge [sflag:s15], $0xE000  }
0x20: {  	[sflag:s15] =	ssyncset.done $0x0  }
0x21: {  	s16 =	simm.s32 $0x4;
	s17 =	sadd.s32 $0x1C00, s12;
	[sflag:s15] =	ssyncadd.s32 $0xFFFF2000  }
0x22: {  	[hbm4b:s17+s2] =	stream.linear.scatter [tilespmem:s10], [sflag:$0x4], $0xE000, $0x38;
	[tilespmem:$0x1C400] =	vst v63  }
0x23: {  	_ =	swait.ge [sflag:s16], $0xE000  }
0x24: {  	[sflag:s16] =	ssyncset.done $0x0  }
0x25: {  	s18 =	sadd.s32 $0x170A8, s26;
	[sflag:s16] =	ssyncadd.s32 $0xFFFF2000  }
0x26: {  	[tilespmem:s9], [sflag:$0x5] =	stream.linear.gather [hbm4b:s18+s2], $0x1C0, $0x38;
	[tilespmem:$0x1C400] =	vst v63  }
0x27: {  	_ =	swait.ge [sflag:s4], $0x1C0  }
0x28: {  	[sflag:s4] =	ssyncset.done $0x0  }
0x29: {  	s19 =	smul.u32 $0x70000, s19;
	[sflag:s4] =	ssyncadd.s32 $0xFFFFFE40  }
0x2a: {  	[tilespmem:s10], [sflag:$0x2] =	stream.indirect.gather [hbm4b:s5+s6], $0x80, s9, s6, $0xb8;
	[tilespmem:$0x1C400] =	vst v63  }
0x2b: {  	s19 =	sshrl.u32 s19, $0x3;
	_ =	swait.ge [sflag:s11], $0xE000  }
0x2c: {  	s30 =	sadd.s32 s20, s19;
	[sflag:s11] =	ssyncset.done $0x0  }
0x2d: {  	s19 =	sadd.s32 $0x3800, s30;
	[sflag:s11] =	ssyncadd.s32 $0xFFFF2000  }
0x2e: {  	[hbm4b:s19+s2] =	stream.linear.scatter [tilespmem:s7], [sflag:$0x3], $0xE000, $0x38;
	[tilespmem:$0x1C400] =	vst v63  }
0x2f: {  	_ =	swait.ge [sflag:s13], $0xE000  }
0x30: {  	[sflag:s13] =	ssyncset.done $0x0  }
0x31: {  	s20 =	sadd.s32 $0x170E0, s26;
	[sflag:s13] =	ssyncadd.s32 $0xFFFF2000  }
0x32: {  	[tilespmem:s2], [sflag:$0x5] =	stream.linear.gather [hbm4b:s20+s2], $0x1C0, $0x38;
	[tilespmem:$0x1C400] =	vst v63  }
0x33: {  	_ =	swait.ge [sflag:s4], $0x1C0  }
0x34: {  	[sflag:s4] =	ssyncset.done $0x0  }
0x35: {  	[sflag:s4] =	ssyncadd.s32 $0xFFFFFE40  }
0x36: {  	[tilespmem:s7], [sflag:$0x1] =	stream.indirect.gather [hbm4b:s5+s6], $0x80, s2, s6, $0xb8;
	[tilespmem:$0x1C400] =	vst v63  }
0x37: {  	_ =	swait.ge [sflag:s15], $0xE000  }
0x38: {  	[sflag:s15] =	ssyncset.done $0x0  }
0x39: {  	s21 =	sadd.s32 $0x5400, s30;
	[sflag:s15] =	ssyncadd.s32 $0xFFFF2000  }
0x3a: {  	[hbm4b:s21+s2] =	stream.linear.scatter [tilespmem:s10], [sflag:$0x4], $0xE000, $0x38;
	[tilespmem:$0x1C400] =	vst v63  }
0x3b: {  	_ =	swait.ge [sflag:s16], $0xE000  }
0x3c: {  	[sflag:s16] =	ssyncset.done $0x0  }
0x3d: {  	s22 =	sadd.s32 $0x17118, s26;
	[sflag:s16] =	ssyncadd.s32 $0xFFFF2000  }
0x3e: {  	[tilespmem:s9], [sflag:$0x5] =	stream.linear.gather [hbm4b:s22+s2], $0x1C0, $0x38;
	[tilespmem:$0x1C400] =	vst v63  }
0x3f: {  	_ =	swait.ge [sflag:s4], $0x1C0  }
0x40: {  	[sflag:s4] =	ssyncset.done $0x0  }
0x41: {  	[sflag:s4] =	ssyncadd.s32 $0xFFFFFE40  }
0x42: {  	[tilespmem:s10], [sflag:$0x2] =	stream.indirect.gather [hbm4b:s5+s6], $0x80, s9, s6, $0xb8;
	[tilespmem:$0x1C400] =	vst v63  }
0x43: {  	_ =	swait.ge [sflag:s11], $0xE000  }
0x44: {  	[sflag:s11] =	ssyncset.done $0x0  }
0x45: {  	s23 =	sadd.s32 $0x7000, s30;
	[sflag:s11] =	ssyncadd.s32 $0xFFFF2000  }
0x46: {  	[hbm4b:s23+s2] =	stream.linear.scatter [tilespmem:s7], [sflag:$0x3], $0xE000, $0x38;
	[tilespmem:$0x1C400] =	vst v63  }
0x47: {  	_ =	swait.ge [sflag:s13], $0xE000  }
0x48: {  	[sflag:s13] =	ssyncset.done $0x0  }
0x49: {  	s24 =	sadd.s32 $0x17150, s26;
	[sflag:s13] =	ssyncadd.s32 $0xFFFF2000  }
0x4a: {  	[tilespmem:s2], [sflag:$0x5] =	stream.linear.gather [hbm4b:s24+s2], $0x1C0, $0x38;
	[tilespmem:$0x1C400] =	vst v63  }
0x4b: {  	_ =	swait.ge [sflag:s4], $0x1C0  }
0x4c: {  	[sflag:s4] =	ssyncset.done $0x0  }
0x4d: {  	[sflag:s4] =	ssyncadd.s32 $0xFFFFFE40  }
0x4e: {  	[tilespmem:s7], [sflag:$0x1] =	stream.indirect.gather [hbm4b:s5+s6], $0x80, s2, s6, $0xb8;
	[tilespmem:$0x1C400] =	vst v63  }
0x4f: {  	_ =	swait.ge [sflag:s15], $0xE000  }
0x50: {  	[sflag:s15] =	ssyncset.done $0x0  }
0x51: {  	s25 =	sadd.s32 $0x8C00, s30;
	[sflag:s15] =	ssyncadd.s32 $0xFFFF2000  }
0x52: {  	[hbm4b:s25+s2] =	stream.linear.scatter [tilespmem:s10], [sflag:$0x4], $0xE000, $0x38;
	[tilespmem:$0x1C400] =	vst v63  }
0x53: {  	_ =	swait.ge [sflag:s16], $0xE000  }
0x54: {  	[sflag:s16] =	ssyncset.done $0x0  }
0x55: {  	s26 =	sadd.s32 $0x17188, s26;
	[sflag:s16] =	ssyncadd.s32 $0xFFFF2000  }
0x56: {  	[tilespmem:s9], [sflag:$0x5] =	stream.linear.gather [hbm4b:s26+s2], $0x1C0, $0x38;
	[tilespmem:$0x1C400] =	vst v63  }
0x57: {  	_ =	swait.ge [sflag:s4], $0x1C0  }
0x58: {  	[sflag:s4] =	ssyncset.done $0x0  }
0x59: {  	[sflag:s4] =	ssyncadd.s32 $0xFFFFFE40  }
0x5a: {  	[tilespmem:s10], [sflag:$0x2] =	stream.indirect.gather [hbm4b:s5+s6], $0x80, s9, s6, $0xb8;
	[tilespmem:$0x1C400] =	vst v63  }
0x5b: {  	_ =	swait.ge [sflag:s11], $0xE000  }
0x5c: {  	s31 =	ssub.s32 $0x2, s29;
	s28 =	sadd.s32 $0xA800, s30;
	[sflag:s11] =	ssyncset.done $0x0  }
0x5d: {  	s29 =	sadd.s32 $0xC400, s30;
	s30 =	sshrl.u32 s31, $0x1;
	[sflag:s11] =	ssyncadd.s32 $0xFFFF2000  }
0x5e: {  	[hbm4b:s28+s2] =	stream.linear.scatter [tilespmem:s7], [sflag:$0x3], $0xE000, $0x38;
	[tilespmem:$0x1C400] =	vst v63  }
0x5f: {  	s30 =	ssub.s32 s31, s30;
	_ =	swait.ge [sflag:s15], $0xE000  }
0x60: {  	s30 =	smax.u32 s30, $0x1;
	[sflag:s15] =	ssyncset.done $0x0  }
0x61: {  	p0 =	sne.s32 s30, $0x1;
	[sflag:s15] =	ssyncadd.s32 $0xFFFF2000  }
0x62: {  	[hbm4b:s29+s2] =	stream.linear.scatter [tilespmem:s10], [sflag:$0x4], $0xE000, $0x38;
	[tilespmem:$0x1C400] =	vst v63  }
.Ltmp0:
0x63: {  	_ =	swait.ge [sflag:s13], $0xE000;
	(pc) =	sbr.rel @!p0 .LBB2_2-.Ltmp0, $4  }
0x64: {  	[sflag:s13] =	ssyncset.done $0x0  }
0x65: {  	[sflag:s13] =	ssyncadd.s32 $0xFFFF2000  }
0x66: {  	_ =	swait.ge [sflag:s16], $0xE000  }
0x67: {  	s30 =	sadd.s32 $0xFFFFFFFF, s30;
	[sflag:s16] =	ssyncset.done $0x0  }
.LBB2_1:
0x68: {  	p0 =	sne.s32 s30, $0x1;
	s30 =	sadd.s32 $0xFFFFFFFF, s30;
	[sflag:s16] =	ssyncadd.s32 $0xFFFF2000  }
0x69: {  	[tilespmem:s2], [sflag:$0x5] =	stream.linear.gather [hbm4b:s3+s2], $0x1C0, $0x38;
	[tilespmem:$0x1C400] =	vst v63  }
0x6a: {  	_ =	swait.ge [sflag:s4], $0x1C0  }
0x6b: {  	[sflag:s4] =	ssyncset.done $0x0  }
0x6c: {  	[sflag:s4] =	ssyncadd.s32 $0xFFFFFE40  }
0x6d: {  	[tilespmem:s7], [sflag:$0x1] =	stream.indirect.gather [hbm4b:s5+s6], $0x80, s2, s6, $0xb8;
	[tilespmem:$0x1C400] =	vst v63  }
0x6e: {  	_ = 	snop  }
0x6f: {  	[tilespmem:s9], [sflag:$0x5] =	stream.linear.gather [hbm4b:s8+s2], $0x1C0, $0x38;
	[tilespmem:$0x1C400] =	vst v63  }
0x70: {  	_ =	swait.ge [sflag:s4], $0x1C0  }
0x71: {  	[sflag:s4] =	ssyncset.done $0x0  }
0x72: {  	[sflag:s4] =	ssyncadd.s32 $0xFFFFFE40  }
0x73: {  	[tilespmem:s10], [sflag:$0x2] =	stream.indirect.gather [hbm4b:s5+s6], $0x80, s9, s6, $0xb8;
	[tilespmem:$0x1C400] =	vst v63  }
0x74: {  	_ =	swait.ge [sflag:s11], $0xE000  }
0x75: {  	[sflag:s11] =	ssyncset.done $0x0  }
0x76: {  	[sflag:s11] =	ssyncadd.s32 $0xFFFF2000  }
0x77: {  	[hbm4b:s12+s2] =	stream.linear.scatter [tilespmem:s7], [sflag:$0x3], $0xE000, $0x38;
	[tilespmem:$0x1C400] =	vst v63  }
0x78: {  	_ =	swait.ge [sflag:s13], $0xE000  }
0x79: {  	[sflag:s13] =	ssyncset.done $0x0  }
0x7a: {  	[sflag:s13] =	ssyncadd.s32 $0xFFFF2000  }
0x7b: {  	[tilespmem:s2], [sflag:$0x5] =	stream.linear.gather [hbm4b:s14+s2], $0x1C0, $0x38;
	[tilespmem:$0x1C400] =	vst v63  }
0x7c: {  	_ =	swait.ge [sflag:s4], $0x1C0  }
0x7d: {  	[sflag:s4] =	ssyncset.done $0x0  }
0x7e: {  	[sflag:s4] =	ssyncadd.s32 $0xFFFFFE40  }
0x7f: {  	[tilespmem:s7], [sflag:$0x1] =	stream.indirect.gather [hbm4b:s5+s6], $0x80, s2, s6, $0xb8;
	[tilespmem:$0x1C400] =	vst v63  }
0x80: {  	_ =	swait.ge [sflag:s15], $0xE000  }
0x81: {  	[sflag:s15] =	ssyncset.done $0x0  }
0x82: {  	[sflag:s15] =	ssyncadd.s32 $0xFFFF2000  }
0x83: {  	[hbm4b:s17+s2] =	stream.linear.scatter [tilespmem:s10], [sflag:$0x4], $0xE000, $0x38;
	[tilespmem:$0x1C400] =	vst v63  }
0x84: {  	_ =	swait.ge [sflag:s16], $0xE000  }
0x85: {  	[sflag:s16] =	ssyncset.done $0x0  }
0x86: {  	[sflag:s16] =	ssyncadd.s32 $0xFFFF2000  }
0x87: {  	[tilespmem:s9], [sflag:$0x5] =	stream.linear.gather [hbm4b:s18+s2], $0x1C0, $0x38;
	[tilespmem:$0x1C400] =	vst v63  }
0x88: {  	_ =	swait.ge [sflag:s4], $0x1C0  }
0x89: {  	[sflag:s4] =	ssyncset.done $0x0  }
0x8a: {  	[sflag:s4] =	ssyncadd.s32 $0xFFFFFE40  }
0x8b: {  	[tilespmem:s10], [sflag:$0x2] =	stream.indirect.gather [hbm4b:s5+s6], $0x80, s9, s6, $0xb8;
	[tilespmem:$0x1C400] =	vst v63  }
0x8c: {  	_ =	swait.ge [sflag:s11], $0xE000  }
0x8d: {  	[sflag:s11] =	ssyncset.done $0x0  }
0x8e: {  	[sflag:s11] =	ssyncadd.s32 $0xFFFF2000  }
0x8f: {  	[hbm4b:s19+s2] =	stream.linear.scatter [tilespmem:s7], [sflag:$0x3], $0xE000, $0x38;
	[tilespmem:$0x1C400] =	vst v63  }
0x90: {  	_ =	swait.ge [sflag:s13], $0xE000  }
0x91: {  	[sflag:s13] =	ssyncset.done $0x0  }
0x92: {  	[sflag:s13] =	ssyncadd.s32 $0xFFFF2000  }
0x93: {  	[tilespmem:s2], [sflag:$0x5] =	stream.linear.gather [hbm4b:s20+s2], $0x1C0, $0x38;
	[tilespmem:$0x1C400] =	vst v63  }
0x94: {  	_ =	swait.ge [sflag:s4], $0x1C0  }
0x95: {  	[sflag:s4] =	ssyncset.done $0x0  }
0x96: {  	[sflag:s4] =	ssyncadd.s32 $0xFFFFFE40  }
0x97: {  	[tilespmem:s7], [sflag:$0x1] =	stream.indirect.gather [hbm4b:s5+s6], $0x80, s2, s6, $0xb8;
	[tilespmem:$0x1C400] =	vst v63  }
0x98: {  	_ =	swait.ge [sflag:s15], $0xE000  }
0x99: {  	[sflag:s15] =	ssyncset.done $0x0  }
0x9a: {  	[sflag:s15] =	ssyncadd.s32 $0xFFFF2000  }
0x9b: {  	[hbm4b:s21+s2] =	stream.linear.scatter [tilespmem:s10], [sflag:$0x4], $0xE000, $0x38;
	[tilespmem:$0x1C400] =	vst v63  }
0x9c: {  	_ =	swait.ge [sflag:s16], $0xE000  }
0x9d: {  	[sflag:s16] =	ssyncset.done $0x0  }
0x9e: {  	[sflag:s16] =	ssyncadd.s32 $0xFFFF2000  }
0x9f: {  	[tilespmem:s9], [sflag:$0x5] =	stream.linear.gather [hbm4b:s22+s2], $0x1C0, $0x38;
	[tilespmem:$0x1C400] =	vst v63  }
0xa0: {  	_ =	swait.ge [sflag:s4], $0x1C0  }
0xa1: {  	[sflag:s4] =	ssyncset.done $0x0  }
0xa2: {  	[sflag:s4] =	ssyncadd.s32 $0xFFFFFE40  }
0xa3: {  	[tilespmem:s10], [sflag:$0x2] =	stream.indirect.gather [hbm4b:s5+s6], $0x80, s9, s6, $0xb8;
	[tilespmem:$0x1C400] =	vst v63  }
0xa4: {  	_ =	swait.ge [sflag:s11], $0xE000  }
0xa5: {  	[sflag:s11] =	ssyncset.done $0x0  }
0xa6: {  	[sflag:s11] =	ssyncadd.s32 $0xFFFF2000  }
0xa7: {  	[hbm4b:s23+s2] =	stream.linear.scatter [tilespmem:s7], [sflag:$0x3], $0xE000, $0x38;
	[tilespmem:$0x1C400] =	vst v63  }
0xa8: {  	_ =	swait.ge [sflag:s13], $0xE000  }
0xa9: {  	[sflag:s13] =	ssyncset.done $0x0  }
0xaa: {  	[sflag:s13] =	ssyncadd.s32 $0xFFFF2000  }
0xab: {  	[tilespmem:s2], [sflag:$0x5] =	stream.linear.gather [hbm4b:s24+s2], $0x1C0, $0x38;
	[tilespmem:$0x1C400] =	vst v63  }
0xac: {  	_ =	swait.ge [sflag:s4], $0x1C0  }
0xad: {  	[sflag:s4] =	ssyncset.done $0x0  }
0xae: {  	[sflag:s4] =	ssyncadd.s32 $0xFFFFFE40  }
0xaf: {  	[tilespmem:s7], [sflag:$0x1] =	stream.indirect.gather [hbm4b:s5+s6], $0x80, s2, s6, $0xb8;
	[tilespmem:$0x1C400] =	vst v63  }
0xb0: {  	_ =	swait.ge [sflag:s15], $0xE000  }
0xb1: {  	[sflag:s15] =	ssyncset.done $0x0  }
0xb2: {  	[sflag:s15] =	ssyncadd.s32 $0xFFFF2000  }
0xb3: {  	[hbm4b:s25+s2] =	stream.linear.scatter [tilespmem:s10], [sflag:$0x4], $0xE000, $0x38;
	[tilespmem:$0x1C400] =	vst v63  }
0xb4: {  	_ =	swait.ge [sflag:s16], $0xE000  }
0xb5: {  	[sflag:s16] =	ssyncset.done $0x0  }
0xb6: {  	[sflag:s16] =	ssyncadd.s32 $0xFFFF2000  }
0xb7: {  	[tilespmem:s9], [sflag:$0x5] =	stream.linear.gather [hbm4b:s26+s2], $0x1C0, $0x38;
	[tilespmem:$0x1C400] =	vst v63  }
0xb8: {  	_ =	swait.ge [sflag:s4], $0x1C0  }
0xb9: {  	[sflag:s4] =	ssyncset.done $0x0  }
0xba: {  	[sflag:s4] =	ssyncadd.s32 $0xFFFFFE40  }
0xbb: {  	[tilespmem:s10], [sflag:$0x2] =	stream.indirect.gather [hbm4b:s5+s6], $0x80, s9, s6, $0xb8;
	[tilespmem:$0x1C400] =	vst v63  }
0xbc: {  	_ =	swait.ge [sflag:s11], $0xE000  }
0xbd: {  	[sflag:s11] =	ssyncset.done $0x0  }
0xbe: {  	[sflag:s11] =	ssyncadd.s32 $0xFFFF2000  }
0xbf: {  	[hbm4b:s28+s2] =	stream.linear.scatter [tilespmem:s7], [sflag:$0x3], $0xE000, $0x38;
	[tilespmem:$0x1C400] =	vst v63  }
0xc0: {  	_ =	swait.ge [sflag:s15], $0xE000  }
0xc1: {  	[sflag:s15] =	ssyncset.done $0x0  }
0xc2: {  	[sflag:s15] =	ssyncadd.s32 $0xFFFF2000  }
0xc3: {  	[hbm4b:s29+s2] =	stream.linear.scatter [tilespmem:s10], [sflag:$0x4], $0xE000, $0x38;
	[tilespmem:$0x1C400] =	vst v63  }
.Ltmp1:
0xc4: {  	_ =	swait.ge [sflag:s13], $0xE000;
	(pc) =	sbr.rel @p0 .LBB2_1-.Ltmp1, $4  }
0xc5: {  	[sflag:s13] =	ssyncset.done $0x0  }
0xc6: {  	[sflag:s13] =	ssyncadd.s32 $0xFFFF2000  }
0xc7: {  	_ =	swait.ge [sflag:s16], $0xE000  }
0xc8: {  	[sflag:s16] =	ssyncset.done $0x0  }
.LBB2_2:
0xc9: {  	[sflag:s16] =	ssyncadd.s32 $0xFFFF2000  }
0xca: {  	_ =	sfence.sel $0x180000  }
0xcb: {  	[bflag:$0x0] =	sbarrier.arrive $0xFFFF  }
0xcc: {  	p0 =	sne.s32 s0, $0x0;
	_ =	strace $0x9000004D  }
0xcd: {  	s0 =	sadd.s32 @!p0 $0x100000, s1;
	[bflag:$0x2] =	sbarrier.arrive $0xFFFF  }
0xce: {  	[sflag:s0] =	ssyncadd.tile.s32 @!p0 $0x1;
	_ =	shalt  }
.Lfunc_end2:
_tile_overlayer_lowered:
.L_overlay_start_2:
0xcf: {  	(tag) =	ssettag $0x2  }
0xd0: {  	s0 =	rddreg [dreg:$0x0];
	s2 =	stileid.u32  }
0xd1: {  	s1 =	rddreg [dreg:$0x1];
	p0 =	sne.s32 s2, $0x0  }
0xd2: {  	s3 =	rddreg [dreg:$0x2];
	[bflag:$0x3] =	sbarrier.arrive $0xFFFF;
	s2 =	simm.s32 @!p0 $0x1C05  }
0xd3: {  	[timem:s3], [sflag:s2] =	dma.local @!p0 [hbm:s0], s1  }
0xd4: {  	s0 =	simm.s32 @!p0 $0x5  }
0xd5: {  	_ =	swait.ge @!p0 [sflag:s0], s1  }
0xd6: {  	s1 =	ssub.s32 @!p0 $0x0, s1;
	[sflag:s0] =	ssyncset.done @!p0 $0x0  }
0xd7: {  	[sflag:s0] =	ssyncadd.s32 @!p0 s1  }
0xd8: {  	[bflag:$0x3] =	sbarrier.arrive $0xFFFF  }
0xd9: {  	_ =	shalt  }

// kernel: kernel.29.cloned.1.call-start
scs
__scs_entry_jumppad:
0x0: {  	(pc) =	sbr.rel $0x88, $3  }
0x1: {  	(tag) =	ssettag $0x0;
	lr =	simm.s32 $0x1  }
0x2: {  	[smem:$0x3F9F] =	sst lr;
	_ =	strace $0xD0000000  }
0x3: {  	_ = 	snop  }
0x4: {  	_ = 	snop  }
0x5: {  	_ = 	snop  }
0x6: {  	_ = 	snop  }
0x7: {  	_ = 	snop  }
__scs_overlays_trampoline_lowered:
0x8: {  	[smem:$0x3FAE] =	sst s0  }
0x9: {  	[smem:$0x3FAF] =	sst s1  }
0xa: {  	[smem:$0x3FB0] =	sst s2  }
0xb: {  	[smem:$0x3FB1] =	sst s3  }
0xc: {  	[smem:$0x3FB2] =	sst s4  }
0xd: {  	[smem:$0x3FB3] =	sst s5  }
0xe: {  	[smem:$0x3FB4] =	sst s6  }
0xf: {  	[smem:$0x3FB5] =	sst s7  }
0x10: {  	[smem:$0x3FB6] =	sst s8  }
0x11: {  	[smem:$0x3FB7] =	sst s9;
	s0 =	simm.s32 @!p0 $0x0  }
0x12: {  	s1 =	sld [smem:$0x3F9D];
	s0 =	simm.s32 @p0 $0x1  }
0x13: {  	[smem:$0x3FB8] =	sst s0;
	s0 =	simm.s32 @!p1 $0x0  }
0x14: {  	s2 =	sld [smem:$0x3F9C];
	s0 =	simm.s32 @p1 $0x1  }
0x15: {  	[smem:$0x3FB9] =	sst s0;
	s0 =	simm.s32 @!p2 $0x0  }
0x16: {  	s3 =	sld [smem:$0x3FDB];
	s0 =	simm.s32 @p2 $0x1  }
0x17: {  	s4 =	simm.s32 $0x1BF5;
	[smem:$0x3FBB] =	sst s0  }
0x18: {  	s0 =	sld [smem:$0x3F9E];
	_ =	swait.ge [sflag:s4], $0x0  }
0x19: {  	s7 =	sld [smem:$0x3F9F]  }
0x1a: {  	s8 =	sadd.s32 $0xFFFFE003, lr  }
0x1b: {  	s9 =	sadd.s32 $0xFFFFFEF7, lr;
	s5 =	simm.s32 $0xFFFFFFFF;
	p2 =	slt.u32 s8, $0xFFFFF086  }
0x1c: {  	p1 =	slt.u32 s9, $0xF7A;
	s5 =	simm.s32 @!p2 $0x0  }
0x1d: {  	s5 =	simm.s32 @p1 $0x1;
	p0 =	seq.s32 s7, s2  }
0x1e: {  	s7 =	smul.u32 @!p0 $0xF7A, s2;
	p2 =	seq.s32 @!p0 s5, $0x0  }
0x1f: {  	s9 =	smul.u32 $0xF7A, s1;
	s8 =	simm.s32 @!p0 $0x1BF5;
	p2 =	por !p2, p0  }
0x20: {  	[sflag:s8] =	ssyncset.s32 @!p0 $0xFFFFF086;
	s6 =	sadd.s32 @!p0 s3, s7;
	s7 =	simm.s32 @!p0 $0x108  }
0x21: {  	s3 =	sadd.s32 s3, s9;
	s6 =	sadd.s32 @!p0 $0x88, s6;
	s7 =	simm.s32 @p2 $0x1082  }
0x22: {  	[simem:s7], [sflag:s8] =	dma.local @!p0 [hbm:s6], $0xF7A  }
0x23: {  	s9 =	sor.u32 $0xD0000000, s2;
	s6 =	simm.s32 $0x108;
	_ =	swait.ge @!p0 [sflag:s8], $0x0  }
0x24: {  	s3 =	sadd.s32 $0x88, s3;
	s6 =	simm.s32 @!p1 $0x1082;
	[sflag:s4] =	ssyncset.s32 $0xFFFFF086  }
0x25: {  	[simem:s6], [sflag:s4] =	dma.local [hbm:s3], $0xF7A  }
0x26: {  	[smem:$0x3F9F] =	sst s1;
	(tag) =	ssettag s2;
	_ =	strace s9  }
0x27: {  	s1 =	sld [smem:$0x3FAF]  }
0x28: {  	s2 =	sld [smem:$0x3FB0]  }
0x29: {  	s4 =	sld [smem:$0x3FB2]  }
0x2a: {  	p0 =	seq.s32 s5, $0x0;
	s5 =	sld [smem:$0x3FB3]  }
0x2b: {  	s6 =	sld [smem:$0x3FB4]  }
0x2c: {  	s7 =	sld [smem:$0x3FB5]  }
0x2d: {  	s3 =	simm.s32 $0x108;
	s8 =	sld [smem:$0x3FB6]  }
0x2e: {  	s3 =	simm.s32 @!p0 $0x1082;
	s9 =	sld [smem:$0x3FB7]  }
0x2f: {  	lr =	sadd.s32 s0, s3;
	s0 =	sld [smem:$0x3FAE]  }
0x30: {  	s3 =	sld [smem:$0x3FB1]  }
0x31: {  	[smem:$0x3FBA] =	sst s10  }
0x32: {  	s10 =	sld [smem:$0x3FB8];
	_ =	sdelay $0x3  }
0x33: {  	p0 =	seq.s32 s10, $0x1;
	s10 =	sld [smem:$0x3FBA];
	_ =	sdelay $0x3  }
0x34: {  	[smem:$0x3FBA] =	sst s10  }
0x35: {  	s10 =	sld [smem:$0x3FB9];
	_ =	sdelay $0x3  }
0x36: {  	p1 =	seq.s32 s10, $0x1;
	s10 =	sld [smem:$0x3FBA];
	_ =	sdelay $0x3  }
0x37: {  	[smem:$0x3FBA] =	sst s10  }
0x38: {  	s10 =	sld [smem:$0x3FBB]  }
0x39: {  	_ = 	snop;
	(pc) =	sbr.ind lr, $3  }
0x3a: {  	_ = 	snop  }
0x3b: {  	_ = 	snop  }
0x3c: {  	p2 =	seq.s32 s10, $0x1;
	s10 =	sld [smem:$0x3FBA]  }
0x3d: {  	_ =	shalt  }
0x3e: {  	_ =	shalt  }
0x3f: {  	_ =	shalt  }
0x40: {  	_ =	shalt  }
0x41: {  	_ =	shalt  }
0x42: {  	_ =	shalt  }
0x43: {  	_ =	shalt  }
0x44: {  	_ =	shalt  }
0x45: {  	_ =	shalt  }
0x46: {  	_ =	shalt  }
0x47: {  	_ =	shalt  }
0x48: {  	_ =	shalt  }
0x49: {  	_ =	shalt  }
0x4a: {  	_ =	shalt  }
0x4b: {  	_ =	shalt  }
0x4c: {  	_ =	shalt  }
0x4d: {  	_ =	shalt  }
0x4e: {  	_ =	shalt  }
0x4f: {  	_ =	shalt  }
0x50: {  	_ =	shalt  }
0x51: {  	_ =	shalt  }
0x52: {  	_ =	shalt  }
0x53: {  	_ =	shalt  }
0x54: {  	_ =	shalt  }
0x55: {  	_ =	shalt  }
0x56: {  	_ =	shalt  }
0x57: {  	_ =	shalt  }
0x58: {  	_ =	shalt  }
0x59: {  	_ =	shalt  }
0x5a: {  	_ =	shalt  }
0x5b: {  	_ =	shalt  }
0x5c: {  	_ =	shalt  }
0x5d: {  	_ =	shalt  }
0x5e: {  	_ =	shalt  }
0x5f: {  	_ =	shalt  }
0x60: {  	_ =	shalt  }
0x61: {  	_ =	shalt  }
0x62: {  	_ =	shalt  }
0x63: {  	_ =	shalt  }
0x64: {  	_ =	shalt  }
0x65: {  	_ =	shalt  }
0x66: {  	_ =	shalt  }
0x67: {  	_ =	shalt  }
0x68: {  	_ =	shalt  }
0x69: {  	_ =	shalt  }
0x6a: {  	_ =	shalt  }
0x6b: {  	_ =	shalt  }
0x6c: {  	_ =	shalt  }
0x6d: {  	_ =	shalt  }
0x6e: {  	_ =	shalt  }
0x6f: {  	_ =	shalt  }
0x70: {  	_ =	shalt  }
0x71: {  	_ =	shalt  }
0x72: {  	_ =	shalt  }
0x73: {  	_ =	shalt  }
0x74: {  	_ =	shalt  }
0x75: {  	_ =	shalt  }
0x76: {  	_ =	shalt  }
0x77: {  	_ =	shalt  }
0x78: {  	_ =	shalt  }
0x79: {  	_ =	shalt  }
0x7a: {  	_ =	shalt  }
0x7b: {  	_ =	shalt  }
0x7c: {  	_ =	shalt  }
0x7d: {  	_ =	shalt  }
0x7e: {  	_ =	shalt  }
0x7f: {  	_ =	shalt  }
0x80: {  	_ =	shalt  }
0x81: {  	_ =	shalt  }
0x82: {  	_ =	shalt  }
0x83: {  	_ =	shalt  }
0x84: {  	_ =	shalt  }
0x85: {  	_ =	shalt  }
0x86: {  	_ =	shalt  }
0x87: {  	_ =	shalt  }
.Lfunc_end0:
.L_simem_size_0:
called_computation.6_lowered:
.L_overlay_start_0:
0x88: {  	s2 =	sld [smem:$0x3FD9]  }
0x89: {  	s3 =	sld [smem:$0x3FFE];
	_ =	sdelay $0x1  }
0x8a: {  	s1 =	srdreg.scid  }
0x8b: {  	s0 =	sand.u32 $0x1, s1  }
0x8c: {  	s17 =	sshll.u32 s0, $0xA;
	s2 =	sadd.s32 s3, s2  }
0x8d: {  	s2 =	sadd.s32 s2, s17  }
0x8e: {  	[smem:$0x3FC6] =	sst s2  }
0x8f: {  	_ = 	snop  }
0x90: {  	(tm) =	ssettm $0x1  }
0x91: {  	s18 =	sld [smem:$0x3FFB];
	_ =	sdelay $0x3  }
0x92: {  	_ =	strace s18  }
0x93: {  	s2 =	sld [smem:$0x3FFC];
	_ =	sdelay $0x3  }
0x94: {  	_ =	strace s2  }
0x95: {  	s2 =	sld [smem:$0x3FFD];
	_ =	sdelay $0x3  }
0x96: {  	_ =	strace s2  }
0x97: {  	_ =	strace $0x8FFFFFFF  }
0x98: {  	s19 =	sld [smem:$0x3FDB];
	_ =	sdelay $0x1  }
0x99: {  	s20 =	simm.s32 $_scs_section_size  }
0x9a: {  	s4 =	simm.s32 $_size__tile_overlayer_lowered;
	s5 =	simm.s32 $_tile_overlayer_lowered  }
0x9b: {  	s6 =	simm.s32 $0x1BFF;
	s21 =	sshll.u32 s5, $0x1;
	s3 =	sadd.s32 s20, s19  }
0x9c: {  	s22 =	simm.s32 $0x0;
	s4 =	sshll.u32 s4, $0x1;
	s5 =	sadd.s32 s21, s3  }
0x9d: {  	[timem:s22], [sflag:s6] =	dma.local [hbm:s5], s4  }
0x9e: {  	_ =	swait.ge [sflag:s6], s4  }
0x9f: {  	s4 =	ssub.s32 $0x0, s4;
	[sflag:s6] =	ssyncset.done $0x0  }
0xa0: {  	[sflag:s6] =	ssyncadd.s32 s4;
	_ =	sdelay $0x1  }
0xa1: {  	s23 =	simm.s32 $0x1B8B  }
0xa2: {  	_ =	swait.ge [sflag:s23], $0x1  }
0xa3: {  	[sflag:s23] =	ssyncset.done $0x0  }
0xa4: {  	[sflag:s23] =	ssyncadd.s32 $0xFFFFFFFF  }
0xa5: {  	s4 =	sld [smem:$0x0]  }
0xa6: {  	s5 =	sand.u32 $0xFFFFFFFE, s1  }
0xa7: {  	p0 =	sne.s32 s1, s5  }
0xa8: {  	s5 =	sshll.u32 @p0 s5, $0xE  }
0xa9: {  	s5 =	sadd.s32 @p0 $0x11B8D, s5;
	s6 =	sshll.u32 @p0 s4, $0x11  }
0xaa: {  	s5 =	sor.u32 @p0 s6, s5  }
0xab: {  	[sflag:s5] =	ssyncadd.remote.s32 @p0 $0x1;
	_ =	sdelay $0x1  }
0xac: {  	s5 =	simm.s32 @p0 $0x1B8D  }
0xad: {  	_ =	swait.eq @p0 [sflag:s5], $0x1  }
0xae: {  	[sflag:s5] =	ssyncadd.s32 @p0 $0xFFFFFFFF  }
0xaf: {  	s6 =	sshll.u32 @!p0 s1, $0xE  }
0xb0: {  	s6 =	sor.u32 @!p0 $0x4000, s6;
	s5 =	simm.s32 @!p0 $0x1B8D  }
0xb1: {  	s4 =	sshll.u32 @!p0 s4, $0x11;
	s6 =	sadd.s32 @!p0 $0x11B8D, s6;
	_ =	swait.eq @!p0 [sflag:s5], $0x1  }
0xb2: {  	s4 =	sor.u32 @!p0 s4, s6;
	[sflag:s5] =	ssyncadd.s32 @!p0 $0xFFFFFFFF  }
0xb3: {  	s25 =	simm.s32 $0x1B8E;
	s24 =	sld [smem:$0x3FFE];
	[sflag:s4] =	ssyncadd.remote.s32 @!p0 $0x1  }
0xb4: {  	s26 =	simm.s32 $execute0_lowered;
	[smem:$0x3FD2] =	sst s25  }
0xb5: {  	s5 =	sshll.u32 s26, $0x1;
	_ =	strace $0x80000049;
	[dreg:$0x1] =	wrdreg $0xFFFFFFFF  }
0xb6: {  	s28 =	simm.s32 $_size_execute0_lowered;
	s3 =	sadd.s32 s3, s5;
	[dreg:$0x0] =	wrdreg $0x0  }
0xb7: {  	s5 =	sshll.u32 s28, $0x1;
	[dreg:$0x2] =	wrdreg s3  }
0xb8: {  	[dreg:$0x3] =	wrdreg s5  }
0xb9: {  	[dreg:$0x4] =	wrdreg $0xC0  }
0xba: {  	_ =	task [dreg:s22], $0x5FFFF  }
0xbb: {  	[dreg:$0x1] =	wrdreg $0xFFFFFFFF  }
0xbc: {  	[dreg:$0x0] =	wrdreg $0x60  }
0xbd: {  	[dreg:$0x2] =	wrdreg s24  }
0xbe: {  	[dreg:$0x3] =	wrdreg $0xF  }
0xbf: {  	_ =	task.clear_ibuf [dreg:s22], $0x4FFFF;
	_ =	strace $0x90000049  }
0xc0: {  	s29 =	simm.s32 $0xF;
	_ =	strace $0x8000004B  }
0xc1: {  	_ =	swait.ge [sflag:s29], $0x1  }
0xc2: {  	[sflag:s29] =	ssyncadd.s32 $0xFFFFFFFF  }
0xc3: {  	_ =	strace $0x9000004B  }
0xc4: {  	_ =	sfence  }
0xc5: {  	s30 =	sld [smem:$0x0];
	_ =	sdelay $0x2  }
0xc6: {  	s31 =	sshll.u32 s1, $0xD;
	s1 =	sshrl.u32 s1, $0x2  }
0xc7: {  	s4 =	sand.u32 $0x4000, s31;
	s1 =	sadd.s32 s1, s30  }
0xc8: {  	s0 =	sor.u32 s4, s0;
	s1 =	sshll.u32 s1, $0x11  }
0xc9: {  	s0 =	sor.u32 s1, s0  }
0xca: {  	s0 =	sadd.s32 $0x8F2B, s0  }
0xcb: {  	[sflag:s0] =	ssyncadd.remote.s32 $0x1  }
0xcc: {  	_ =	sfence.sel $0xFFFF  }
0xcd: {  	[dreg:$0x0] =	wrdreg $0xFFFFFFFF;
	(pc) =	sbr.abs _section_cstart, $3  }
0xce: {  	[dreg:$0x1] =	wrdreg $0xFFFFFFFF  }
0xcf: {  	_ =	task.clear_ibuf [dreg:s22], $0x2FFFF;
	_ =	strace $0x9FFFFFFF  }
0xd0: {  	(tm) =	ssettm $0x7FFFFFFF  }
0xd1: {  	_ =	shalt  }
tec
execute0_lowered:
.L_overlay_start_1:
0x0: {  	(tag) =	ssettag $0x1  }
0x1: {  	s1 =	srdreg.scid;
	s0 =	stileid.u32  }
0x2: {  	s29 =	sand.u32 $0x1, s1;
	s31 =	sshll.u32 s0, $0x1  }
0x3: {  	s19 =	sor.u32 s29, s31  }
0x4: {  	s3 =	smul.u32 $0xE00, s19;
	_ =	sdelay $0x1  }
0x5: {  	s12 =	rddreg [dreg:$0x0];
	s2 =	simm.s32 $0x0;
	s3 =	sshrl.u32 s3, $0x3  }
0x6: {  	s4 =	simm.s32 $0x5;
	[smem:$0x7FF] =	sst s2;
	s26 =	sadd.s32 s3, s12  }
0x7: {  	s1 =	rddreg [dreg:$0x1];
	_ =	strace $0x8000004A;
	s3 =	sadd.s32 $0x1A800, s26  }
0x8: {  	[tilespmem:s2], [sflag:$0x5] =	stream.linear.gather [hbm4b:s3+s2], $0x1C0, $0x38;
	[tilespmem:$0x1C400] =	vst v63  }
0x9: {  	_ =	swait.ge [sflag:s4], $0x1C0  }
0xa: {  	s6 =	simm.s32 $0x1C0;
	[sflag:s4] =	ssyncset.done $0x0  }
0xb: {  	s7 =	simm.s32 $0x400;
	s5 =	sadd.s32 $0x21800, s12;
	[sflag:s4] =	ssyncadd.s32 $0xFFFFFE40  }
0xc: {  	[tilespmem:s7], [sflag:$0x1] =	stream.indirect.gather [hbm4b:s5+s6], $0x80, s2, s6, $0xb8;
	[tilespmem:$0x1C400] =	vst v63  }
0xd: {  	s9 =	simm.s32 $0x200;
	s8 =	sadd.s32 $0x1A838, s26  }
0xe: {  	[tilespmem:s9], [sflag:$0x5] =	stream.linear.gather [hbm4b:s8+s2], $0x1C0, $0x38;
	[tilespmem:$0x1C400] =	vst v63  }
0xf: {  	_ =	swait.ge [sflag:s4], $0x1C0  }
0x10: {  	[sflag:s4] =	ssyncset.done $0x0  }
0x11: {  	s10 =	simm.s32 $0xE400;
	s11 =	simm.s32 $0x1;
	[sflag:s4] =	ssyncadd.s32 $0xFFFFFE40  }
0x12: {  	[tilespmem:s10], [sflag:$0x2] =	stream.indirect.gather [hbm4b:s5+s6], $0x80, s9, s6, $0xb8;
	[tilespmem:$0x1C400] =	vst v63  }
0x13: {  	s13 =	smul.u32 $0xE000, s19;
	_ =	swait.ge [sflag:s11], $0xE000  }
0x14: {  	s20 =	sadd.s32 $0x1123C00, s12;
	[sflag:s11] =	ssyncset.done $0x0  }
0x15: {  	s12 =	sadd.s32 s20, s13;
	s13 =	simm.s32 $0x3;
	[sflag:s11] =	ssyncadd.s32 $0xFFFF2000  }
0x16: {  	[hbm4b:s12+s2] =	stream.linear.scatter [tilespmem:s7], [sflag:$0x3], $0xE000, $0x38;
	[tilespmem:$0x1C400] =	vst v63  }
0x17: {  	_ =	swait.ge [sflag:s13], $0xE000  }
0x18: {  	[sflag:s13] =	ssyncset.done $0x0  }
0x19: {  	s14 =	sadd.s32 $0x1A870, s26;
	[sflag:s13] =	ssyncadd.s32 $0xFFFF2000  }
0x1a: {  	[tilespmem:s2], [sflag:$0x5] =	stream.linear.gather [hbm4b:s14+s2], $0x1C0, $0x38;
	[tilespmem:$0x1C400] =	vst v63  }
0x1b: {  	_ =	swait.ge [sflag:s4], $0x1C0  }
0x1c: {  	[sflag:s4] =	ssyncset.done $0x0  }
0x1d: {  	s15 =	simm.s32 $0x2;
	[sflag:s4] =	ssyncadd.s32 $0xFFFFFE40  }
0x1e: {  	[tilespmem:s7], [sflag:$0x1] =	stream.indirect.gather [hbm4b:s5+s6], $0x80, s2, s6, $0xb8;
	[tilespmem:$0x1C400] =	vst v63  }
0x1f: {  	_ =	swait.ge [sflag:s15], $0xE000  }
0x20: {  	[sflag:s15] =	ssyncset.done $0x0  }
0x21: {  	s16 =	simm.s32 $0x4;
	s17 =	sadd.s32 $0x1C00, s12;
	[sflag:s15] =	ssyncadd.s32 $0xFFFF2000  }
0x22: {  	[hbm4b:s17+s2] =	stream.linear.scatter [tilespmem:s10], [sflag:$0x4], $0xE000, $0x38;
	[tilespmem:$0x1C400] =	vst v63  }
0x23: {  	_ =	swait.ge [sflag:s16], $0xE000  }
0x24: {  	[sflag:s16] =	ssyncset.done $0x0  }
0x25: {  	s18 =	sadd.s32 $0x1A8A8, s26;
	[sflag:s16] =	ssyncadd.s32 $0xFFFF2000  }
0x26: {  	[tilespmem:s9], [sflag:$0x5] =	stream.linear.gather [hbm4b:s18+s2], $0x1C0, $0x38;
	[tilespmem:$0x1C400] =	vst v63  }
0x27: {  	_ =	swait.ge [sflag:s4], $0x1C0  }
0x28: {  	[sflag:s4] =	ssyncset.done $0x0  }
0x29: {  	s19 =	smul.u32 $0x70000, s19;
	[sflag:s4] =	ssyncadd.s32 $0xFFFFFE40  }
0x2a: {  	[tilespmem:s10], [sflag:$0x2] =	stream.indirect.gather [hbm4b:s5+s6], $0x80, s9, s6, $0xb8;
	[tilespmem:$0x1C400] =	vst v63  }
0x2b: {  	s19 =	sshrl.u32 s19, $0x3;
	_ =	swait.ge [sflag:s11], $0xE000  }
0x2c: {  	s30 =	sadd.s32 s20, s19;
	[sflag:s11] =	ssyncset.done $0x0  }
0x2d: {  	s19 =	sadd.s32 $0x3800, s30;
	[sflag:s11] =	ssyncadd.s32 $0xFFFF2000  }
0x2e: {  	[hbm4b:s19+s2] =	stream.linear.scatter [tilespmem:s7], [sflag:$0x3], $0xE000, $0x38;
	[tilespmem:$0x1C400] =	vst v63  }
0x2f: {  	_ =	swait.ge [sflag:s13], $0xE000  }
0x30: {  	[sflag:s13] =	ssyncset.done $0x0  }
0x31: {  	s20 =	sadd.s32 $0x1A8E0, s26;
	[sflag:s13] =	ssyncadd.s32 $0xFFFF2000  }
0x32: {  	[tilespmem:s2], [sflag:$0x5] =	stream.linear.gather [hbm4b:s20+s2], $0x1C0, $0x38;
	[tilespmem:$0x1C400] =	vst v63  }
0x33: {  	_ =	swait.ge [sflag:s4], $0x1C0  }
0x34: {  	[sflag:s4] =	ssyncset.done $0x0  }
0x35: {  	[sflag:s4] =	ssyncadd.s32 $0xFFFFFE40  }
0x36: {  	[tilespmem:s7], [sflag:$0x1] =	stream.indirect.gather [hbm4b:s5+s6], $0x80, s2, s6, $0xb8;
	[tilespmem:$0x1C400] =	vst v63  }
0x37: {  	_ =	swait.ge [sflag:s15], $0xE000  }
0x38: {  	[sflag:s15] =	ssyncset.done $0x0  }
0x39: {  	s21 =	sadd.s32 $0x5400, s30;
	[sflag:s15] =	ssyncadd.s32 $0xFFFF2000  }
0x3a: {  	[hbm4b:s21+s2] =	stream.linear.scatter [tilespmem:s10], [sflag:$0x4], $0xE000, $0x38;
	[tilespmem:$0x1C400] =	vst v63  }
0x3b: {  	_ =	swait.ge [sflag:s16], $0xE000  }
0x3c: {  	[sflag:s16] =	ssyncset.done $0x0  }
0x3d: {  	s22 =	sadd.s32 $0x1A918, s26;
	[sflag:s16] =	ssyncadd.s32 $0xFFFF2000  }
0x3e: {  	[tilespmem:s9], [sflag:$0x5] =	stream.linear.gather [hbm4b:s22+s2], $0x1C0, $0x38;
	[tilespmem:$0x1C400] =	vst v63  }
0x3f: {  	_ =	swait.ge [sflag:s4], $0x1C0  }
0x40: {  	[sflag:s4] =	ssyncset.done $0x0  }
0x41: {  	[sflag:s4] =	ssyncadd.s32 $0xFFFFFE40  }
0x42: {  	[tilespmem:s10], [sflag:$0x2] =	stream.indirect.gather [hbm4b:s5+s6], $0x80, s9, s6, $0xb8;
	[tilespmem:$0x1C400] =	vst v63  }
0x43: {  	_ =	swait.ge [sflag:s11], $0xE000  }
0x44: {  	[sflag:s11] =	ssyncset.done $0x0  }
0x45: {  	s23 =	sadd.s32 $0x7000, s30;
	[sflag:s11] =	ssyncadd.s32 $0xFFFF2000  }
0x46: {  	[hbm4b:s23+s2] =	stream.linear.scatter [tilespmem:s7], [sflag:$0x3], $0xE000, $0x38;
	[tilespmem:$0x1C400] =	vst v63  }
0x47: {  	_ =	swait.ge [sflag:s13], $0xE000  }
0x48: {  	[sflag:s13] =	ssyncset.done $0x0  }
0x49: {  	s24 =	sadd.s32 $0x1A950, s26;
	[sflag:s13] =	ssyncadd.s32 $0xFFFF2000  }
0x4a: {  	[tilespmem:s2], [sflag:$0x5] =	stream.linear.gather [hbm4b:s24+s2], $0x1C0, $0x38;
	[tilespmem:$0x1C400] =	vst v63  }
0x4b: {  	_ =	swait.ge [sflag:s4], $0x1C0  }
0x4c: {  	[sflag:s4] =	ssyncset.done $0x0  }
0x4d: {  	[sflag:s4] =	ssyncadd.s32 $0xFFFFFE40  }
0x4e: {  	[tilespmem:s7], [sflag:$0x1] =	stream.indirect.gather [hbm4b:s5+s6], $0x80, s2, s6, $0xb8;
	[tilespmem:$0x1C400] =	vst v63  }
0x4f: {  	_ =	swait.ge [sflag:s15], $0xE000  }
0x50: {  	[sflag:s15] =	ssyncset.done $0x0  }
0x51: {  	s25 =	sadd.s32 $0x8C00, s30;
	[sflag:s15] =	ssyncadd.s32 $0xFFFF2000  }
0x52: {  	[hbm4b:s25+s2] =	stream.linear.scatter [tilespmem:s10], [sflag:$0x4], $0xE000, $0x38;
	[tilespmem:$0x1C400] =	vst v63  }
0x53: {  	_ =	swait.ge [sflag:s16], $0xE000  }
0x54: {  	[sflag:s16] =	ssyncset.done $0x0  }
0x55: {  	s26 =	sadd.s32 $0x1A988, s26;
	[sflag:s16] =	ssyncadd.s32 $0xFFFF2000  }
0x56: {  	[tilespmem:s9], [sflag:$0x5] =	stream.linear.gather [hbm4b:s26+s2], $0x1C0, $0x38;
	[tilespmem:$0x1C400] =	vst v63  }
0x57: {  	_ =	swait.ge [sflag:s4], $0x1C0  }
0x58: {  	[sflag:s4] =	ssyncset.done $0x0  }
0x59: {  	[sflag:s4] =	ssyncadd.s32 $0xFFFFFE40  }
0x5a: {  	[tilespmem:s10], [sflag:$0x2] =	stream.indirect.gather [hbm4b:s5+s6], $0x80, s9, s6, $0xb8;
	[tilespmem:$0x1C400] =	vst v63  }
0x5b: {  	_ =	swait.ge [sflag:s11], $0xE000  }
0x5c: {  	s31 =	ssub.s32 $0x2, s29;
	s28 =	sadd.s32 $0xA800, s30;
	[sflag:s11] =	ssyncset.done $0x0  }
0x5d: {  	s29 =	sadd.s32 $0xC400, s30;
	s30 =	sshrl.u32 s31, $0x1;
	[sflag:s11] =	ssyncadd.s32 $0xFFFF2000  }
0x5e: {  	[hbm4b:s28+s2] =	stream.linear.scatter [tilespmem:s7], [sflag:$0x3], $0xE000, $0x38;
	[tilespmem:$0x1C400] =	vst v63  }
0x5f: {  	s30 =	ssub.s32 s31, s30;
	_ =	swait.ge [sflag:s15], $0xE000  }
0x60: {  	s30 =	smax.u32 s30, $0x1;
	[sflag:s15] =	ssyncset.done $0x0  }
0x61: {  	p0 =	sne.s32 s30, $0x1;
	[sflag:s15] =	ssyncadd.s32 $0xFFFF2000  }
0x62: {  	[hbm4b:s29+s2] =	stream.linear.scatter [tilespmem:s10], [sflag:$0x4], $0xE000, $0x38;
	[tilespmem:$0x1C400] =	vst v63  }
.Ltmp0:
0x63: {  	_ =	swait.ge [sflag:s13], $0xE000;
	(pc) =	sbr.rel @!p0 .LBB2_2-.Ltmp0, $4  }
0x64: {  	[sflag:s13] =	ssyncset.done $0x0  }
0x65: {  	[sflag:s13] =	ssyncadd.s32 $0xFFFF2000  }
0x66: {  	_ =	swait.ge [sflag:s16], $0xE000  }
0x67: {  	s30 =	sadd.s32 $0xFFFFFFFF, s30;
	[sflag:s16] =	ssyncset.done $0x0  }
.LBB2_1:
0x68: {  	p0 =	sne.s32 s30, $0x1;
	s30 =	sadd.s32 $0xFFFFFFFF, s30;
	[sflag:s16] =	ssyncadd.s32 $0xFFFF2000  }
0x69: {  	[tilespmem:s2], [sflag:$0x5] =	stream.linear.gather [hbm4b:s3+s2], $0x1C0, $0x38;
	[tilespmem:$0x1C400] =	vst v63  }
0x6a: {  	_ =	swait.ge [sflag:s4], $0x1C0  }
0x6b: {  	[sflag:s4] =	ssyncset.done $0x0  }
0x6c: {  	[sflag:s4] =	ssyncadd.s32 $0xFFFFFE40  }
0x6d: {  	[tilespmem:s7], [sflag:$0x1] =	stream.indirect.gather [hbm4b:s5+s6], $0x80, s2, s6, $0xb8;
	[tilespmem:$0x1C400] =	vst v63  }
0x6e: {  	_ = 	snop  }
0x6f: {  	[tilespmem:s9], [sflag:$0x5] =	stream.linear.gather [hbm4b:s8+s2], $0x1C0, $0x38;
	[tilespmem:$0x1C400] =	vst v63  }
0x70: {  	_ =	swait.ge [sflag:s4], $0x1C0  }
0x71: {  	[sflag:s4] =	ssyncset.done $0x0  }
0x72: {  	[sflag:s4] =	ssyncadd.s32 $0xFFFFFE40  }
0x73: {  	[tilespmem:s10], [sflag:$0x2] =	stream.indirect.gather [hbm4b:s5+s6], $0x80, s9, s6, $0xb8;
	[tilespmem:$0x1C400] =	vst v63  }
0x74: {  	_ =	swait.ge [sflag:s11], $0xE000  }
0x75: {  	[sflag:s11] =	ssyncset.done $0x0  }
0x76: {  	[sflag:s11] =	ssyncadd.s32 $0xFFFF2000  }
0x77: {  	[hbm4b:s12+s2] =	stream.linear.scatter [tilespmem:s7], [sflag:$0x3], $0xE000, $0x38;
	[tilespmem:$0x1C400] =	vst v63  }
0x78: {  	_ =	swait.ge [sflag:s13], $0xE000  }
0x79: {  	[sflag:s13] =	ssyncset.done $0x0  }
0x7a: {  	[sflag:s13] =	ssyncadd.s32 $0xFFFF2000  }
0x7b: {  	[tilespmem:s2], [sflag:$0x5] =	stream.linear.gather [hbm4b:s14+s2], $0x1C0, $0x38;
	[tilespmem:$0x1C400] =	vst v63  }
0x7c: {  	_ =	swait.ge [sflag:s4], $0x1C0  }
0x7d: {  	[sflag:s4] =	ssyncset.done $0x0  }
0x7e: {  	[sflag:s4] =	ssyncadd.s32 $0xFFFFFE40  }
0x7f: {  	[tilespmem:s7], [sflag:$0x1] =	stream.indirect.gather [hbm4b:s5+s6], $0x80, s2, s6, $0xb8;
	[tilespmem:$0x1C400] =	vst v63  }
0x80: {  	_ =	swait.ge [sflag:s15], $0xE000  }
0x81: {  	[sflag:s15] =	ssyncset.done $0x0  }
0x82: {  	[sflag:s15] =	ssyncadd.s32 $0xFFFF2000  }
0x83: {  	[hbm4b:s17+s2] =	stream.linear.scatter [tilespmem:s10], [sflag:$0x4], $0xE000, $0x38;
	[tilespmem:$0x1C400] =	vst v63  }
0x84: {  	_ =	swait.ge [sflag:s16], $0xE000  }
0x85: {  	[sflag:s16] =	ssyncset.done $0x0  }
0x86: {  	[sflag:s16] =	ssyncadd.s32 $0xFFFF2000  }
0x87: {  	[tilespmem:s9], [sflag:$0x5] =	stream.linear.gather [hbm4b:s18+s2], $0x1C0, $0x38;
	[tilespmem:$0x1C400] =	vst v63  }
0x88: {  	_ =	swait.ge [sflag:s4], $0x1C0  }
0x89: {  	[sflag:s4] =	ssyncset.done $0x0  }
0x8a: {  	[sflag:s4] =	ssyncadd.s32 $0xFFFFFE40  }
0x8b: {  	[tilespmem:s10], [sflag:$0x2] =	stream.indirect.gather [hbm4b:s5+s6], $0x80, s9, s6, $0xb8;
	[tilespmem:$0x1C400] =	vst v63  }
0x8c: {  	_ =	swait.ge [sflag:s11], $0xE000  }
0x8d: {  	[sflag:s11] =	ssyncset.done $0x0  }
0x8e: {  	[sflag:s11] =	ssyncadd.s32 $0xFFFF2000  }
0x8f: {  	[hbm4b:s19+s2] =	stream.linear.scatter [tilespmem:s7], [sflag:$0x3], $0xE000, $0x38;
	[tilespmem:$0x1C400] =	vst v63  }
0x90: {  	_ =	swait.ge [sflag:s13], $0xE000  }
0x91: {  	[sflag:s13] =	ssyncset.done $0x0  }
0x92: {  	[sflag:s13] =	ssyncadd.s32 $0xFFFF2000  }
0x93: {  	[tilespmem:s2], [sflag:$0x5] =	stream.linear.gather [hbm4b:s20+s2], $0x1C0, $0x38;
	[tilespmem:$0x1C400] =	vst v63  }
0x94: {  	_ =	swait.ge [sflag:s4], $0x1C0  }
0x95: {  	[sflag:s4] =	ssyncset.done $0x0  }
0x96: {  	[sflag:s4] =	ssyncadd.s32 $0xFFFFFE40  }
0x97: {  	[tilespmem:s7], [sflag:$0x1] =	stream.indirect.gather [hbm4b:s5+s6], $0x80, s2, s6, $0xb8;
	[tilespmem:$0x1C400] =	vst v63  }
0x98: {  	_ =	swait.ge [sflag:s15], $0xE000  }
0x99: {  	[sflag:s15] =	ssyncset.done $0x0  }
0x9a: {  	[sflag:s15] =	ssyncadd.s32 $0xFFFF2000  }
0x9b: {  	[hbm4b:s21+s2] =	stream.linear.scatter [tilespmem:s10], [sflag:$0x4], $0xE000, $0x38;
	[tilespmem:$0x1C400] =	vst v63  }
0x9c: {  	_ =	swait.ge [sflag:s16], $0xE000  }
0x9d: {  	[sflag:s16] =	ssyncset.done $0x0  }
0x9e: {  	[sflag:s16] =	ssyncadd.s32 $0xFFFF2000  }
0x9f: {  	[tilespmem:s9], [sflag:$0x5] =	stream.linear.gather [hbm4b:s22+s2], $0x1C0, $0x38;
	[tilespmem:$0x1C400] =	vst v63  }
0xa0: {  	_ =	swait.ge [sflag:s4], $0x1C0  }
0xa1: {  	[sflag:s4] =	ssyncset.done $0x0  }
0xa2: {  	[sflag:s4] =	ssyncadd.s32 $0xFFFFFE40  }
0xa3: {  	[tilespmem:s10], [sflag:$0x2] =	stream.indirect.gather [hbm4b:s5+s6], $0x80, s9, s6, $0xb8;
	[tilespmem:$0x1C400] =	vst v63  }
0xa4: {  	_ =	swait.ge [sflag:s11], $0xE000  }
0xa5: {  	[sflag:s11] =	ssyncset.done $0x0  }
0xa6: {  	[sflag:s11] =	ssyncadd.s32 $0xFFFF2000  }
0xa7: {  	[hbm4b:s23+s2] =	stream.linear.scatter [tilespmem:s7], [sflag:$0x3], $0xE000, $0x38;
	[tilespmem:$0x1C400] =	vst v63  }
0xa8: {  	_ =	swait.ge [sflag:s13], $0xE000  }
0xa9: {  	[sflag:s13] =	ssyncset.done $0x0  }
0xaa: {  	[sflag:s13] =	ssyncadd.s32 $0xFFFF2000  }
0xab: {  	[tilespmem:s2], [sflag:$0x5] =	stream.linear.gather [hbm4b:s24+s2], $0x1C0, $0x38;
	[tilespmem:$0x1C400] =	vst v63  }
0xac: {  	_ =	swait.ge [sflag:s4], $0x1C0  }
0xad: {  	[sflag:s4] =	ssyncset.done $0x0  }
0xae: {  	[sflag:s4] =	ssyncadd.s32 $0xFFFFFE40  }
0xaf: {  	[tilespmem:s7], [sflag:$0x1] =	stream.indirect.gather [hbm4b:s5+s6], $0x80, s2, s6, $0xb8;
	[tilespmem:$0x1C400] =	vst v63  }
0xb0: {  	_ =	swait.ge [sflag:s15], $0xE000  }
0xb1: {  	[sflag:s15] =	ssyncset.done $0x0  }
0xb2: {  	[sflag:s15] =	ssyncadd.s32 $0xFFFF2000  }
0xb3: {  	[hbm4b:s25+s2] =	stream.linear.scatter [tilespmem:s10], [sflag:$0x4], $0xE000, $0x38;
	[tilespmem:$0x1C400] =	vst v63  }
0xb4: {  	_ =	swait.ge [sflag:s16], $0xE000  }
0xb5: {  	[sflag:s16] =	ssyncset.done $0x0  }
0xb6: {  	[sflag:s16] =	ssyncadd.s32 $0xFFFF2000  }
0xb7: {  	[tilespmem:s9], [sflag:$0x5] =	stream.linear.gather [hbm4b:s26+s2], $0x1C0, $0x38;
	[tilespmem:$0x1C400] =	vst v63  }
0xb8: {  	_ =	swait.ge [sflag:s4], $0x1C0  }
0xb9: {  	[sflag:s4] =	ssyncset.done $0x0  }
0xba: {  	[sflag:s4] =	ssyncadd.s32 $0xFFFFFE40  }
0xbb: {  	[tilespmem:s10], [sflag:$0x2] =	stream.indirect.gather [hbm4b:s5+s6], $0x80, s9, s6, $0xb8;
	[tilespmem:$0x1C400] =	vst v63  }
0xbc: {  	_ =	swait.ge [sflag:s11], $0xE000  }
0xbd: {  	[sflag:s11] =	ssyncset.done $0x0  }
0xbe: {  	[sflag:s11] =	ssyncadd.s32 $0xFFFF2000  }
0xbf: {  	[hbm4b:s28+s2] =	stream.linear.scatter [tilespmem:s7], [sflag:$0x3], $0xE000, $0x38;
	[tilespmem:$0x1C400] =	vst v63  }
0xc0: {  	_ =	swait.ge [sflag:s15], $0xE000  }
0xc1: {  	[sflag:s15] =	ssyncset.done $0x0  }
0xc2: {  	[sflag:s15] =	ssyncadd.s32 $0xFFFF2000  }
0xc3: {  	[hbm4b:s29+s2] =	stream.linear.scatter [tilespmem:s10], [sflag:$0x4], $0xE000, $0x38;
	[tilespmem:$0x1C400] =	vst v63  }
.Ltmp1:
0xc4: {  	_ =	swait.ge [sflag:s13], $0xE000;
	(pc) =	sbr.rel @p0 .LBB2_1-.Ltmp1, $4  }
0xc5: {  	[sflag:s13] =	ssyncset.done $0x0  }
0xc6: {  	[sflag:s13] =	ssyncadd.s32 $0xFFFF2000  }
0xc7: {  	_ =	swait.ge [sflag:s16], $0xE000  }
0xc8: {  	[sflag:s16] =	ssyncset.done $0x0  }
.LBB2_2:
0xc9: {  	[sflag:s16] =	ssyncadd.s32 $0xFFFF2000  }
0xca: {  	_ =	sfence.sel $0x180000  }
0xcb: {  	[bflag:$0x0] =	sbarrier.arrive $0xFFFF  }
0xcc: {  	p0 =	sne.s32 s0, $0x0;
	_ =	strace $0x9000004A  }
0xcd: {  	s0 =	sadd.s32 @!p0 $0x100000, s1;
	[bflag:$0x2] =	sbarrier.arrive $0xFFFF  }
0xce: {  	[sflag:s0] =	ssyncadd.tile.s32 @!p0 $0x1;
	_ =	shalt  }
.Lfunc_end2:
_tile_overlayer_lowered:
.L_overlay_start_2:
0xcf: {  	(tag) =	ssettag $0x2  }
0xd0: {  	s0 =	rddreg [dreg:$0x0];
	s2 =	stileid.u32  }
0xd1: {  	s1 =	rddreg [dreg:$0x1];
	p0 =	sne.s32 s2, $0x0  }
0xd2: {  	s3 =	rddreg [dreg:$0x2];
	[bflag:$0x3] =	sbarrier.arrive $0xFFFF;
	s2 =	simm.s32 @!p0 $0x1C05  }
0xd3: {  	[timem:s3], [sflag:s2] =	dma.local @!p0 [hbm:s0], s1  }
0xd4: {  	s0 =	simm.s32 @!p0 $0x5  }
0xd5: {  	_ =	swait.ge @!p0 [sflag:s0], s1  }
0xd6: {  	s1 =	ssub.s32 @!p0 $0x0, s1;
	[sflag:s0] =	ssyncset.done @!p0 $0x0  }
0xd7: {  	[sflag:s0] =	ssyncadd.s32 @!p0 s1  }
0xd8: {  	[bflag:$0x3] =	sbarrier.arrive $0xFFFF  }
0xd9: {  	_ =	shalt  }

// kernel: kernel.32.cloned.1.call-start
scs
__scs_entry_jumppad:
0x0: {  	(pc) =	sbr.rel $0x88, $3  }
0x1: {  	(tag) =	ssettag $0x0;
	lr =	simm.s32 $0x1  }
0x2: {  	[smem:$0x3F9F] =	sst lr;
	_ =	strace $0xD0000000  }
0x3: {  	_ = 	snop  }
0x4: {  	_ = 	snop  }
0x5: {  	_ = 	snop  }
0x6: {  	_ = 	snop  }
0x7: {  	_ = 	snop  }
__scs_overlays_trampoline_lowered:
0x8: {  	[smem:$0x3FAE] =	sst s0  }
0x9: {  	[smem:$0x3FAF] =	sst s1  }
0xa: {  	[smem:$0x3FB0] =	sst s2  }
0xb: {  	[smem:$0x3FB1] =	sst s3  }
0xc: {  	[smem:$0x3FB2] =	sst s4  }
0xd: {  	[smem:$0x3FB3] =	sst s5  }
0xe: {  	[smem:$0x3FB4] =	sst s6  }
0xf: {  	[smem:$0x3FB5] =	sst s7  }
0x10: {  	[smem:$0x3FB6] =	sst s8  }
0x11: {  	[smem:$0x3FB7] =	sst s9;
	s0 =	simm.s32 @!p0 $0x0  }
0x12: {  	s1 =	sld [smem:$0x3F9D];
	s0 =	simm.s32 @p0 $0x1  }
0x13: {  	[smem:$0x3FB8] =	sst s0;
	s0 =	simm.s32 @!p1 $0x0  }
0x14: {  	s2 =	sld [smem:$0x3F9C];
	s0 =	simm.s32 @p1 $0x1  }
0x15: {  	[smem:$0x3FB9] =	sst s0;
	s0 =	simm.s32 @!p2 $0x0  }
0x16: {  	s3 =	sld [smem:$0x3FDB];
	s0 =	simm.s32 @p2 $0x1  }
0x17: {  	s4 =	simm.s32 $0x1BF5;
	[smem:$0x3FBB] =	sst s0  }
0x18: {  	s0 =	sld [smem:$0x3F9E];
	_ =	swait.ge [sflag:s4], $0x0  }
0x19: {  	s7 =	sld [smem:$0x3F9F]  }
0x1a: {  	s8 =	sadd.s32 $0xFFFFE003, lr  }
0x1b: {  	s9 =	sadd.s32 $0xFFFFFEF7, lr;
	s5 =	simm.s32 $0xFFFFFFFF;
	p2 =	slt.u32 s8, $0xFFFFF086  }
0x1c: {  	p1 =	slt.u32 s9, $0xF7A;
	s5 =	simm.s32 @!p2 $0x0  }
0x1d: {  	s5 =	simm.s32 @p1 $0x1;
	p0 =	seq.s32 s7, s2  }
0x1e: {  	s7 =	smul.u32 @!p0 $0xF7A, s2;
	p2 =	seq.s32 @!p0 s5, $0x0  }
0x1f: {  	s9 =	smul.u32 $0xF7A, s1;
	s8 =	simm.s32 @!p0 $0x1BF5;
	p2 =	por !p2, p0  }
0x20: {  	[sflag:s8] =	ssyncset.s32 @!p0 $0xFFFFF086;
	s6 =	sadd.s32 @!p0 s3, s7;
	s7 =	simm.s32 @!p0 $0x108  }
0x21: {  	s3 =	sadd.s32 s3, s9;
	s6 =	sadd.s32 @!p0 $0x88, s6;
	s7 =	simm.s32 @p2 $0x1082  }
0x22: {  	[simem:s7], [sflag:s8] =	dma.local @!p0 [hbm:s6], $0xF7A  }
0x23: {  	s9 =	sor.u32 $0xD0000000, s2;
	s6 =	simm.s32 $0x108;
	_ =	swait.ge @!p0 [sflag:s8], $0x0  }
0x24: {  	s3 =	sadd.s32 $0x88, s3;
	s6 =	simm.s32 @!p1 $0x1082;
	[sflag:s4] =	ssyncset.s32 $0xFFFFF086  }
0x25: {  	[simem:s6], [sflag:s4] =	dma.local [hbm:s3], $0xF7A  }
0x26: {  	[smem:$0x3F9F] =	sst s1;
	(tag) =	ssettag s2;
	_ =	strace s9  }
0x27: {  	s1 =	sld [smem:$0x3FAF]  }
0x28: {  	s2 =	sld [smem:$0x3FB0]  }
0x29: {  	s4 =	sld [smem:$0x3FB2]  }
0x2a: {  	p0 =	seq.s32 s5, $0x0;
	s5 =	sld [smem:$0x3FB3]  }
0x2b: {  	s6 =	sld [smem:$0x3FB4]  }
0x2c: {  	s7 =	sld [smem:$0x3FB5]  }
0x2d: {  	s3 =	simm.s32 $0x108;
	s8 =	sld [smem:$0x3FB6]  }
0x2e: {  	s3 =	simm.s32 @!p0 $0x1082;
	s9 =	sld [smem:$0x3FB7]  }
0x2f: {  	lr =	sadd.s32 s0, s3;
	s0 =	sld [smem:$0x3FAE]  }
0x30: {  	s3 =	sld [smem:$0x3FB1]  }
0x31: {  	[smem:$0x3FBA] =	sst s10  }
0x32: {  	s10 =	sld [smem:$0x3FB8];
	_ =	sdelay $0x3  }
0x33: {  	p0 =	seq.s32 s10, $0x1;
	s10 =	sld [smem:$0x3FBA];
	_ =	sdelay $0x3  }
0x34: {  	[smem:$0x3FBA] =	sst s10  }
0x35: {  	s10 =	sld [smem:$0x3FB9];
	_ =	sdelay $0x3  }
0x36: {  	p1 =	seq.s32 s10, $0x1;
	s10 =	sld [smem:$0x3FBA];
	_ =	sdelay $0x3  }
0x37: {  	[smem:$0x3FBA] =	sst s10  }
0x38: {  	s10 =	sld [smem:$0x3FBB]  }
0x39: {  	_ = 	snop;
	(pc) =	sbr.ind lr, $3  }
0x3a: {  	_ = 	snop  }
0x3b: {  	_ = 	snop  }
0x3c: {  	p2 =	seq.s32 s10, $0x1;
	s10 =	sld [smem:$0x3FBA]  }
0x3d: {  	_ =	shalt  }
0x3e: {  	_ =	shalt  }
0x3f: {  	_ =	shalt  }
0x40: {  	_ =	shalt  }
0x41: {  	_ =	shalt  }
0x42: {  	_ =	shalt  }
0x43: {  	_ =	shalt  }
0x44: {  	_ =	shalt  }
0x45: {  	_ =	shalt  }
0x46: {  	_ =	shalt  }
0x47: {  	_ =	shalt  }
0x48: {  	_ =	shalt  }
0x49: {  	_ =	shalt  }
0x4a: {  	_ =	shalt  }
0x4b: {  	_ =	shalt  }
0x4c: {  	_ =	shalt  }
0x4d: {  	_ =	shalt  }
0x4e: {  	_ =	shalt  }
0x4f: {  	_ =	shalt  }
0x50: {  	_ =	shalt  }
0x51: {  	_ =	shalt  }
0x52: {  	_ =	shalt  }
0x53: {  	_ =	shalt  }
0x54: {  	_ =	shalt  }
0x55: {  	_ =	shalt  }
0x56: {  	_ =	shalt  }
0x57: {  	_ =	shalt  }
0x58: {  	_ =	shalt  }
0x59: {  	_ =	shalt  }
0x5a: {  	_ =	shalt  }
0x5b: {  	_ =	shalt  }
0x5c: {  	_ =	shalt  }
0x5d: {  	_ =	shalt  }
0x5e: {  	_ =	shalt  }
0x5f: {  	_ =	shalt  }
0x60: {  	_ =	shalt  }
0x61: {  	_ =	shalt  }
0x62: {  	_ =	shalt  }
0x63: {  	_ =	shalt  }
0x64: {  	_ =	shalt  }
0x65: {  	_ =	shalt  }
0x66: {  	_ =	shalt  }
0x67: {  	_ =	shalt  }
0x68: {  	_ =	shalt  }
0x69: {  	_ =	shalt  }
0x6a: {  	_ =	shalt  }
0x6b: {  	_ =	shalt  }
0x6c: {  	_ =	shalt  }
0x6d: {  	_ =	shalt  }
0x6e: {  	_ =	shalt  }
0x6f: {  	_ =	shalt  }
0x70: {  	_ =	shalt  }
0x71: {  	_ =	shalt  }
0x72: {  	_ =	shalt  }
0x73: {  	_ =	shalt  }
0x74: {  	_ =	shalt  }
0x75: {  	_ =	shalt  }
0x76: {  	_ =	shalt  }
0x77: {  	_ =	shalt  }
0x78: {  	_ =	shalt  }
0x79: {  	_ =	shalt  }
0x7a: {  	_ =	shalt  }
0x7b: {  	_ =	shalt  }
0x7c: {  	_ =	shalt  }
0x7d: {  	_ =	shalt  }
0x7e: {  	_ =	shalt  }
0x7f: {  	_ =	shalt  }
0x80: {  	_ =	shalt  }
0x81: {  	_ =	shalt  }
0x82: {  	_ =	shalt  }
0x83: {  	_ =	shalt  }
0x84: {  	_ =	shalt  }
0x85: {  	_ =	shalt  }
0x86: {  	_ =	shalt  }
0x87: {  	_ =	shalt  }
.Lfunc_end0:
.L_simem_size_0:
called_computation.7_lowered:
.L_overlay_start_0:
0x88: {  	s2 =	sld [smem:$0x3FD9]  }
0x89: {  	s3 =	sld [smem:$0x3FFE];
	_ =	sdelay $0x1  }
0x8a: {  	s1 =	srdreg.scid  }
0x8b: {  	s0 =	sand.u32 $0x1, s1  }
0x8c: {  	s16 =	sshll.u32 s0, $0xA;
	s2 =	sadd.s32 s3, s2  }
0x8d: {  	s2 =	sadd.s32 s2, s16  }
0x8e: {  	[smem:$0x3FC6] =	sst s2  }
0x8f: {  	_ = 	snop  }
0x90: {  	(tm) =	ssettm $0x1  }
0x91: {  	s17 =	sld [smem:$0x3FFB];
	_ =	sdelay $0x3  }
0x92: {  	_ =	strace s17  }
0x93: {  	s2 =	sld [smem:$0x3FFC];
	_ =	sdelay $0x3  }
0x94: {  	_ =	strace s2  }
0x95: {  	s2 =	sld [smem:$0x3FFD];
	_ =	sdelay $0x3  }
0x96: {  	_ =	strace s2  }
0x97: {  	_ =	strace $0x8FFFFFFF  }
0x98: {  	s18 =	sld [smem:$0x3FDB];
	_ =	sdelay $0x1  }
0x99: {  	s19 =	simm.s32 $_scs_section_size  }
0x9a: {  	s4 =	simm.s32 $_size__tile_overlayer_lowered;
	s5 =	simm.s32 $_tile_overlayer_lowered  }
0x9b: {  	s22 =	simm.s32 $0x1BFF;
	s21 =	sshll.u32 s5, $0x1;
	s2 =	sadd.s32 s19, s18  }
0x9c: {  	s6 =	simm.s32 $0x0;
	s20 =	sshll.u32 s4, $0x1;
	s4 =	sadd.s32 s21, s2  }
0x9d: {  	[timem:s6], [sflag:s22] =	dma.local [hbm:s4], s20  }
0x9e: {  	_ =	swait.ge [sflag:s22], s20  }
0x9f: {  	s3 =	ssub.s32 $0x0, s20;
	[sflag:s22] =	ssyncset.done $0x0  }
0xa0: {  	[sflag:s22] =	ssyncadd.s32 s3;
	_ =	sdelay $0x1  }
0xa1: {  	s23 =	simm.s32 $0x1B8B  }
0xa2: {  	_ =	swait.ge [sflag:s23], $0x1  }
0xa3: {  	[sflag:s23] =	ssyncset.done $0x0  }
0xa4: {  	s25 =	simm.s32 $0x1B8E;
	s24 =	sld [smem:$0x3FFE];
	[sflag:s23] =	ssyncadd.s32 $0xFFFFFFFF  }
0xa5: {  	s26 =	simm.s32 $execute0_lowered;
	[smem:$0x3FD2] =	sst s25  }
0xa6: {  	s4 =	sshll.u32 s26, $0x1;
	_ =	strace $0x80000046;
	[dreg:$0x1] =	wrdreg $0xFFFFFFFF  }
0xa7: {  	s28 =	simm.s32 $_size_execute0_lowered;
	s2 =	sadd.s32 s2, s4;
	[dreg:$0x0] =	wrdreg $0x0  }
0xa8: {  	s4 =	sshll.u32 s28, $0x1;
	[dreg:$0x2] =	wrdreg s2  }
0xa9: {  	[dreg:$0x3] =	wrdreg s4  }
0xaa: {  	[dreg:$0x4] =	wrdreg $0xC0  }
0xab: {  	_ =	task [dreg:s6], $0x5FFFF  }
0xac: {  	[dreg:$0x1] =	wrdreg $0xFFFFFFFF  }
0xad: {  	[dreg:$0x0] =	wrdreg $0x60  }
0xae: {  	[dreg:$0x2] =	wrdreg s24  }
0xaf: {  	[dreg:$0x3] =	wrdreg $0x10  }
0xb0: {  	_ =	task.clear_ibuf [dreg:s6], $0x4FFFF;
	_ =	strace $0x90000046  }
0xb1: {  	s29 =	simm.s32 $0x10;
	_ =	strace $0x80000048  }
0xb2: {  	_ =	swait.ge [sflag:s29], $0x1  }
0xb3: {  	[sflag:s29] =	ssyncadd.s32 $0xFFFFFFFF  }
0xb4: {  	_ =	strace $0x90000048  }
0xb5: {  	_ =	sfence  }
0xb6: {  	s30 =	sld [smem:$0x0];
	_ =	sdelay $0x2  }
0xb7: {  	s31 =	sshll.u32 s1, $0xD;
	s1 =	sshrl.u32 s1, $0x2  }
0xb8: {  	s3 =	sand.u32 $0x4000, s31;
	s1 =	sadd.s32 s1, s30  }
0xb9: {  	s0 =	sor.u32 s3, s0;
	s1 =	sshll.u32 s1, $0x11  }
0xba: {  	s0 =	sor.u32 s1, s0  }
0xbb: {  	s0 =	sadd.s32 $0x8F2B, s0  }
0xbc: {  	[sflag:s0] =	ssyncadd.remote.s32 $0x1  }
0xbd: {  	_ =	sfence.sel $0xFFFF  }
0xbe: {  	[dreg:$0x0] =	wrdreg $0xFFFFFFFF;
	(pc) =	sbr.abs _section_cstart, $3  }
0xbf: {  	[dreg:$0x1] =	wrdreg $0xFFFFFFFF  }
0xc0: {  	_ =	task.clear_ibuf [dreg:s6], $0x2FFFF;
	_ =	strace $0x9FFFFFFF  }
0xc1: {  	(tm) =	ssettm $0x7FFFFFFF  }
tec
execute0_lowered:
.L_overlay_start_1:
0x0: {  	(tag) =	ssettag $0x1  }
0x1: {  	s1 =	srdreg.scid;
	s0 =	stileid.u32  }
0x2: {  	s29 =	sand.u32 $0x1, s1;
	s31 =	sshll.u32 s0, $0x1  }
0x3: {  	s19 =	sor.u32 s29, s31  }
0x4: {  	s3 =	smul.u32 $0xE00, s19;
	_ =	sdelay $0x1  }
0x5: {  	s12 =	rddreg [dreg:$0x0];
	s2 =	simm.s32 $0x0;
	s3 =	sshrl.u32 s3, $0x3  }
0x6: {  	s4 =	simm.s32 $0x5;
	[smem:$0x7FF] =	sst s2;
	s26 =	sadd.s32 s3, s12  }
0x7: {  	s1 =	rddreg [dreg:$0x1];
	_ =	strace $0x80000047;
	s3 =	sadd.s32 $0x1E000, s26  }
0x8: {  	[tilespmem:s2], [sflag:$0x5] =	stream.linear.gather [hbm4b:s3+s2], $0x1C0, $0x38;
	[tilespmem:$0x1C400] =	vst v63  }
0x9: {  	_ =	swait.ge [sflag:s4], $0x1C0  }
0xa: {  	s6 =	simm.s32 $0x1C0;
	[sflag:s4] =	ssyncset.done $0x0  }
0xb: {  	s7 =	simm.s32 $0x400;
	s5 =	sadd.s32 $0x21800, s12;
	[sflag:s4] =	ssyncadd.s32 $0xFFFFFE40  }
0xc: {  	[tilespmem:s7], [sflag:$0x1] =	stream.indirect.gather [hbm4b:s5+s6], $0x80, s2, s6, $0xb8;
	[tilespmem:$0x1C400] =	vst v63  }
0xd: {  	s9 =	simm.s32 $0x200;
	s8 =	sadd.s32 $0x1E038, s26  }
0xe: {  	[tilespmem:s9], [sflag:$0x5] =	stream.linear.gather [hbm4b:s8+s2], $0x1C0, $0x38;
	[tilespmem:$0x1C400] =	vst v63  }
0xf: {  	_ =	swait.ge [sflag:s4], $0x1C0  }
0x10: {  	[sflag:s4] =	ssyncset.done $0x0  }
0x11: {  	s10 =	simm.s32 $0xE400;
	s11 =	simm.s32 $0x1;
	[sflag:s4] =	ssyncadd.s32 $0xFFFFFE40  }
0x12: {  	[tilespmem:s10], [sflag:$0x2] =	stream.indirect.gather [hbm4b:s5+s6], $0x80, s9, s6, $0xb8;
	[tilespmem:$0x1C400] =	vst v63  }
0x13: {  	s13 =	smul.u32 $0xE000, s19;
	_ =	swait.ge [sflag:s11], $0xE000  }
0x14: {  	s20 =	sadd.s32 $0xF63C00, s12;
	[sflag:s11] =	ssyncset.done $0x0  }
0x15: {  	s12 =	sadd.s32 s20, s13;
	s13 =	simm.s32 $0x3;
	[sflag:s11] =	ssyncadd.s32 $0xFFFF2000  }
0x16: {  	[hbm4b:s12+s2] =	stream.linear.scatter [tilespmem:s7], [sflag:$0x3], $0xE000, $0x38;
	[tilespmem:$0x1C400] =	vst v63  }
0x17: {  	_ =	swait.ge [sflag:s13], $0xE000  }
0x18: {  	[sflag:s13] =	ssyncset.done $0x0  }
0x19: {  	s14 =	sadd.s32 $0x1E070, s26;
	[sflag:s13] =	ssyncadd.s32 $0xFFFF2000  }
0x1a: {  	[tilespmem:s2], [sflag:$0x5] =	stream.linear.gather [hbm4b:s14+s2], $0x1C0, $0x38;
	[tilespmem:$0x1C400] =	vst v63  }
0x1b: {  	_ =	swait.ge [sflag:s4], $0x1C0  }
0x1c: {  	[sflag:s4] =	ssyncset.done $0x0  }
0x1d: {  	s15 =	simm.s32 $0x2;
	[sflag:s4] =	ssyncadd.s32 $0xFFFFFE40  }
0x1e: {  	[tilespmem:s7], [sflag:$0x1] =	stream.indirect.gather [hbm4b:s5+s6], $0x80, s2, s6, $0xb8;
	[tilespmem:$0x1C400] =	vst v63  }
0x1f: {  	_ =	swait.ge [sflag:s15], $0xE000  }
0x20: {  	[sflag:s15] =	ssyncset.done $0x0  }
0x21: {  	s16 =	simm.s32 $0x4;
	s17 =	sadd.s32 $0x1C00, s12;
	[sflag:s15] =	ssyncadd.s32 $0xFFFF2000  }
0x22: {  	[hbm4b:s17+s2] =	stream.linear.scatter [tilespmem:s10], [sflag:$0x4], $0xE000, $0x38;
	[tilespmem:$0x1C400] =	vst v63  }
0x23: {  	_ =	swait.ge [sflag:s16], $0xE000  }
0x24: {  	[sflag:s16] =	ssyncset.done $0x0  }
0x25: {  	s18 =	sadd.s32 $0x1E0A8, s26;
	[sflag:s16] =	ssyncadd.s32 $0xFFFF2000  }
0x26: {  	[tilespmem:s9], [sflag:$0x5] =	stream.linear.gather [hbm4b:s18+s2], $0x1C0, $0x38;
	[tilespmem:$0x1C400] =	vst v63  }
0x27: {  	_ =	swait.ge [sflag:s4], $0x1C0  }
0x28: {  	[sflag:s4] =	ssyncset.done $0x0  }
0x29: {  	s19 =	smul.u32 $0x70000, s19;
	[sflag:s4] =	ssyncadd.s32 $0xFFFFFE40  }
0x2a: {  	[tilespmem:s10], [sflag:$0x2] =	stream.indirect.gather [hbm4b:s5+s6], $0x80, s9, s6, $0xb8;
	[tilespmem:$0x1C400] =	vst v63  }
0x2b: {  	s19 =	sshrl.u32 s19, $0x3;
	_ =	swait.ge [sflag:s11], $0xE000  }
0x2c: {  	s30 =	sadd.s32 s20, s19;
	[sflag:s11] =	ssyncset.done $0x0  }
0x2d: {  	s19 =	sadd.s32 $0x3800, s30;
	[sflag:s11] =	ssyncadd.s32 $0xFFFF2000  }
0x2e: {  	[hbm4b:s19+s2] =	stream.linear.scatter [tilespmem:s7], [sflag:$0x3], $0xE000, $0x38;
	[tilespmem:$0x1C400] =	vst v63  }
0x2f: {  	_ =	swait.ge [sflag:s13], $0xE000  }
0x30: {  	[sflag:s13] =	ssyncset.done $0x0  }
0x31: {  	s20 =	sadd.s32 $0x1E0E0, s26;
	[sflag:s13] =	ssyncadd.s32 $0xFFFF2000  }
0x32: {  	[tilespmem:s2], [sflag:$0x5] =	stream.linear.gather [hbm4b:s20+s2], $0x1C0, $0x38;
	[tilespmem:$0x1C400] =	vst v63  }
0x33: {  	_ =	swait.ge [sflag:s4], $0x1C0  }
0x34: {  	[sflag:s4] =	ssyncset.done $0x0  }
0x35: {  	[sflag:s4] =	ssyncadd.s32 $0xFFFFFE40  }
0x36: {  	[tilespmem:s7], [sflag:$0x1] =	stream.indirect.gather [hbm4b:s5+s6], $0x80, s2, s6, $0xb8;
	[tilespmem:$0x1C400] =	vst v63  }
0x37: {  	_ =	swait.ge [sflag:s15], $0xE000  }
0x38: {  	[sflag:s15] =	ssyncset.done $0x0  }
0x39: {  	s21 =	sadd.s32 $0x5400, s30;
	[sflag:s15] =	ssyncadd.s32 $0xFFFF2000  }
0x3a: {  	[hbm4b:s21+s2] =	stream.linear.scatter [tilespmem:s10], [sflag:$0x4], $0xE000, $0x38;
	[tilespmem:$0x1C400] =	vst v63  }
0x3b: {  	_ =	swait.ge [sflag:s16], $0xE000  }
0x3c: {  	[sflag:s16] =	ssyncset.done $0x0  }
0x3d: {  	s22 =	sadd.s32 $0x1E118, s26;
	[sflag:s16] =	ssyncadd.s32 $0xFFFF2000  }
0x3e: {  	[tilespmem:s9], [sflag:$0x5] =	stream.linear.gather [hbm4b:s22+s2], $0x1C0, $0x38;
	[tilespmem:$0x1C400] =	vst v63  }
0x3f: {  	_ =	swait.ge [sflag:s4], $0x1C0  }
0x40: {  	[sflag:s4] =	ssyncset.done $0x0  }
0x41: {  	[sflag:s4] =	ssyncadd.s32 $0xFFFFFE40  }
0x42: {  	[tilespmem:s10], [sflag:$0x2] =	stream.indirect.gather [hbm4b:s5+s6], $0x80, s9, s6, $0xb8;
	[tilespmem:$0x1C400] =	vst v63  }
0x43: {  	_ =	swait.ge [sflag:s11], $0xE000  }
0x44: {  	[sflag:s11] =	ssyncset.done $0x0  }
0x45: {  	s23 =	sadd.s32 $0x7000, s30;
	[sflag:s11] =	ssyncadd.s32 $0xFFFF2000  }
0x46: {  	[hbm4b:s23+s2] =	stream.linear.scatter [tilespmem:s7], [sflag:$0x3], $0xE000, $0x38;
	[tilespmem:$0x1C400] =	vst v63  }
0x47: {  	_ =	swait.ge [sflag:s13], $0xE000  }
0x48: {  	[sflag:s13] =	ssyncset.done $0x0  }
0x49: {  	s24 =	sadd.s32 $0x1E150, s26;
	[sflag:s13] =	ssyncadd.s32 $0xFFFF2000  }
0x4a: {  	[tilespmem:s2], [sflag:$0x5] =	stream.linear.gather [hbm4b:s24+s2], $0x1C0, $0x38;
	[tilespmem:$0x1C400] =	vst v63  }
0x4b: {  	_ =	swait.ge [sflag:s4], $0x1C0  }
0x4c: {  	[sflag:s4] =	ssyncset.done $0x0  }
0x4d: {  	[sflag:s4] =	ssyncadd.s32 $0xFFFFFE40  }
0x4e: {  	[tilespmem:s7], [sflag:$0x1] =	stream.indirect.gather [hbm4b:s5+s6], $0x80, s2, s6, $0xb8;
	[tilespmem:$0x1C400] =	vst v63  }
0x4f: {  	_ =	swait.ge [sflag:s15], $0xE000  }
0x50: {  	[sflag:s15] =	ssyncset.done $0x0  }
0x51: {  	s25 =	sadd.s32 $0x8C00, s30;
	[sflag:s15] =	ssyncadd.s32 $0xFFFF2000  }
0x52: {  	[hbm4b:s25+s2] =	stream.linear.scatter [tilespmem:s10], [sflag:$0x4], $0xE000, $0x38;
	[tilespmem:$0x1C400] =	vst v63  }
0x53: {  	_ =	swait.ge [sflag:s16], $0xE000  }
0x54: {  	[sflag:s16] =	ssyncset.done $0x0  }
0x55: {  	s26 =	sadd.s32 $0x1E188, s26;
	[sflag:s16] =	ssyncadd.s32 $0xFFFF2000  }
0x56: {  	[tilespmem:s9], [sflag:$0x5] =	stream.linear.gather [hbm4b:s26+s2], $0x1C0, $0x38;
	[tilespmem:$0x1C400] =	vst v63  }
0x57: {  	_ =	swait.ge [sflag:s4], $0x1C0  }
0x58: {  	[sflag:s4] =	ssyncset.done $0x0  }
0x59: {  	[sflag:s4] =	ssyncadd.s32 $0xFFFFFE40  }
0x5a: {  	[tilespmem:s10], [sflag:$0x2] =	stream.indirect.gather [hbm4b:s5+s6], $0x80, s9, s6, $0xb8;
	[tilespmem:$0x1C400] =	vst v63  }
0x5b: {  	_ =	swait.ge [sflag:s11], $0xE000  }
0x5c: {  	s31 =	ssub.s32 $0x2, s29;
	s28 =	sadd.s32 $0xA800, s30;
	[sflag:s11] =	ssyncset.done $0x0  }
0x5d: {  	s29 =	sadd.s32 $0xC400, s30;
	s30 =	sshrl.u32 s31, $0x1;
	[sflag:s11] =	ssyncadd.s32 $0xFFFF2000  }
0x5e: {  	[hbm4b:s28+s2] =	stream.linear.scatter [tilespmem:s7], [sflag:$0x3], $0xE000, $0x38;
	[tilespmem:$0x1C400] =	vst v63  }
0x5f: {  	s30 =	ssub.s32 s31, s30;
	_ =	swait.ge [sflag:s15], $0xE000  }
0x60: {  	s30 =	smax.u32 s30, $0x1;
	[sflag:s15] =	ssyncset.done $0x0  }
0x61: {  	p0 =	sne.s32 s30, $0x1;
	[sflag:s15] =	ssyncadd.s32 $0xFFFF2000  }
0x62: {  	[hbm4b:s29+s2] =	stream.linear.scatter [tilespmem:s10], [sflag:$0x4], $0xE000, $0x38;
	[tilespmem:$0x1C400] =	vst v63  }
.Ltmp0:
0x63: {  	_ =	swait.ge [sflag:s13], $0xE000;
	(pc) =	sbr.rel @!p0 .LBB2_2-.Ltmp0, $4  }
0x64: {  	[sflag:s13] =	ssyncset.done $0x0  }
0x65: {  	[sflag:s13] =	ssyncadd.s32 $0xFFFF2000  }
0x66: {  	_ =	swait.ge [sflag:s16], $0xE000  }
0x67: {  	s30 =	sadd.s32 $0xFFFFFFFF, s30;
	[sflag:s16] =	ssyncset.done $0x0  }
.LBB2_1:
0x68: {  	p0 =	sne.s32 s30, $0x1;
	s30 =	sadd.s32 $0xFFFFFFFF, s30;
	[sflag:s16] =	ssyncadd.s32 $0xFFFF2000  }
0x69: {  	[tilespmem:s2], [sflag:$0x5] =	stream.linear.gather [hbm4b:s3+s2], $0x1C0, $0x38;
	[tilespmem:$0x1C400] =	vst v63  }
0x6a: {  	_ =	swait.ge [sflag:s4], $0x1C0  }
0x6b: {  	[sflag:s4] =	ssyncset.done $0x0  }
0x6c: {  	[sflag:s4] =	ssyncadd.s32 $0xFFFFFE40  }
0x6d: {  	[tilespmem:s7], [sflag:$0x1] =	stream.indirect.gather [hbm4b:s5+s6], $0x80, s2, s6, $0xb8;
	[tilespmem:$0x1C400] =	vst v63  }
0x6e: {  	_ = 	snop  }
0x6f: {  	[tilespmem:s9], [sflag:$0x5] =	stream.linear.gather [hbm4b:s8+s2], $0x1C0, $0x38;
	[tilespmem:$0x1C400] =	vst v63  }
0x70: {  	_ =	swait.ge [sflag:s4], $0x1C0  }
0x71: {  	[sflag:s4] =	ssyncset.done $0x0  }
0x72: {  	[sflag:s4] =	ssyncadd.s32 $0xFFFFFE40  }
0x73: {  	[tilespmem:s10], [sflag:$0x2] =	stream.indirect.gather [hbm4b:s5+s6], $0x80, s9, s6, $0xb8;
	[tilespmem:$0x1C400] =	vst v63  }
0x74: {  	_ =	swait.ge [sflag:s11], $0xE000  }
0x75: {  	[sflag:s11] =	ssyncset.done $0x0  }
0x76: {  	[sflag:s11] =	ssyncadd.s32 $0xFFFF2000  }
0x77: {  	[hbm4b:s12+s2] =	stream.linear.scatter [tilespmem:s7], [sflag:$0x3], $0xE000, $0x38;
	[tilespmem:$0x1C400] =	vst v63  }
0x78: {  	_ =	swait.ge [sflag:s13], $0xE000  }
0x79: {  	[sflag:s13] =	ssyncset.done $0x0  }
0x7a: {  	[sflag:s13] =	ssyncadd.s32 $0xFFFF2000  }
0x7b: {  	[tilespmem:s2], [sflag:$0x5] =	stream.linear.gather [hbm4b:s14+s2], $0x1C0, $0x38;
	[tilespmem:$0x1C400] =	vst v63  }
0x7c: {  	_ =	swait.ge [sflag:s4], $0x1C0  }
0x7d: {  	[sflag:s4] =	ssyncset.done $0x0  }
0x7e: {  	[sflag:s4] =	ssyncadd.s32 $0xFFFFFE40  }
0x7f: {  	[tilespmem:s7], [sflag:$0x1] =	stream.indirect.gather [hbm4b:s5+s6], $0x80, s2, s6, $0xb8;
	[tilespmem:$0x1C400] =	vst v63  }
0x80: {  	_ =	swait.ge [sflag:s15], $0xE000  }
0x81: {  	[sflag:s15] =	ssyncset.done $0x0  }
0x82: {  	[sflag:s15] =	ssyncadd.s32 $0xFFFF2000  }
0x83: {  	[hbm4b:s17+s2] =	stream.linear.scatter [tilespmem:s10], [sflag:$0x4], $0xE000, $0x38;
	[tilespmem:$0x1C400] =	vst v63  }
0x84: {  	_ =	swait.ge [sflag:s16], $0xE000  }
0x85: {  	[sflag:s16] =	ssyncset.done $0x0  }
0x86: {  	[sflag:s16] =	ssyncadd.s32 $0xFFFF2000  }
0x87: {  	[tilespmem:s9], [sflag:$0x5] =	stream.linear.gather [hbm4b:s18+s2], $0x1C0, $0x38;
	[tilespmem:$0x1C400] =	vst v63  }
0x88: {  	_ =	swait.ge [sflag:s4], $0x1C0  }
0x89: {  	[sflag:s4] =	ssyncset.done $0x0  }
0x8a: {  	[sflag:s4] =	ssyncadd.s32 $0xFFFFFE40  }
0x8b: {  	[tilespmem:s10], [sflag:$0x2] =	stream.indirect.gather [hbm4b:s5+s6], $0x80, s9, s6, $0xb8;
	[tilespmem:$0x1C400] =	vst v63  }
0x8c: {  	_ =	swait.ge [sflag:s11], $0xE000  }
0x8d: {  	[sflag:s11] =	ssyncset.done $0x0  }
0x8e: {  	[sflag:s11] =	ssyncadd.s32 $0xFFFF2000  }
0x8f: {  	[hbm4b:s19+s2] =	stream.linear.scatter [tilespmem:s7], [sflag:$0x3], $0xE000, $0x38;
	[tilespmem:$0x1C400] =	vst v63  }
0x90: {  	_ =	swait.ge [sflag:s13], $0xE000  }
0x91: {  	[sflag:s13] =	ssyncset.done $0x0  }
0x92: {  	[sflag:s13] =	ssyncadd.s32 $0xFFFF2000  }
0x93: {  	[tilespmem:s2], [sflag:$0x5] =	stream.linear.gather [hbm4b:s20+s2], $0x1C0, $0x38;
	[tilespmem:$0x1C400] =	vst v63  }
0x94: {  	_ =	swait.ge [sflag:s4], $0x1C0  }
0x95: {  	[sflag:s4] =	ssyncset.done $0x0  }
0x96: {  	[sflag:s4] =	ssyncadd.s32 $0xFFFFFE40  }
0x97: {  	[tilespmem:s7], [sflag:$0x1] =	stream.indirect.gather [hbm4b:s5+s6], $0x80, s2, s6, $0xb8;
	[tilespmem:$0x1C400] =	vst v63  }
0x98: {  	_ =	swait.ge [sflag:s15], $0xE000  }
0x99: {  	[sflag:s15] =	ssyncset.done $0x0  }
0x9a: {  	[sflag:s15] =	ssyncadd.s32 $0xFFFF2000  }
0x9b: {  	[hbm4b:s21+s2] =	stream.linear.scatter [tilespmem:s10], [sflag:$0x4], $0xE000, $0x38;
	[tilespmem:$0x1C400] =	vst v63  }
0x9c: {  	_ =	swait.ge [sflag:s16], $0xE000  }
0x9d: {  	[sflag:s16] =	ssyncset.done $0x0  }
0x9e: {  	[sflag:s16] =	ssyncadd.s32 $0xFFFF2000  }
0x9f: {  	[tilespmem:s9], [sflag:$0x5] =	stream.linear.gather [hbm4b:s22+s2], $0x1C0, $0x38;
	[tilespmem:$0x1C400] =	vst v63  }
0xa0: {  	_ =	swait.ge [sflag:s4], $0x1C0  }
0xa1: {  	[sflag:s4] =	ssyncset.done $0x0  }
0xa2: {  	[sflag:s4] =	ssyncadd.s32 $0xFFFFFE40  }
0xa3: {  	[tilespmem:s10], [sflag:$0x2] =	stream.indirect.gather [hbm4b:s5+s6], $0x80, s9, s6, $0xb8;
	[tilespmem:$0x1C400] =	vst v63  }
0xa4: {  	_ =	swait.ge [sflag:s11], $0xE000  }
0xa5: {  	[sflag:s11] =	ssyncset.done $0x0  }
0xa6: {  	[sflag:s11] =	ssyncadd.s32 $0xFFFF2000  }
0xa7: {  	[hbm4b:s23+s2] =	stream.linear.scatter [tilespmem:s7], [sflag:$0x3], $0xE000, $0x38;
	[tilespmem:$0x1C400] =	vst v63  }
0xa8: {  	_ =	swait.ge [sflag:s13], $0xE000  }
0xa9: {  	[sflag:s13] =	ssyncset.done $0x0  }
0xaa: {  	[sflag:s13] =	ssyncadd.s32 $0xFFFF2000  }
0xab: {  	[tilespmem:s2], [sflag:$0x5] =	stream.linear.gather [hbm4b:s24+s2], $0x1C0, $0x38;
	[tilespmem:$0x1C400] =	vst v63  }
0xac: {  	_ =	swait.ge [sflag:s4], $0x1C0  }
0xad: {  	[sflag:s4] =	ssyncset.done $0x0  }
0xae: {  	[sflag:s4] =	ssyncadd.s32 $0xFFFFFE40  }
0xaf: {  	[tilespmem:s7], [sflag:$0x1] =	stream.indirect.gather [hbm4b:s5+s6], $0x80, s2, s6, $0xb8;
	[tilespmem:$0x1C400] =	vst v63  }
0xb0: {  	_ =	swait.ge [sflag:s15], $0xE000  }
0xb1: {  	[sflag:s15] =	ssyncset.done $0x0  }
0xb2: {  	[sflag:s15] =	ssyncadd.s32 $0xFFFF2000  }
0xb3: {  	[hbm4b:s25+s2] =	stream.linear.scatter [tilespmem:s10], [sflag:$0x4], $0xE000, $0x38;
	[tilespmem:$0x1C400] =	vst v63  }
0xb4: {  	_ =	swait.ge [sflag:s16], $0xE000  }
0xb5: {  	[sflag:s16] =	ssyncset.done $0x0  }
0xb6: {  	[sflag:s16] =	ssyncadd.s32 $0xFFFF2000  }
0xb7: {  	[tilespmem:s9], [sflag:$0x5] =	stream.linear.gather [hbm4b:s26+s2], $0x1C0, $0x38;
	[tilespmem:$0x1C400] =	vst v63  }
0xb8: {  	_ =	swait.ge [sflag:s4], $0x1C0  }
0xb9: {  	[sflag:s4] =	ssyncset.done $0x0  }
0xba: {  	[sflag:s4] =	ssyncadd.s32 $0xFFFFFE40  }
0xbb: {  	[tilespmem:s10], [sflag:$0x2] =	stream.indirect.gather [hbm4b:s5+s6], $0x80, s9, s6, $0xb8;
	[tilespmem:$0x1C400] =	vst v63  }
0xbc: {  	_ =	swait.ge [sflag:s11], $0xE000  }
0xbd: {  	[sflag:s11] =	ssyncset.done $0x0  }
0xbe: {  	[sflag:s11] =	ssyncadd.s32 $0xFFFF2000  }
0xbf: {  	[hbm4b:s28+s2] =	stream.linear.scatter [tilespmem:s7], [sflag:$0x3], $0xE000, $0x38;
	[tilespmem:$0x1C400] =	vst v63  }
0xc0: {  	_ =	swait.ge [sflag:s15], $0xE000  }
0xc1: {  	[sflag:s15] =	ssyncset.done $0x0  }
0xc2: {  	[sflag:s15] =	ssyncadd.s32 $0xFFFF2000  }
0xc3: {  	[hbm4b:s29+s2] =	stream.linear.scatter [tilespmem:s10], [sflag:$0x4], $0xE000, $0x38;
	[tilespmem:$0x1C400] =	vst v63  }
.Ltmp1:
0xc4: {  	_ =	swait.ge [sflag:s13], $0xE000;
	(pc) =	sbr.rel @p0 .LBB2_1-.Ltmp1, $4  }
0xc5: {  	[sflag:s13] =	ssyncset.done $0x0  }
0xc6: {  	[sflag:s13] =	ssyncadd.s32 $0xFFFF2000  }
0xc7: {  	_ =	swait.ge [sflag:s16], $0xE000  }
0xc8: {  	[sflag:s16] =	ssyncset.done $0x0  }
.LBB2_2:
0xc9: {  	[sflag:s16] =	ssyncadd.s32 $0xFFFF2000  }
0xca: {  	_ =	sfence.sel $0x180000  }
0xcb: {  	[bflag:$0x0] =	sbarrier.arrive $0xFFFF  }
0xcc: {  	p0 =	sne.s32 s0, $0x0;
	_ =	strace $0x90000047  }
0xcd: {  	s0 =	sadd.s32 @!p0 $0x100000, s1;
	[bflag:$0x2] =	sbarrier.arrive $0xFFFF  }
0xce: {  	[sflag:s0] =	ssyncadd.tile.s32 @!p0 $0x1;
	_ =	shalt  }
.Lfunc_end2:
_tile_overlayer_lowered:
.L_overlay_start_2:
0xcf: {  	(tag) =	ssettag $0x2  }
0xd0: {  	s0 =	rddreg [dreg:$0x0];
	s2 =	stileid.u32  }
0xd1: {  	s1 =	rddreg [dreg:$0x1];
	p0 =	sne.s32 s2, $0x0  }
0xd2: {  	s3 =	rddreg [dreg:$0x2];
	[bflag:$0x3] =	sbarrier.arrive $0xFFFF;
	s2 =	simm.s32 @!p0 $0x1C05  }
0xd3: {  	[timem:s3], [sflag:s2] =	dma.local @!p0 [hbm:s0], s1  }
0xd4: {  	s0 =	simm.s32 @!p0 $0x5  }
0xd5: {  	_ =	swait.ge @!p0 [sflag:s0], s1  }
0xd6: {  	s1 =	ssub.s32 @!p0 $0x0, s1;
	[sflag:s0] =	ssyncset.done @!p0 $0x0  }
0xd7: {  	[sflag:s0] =	ssyncadd.s32 @!p0 s1  }
0xd8: {  	[bflag:$0x3] =	sbarrier.arrive $0xFFFF  }
0xd9: {  	_ =	shalt  }

</sc_bundles>
